<compile_context>
chip_gen: v7x
topology: tpu7x:2x2x1
jax: 0.10.2.dev20260603
libtpu: 0.0.44.dev20260713+nightly
codegen_flags: <defaults>
</compile_context>

<pallas_src>
import functools

import jax
import jax.numpy as jnp
from jax import lax
from jax.experimental import pallas as pl
from jax.experimental.pallas import tpu as pltpu
from jax.experimental.pallas import tpu_sc as plsc

_EPS = 1e-6
_B, _Q, _T = 8, 5000, 100
_QP = 5120
_NEG = -1e30


def _match_body(dur_ref, pred_ref, tgt_ref, acc_ref, clm_ref,
                g3, gmask_ref, ps0, ps1, psd):
    durc = dur_ref[...]
    ps0[...] = pred_ref[0] * durc
    ps1[...] = pred_ref[1] * durc
    psd[...] = ps1[...] - ps0[...]
    t0 = tgt_ref[0] * durc
    t1 = tgt_ref[1] * durc
    lane = lax.broadcasted_iota(jnp.int32, (_B, 128), 1)
    tlen = jnp.where(lane < _T, t1 - t0, _NEG)
    qlane = lax.broadcasted_iota(jnp.int32, (_B, _QP), 1)

    rank = jnp.zeros((_B, 128), dtype=jnp.int32)
    for r in range(1, 128):
        lr = jnp.roll(tlen, -r, axis=1)
        wrap = lane >= 128 - r
        cnt = jnp.logical_or(lr > tlen, jnp.logical_and(lr == tlen, wrap))
        rank = rank + cnt.astype(jnp.int32)
    m0 = rank == lane
    s0 = jnp.where(m0, t0, 0.0)
    s1 = jnp.where(m0, t1, 0.0)
    for r in range(1, 128):
        m = jnp.roll(rank, -r, axis=1) == lane
        s0 = jnp.where(m, jnp.roll(t0, -r, axis=1), s0)
        s1 = jnp.where(m, jnp.roll(t1, -r, axis=1), s1)

    def build4(i, carry):
        p0 = ps0[...]
        p1 = ps1[...]
        pd = psd[...]
        for k in range(4):
            t = i * 4 + k
            sel_t = lane == t
            ts0 = jnp.max(jnp.where(sel_t, s0, _NEG), axis=1, keepdims=True)
            ts1 = jnp.max(jnp.where(sel_t, s1, _NEG), axis=1, keepdims=True)
            tsl = ts1 - ts0
            inter = jnp.clip(jnp.minimum(ts1, p1) - jnp.maximum(ts0, p0), 0.0)
            union = tsl + pd - inter
            enclose = jnp.maximum(ts1, p1) - jnp.minimum(ts0, p0)
            g3[t] = (inter / (union + _EPS)
                     - (enclose - union) / (enclose + _EPS))
        return carry

    lax.fori_loop(0, _T // 4, build4, 0)
    gmask_ref[...] = jnp.where(qlane < _Q, 0.0, _NEG)

    def step(i, acc):
        gm = g3[i] + gmask_ref[...]
        gmax = jnp.max(gm, axis=1, keepdims=True)
        cand = jnp.where(gm == gmax, qlane, _QP)
        pidx = jnp.min(cand, axis=1, keepdims=True)
        gmask_ref[...] = jnp.where(qlane == pidx, _NEG, gmask_ref[...])
        return jnp.where(lane == i, pidx, acc)

    acc = lax.fori_loop(0, _T, step, jnp.zeros((_B, 128), dtype=jnp.int32),
                        unroll=2)
    acc_ref[...] = acc
    clm_ref[...] = jnp.where(gmask_ref[...] < -1.0, 1, 0)


_match = pl.pallas_call(
    _match_body,
    out_shape=(jax.ShapeDtypeStruct((_B, 128), jnp.int32),
               jax.ShapeDtypeStruct((_B, _QP), jnp.int32)),
    scratch_shapes=[
        pltpu.VMEM((_T, _B, _QP), jnp.float32),
        pltpu.VMEM((_B, _QP), jnp.float32),
        pltpu.VMEM((_B, _QP), jnp.float32),
        pltpu.VMEM((_B, _QP), jnp.float32),
        pltpu.VMEM((_B, _QP), jnp.float32),
    ],
)


def _scatter_body(acc_hbm, clm_hbm, out_hbm, acc_v, clm_v, out_v):
    c = lax.axis_index("c")
    s = lax.axis_index("s")
    wid = s * 2 + c

    @pl.when(wid < _B)
    def _():
        pltpu.sync_copy(acc_hbm.at[wid], acc_v)
        pltpu.sync_copy(clm_hbm.at[wid], clm_v)
        lane16 = lax.iota(jnp.int32, 16)

        def chunk4(ci, carry):
            for k in range(4):
                c16 = ci * 4 + k
                qv = lane16 + c16 * 16
                cl = clm_v[pl.ds(c16 * 16, 16)]
                um = jnp.logical_and(cl == 0, qv < _Q)
                umi = um.astype(jnp.int32)
                prefix = plsc.cumsum(umi) - umi
                pos = _T + carry + prefix
                plsc.store_scatter(out_v, [pos], qv, mask=um)
                carry = carry + plsc.all_reduce_population_count(um)
            return carry

        lax.fori_loop(0, _QP // 64, chunk4, jnp.zeros((16,), jnp.int32))

        def mchunk(t, carry):
            out_v[pl.ds(t * 16, 16)] = acc_v[pl.ds(t * 16, 16)]
            return carry

        lax.fori_loop(0, _T // 16, mchunk, 0)
        tail = acc_v[pl.ds(96, 16)]
        cur = out_v[pl.ds(96, 16)]
        out_v[pl.ds(96, 16)] = jnp.where(lane16 < _T - 96, tail, cur)
        pltpu.sync_copy(out_v, out_hbm.at[wid])


@functools.cache
def _scatter_kernel():
    return functools.partial(
        pl.kernel,
        out_type=jax.ShapeDtypeStruct((_B, _QP), jnp.int32),
        mesh=plsc.VectorSubcoreMesh(core_axis_name="c", subcore_axis_name="s"),
        compiler_params=pltpu.CompilerParams(needs_layout_passes=False),
        scratch_types=[pltpu.VMEM((128,), jnp.int32),
                       pltpu.VMEM((_QP,), jnp.int32),
                       pltpu.VMEM((_QP,), jnp.int32)],
    )(_scatter_body)


def kernel(pred_logits, pred_segments, tgt_segments, prediction_duration):
    del pred_logits
    preds = jnp.transpose(pred_segments, (2, 0, 1))
    preds = jnp.pad(preds, ((0, 0), (0, 0), (0, _QP - _Q)))
    tgts = jnp.transpose(tgt_segments, (2, 0, 1))
    tgts = jnp.pad(tgts, ((0, 0), (0, 0), (0, 128 - _T)))
    acc, clm = _match(prediction_duration, preds, tgts)
    p_full = _scatter_kernel()(acc, clm)
    p_i = p_full[:, :_Q]
    ar = jnp.arange(_Q, dtype=jnp.int32)
    t_i = jnp.broadcast_to(jnp.where(ar < _T, ar, -1)[None, :], (_B, _Q))
    return jnp.stack([p_i, t_i], axis=1)

# --- scband reference (transcript-rebuilt; emitter-appended) ---
"""Pipeline reference for scband-greedy-matcher-6811818131988 (READ-ONLY COPY).

The authoritative reference and input builder live on the scoring server;
editing this copy changes nothing except your own understanding.
"""

import jax, jax.numpy as jnp
import numpy as np

_EPS = 1e-6

def _giou_1d(tgt, preds):
    # tgt: [2], preds: [Q, 2]; generalized 1-D segment IoU
    inter = jnp.clip(jnp.minimum(tgt[1], preds[:, 1]) - jnp.maximum(tgt[0], preds[:, 0]), 0.0)
    union = (tgt[1] - tgt[0]) + (preds[:, 1] - preds[:, 0]) - inter
    enclose = jnp.maximum(tgt[1], preds[:, 1]) - jnp.minimum(tgt[0], preds[:, 0])
    iou = inter / (union + _EPS)
    return iou - (enclose - union) / (enclose + _EPS)


def _match_one(pred_seg, tgt_seg, dur):
    # pred_seg: [Q, 2], tgt_seg: [T, 2], dur: scalar prediction_duration
    Q = pred_seg.shape[0]
    T = tgt_seg.shape[0]
    preds = pred_seg * dur
    tgts = tgt_seg * dur
    # sort targets by duration descending (matches torch.sort(..., descending=True))
    order = jnp.argsort(-(tgts[:, 1] - tgts[:, 0]))
    tgts_sorted = tgts[order]

    def step(seen, tgt):
        g = _giou_1d(tgt, preds)
        g = jnp.where(seen, -jnp.inf, g)
        pidx = jnp.argmax(g)  # first max == stable descending sort then first unseen
        return seen.at[pidx].set(True), pidx

    seen0 = jnp.zeros((Q,), dtype=bool)
    seen, matched = jax.lax.scan(step, seen0, tgts_sorted)
    # unmatched predictions, in increasing index order (stable argsort: False before True)
    unseen = jnp.argsort(seen)[: Q - T]
    p_i = jnp.concatenate([matched.astype(jnp.int32), unseen.astype(jnp.int32)])
    t_i = jnp.concatenate([jnp.arange(T, dtype=jnp.int32), -jnp.ones((Q - T,), dtype=jnp.int32)])
    return jnp.stack([p_i, t_i], axis=0)


def setup_inputs(seed: int = 0) -> dict:
    key = jax.random.key(seed)
    k1, k2, k3, k4 = jax.random.split(key, 4)
    pred_logits = jax.random.normal(k1, (8, 5000, 200), dtype=jnp.float32)
    pred_segments = jax.random.uniform(k2, (8, 5000, 2), dtype=jnp.float32)
    tgt_segments = jax.random.uniform(k3, (8, 100, 2), dtype=jnp.float32)
    prediction_duration = jax.random.uniform(k4, (8, 1), dtype=jnp.float32) + 0.5
    return {
        "pred_logits": pred_logits,
        "pred_segments": pred_segments,
        "tgt_segments": tgt_segments,
        "prediction_duration": prediction_duration,
    }


def reference(pred_logits, pred_segments, tgt_segments, prediction_duration):
    bs, num_queries = pred_logits.shape[:2]
    # computed in the original forward (unused by the greedy loop, kept for faithfulness)
    out_prob = jax.nn.softmax(pred_logits.reshape(bs * num_queries, -1), axis=-1)
    scale = prediction_duration[:, 0]  # [B]
    out_segment_scaled = pred_segments.reshape(bs * num_queries, 2) * jnp.repeat(scale, num_queries)[:, None]
    tgt_segment_scaled = (tgt_segments * prediction_duration[:, None, :]).reshape(-1, 2)
    del out_prob, out_segment_scaled, tgt_segment_scaled
    # greedy 1-to-1 matching per batch element -> [B, 2, Q] int indices
    result = jax.vmap(_match_one)(pred_segments, tgt_segments, scale)
    return result

if __name__ == "__main__":
    import jax
    _d = setup_inputs()
    print(jax.jit(kernel)(*tuple(_d.values())))

</pallas_src>

<mosaic_0001>
#map = affine_map<(d0, d1) -> (0, 0)>
module attributes {stable_mosaic.version = 14 : i64} {
  func.func @_scatter_body(%arg0: i32, %arg1: i32, %arg2: memref<8x128xi32, #tpu.memory_space<hbm>>, %arg3: memref<8x5120xi32, #tpu.memory_space<hbm>>, %arg4: memref<8x5120xi32, #tpu.memory_space<hbm>>, %arg5: memref<128xi32, #tpu.memory_space<vmem>>, %arg6: memref<5120xi32, #tpu.memory_space<vmem>>, %arg7: memref<5120xi32, #tpu.memory_space<vmem>>) attributes {dimension_semantics = [#tpu.dimension_semantics<core_parallel>, #tpu.dimension_semantics<subcore_parallel>], iteration_bounds = array<i64: 2, 16>, scalar_prefetch = 0 : i64, scratch_operands = 3 : i64, tpu.core_type = #tpu.core_type<sc_vector_subcore>, window_params = [{transform_indices = #map}, {transform_indices = #map}, {transform_indices = #map}]} {
    %mul3A = arith.constant 2 : i32
    %mul3A_0 = arith.muli %arg1, %mul3A : i32
    %add3A = arith.addi %mul3A_0, %arg0 : i32
    %lt3A = arith.constant 8 : i32
    %lt3A_1 = arith.cmpi slt, %add3A, %lt3A : i32
    %convert_element_type3A = arith.extui %lt3A_1 : i1 to i32
    %cond3A = arith.constant 0 : i32
    %cond3A_2 = arith.cmpi ne, %convert_element_type3A, %cond3A : i32
    scf.if %cond3A_2 {
      "tpu.region"() ({
        %run_scoped3A = tpu.sem_alloc : memref<!tpu.dma_semaphore, #tpu.memory_space<semaphore_mem>>
        %dma_start3A = arith.constant 0 : i32
        %dma_start3A_22 = tpu.memref_slice %arg2[%add3A, %dma_start3A] : memref<8x128xi32, #tpu.memory_space<hbm>> -> memref<1x128xi32, #tpu.memory_space<hbm>>
        %dma_start3A_23 = tpu.memref_squeeze %dma_start3A_22 : memref<1x128xi32, #tpu.memory_space<hbm>> -> memref<128xi32, #tpu.memory_space<hbm>>
        %dma_start3A_24 = arith.constant 0 : i32
        %dma_start3A_25 = tpu.memref_slice %arg2[%add3A, %dma_start3A_24] : memref<8x128xi32, #tpu.memory_space<hbm>> -> memref<1x128xi32, #tpu.memory_space<hbm>>
        %dma_start3A_26 = tpu.memref_squeeze %dma_start3A_25 : memref<1x128xi32, #tpu.memory_space<hbm>> -> memref<128xi32, #tpu.memory_space<hbm>>
        tpu.enqueue_dma source(%dma_start3A_26 : memref<128xi32, #tpu.memory_space<hbm>>) target(%arg5 : memref<128xi32, #tpu.memory_space<vmem>>) target_semaphore(%run_scoped3A : memref<!tpu.dma_semaphore, #tpu.memory_space<semaphore_mem>>)
        %dma_wait3A = arith.constant 0 : i32
        %dma_wait3A_27 = tpu.memref_slice %arg2[%add3A, %dma_wait3A] : memref<8x128xi32, #tpu.memory_space<hbm>> -> memref<1x128xi32, #tpu.memory_space<hbm>>
        %dma_wait3A_28 = tpu.memref_squeeze %dma_wait3A_27 : memref<1x128xi32, #tpu.memory_space<hbm>> -> memref<128xi32, #tpu.memory_space<hbm>>
        %dma_wait3A_29 = arith.constant 0 : i32
        %dma_wait3A_30 = tpu.memref_slice %arg2[%add3A, %dma_wait3A_29] : memref<8x128xi32, #tpu.memory_space<hbm>> -> memref<1x128xi32, #tpu.memory_space<hbm>>
        %dma_wait3A_31 = tpu.memref_squeeze %dma_wait3A_30 : memref<1x128xi32, #tpu.memory_space<hbm>> -> memref<128xi32, #tpu.memory_space<hbm>>
        tpu.wait_dma2 semaphore(%run_scoped3A : memref<!tpu.dma_semaphore, #tpu.memory_space<semaphore_mem>>) src(%dma_wait3A_31 : memref<128xi32, #tpu.memory_space<hbm>>) dst(%arg5 : memref<128xi32, #tpu.memory_space<vmem>>)
        tpu.yield
      }) : () -> ()
      "tpu.region"() ({
        %run_scoped3A = tpu.sem_alloc : memref<!tpu.dma_semaphore, #tpu.memory_space<semaphore_mem>>
        %dma_start3A = arith.constant 0 : i32
        %dma_start3A_22 = tpu.memref_slice %arg3[%add3A, %dma_start3A] : memref<8x5120xi32, #tpu.memory_space<hbm>> -> memref<1x5120xi32, #tpu.memory_space<hbm>>
        %dma_start3A_23 = tpu.memref_squeeze %dma_start3A_22 : memref<1x5120xi32, #tpu.memory_space<hbm>> -> memref<5120xi32, #tpu.memory_space<hbm>>
        %dma_start3A_24 = arith.constant 0 : i32
        %dma_start3A_25 = tpu.memref_slice %arg3[%add3A, %dma_start3A_24] : memref<8x5120xi32, #tpu.memory_space<hbm>> -> memref<1x5120xi32, #tpu.memory_space<hbm>>
        %dma_start3A_26 = tpu.memref_squeeze %dma_start3A_25 : memref<1x5120xi32, #tpu.memory_space<hbm>> -> memref<5120xi32, #tpu.memory_space<hbm>>
        tpu.enqueue_dma source(%dma_start3A_26 : memref<5120xi32, #tpu.memory_space<hbm>>) target(%arg6 : memref<5120xi32, #tpu.memory_space<vmem>>) target_semaphore(%run_scoped3A : memref<!tpu.dma_semaphore, #tpu.memory_space<semaphore_mem>>)
        %dma_wait3A = arith.constant 0 : i32
        %dma_wait3A_27 = tpu.memref_slice %arg3[%add3A, %dma_wait3A] : memref<8x5120xi32, #tpu.memory_space<hbm>> -> memref<1x5120xi32, #tpu.memory_space<hbm>>
        %dma_wait3A_28 = tpu.memref_squeeze %dma_wait3A_27 : memref<1x5120xi32, #tpu.memory_space<hbm>> -> memref<5120xi32, #tpu.memory_space<hbm>>
        %dma_wait3A_29 = arith.constant 0 : i32
        %dma_wait3A_30 = tpu.memref_slice %arg3[%add3A, %dma_wait3A_29] : memref<8x5120xi32, #tpu.memory_space<hbm>> -> memref<1x5120xi32, #tpu.memory_space<hbm>>
        %dma_wait3A_31 = tpu.memref_squeeze %dma_wait3A_30 : memref<1x5120xi32, #tpu.memory_space<hbm>> -> memref<5120xi32, #tpu.memory_space<hbm>>
        tpu.wait_dma2 semaphore(%run_scoped3A : memref<!tpu.dma_semaphore, #tpu.memory_space<semaphore_mem>>) src(%dma_wait3A_31 : memref<5120xi32, #tpu.memory_space<hbm>>) dst(%arg6 : memref<5120xi32, #tpu.memory_space<vmem>>)
        tpu.yield
      }) : () -> ()
      %iota3A = tpu.iota {dimensions = array<i32: 0>} : vector<16xi32>
      %broadcast_in_dim3A = arith.constant 0 : i32
      %broadcast_in_dim3A_3 = vector.broadcast %broadcast_in_dim3A : i32 to vector<16xi32>
      %scan3A = arith.constant 0 : i32
      %scan3A_4 = arith.constant 80 : i32
      %scan3A_5 = arith.addi %scan3A, %scan3A_4 : i32
      %scan3A_6 = arith.constant 1 : i32
      %scan3A_7 = scf.for %scan3A_22 = %scan3A to %scan3A_5 step %scan3A_6 iter_args(%scan3A_23 = %broadcast_in_dim3A_3) -> (vector<16xi32>)  : i32 {
        %mul3A_24 = arith.constant 4 : i32
        %mul3A_25 = arith.muli %scan3A_22, %mul3A_24 : i32
        %add3A_26 = arith.constant 0 : i32
        %add3A_27 = arith.addi %mul3A_25, %add3A_26 : i32
        %mul3A_28 = arith.constant 16 : i32
        %mul3A_29 = arith.muli %add3A_27, %mul3A_28 : i32
        %add3A_30 = vector.broadcast %mul3A_29 : i32 to vector<16xi32>
        %add3A_31 = arith.addi %iota3A, %add3A_30 : vector<16xi32>
        %mul3A_32 = arith.constant 16 : i32
        %mul3A_33 = arith.muli %add3A_27, %mul3A_32 : i32
        %get3A_34 = arith.index_cast %mul3A_33 : i32 to index
        %get3A_35 = tpu.vector_load %arg6[%get3A_34] {strides = array<i32>} : memref<5120xi32, #tpu.memory_space<vmem>>, vector<16xi32>,
        %eq3A = arith.constant 0 : i32
        %eq3A_36 = vector.broadcast %eq3A : i32 to vector<16xi32>
        %eq3A_37 = arith.cmpi eq, %get3A_35, %eq3A_36 : vector<16xi32>
        %lt3A_38 = arith.constant 5000 : i32
        %lt3A_39 = vector.broadcast %lt3A_38 : i32 to vector<16xi32>
        %lt3A_40 = arith.cmpi slt, %add3A_31, %lt3A_39 : vector<16xi32>
        %and3A = arith.andi %eq3A_37, %lt3A_40 : vector<16xi1>
        %convert_element_type3A_41 = arith.extui %and3A : vector<16xi1> to vector<16xi32>
        %broadcast_in_dim3A_42 = arith.constant true
        %broadcast_in_dim3A_43 = vector.broadcast %broadcast_in_dim3A_42 : i1 to vector<16xi1>
        %masked_cumsum3A = tpu.scan <sum>, %convert_element_type3A_41 masked %broadcast_in_dim3A_43 : vector<16xi32>, vector<16xi1> -> vector<16xi32>
        %sub3A = arith.subi %masked_cumsum3A, %convert_element_type3A_41 : vector<16xi32>
        %add3A_44 = arith.constant 100 : i32
        %add3A_45 = vector.broadcast %add3A_44 : i32 to vector<16xi32>
        %add3A_46 = arith.addi %add3A_45, %scan3A_23 : vector<16xi32>
        %add3A_47 = arith.addi %add3A_46, %sub3A : vector<16xi32>
        tpu.vector_store_idx %arg7[%add3A_47], %add3A_31 masked %and3A : memref<5120xi32, #tpu.memory_space<vmem>>[vector<16xi32>], vector<16xi32>, vector<16xi1>
        %all_reduce_population_count3A = tpu.all_reduce %and3A {dim = 0 : i64, kind = #tpu.reduction_kind<sum>} : vector<16xi1> -> vector<16xi32>
        %add3A_48 = arith.addi %scan3A_23, %all_reduce_population_count3A : vector<16xi32>
        %mul3A_49 = arith.constant 4 : i32
        %mul3A_50 = arith.muli %scan3A_22, %mul3A_49 : i32
        %add3A_51 = arith.constant 1 : i32
        %add3A_52 = arith.addi %mul3A_50, %add3A_51 : i32
        %mul3A_53 = arith.constant 16 : i32
        %mul3A_54 = arith.muli %add3A_52, %mul3A_53 : i32
        %add3A_55 = vector.broadcast %mul3A_54 : i32 to vector<16xi32>
        %add3A_56 = arith.addi %iota3A, %add3A_55 : vector<16xi32>
        %mul3A_57 = arith.constant 16 : i32
        %mul3A_58 = arith.muli %add3A_52, %mul3A_57 : i32
        %get3A_59 = arith.index_cast %mul3A_58 : i32 to index
        %get3A_60 = tpu.vector_load %arg6[%get3A_59] {strides = array<i32>} : memref<5120xi32, #tpu.memory_space<vmem>>, vector<16xi32>,
        %eq3A_61 = arith.constant 0 : i32
        %eq3A_62 = vector.broadcast %eq3A_61 : i32 to vector<16xi32>
        %eq3A_63 = arith.cmpi eq, %get3A_60, %eq3A_62 : vector<16xi32>
        %lt3A_64 = arith.constant 5000 : i32
        %lt3A_65 = vector.broadcast %lt3A_64 : i32 to vector<16xi32>
        %lt3A_66 = arith.cmpi slt, %add3A_56, %lt3A_65 : vector<16xi32>
        %and3A_67 = arith.andi %eq3A_63, %lt3A_66 : vector<16xi1>
        %convert_element_type3A_68 = arith.extui %and3A_67 : vector<16xi1> to vector<16xi32>
        %broadcast_in_dim3A_69 = arith.constant true
        %broadcast_in_dim3A_70 = vector.broadcast %broadcast_in_dim3A_69 : i1 to vector<16xi1>
        %masked_cumsum3A_71 = tpu.scan <sum>, %convert_element_type3A_68 masked %broadcast_in_dim3A_70 : vector<16xi32>, vector<16xi1> -> vector<16xi32>
        %sub3A_72 = arith.subi %masked_cumsum3A_71, %convert_element_type3A_68 : vector<16xi32>
        %add3A_73 = arith.constant 100 : i32
        %add3A_74 = vector.broadcast %add3A_73 : i32 to vector<16xi32>
        %add3A_75 = arith.addi %add3A_74, %add3A_48 : vector<16xi32>
        %add3A_76 = arith.addi %add3A_75, %sub3A_72 : vector<16xi32>
        tpu.vector_store_idx %arg7[%add3A_76], %add3A_56 masked %and3A_67 : memref<5120xi32, #tpu.memory_space<vmem>>[vector<16xi32>], vector<16xi32>, vector<16xi1>
        %all_reduce_population_count3A_77 = tpu.all_reduce %and3A_67 {dim = 0 : i64, kind = #tpu.reduction_kind<sum>} : vector<16xi1> -> vector<16xi32>
        %add3A_78 = arith.addi %add3A_48, %all_reduce_population_count3A_77 : vector<16xi32>
        %mul3A_79 = arith.constant 4 : i32
        %mul3A_80 = arith.muli %scan3A_22, %mul3A_79 : i32
        %add3A_81 = arith.constant 2 : i32
        %add3A_82 = arith.addi %mul3A_80, %add3A_81 : i32
        %mul3A_83 = arith.constant 16 : i32
        %mul3A_84 = arith.muli %add3A_82, %mul3A_83 : i32
        %add3A_85 = vector.broadcast %mul3A_84 : i32 to vector<16xi32>
        %add3A_86 = arith.addi %iota3A, %add3A_85 : vector<16xi32>
        %mul3A_87 = arith.constant 16 : i32
        %mul3A_88 = arith.muli %add3A_82, %mul3A_87 : i32
        %get3A_89 = arith.index_cast %mul3A_88 : i32 to index
        %get3A_90 = tpu.vector_load %arg6[%get3A_89] {strides = array<i32>} : memref<5120xi32, #tpu.memory_space<vmem>>, vector<16xi32>,
        %eq3A_91 = arith.constant 0 : i32
        %eq3A_92 = vector.broadcast %eq3A_91 : i32 to vector<16xi32>
        %eq3A_93 = arith.cmpi eq, %get3A_90, %eq3A_92 : vector<16xi32>
        %lt3A_94 = arith.constant 5000 : i32
        %lt3A_95 = vector.broadcast %lt3A_94 : i32 to vector<16xi32>
        %lt3A_96 = arith.cmpi slt, %add3A_86, %lt3A_95 : vector<16xi32>
        %and3A_97 = arith.andi %eq3A_93, %lt3A_96 : vector<16xi1>
        %convert_element_type3A_98 = arith.extui %and3A_97 : vector<16xi1> to vector<16xi32>
        %broadcast_in_dim3A_99 = arith.constant true
        %broadcast_in_dim3A_100 = vector.broadcast %broadcast_in_dim3A_99 : i1 to vector<16xi1>
        %masked_cumsum3A_101 = tpu.scan <sum>, %convert_element_type3A_98 masked %broadcast_in_dim3A_100 : vector<16xi32>, vector<16xi1> -> vector<16xi32>
        %sub3A_102 = arith.subi %masked_cumsum3A_101, %convert_element_type3A_98 : vector<16xi32>
        %add3A_103 = arith.constant 100 : i32
        %add3A_104 = vector.broadcast %add3A_103 : i32 to vector<16xi32>
        %add3A_105 = arith.addi %add3A_104, %add3A_78 : vector<16xi32>
        %add3A_106 = arith.addi %add3A_105, %sub3A_102 : vector<16xi32>
        tpu.vector_store_idx %arg7[%add3A_106], %add3A_86 masked %and3A_97 : memref<5120xi32, #tpu.memory_space<vmem>>[vector<16xi32>], vector<16xi32>, vector<16xi1>
        %all_reduce_population_count3A_107 = tpu.all_reduce %and3A_97 {dim = 0 : i64, kind = #tpu.reduction_kind<sum>} : vector<16xi1> -> vector<16xi32>
        %add3A_108 = arith.addi %add3A_78, %all_reduce_population_count3A_107 : vector<16xi32>
        %mul3A_109 = arith.constant 4 : i32
        %mul3A_110 = arith.muli %scan3A_22, %mul3A_109 : i32
        %add3A_111 = arith.constant 3 : i32
        %add3A_112 = arith.addi %mul3A_110, %add3A_111 : i32
        %mul3A_113 = arith.constant 16 : i32
        %mul3A_114 = arith.muli %add3A_112, %mul3A_113 : i32
        %add3A_115 = vector.broadcast %mul3A_114 : i32 to vector<16xi32>
        %add3A_116 = arith.addi %iota3A, %add3A_115 : vector<16xi32>
        %mul3A_117 = arith.constant 16 : i32
        %mul3A_118 = arith.muli %add3A_112, %mul3A_117 : i32
        %get3A_119 = arith.index_cast %mul3A_118 : i32 to index
        %get3A_120 = tpu.vector_load %arg6[%get3A_119] {strides = array<i32>} : memref<5120xi32, #tpu.memory_space<vmem>>, vector<16xi32>,
        %eq3A_121 = arith.constant 0 : i32
        %eq3A_122 = vector.broadcast %eq3A_121 : i32 to vector<16xi32>
        %eq3A_123 = arith.cmpi eq, %get3A_120, %eq3A_122 : vector<16xi32>
        %lt3A_124 = arith.constant 5000 : i32
        %lt3A_125 = vector.broadcast %lt3A_124 : i32 to vector<16xi32>
        %lt3A_126 = arith.cmpi slt, %add3A_116, %lt3A_125 : vector<16xi32>
        %and3A_127 = arith.andi %eq3A_123, %lt3A_126 : vector<16xi1>
        %convert_element_type3A_128 = arith.extui %and3A_127 : vector<16xi1> to vector<16xi32>
        %broadcast_in_dim3A_129 = arith.constant true
        %broadcast_in_dim3A_130 = vector.broadcast %broadcast_in_dim3A_129 : i1 to vector<16xi1>
        %masked_cumsum3A_131 = tpu.scan <sum>, %convert_element_type3A_128 masked %broadcast_in_dim3A_130 : vector<16xi32>, vector<16xi1> -> vector<16xi32>
        %sub3A_132 = arith.subi %masked_cumsum3A_131, %convert_element_type3A_128 : vector<16xi32>
        %add3A_133 = arith.constant 100 : i32
        %add3A_134 = vector.broadcast %add3A_133 : i32 to vector<16xi32>
        %add3A_135 = arith.addi %add3A_134, %add3A_108 : vector<16xi32>
        %add3A_136 = arith.addi %add3A_135, %sub3A_132 : vector<16xi32>
        tpu.vector_store_idx %arg7[%add3A_136], %add3A_116 masked %and3A_127 : memref<5120xi32, #tpu.memory_space<vmem>>[vector<16xi32>], vector<16xi32>, vector<16xi1>
        %all_reduce_population_count3A_137 = tpu.all_reduce %and3A_127 {dim = 0 : i64, kind = #tpu.reduction_kind<sum>} : vector<16xi1> -> vector<16xi32>
        %add3A_138 = arith.addi %add3A_108, %all_reduce_population_count3A_137 : vector<16xi32>
        scf.yield %add3A_138 : vector<16xi32>
      }
      %scan3A_8 = arith.constant 80 : i32
      %scan3A_9 = arith.constant 0 : i32
      %scan3A_10 = arith.constant 0 : i32
      %scan3A_11 = arith.constant 6 : i32
      %scan3A_12 = arith.addi %scan3A_10, %scan3A_11 : i32
      %scan3A_13 = arith.constant 1 : i32
      scf.for %scan3A_22 = %scan3A_10 to %scan3A_12 step %scan3A_13  : i32 {
        %mul3A_23 = arith.constant 16 : i32
        %mul3A_24 = arith.muli %scan3A_22, %mul3A_23 : i32
        %get3A_25 = arith.index_cast %mul3A_24 : i32 to index
        %get3A_26 = tpu.vector_load %arg5[%get3A_25] {strides = array<i32>} : memref<128xi32, #tpu.memory_space<vmem>>, vector<16xi32>,
        %mul3A_27 = arith.constant 16 : i32
        %mul3A_28 = arith.muli %scan3A_22, %mul3A_27 : i32
        %swap3A_29 = arith.index_cast %mul3A_28 : i32 to index
        %swap3A_30 = tpu.vector_load %arg7[%swap3A_29] {strides = array<i32>} : memref<5120xi32, #tpu.memory_space<vmem>>, vector<16xi32>,
        tpu.vector_store %arg7[%swap3A_29], %get3A_26 {strides = array<i32>} : memref<5120xi32, #tpu.memory_space<vmem>>, vector<16xi32>,
      }
      %scan3A_14 = arith.constant 6 : i32
      %get3A = arith.constant 96 : index
      %get3A_15 = tpu.vector_load %arg5[%get3A] {strides = array<i32>} : memref<128xi32, #tpu.memory_space<vmem>>, vector<16xi32>,
      %get3A_16 = arith.constant 96 : index
      %get3A_17 = tpu.vector_load %arg7[%get3A_16] {strides = array<i32>} : memref<5120xi32, #tpu.memory_space<vmem>>, vector<16xi32>,
      %lt3A_18 = arith.constant 4 : i32
      %lt3A_19 = vector.broadcast %lt3A_18 : i32 to vector<16xi32>
      %lt3A_20 = arith.cmpi slt, %iota3A, %lt3A_19 : vector<16xi32>
      %select_n3A = arith.select %lt3A_20, %get3A_15, %get3A_17 : vector<16xi1>, vector<16xi32>
      %swap3A = arith.constant 96 : index
      %swap3A_21 = tpu.vector_load %arg7[%swap3A] {strides = array<i32>} : memref<5120xi32, #tpu.memory_space<vmem>>, vector<16xi32>,
      tpu.vector_store %arg7[%swap3A], %select_n3A {strides = array<i32>} : memref<5120xi32, #tpu.memory_space<vmem>>, vector<16xi32>,
      "tpu.region"() ({
        %run_scoped3A = tpu.sem_alloc : memref<!tpu.dma_semaphore, #tpu.memory_space<semaphore_mem>>
        %dma_start3A = arith.constant 0 : i32
        %dma_start3A_22 = tpu.memref_slice %arg4[%add3A, %dma_start3A] : memref<8x5120xi32, #tpu.memory_space<hbm>> -> memref<1x5120xi32, #tpu.memory_space<hbm>>
        %dma_start3A_23 = tpu.memref_squeeze %dma_start3A_22 : memref<1x5120xi32, #tpu.memory_space<hbm>> -> memref<5120xi32, #tpu.memory_space<hbm>>
        %dma_start3A_24 = arith.constant 0 : i32
        %dma_start3A_25 = tpu.memref_slice %arg4[%add3A, %dma_start3A_24] : memref<8x5120xi32, #tpu.memory_space<hbm>> -> memref<1x5120xi32, #tpu.memory_space<hbm>>
        %dma_start3A_26 = tpu.memref_squeeze %dma_start3A_25 : memref<1x5120xi32, #tpu.memory_space<hbm>> -> memref<5120xi32, #tpu.memory_space<hbm>>
        tpu.enqueue_dma source(%arg7 : memref<5120xi32, #tpu.memory_space<vmem>>) target(%dma_start3A_26 : memref<5120xi32, #tpu.memory_space<hbm>>) target_semaphore(%run_scoped3A : memref<!tpu.dma_semaphore, #tpu.memory_space<semaphore_mem>>)
        %dma_wait3A = arith.constant 0 : i32
        %dma_wait3A_27 = tpu.memref_slice %arg4[%add3A, %dma_wait3A] : memref<8x5120xi32, #tpu.memory_space<hbm>> -> memref<1x5120xi32, #tpu.memory_space<hbm>>
        %dma_wait3A_28 = tpu.memref_squeeze %dma_wait3A_27 : memref<1x5120xi32, #tpu.memory_space<hbm>> -> memref<5120xi32, #tpu.memory_space<hbm>>
        %dma_wait3A_29 = arith.constant 0 : i32
        %dma_wait3A_30 = tpu.memref_slice %arg4[%add3A, %dma_wait3A_29] : memref<8x5120xi32, #tpu.memory_space<hbm>> -> memref<1x5120xi32, #tpu.memory_space<hbm>>
        %dma_wait3A_31 = tpu.memref_squeeze %dma_wait3A_30 : memref<1x5120xi32, #tpu.memory_space<hbm>> -> memref<5120xi32, #tpu.memory_space<hbm>>
        tpu.wait_dma2 semaphore(%run_scoped3A : memref<!tpu.dma_semaphore, #tpu.memory_space<semaphore_mem>>) src(%arg7 : memref<5120xi32, #tpu.memory_space<vmem>>) dst(%dma_wait3A_31 : memref<5120xi32, #tpu.memory_space<hbm>>)
        tpu.yield
      }) : () -> ()
    } else {
    }
    return
  }
}

module attributes {stable_mosaic.version = 14 : i64} {
  func.func @_match_body(%arg0: memref<8x1xf32, #tpu.memory_space<vmem>>, %arg1: memref<2x8x5120xf32, #tpu.memory_space<vmem>>, %arg2: memref<2x8x128xf32, #tpu.memory_space<vmem>>, %arg3: memref<8x128xi32, #tpu.memory_space<vmem>>, %arg4: memref<8x5120xi32, #tpu.memory_space<vmem>>, %arg5: memref<100x8x5120xf32, #tpu.memory_space<vmem>>, %arg6: memref<8x5120xf32, #tpu.memory_space<vmem>>, %arg7: memref<8x5120xf32, #tpu.memory_space<vmem>>, %arg8: memref<8x5120xf32, #tpu.memory_space<vmem>>, %arg9: memref<8x5120xf32, #tpu.memory_space<vmem>>) attributes {dimension_semantics = [], scalar_prefetch = 0 : i64, scratch_operands = 5 : i64, tpu.core_type = #tpu.core_type<tc>} {
    %get3A = arith.constant 0 : index
    %get3A_0 = arith.constant 0 : index
    %get3A_1 = vector.load %arg0[%get3A, %get3A_0] : memref<8x1xf32, #tpu.memory_space<vmem>>, vector<8x1xf32>
    %get3A_2 = arith.constant 0 : index
    %get3A_3 = arith.constant 0 : index
    %get3A_4 = arith.constant 0 : index
    %get3A_5 = vector.load %arg1[%get3A_2, %get3A_3, %get3A_4] : memref<2x8x5120xf32, #tpu.memory_space<vmem>>, vector<1x8x5120xf32>
    %get3A_6 = vector.shape_cast %get3A_5 : vector<1x8x5120xf32> to vector<8x5120xf32>
    %mul3A = vector.broadcast %get3A_1 : vector<8x1xf32> to vector<8x5120xf32>
    %mul3A_7 = arith.mulf %get3A_6, %mul3A : vector<8x5120xf32>
    %swap3A = arith.constant 0 : index
    %swap3A_8 = arith.constant 0 : index
    %swap3A_9 = vector.load %arg7[%swap3A, %swap3A_8] : memref<8x5120xf32, #tpu.memory_space<vmem>>, vector<8x5120xf32>
    tpu.vector_store %arg7[%swap3A, %swap3A_8], %mul3A_7 {strides = array<i32>} : memref<8x5120xf32, #tpu.memory_space<vmem>>, vector<8x5120xf32>,
    %get3A_10 = arith.constant 1 : index
    %get3A_11 = arith.constant 0 : index
    %get3A_12 = arith.constant 0 : index
    %get3A_13 = vector.load %arg1[%get3A_10, %get3A_11, %get3A_12] : memref<2x8x5120xf32, #tpu.memory_space<vmem>>, vector<1x8x5120xf32>
    %get3A_14 = vector.shape_cast %get3A_13 : vector<1x8x5120xf32> to vector<8x5120xf32>
    %mul3A_15 = vector.broadcast %get3A_1 : vector<8x1xf32> to vector<8x5120xf32>
    %mul3A_16 = arith.mulf %get3A_14, %mul3A_15 : vector<8x5120xf32>
    %swap3A_17 = arith.constant 0 : index
    %swap3A_18 = arith.constant 0 : index
    %swap3A_19 = vector.load %arg8[%swap3A_17, %swap3A_18] : memref<8x5120xf32, #tpu.memory_space<vmem>>, vector<8x5120xf32>
    tpu.vector_store %arg8[%swap3A_17, %swap3A_18], %mul3A_16 {strides = array<i32>} : memref<8x5120xf32, #tpu.memory_space<vmem>>, vector<8x5120xf32>,
    %get3A_20 = arith.constant 0 : index
    %get3A_21 = arith.constant 0 : index
    %get3A_22 = vector.load %arg8[%get3A_20, %get3A_21] : memref<8x5120xf32, #tpu.memory_space<vmem>>, vector<8x5120xf32>
    %get3A_23 = arith.constant 0 : index
    %get3A_24 = arith.constant 0 : index
    %get3A_25 = vector.load %arg7[%get3A_23, %get3A_24] : memref<8x5120xf32, #tpu.memory_space<vmem>>, vector<8x5120xf32>
    %sub3A = arith.subf %get3A_22, %get3A_25 : vector<8x5120xf32>
    %swap3A_26 = arith.constant 0 : index
    %swap3A_27 = arith.constant 0 : index
    %swap3A_28 = vector.load %arg9[%swap3A_26, %swap3A_27] : memref<8x5120xf32, #tpu.memory_space<vmem>>, vector<8x5120xf32>
    tpu.vector_store %arg9[%swap3A_26, %swap3A_27], %sub3A {strides = array<i32>} : memref<8x5120xf32, #tpu.memory_space<vmem>>, vector<8x5120xf32>,
    %get3A_29 = arith.constant 0 : index
    %get3A_30 = arith.constant 0 : index
    %get3A_31 = arith.constant 0 : index
    %get3A_32 = vector.load %arg2[%get3A_29, %get3A_30, %get3A_31] : memref<2x8x128xf32, #tpu.memory_space<vmem>>, vector<1x8x128xf32>
    %get3A_33 = vector.shape_cast %get3A_32 : vector<1x8x128xf32> to vector<8x128xf32>
    %mul3A_34 = vector.broadcast %get3A_1 : vector<8x1xf32> to vector<8x128xf32>
    %mul3A_35 = arith.mulf %get3A_33, %mul3A_34 : vector<8x128xf32>
    %get3A_36 = arith.constant 1 : index
    %get3A_37 = arith.constant 0 : index
    %get3A_38 = arith.constant 0 : index
    %get3A_39 = vector.load %arg2[%get3A_36, %get3A_37, %get3A_38] : memref<2x8x128xf32, #tpu.memory_space<vmem>>, vector<1x8x128xf32>
    %get3A_40 = vector.shape_cast %get3A_39 : vector<1x8x128xf32> to vector<8x128xf32>
    %mul3A_41 = vector.broadcast %get3A_1 : vector<8x1xf32> to vector<8x128xf32>
    %mul3A_42 = arith.mulf %get3A_40, %mul3A_41 : vector<8x128xf32>
    %iota3A = tpu.iota {dimensions = array<i32: 1>} : vector<8x128xi32>
    %lt3A = arith.constant 100 : i32
    %lt3A_43 = vector.broadcast %lt3A : i32 to vector<8x128xi32>
    %lt3A_44 = arith.cmpi slt, %iota3A, %lt3A_43 : vector<8x128xi32>
    %sub3A_45 = arith.subf %mul3A_42, %mul3A_35 : vector<8x128xf32>
    %jit3A = arith.constant -1.000000e+30 : f32
    %broadcast_in_dim3A = vector.broadcast %jit3A : f32 to vector<8x128xf32>
    %select_n3A = arith.select %lt3A_44, %sub3A_45, %broadcast_in_dim3A : vector<8x128xi1>, vector<8x128xf32>
    %iota3A_46 = tpu.iota {dimensions = array<i32: 1>} : vector<8x5120xi32>
    %broadcast_in_dim3A_47 = arith.constant 0 : i32
    %broadcast_in_dim3A_48 = vector.broadcast %broadcast_in_dim3A_47 : i32 to vector<8x128xi32>
    %slice3A = vector.extract_strided_slice %select_n3A {offsets = [0, 1], sizes = [8, 127], strides = [1, 1]} : vector<8x128xf32> to vector<8x127xf32>
    %slice3A_49 = vector.extract_strided_slice %select_n3A {offsets = [0, 0], sizes = [8, 1], strides = [1, 1]} : vector<8x128xf32> to vector<8x1xf32>
    %concatenate3A = tpu.concatenate %slice3A, %slice3A_49 in 1 : vector<8x127xf32>, vector<8x1xf32> -> vector<8x128xf32>
    %ge3A = arith.constant 127 : i32
    %ge3A_50 = vector.broadcast %ge3A : i32 to vector<8x128xi32>
    %ge3A_51 = arith.cmpi sge, %iota3A, %ge3A_50 : vector<8x128xi32>
    %gt3A = arith.cmpf ogt, %concatenate3A, %select_n3A : vector<8x128xf32>
    %eq3A = arith.cmpf oeq, %concatenate3A, %select_n3A : vector<8x128xf32>
    %and3A = arith.andi %eq3A, %ge3A_51 : vector<8x128xi1>
    %or3A = arith.ori %gt3A, %and3A : vector<8x128xi1>
    %convert_element_type3A = arith.extui %or3A : vector<8x128xi1> to vector<8x128xi32>
    %add3A = arith.addi %broadcast_in_dim3A_48, %convert_element_type3A : vector<8x128xi32>
    %slice3A_52 = vector.extract_strided_slice %select_n3A {offsets = [0, 2], sizes = [8, 126], strides = [1, 1]} : vector<8x128xf32> to vector<8x126xf32>
    %slice3A_53 = vector.extract_strided_slice %select_n3A {offsets = [0, 0], sizes = [8, 2], strides = [1, 1]} : vector<8x128xf32> to vector<8x2xf32>
    %concatenate3A_54 = tpu.concatenate %slice3A_52, %slice3A_53 in 1 : vector<8x126xf32>, vector<8x2xf32> -> vector<8x128xf32>
    %ge3A_55 = arith.constant 126 : i32
    %ge3A_56 = vector.broadcast %ge3A_55 : i32 to vector<8x128xi32>
    %ge3A_57 = arith.cmpi sge, %iota3A, %ge3A_56 : vector<8x128xi32>
    %gt3A_58 = arith.cmpf ogt, %concatenate3A_54, %select_n3A : vector<8x128xf32>
    %eq3A_59 = arith.cmpf oeq, %concatenate3A_54, %select_n3A : vector<8x128xf32>
    %and3A_60 = arith.andi %eq3A_59, %ge3A_57 : vector<8x128xi1>
    %or3A_61 = arith.ori %gt3A_58, %and3A_60 : vector<8x128xi1>
    %convert_element_type3A_62 = arith.extui %or3A_61 : vector<8x128xi1> to vector<8x128xi32>
    %add3A_63 = arith.addi %add3A, %convert_element_type3A_62 : vector<8x128xi32>
    %slice3A_64 = vector.extract_strided_slice %select_n3A {offsets = [0, 3], sizes = [8, 125], strides = [1, 1]} : vector<8x128xf32> to vector<8x125xf32>
    %slice3A_65 = vector.extract_strided_slice %select_n3A {offsets = [0, 0], sizes = [8, 3], strides = [1, 1]} : vector<8x128xf32> to vector<8x3xf32>
    %concatenate3A_66 = tpu.concatenate %slice3A_64, %slice3A_65 in 1 : vector<8x125xf32>, vector<8x3xf32> -> vector<8x128xf32>
    %ge3A_67 = arith.constant 125 : i32
    %ge3A_68 = vector.broadcast %ge3A_67 : i32 to vector<8x128xi32>
    %ge3A_69 = arith.cmpi sge, %iota3A, %ge3A_68 : vector<8x128xi32>
    %gt3A_70 = arith.cmpf ogt, %concatenate3A_66, %select_n3A : vector<8x128xf32>
    %eq3A_71 = arith.cmpf oeq, %concatenate3A_66, %select_n3A : vector<8x128xf32>
    %and3A_72 = arith.andi %eq3A_71, %ge3A_69 : vector<8x128xi1>
    %or3A_73 = arith.ori %gt3A_70, %and3A_72 : vector<8x128xi1>
    %convert_element_type3A_74 = arith.extui %or3A_73 : vector<8x128xi1> to vector<8x128xi32>
    %add3A_75 = arith.addi %add3A_63, %convert_element_type3A_74 : vector<8x128xi32>
    %slice3A_76 = vector.extract_strided_slice %select_n3A {offsets = [0, 4], sizes = [8, 124], strides = [1, 1]} : vector<8x128xf32> to vector<8x124xf32>
    %slice3A_77 = vector.extract_strided_slice %select_n3A {offsets = [0, 0], sizes = [8, 4], strides = [1, 1]} : vector<8x128xf32> to vector<8x4xf32>
    %concatenate3A_78 = tpu.concatenate %slice3A_76, %slice3A_77 in 1 : vector<8x124xf32>, vector<8x4xf32> -> vector<8x128xf32>
    %ge3A_79 = arith.constant 124 : i32
    %ge3A_80 = vector.broadcast %ge3A_79 : i32 to vector<8x128xi32>
    %ge3A_81 = arith.cmpi sge, %iota3A, %ge3A_80 : vector<8x128xi32>
    %gt3A_82 = arith.cmpf ogt, %concatenate3A_78, %select_n3A : vector<8x128xf32>
    %eq3A_83 = arith.cmpf oeq, %concatenate3A_78, %select_n3A : vector<8x128xf32>
    %and3A_84 = arith.andi %eq3A_83, %ge3A_81 : vector<8x128xi1>
    %or3A_85 = arith.ori %gt3A_82, %and3A_84 : vector<8x128xi1>
    %convert_element_type3A_86 = arith.extui %or3A_85 : vector<8x128xi1> to vector<8x128xi32>
    %add3A_87 = arith.addi %add3A_75, %convert_element_type3A_86 : vector<8x128xi32>
    %slice3A_88 = vector.extract_strided_slice %select_n3A {offsets = [0, 5], sizes = [8, 123], strides = [1, 1]} : vector<8x128xf32> to vector<8x123xf32>
    %slice3A_89 = vector.extract_strided_slice %select_n3A {offsets = [0, 0], sizes = [8, 5], strides = [1, 1]} : vector<8x128xf32> to vector<8x5xf32>
    %concatenate3A_90 = tpu.concatenate %slice3A_88, %slice3A_89 in 1 : vector<8x123xf32>, vector<8x5xf32> -> vector<8x128xf32>
    %ge3A_91 = arith.constant 123 : i32
    %ge3A_92 = vector.broadcast %ge3A_91 : i32 to vector<8x128xi32>
    %ge3A_93 = arith.cmpi sge, %iota3A, %ge3A_92 : vector<8x128xi32>
    %gt3A_94 = arith.cmpf ogt, %concatenate3A_90, %select_n3A : vector<8x128xf32>
    %eq3A_95 = arith.cmpf oeq, %concatenate3A_90, %select_n3A : vector<8x128xf32>
    %and3A_96 = arith.andi %eq3A_95, %ge3A_93 : vector<8x128xi1>
    %or3A_97 = arith.ori %gt3A_94, %and3A_96 : vector<8x128xi1>
    %convert_element_type3A_98 = arith.extui %or3A_97 : vector<8x128xi1> to vector<8x128xi32>
    %add3A_99 = arith.addi %add3A_87, %convert_element_type3A_98 : vector<8x128xi32>
    %slice3A_100 = vector.extract_strided_slice %select_n3A {offsets = [0, 6], sizes = [8, 122], strides = [1, 1]} : vector<8x128xf32> to vector<8x122xf32>
    %slice3A_101 = vector.extract_strided_slice %select_n3A {offsets = [0, 0], sizes = [8, 6], strides = [1, 1]} : vector<8x128xf32> to vector<8x6xf32>
    %concatenate3A_102 = tpu.concatenate %slice3A_100, %slice3A_101 in 1 : vector<8x122xf32>, vector<8x6xf32> -> vector<8x128xf32>
    %ge3A_103 = arith.constant 122 : i32
    %ge3A_104 = vector.broadcast %ge3A_103 : i32 to vector<8x128xi32>
    %ge3A_105 = arith.cmpi sge, %iota3A, %ge3A_104 : vector<8x128xi32>
    %gt3A_106 = arith.cmpf ogt, %concatenate3A_102, %select_n3A : vector<8x128xf32>
    %eq3A_107 = arith.cmpf oeq, %concatenate3A_102, %select_n3A : vector<8x128xf32>
    %and3A_108 = arith.andi %eq3A_107, %ge3A_105 : vector<8x128xi1>
    %or3A_109 = arith.ori %gt3A_106, %and3A_108 : vector<8x128xi1>
    %convert_element_type3A_110 = arith.extui %or3A_109 : vector<8x128xi1> to vector<8x128xi32>
    %add3A_111 = arith.addi %add3A_99, %convert_element_type3A_110 : vector<8x128xi32>
    %slice3A_112 = vector.extract_strided_slice %select_n3A {offsets = [0, 7], sizes = [8, 121], strides = [1, 1]} : vector<8x128xf32> to vector<8x121xf32>
    %slice3A_113 = vector.extract_strided_slice %select_n3A {offsets = [0, 0], sizes = [8, 7], strides = [1, 1]} : vector<8x128xf32> to vector<8x7xf32>
    %concatenate3A_114 = tpu.concatenate %slice3A_112, %slice3A_113 in 1 : vector<8x121xf32>, vector<8x7xf32> -> vector<8x128xf32>
    %ge3A_115 = arith.constant 121 : i32
    %ge3A_116 = vector.broadcast %ge3A_115 : i32 to vector<8x128xi32>
    %ge3A_117 = arith.cmpi sge, %iota3A, %ge3A_116 : vector<8x128xi32>
    %gt3A_118 = arith.cmpf ogt, %concatenate3A_114, %select_n3A : vector<8x128xf32>
    %eq3A_119 = arith.cmpf oeq, %concatenate3A_114, %select_n3A : vector<8x128xf32>
    %and3A_120 = arith.andi %eq3A_119, %ge3A_117 : vector<8x128xi1>
    %or3A_121 = arith.ori %gt3A_118, %and3A_120 : vector<8x128xi1>
    %convert_element_type3A_122 = arith.extui %or3A_121 : vector<8x128xi1> to vector<8x128xi32>
    %add3A_123 = arith.addi %add3A_111, %convert_element_type3A_122 : vector<8x128xi32>
    %slice3A_124 = vector.extract_strided_slice %select_n3A {offsets = [0, 8], sizes = [8, 120], strides = [1, 1]} : vector<8x128xf32> to vector<8x120xf32>
    %slice3A_125 = vector.extract_strided_slice %select_n3A {offsets = [0, 0], sizes = [8, 8], strides = [1, 1]} : vector<8x128xf32> to vector<8x8xf32>
    %concatenate3A_126 = tpu.concatenate %slice3A_124, %slice3A_125 in 1 : vector<8x120xf32>, vector<8x8xf32> -> vector<8x128xf32>
    %ge3A_127 = arith.constant 120 : i32
    %ge3A_128 = vector.broadcast %ge3A_127 : i32 to vector<8x128xi32>
    %ge3A_129 = arith.cmpi sge, %iota3A, %ge3A_128 : vector<8x128xi32>
    %gt3A_130 = arith.cmpf ogt, %concatenate3A_126, %select_n3A : vector<8x128xf32>
    %eq3A_131 = arith.cmpf oeq, %concatenate3A_126, %select_n3A : vector<8x128xf32>
    %and3A_132 = arith.andi %eq3A_131, %ge3A_129 : vector<8x128xi1>
    %or3A_133 = arith.ori %gt3A_130, %and3A_132 : vector<8x128xi1>
    %convert_element_type3A_134 = arith.extui %or3A_133 : vector<8x128xi1> to vector<8x128xi32>
    %add3A_135 = arith.addi %add3A_123, %convert_element_type3A_134 : vector<8x128xi32>
    %slice3A_136 = vector.extract_strided_slice %select_n3A {offsets = [0, 9], sizes = [8, 119], strides = [1, 1]} : vector<8x128xf32> to vector<8x119xf32>
    %slice3A_137 = vector.extract_strided_slice %select_n3A {offsets = [0, 0], sizes = [8, 9], strides = [1, 1]} : vector<8x128xf32> to vector<8x9xf32>
    %concatenate3A_138 = tpu.concatenate %slice3A_136, %slice3A_137 in 1 : vector<8x119xf32>, vector<8x9xf32> -> vector<8x128xf32>
    %ge3A_139 = arith.constant 119 : i32
    %ge3A_140 = vector.broadcast %ge3A_139 : i32 to vector<8x128xi32>
    %ge3A_141 = arith.cmpi sge, %iota3A, %ge3A_140 : vector<8x128xi32>
    %gt3A_142 = arith.cmpf ogt, %concatenate3A_138, %select_n3A : vector<8x128xf32>
    %eq3A_143 = arith.cmpf oeq, %concatenate3A_138, %select_n3A : vector<8x128xf32>
    %and3A_144 = arith.andi %eq3A_143, %ge3A_141 : vector<8x128xi1>
    %or3A_145 = arith.ori %gt3A_142, %and3A_144 : vector<8x128xi1>
    %convert_element_type3A_146 = arith.extui %or3A_145 : vector<8x128xi1> to vector<8x128xi32>
    %add3A_147 = arith.addi %add3A_135, %convert_element_type3A_146 : vector<8x128xi32>
    %slice3A_148 = vector.extract_strided_slice %select_n3A {offsets = [0, 10], sizes = [8, 118], strides = [1, 1]} : vector<8x128xf32> to vector<8x118xf32>
    %slice3A_149 = vector.extract_strided_slice %select_n3A {offsets = [0, 0], sizes = [8, 10], strides = [1, 1]} : vector<8x128xf32> to vector<8x10xf32>
    %concatenate3A_150 = tpu.concatenate %slice3A_148, %slice3A_149 in 1 : vector<8x118xf32>, vector<8x10xf32> -> vector<8x128xf32>
    %ge3A_151 = arith.constant 118 : i32
    %ge3A_152 = vector.broadcast %ge3A_151 : i32 to vector<8x128xi32>
    %ge3A_153 = arith.cmpi sge, %iota3A, %ge3A_152 : vector<8x128xi32>
    %gt3A_154 = arith.cmpf ogt, %concatenate3A_150, %select_n3A : vector<8x128xf32>
    %eq3A_155 = arith.cmpf oeq, %concatenate3A_150, %select_n3A : vector<8x128xf32>
    %and3A_156 = arith.andi %eq3A_155, %ge3A_153 : vector<8x128xi1>
    %or3A_157 = arith.ori %gt3A_154, %and3A_156 : vector<8x128xi1>
    %convert_element_type3A_158 = arith.extui %or3A_157 : vector<8x128xi1> to vector<8x128xi32>
    %add3A_159 = arith.addi %add3A_147, %convert_element_type3A_158 : vector<8x128xi32>
    %slice3A_160 = vector.extract_strided_slice %select_n3A {offsets = [0, 11], sizes = [8, 117], strides = [1, 1]} : vector<8x128xf32> to vector<8x117xf32>
    %slice3A_161 = vector.extract_strided_slice %select_n3A {offsets = [0, 0], sizes = [8, 11], strides = [1, 1]} : vector<8x128xf32> to vector<8x11xf32>
    %concatenate3A_162 = tpu.concatenate %slice3A_160, %slice3A_161 in 1 : vector<8x117xf32>, vector<8x11xf32> -> vector<8x128xf32>
    %ge3A_163 = arith.constant 117 : i32
    %ge3A_164 = vector.broadcast %ge3A_163 : i32 to vector<8x128xi32>
    %ge3A_165 = arith.cmpi sge, %iota3A, %ge3A_164 : vector<8x128xi32>
    %gt3A_166 = arith.cmpf ogt, %concatenate3A_162, %select_n3A : vector<8x128xf32>
    %eq3A_167 = arith.cmpf oeq, %concatenate3A_162, %select_n3A : vector<8x128xf32>
    %and3A_168 = arith.andi %eq3A_167, %ge3A_165 : vector<8x128xi1>
    %or3A_169 = arith.ori %gt3A_166, %and3A_168 : vector<8x128xi1>
    %convert_element_type3A_170 = arith.extui %or3A_169 : vector<8x128xi1> to vector<8x128xi32>
    %add3A_171 = arith.addi %add3A_159, %convert_element_type3A_170 : vector<8x128xi32>
    %slice3A_172 = vector.extract_strided_slice %select_n3A {offsets = [0, 12], sizes = [8, 116], strides = [1, 1]} : vector<8x128xf32> to vector<8x116xf32>
    %slice3A_173 = vector.extract_strided_slice %select_n3A {offsets = [0, 0], sizes = [8, 12], strides = [1, 1]} : vector<8x128xf32> to vector<8x12xf32>
    %concatenate3A_174 = tpu.concatenate %slice3A_172, %slice3A_173 in 1 : vector<8x116xf32>, vector<8x12xf32> -> vector<8x128xf32>
    %ge3A_175 = arith.constant 116 : i32
    %ge3A_176 = vector.broadcast %ge3A_175 : i32 to vector<8x128xi32>
    %ge3A_177 = arith.cmpi sge, %iota3A, %ge3A_176 : vector<8x128xi32>
    %gt3A_178 = arith.cmpf ogt, %concatenate3A_174, %select_n3A : vector<8x128xf32>
    %eq3A_179 = arith.cmpf oeq, %concatenate3A_174, %select_n3A : vector<8x128xf32>
    %and3A_180 = arith.andi %eq3A_179, %ge3A_177 : vector<8x128xi1>
    %or3A_181 = arith.ori %gt3A_178, %and3A_180 : vector<8x128xi1>
    %convert_element_type3A_182 = arith.extui %or3A_181 : vector<8x128xi1> to vector<8x128xi32>
    %add3A_183 = arith.addi %add3A_171, %convert_element_type3A_182 : vector<8x128xi32>
    %slice3A_184 = vector.extract_strided_slice %select_n3A {offsets = [0, 13], sizes = [8, 115], strides = [1, 1]} : vector<8x128xf32> to vector<8x115xf32>
    %slice3A_185 = vector.extract_strided_slice %select_n3A {offsets = [0, 0], sizes = [8, 13], strides = [1, 1]} : vector<8x128xf32> to vector<8x13xf32>
    %concatenate3A_186 = tpu.concatenate %slice3A_184, %slice3A_185 in 1 : vector<8x115xf32>, vector<8x13xf32> -> vector<8x128xf32>
    %ge3A_187 = arith.constant 115 : i32
    %ge3A_188 = vector.broadcast %ge3A_187 : i32 to vector<8x128xi32>
    %ge3A_189 = arith.cmpi sge, %iota3A, %ge3A_188 : vector<8x128xi32>
    %gt3A_190 = arith.cmpf ogt, %concatenate3A_186, %select_n3A : vector<8x128xf32>
    %eq3A_191 = arith.cmpf oeq, %concatenate3A_186, %select_n3A : vector<8x128xf32>
    %and3A_192 = arith.andi %eq3A_191, %ge3A_189 : vector<8x128xi1>
    %or3A_193 = arith.ori %gt3A_190, %and3A_192 : vector<8x128xi1>
    %convert_element_type3A_194 = arith.extui %or3A_193 : vector<8x128xi1> to vector<8x128xi32>
    %add3A_195 = arith.addi %add3A_183, %convert_element_type3A_194 : vector<8x128xi32>
    %slice3A_196 = vector.extract_strided_slice %select_n3A {offsets = [0, 14], sizes = [8, 114], strides = [1, 1]} : vector<8x128xf32> to vector<8x114xf32>
    %slice3A_197 = vector.extract_strided_slice %select_n3A {offsets = [0, 0], sizes = [8, 14], strides = [1, 1]} : vector<8x128xf32> to vector<8x14xf32>
    %concatenate3A_198 = tpu.concatenate %slice3A_196, %slice3A_197 in 1 : vector<8x114xf32>, vector<8x14xf32> -> vector<8x128xf32>
    %ge3A_199 = arith.constant 114 : i32
    %ge3A_200 = vector.broadcast %ge3A_199 : i32 to vector<8x128xi32>
    %ge3A_201 = arith.cmpi sge, %iota3A, %ge3A_200 : vector<8x128xi32>
    %gt3A_202 = arith.cmpf ogt, %concatenate3A_198, %select_n3A : vector<8x128xf32>
    %eq3A_203 = arith.cmpf oeq, %concatenate3A_198, %select_n3A : vector<8x128xf32>
    %and3A_204 = arith.andi %eq3A_203, %ge3A_201 : vector<8x128xi1>
    %or3A_205 = arith.ori %gt3A_202, %and3A_204 : vector<8x128xi1>
    %convert_element_type3A_206 = arith.extui %or3A_205 : vector<8x128xi1> to vector<8x128xi32>
    %add3A_207 = arith.addi %add3A_195, %convert_element_type3A_206 : vector<8x128xi32>
    %slice3A_208 = vector.extract_strided_slice %select_n3A {offsets = [0, 15], sizes = [8, 113], strides = [1, 1]} : vector<8x128xf32> to vector<8x113xf32>
    %slice3A_209 = vector.extract_strided_slice %select_n3A {offsets = [0, 0], sizes = [8, 15], strides = [1, 1]} : vector<8x128xf32> to vector<8x15xf32>
    %concatenate3A_210 = tpu.concatenate %slice3A_208, %slice3A_209 in 1 : vector<8x113xf32>, vector<8x15xf32> -> vector<8x128xf32>
    %ge3A_211 = arith.constant 113 : i32
    %ge3A_212 = vector.broadcast %ge3A_211 : i32 to vector<8x128xi32>
    %ge3A_213 = arith.cmpi sge, %iota3A, %ge3A_212 : vector<8x128xi32>
    %gt3A_214 = arith.cmpf ogt, %concatenate3A_210, %select_n3A : vector<8x128xf32>
    %eq3A_215 = arith.cmpf oeq, %concatenate3A_210, %select_n3A : vector<8x128xf32>
    %and3A_216 = arith.andi %eq3A_215, %ge3A_213 : vector<8x128xi1>
    %or3A_217 = arith.ori %gt3A_214, %and3A_216 : vector<8x128xi1>
    %convert_element_type3A_218 = arith.extui %or3A_217 : vector<8x128xi1> to vector<8x128xi32>
    %add3A_219 = arith.addi %add3A_207, %convert_element_type3A_218 : vector<8x128xi32>
    %slice3A_220 = vector.extract_strided_slice %select_n3A {offsets = [0, 16], sizes = [8, 112], strides = [1, 1]} : vector<8x128xf32> to vector<8x112xf32>
    %slice3A_221 = vector.extract_strided_slice %select_n3A {offsets = [0, 0], sizes = [8, 16], strides = [1, 1]} : vector<8x128xf32> to vector<8x16xf32>
    %concatenate3A_222 = tpu.concatenate %slice3A_220, %slice3A_221 in 1 : vector<8x112xf32>, vector<8x16xf32> -> vector<8x128xf32>
    %ge3A_223 = arith.constant 112 : i32
    %ge3A_224 = vector.broadcast %ge3A_223 : i32 to vector<8x128xi32>
    %ge3A_225 = arith.cmpi sge, %iota3A, %ge3A_224 : vector<8x128xi32>
    %gt3A_226 = arith.cmpf ogt, %concatenate3A_222, %select_n3A : vector<8x128xf32>
    %eq3A_227 = arith.cmpf oeq, %concatenate3A_222, %select_n3A : vector<8x128xf32>
    %and3A_228 = arith.andi %eq3A_227, %ge3A_225 : vector<8x128xi1>
    %or3A_229 = arith.ori %gt3A_226, %and3A_228 : vector<8x128xi1>
    %convert_element_type3A_230 = arith.extui %or3A_229 : vector<8x128xi1> to vector<8x128xi32>
    %add3A_231 = arith.addi %add3A_219, %convert_element_type3A_230 : vector<8x128xi32>
    %slice3A_232 = vector.extract_strided_slice %select_n3A {offsets = [0, 17], sizes = [8, 111], strides = [1, 1]} : vector<8x128xf32> to vector<8x111xf32>
    %slice3A_233 = vector.extract_strided_slice %select_n3A {offsets = [0, 0], sizes = [8, 17], strides = [1, 1]} : vector<8x128xf32> to vector<8x17xf32>
    %concatenate3A_234 = tpu.concatenate %slice3A_232, %slice3A_233 in 1 : vector<8x111xf32>, vector<8x17xf32> -> vector<8x128xf32>
    %ge3A_235 = arith.constant 111 : i32
    %ge3A_236 = vector.broadcast %ge3A_235 : i32 to vector<8x128xi32>
    %ge3A_237 = arith.cmpi sge, %iota3A, %ge3A_236 : vector<8x128xi32>
    %gt3A_238 = arith.cmpf ogt, %concatenate3A_234, %select_n3A : vector<8x128xf32>
    %eq3A_239 = arith.cmpf oeq, %concatenate3A_234, %select_n3A : vector<8x128xf32>
    %and3A_240 = arith.andi %eq3A_239, %ge3A_237 : vector<8x128xi1>
    %or3A_241 = arith.ori %gt3A_238, %and3A_240 : vector<8x128xi1>
    %convert_element_type3A_242 = arith.extui %or3A_241 : vector<8x128xi1> to vector<8x128xi32>
    %add3A_243 = arith.addi %add3A_231, %convert_element_type3A_242 : vector<8x128xi32>
    %slice3A_244 = vector.extract_strided_slice %select_n3A {offsets = [0, 18], sizes = [8, 110], strides = [1, 1]} : vector<8x128xf32> to vector<8x110xf32>
    %slice3A_245 = vector.extract_strided_slice %select_n3A {offsets = [0, 0], sizes = [8, 18], strides = [1, 1]} : vector<8x128xf32> to vector<8x18xf32>
    %concatenate3A_246 = tpu.concatenate %slice3A_244, %slice3A_245 in 1 : vector<8x110xf32>, vector<8x18xf32> -> vector<8x128xf32>
    %ge3A_247 = arith.constant 110 : i32
    %ge3A_248 = vector.broadcast %ge3A_247 : i32 to vector<8x128xi32>
    %ge3A_249 = arith.cmpi sge, %iota3A, %ge3A_248 : vector<8x128xi32>
    %gt3A_250 = arith.cmpf ogt, %concatenate3A_246, %select_n3A : vector<8x128xf32>
    %eq3A_251 = arith.cmpf oeq, %concatenate3A_246, %select_n3A : vector<8x128xf32>
    %and3A_252 = arith.andi %eq3A_251, %ge3A_249 : vector<8x128xi1>
    %or3A_253 = arith.ori %gt3A_250, %and3A_252 : vector<8x128xi1>
    %convert_element_type3A_254 = arith.extui %or3A_253 : vector<8x128xi1> to vector<8x128xi32>
    %add3A_255 = arith.addi %add3A_243, %convert_element_type3A_254 : vector<8x128xi32>
    %slice3A_256 = vector.extract_strided_slice %select_n3A {offsets = [0, 19], sizes = [8, 109], strides = [1, 1]} : vector<8x128xf32> to vector<8x109xf32>
    %slice3A_257 = vector.extract_strided_slice %select_n3A {offsets = [0, 0], sizes = [8, 19], strides = [1, 1]} : vector<8x128xf32> to vector<8x19xf32>
    %concatenate3A_258 = tpu.concatenate %slice3A_256, %slice3A_257 in 1 : vector<8x109xf32>, vector<8x19xf32> -> vector<8x128xf32>
    %ge3A_259 = arith.constant 109 : i32
    %ge3A_260 = vector.broadcast %ge3A_259 : i32 to vector<8x128xi32>
    %ge3A_261 = arith.cmpi sge, %iota3A, %ge3A_260 : vector<8x128xi32>
    %gt3A_262 = arith.cmpf ogt, %concatenate3A_258, %select_n3A : vector<8x128xf32>
    %eq3A_263 = arith.cmpf oeq, %concatenate3A_258, %select_n3A : vector<8x128xf32>
    %and3A_264 = arith.andi %eq3A_263, %ge3A_261 : vector<8x128xi1>
    %or3A_265 = arith.ori %gt3A_262, %and3A_264 : vector<8x128xi1>
    %convert_element_type3A_266 = arith.extui %or3A_265 : vector<8x128xi1> to vector<8x128xi32>
    %add3A_267 = arith.addi %add3A_255, %convert_element_type3A_266 : vector<8x128xi32>
    %slice3A_268 = vector.extract_strided_slice %select_n3A {offsets = [0, 20], sizes = [8, 108], strides = [1, 1]} : vector<8x128xf32> to vector<8x108xf32>
    %slice3A_269 = vector.extract_strided_slice %select_n3A {offsets = [0, 0], sizes = [8, 20], strides = [1, 1]} : vector<8x128xf32> to vector<8x20xf32>
    %concatenate3A_270 = tpu.concatenate %slice3A_268, %slice3A_269 in 1 : vector<8x108xf32>, vector<8x20xf32> -> vector<8x128xf32>
    %ge3A_271 = arith.constant 108 : i32
    %ge3A_272 = vector.broadcast %ge3A_271 : i32 to vector<8x128xi32>
    %ge3A_273 = arith.cmpi sge, %iota3A, %ge3A_272 : vector<8x128xi32>
    %gt3A_274 = arith.cmpf ogt, %concatenate3A_270, %select_n3A : vector<8x128xf32>
    %eq3A_275 = arith.cmpf oeq, %concatenate3A_270, %select_n3A : vector<8x128xf32>
    %and3A_276 = arith.andi %eq3A_275, %ge3A_273 : vector<8x128xi1>
    %or3A_277 = arith.ori %gt3A_274, %and3A_276 : vector<8x128xi1>
    %convert_element_type3A_278 = arith.extui %or3A_277 : vector<8x128xi1> to vector<8x128xi32>
    %add3A_279 = arith.addi %add3A_267, %convert_element_type3A_278 : vector<8x128xi32>
    %slice3A_280 = vector.extract_strided_slice %select_n3A {offsets = [0, 21], sizes = [8, 107], strides = [1, 1]} : vector<8x128xf32> to vector<8x107xf32>
    %slice3A_281 = vector.extract_strided_slice %select_n3A {offsets = [0, 0], sizes = [8, 21], strides = [1, 1]} : vector<8x128xf32> to vector<8x21xf32>
    %concatenate3A_282 = tpu.concatenate %slice3A_280, %slice3A_281 in 1 : vector<8x107xf32>, vector<8x21xf32> -> vector<8x128xf32>
    %ge3A_283 = arith.constant 107 : i32
    %ge3A_284 = vector.broadcast %ge3A_283 : i32 to vector<8x128xi32>
    %ge3A_285 = arith.cmpi sge, %iota3A, %ge3A_284 : vector<8x128xi32>
    %gt3A_286 = arith.cmpf ogt, %concatenate3A_282, %select_n3A : vector<8x128xf32>
    %eq3A_287 = arith.cmpf oeq, %concatenate3A_282, %select_n3A : vector<8x128xf32>
    %and3A_288 = arith.andi %eq3A_287, %ge3A_285 : vector<8x128xi1>
    %or3A_289 = arith.ori %gt3A_286, %and3A_288 : vector<8x128xi1>
    %convert_element_type3A_290 = arith.extui %or3A_289 : vector<8x128xi1> to vector<8x128xi32>
    %add3A_291 = arith.addi %add3A_279, %convert_element_type3A_290 : vector<8x128xi32>
    %slice3A_292 = vector.extract_strided_slice %select_n3A {offsets = [0, 22], sizes = [8, 106], strides = [1, 1]} : vector<8x128xf32> to vector<8x106xf32>
    %slice3A_293 = vector.extract_strided_slice %select_n3A {offsets = [0, 0], sizes = [8, 22], strides = [1, 1]} : vector<8x128xf32> to vector<8x22xf32>
    %concatenate3A_294 = tpu.concatenate %slice3A_292, %slice3A_293 in 1 : vector<8x106xf32>, vector<8x22xf32> -> vector<8x128xf32>
    %ge3A_295 = arith.constant 106 : i32
    %ge3A_296 = vector.broadcast %ge3A_295 : i32 to vector<8x128xi32>
    %ge3A_297 = arith.cmpi sge, %iota3A, %ge3A_296 : vector<8x128xi32>
    %gt3A_298 = arith.cmpf ogt, %concatenate3A_294, %select_n3A : vector<8x128xf32>
    %eq3A_299 = arith.cmpf oeq, %concatenate3A_294, %select_n3A : vector<8x128xf32>
    %and3A_300 = arith.andi %eq3A_299, %ge3A_297 : vector<8x128xi1>
    %or3A_301 = arith.ori %gt3A_298, %and3A_300 : vector<8x128xi1>
    %convert_element_type3A_302 = arith.extui %or3A_301 : vector<8x128xi1> to vector<8x128xi32>
    %add3A_303 = arith.addi %add3A_291, %convert_element_type3A_302 : vector<8x128xi32>
    %slice3A_304 = vector.extract_strided_slice %select_n3A {offsets = [0, 23], sizes = [8, 105], strides = [1, 1]} : vector<8x128xf32> to vector<8x105xf32>
    %slice3A_305 = vector.extract_strided_slice %select_n3A {offsets = [0, 0], sizes = [8, 23], strides = [1, 1]} : vector<8x128xf32> to vector<8x23xf32>
    %concatenate3A_306 = tpu.concatenate %slice3A_304, %slice3A_305 in 1 : vector<8x105xf32>, vector<8x23xf32> -> vector<8x128xf32>
    %ge3A_307 = arith.constant 105 : i32
    %ge3A_308 = vector.broadcast %ge3A_307 : i32 to vector<8x128xi32>
    %ge3A_309 = arith.cmpi sge, %iota3A, %ge3A_308 : vector<8x128xi32>
    %gt3A_310 = arith.cmpf ogt, %concatenate3A_306, %select_n3A : vector<8x128xf32>
    %eq3A_311 = arith.cmpf oeq, %concatenate3A_306, %select_n3A : vector<8x128xf32>
    %and3A_312 = arith.andi %eq3A_311, %ge3A_309 : vector<8x128xi1>
    %or3A_313 = arith.ori %gt3A_310, %and3A_312 : vector<8x128xi1>
    %convert_element_type3A_314 = arith.extui %or3A_313 : vector<8x128xi1> to vector<8x128xi32>
    %add3A_315 = arith.addi %add3A_303, %convert_element_type3A_314 : vector<8x128xi32>
    %slice3A_316 = vector.extract_strided_slice %select_n3A {offsets = [0, 24], sizes = [8, 104], strides = [1, 1]} : vector<8x128xf32> to vector<8x104xf32>
    %slice3A_317 = vector.extract_strided_slice %select_n3A {offsets = [0, 0], sizes = [8, 24], strides = [1, 1]} : vector<8x128xf32> to vector<8x24xf32>
    %concatenate3A_318 = tpu.concatenate %slice3A_316, %slice3A_317 in 1 : vector<8x104xf32>, vector<8x24xf32> -> vector<8x128xf32>
    %ge3A_319 = arith.constant 104 : i32
    %ge3A_320 = vector.broadcast %ge3A_319 : i32 to vector<8x128xi32>
    %ge3A_321 = arith.cmpi sge, %iota3A, %ge3A_320 : vector<8x128xi32>
    %gt3A_322 = arith.cmpf ogt, %concatenate3A_318, %select_n3A : vector<8x128xf32>
    %eq3A_323 = arith.cmpf oeq, %concatenate3A_318, %select_n3A : vector<8x128xf32>
    %and3A_324 = arith.andi %eq3A_323, %ge3A_321 : vector<8x128xi1>
    %or3A_325 = arith.ori %gt3A_322, %and3A_324 : vector<8x128xi1>
    %convert_element_type3A_326 = arith.extui %or3A_325 : vector<8x128xi1> to vector<8x128xi32>
    %add3A_327 = arith.addi %add3A_315, %convert_element_type3A_326 : vector<8x128xi32>
    %slice3A_328 = vector.extract_strided_slice %select_n3A {offsets = [0, 25], sizes = [8, 103], strides = [1, 1]} : vector<8x128xf32> to vector<8x103xf32>
    %slice3A_329 = vector.extract_strided_slice %select_n3A {offsets = [0, 0], sizes = [8, 25], strides = [1, 1]} : vector<8x128xf32> to vector<8x25xf32>
    %concatenate3A_330 = tpu.concatenate %slice3A_328, %slice3A_329 in 1 : vector<8x103xf32>, vector<8x25xf32> -> vector<8x128xf32>
    %ge3A_331 = arith.constant 103 : i32
    %ge3A_332 = vector.broadcast %ge3A_331 : i32 to vector<8x128xi32>
    %ge3A_333 = arith.cmpi sge, %iota3A, %ge3A_332 : vector<8x128xi32>
    %gt3A_334 = arith.cmpf ogt, %concatenate3A_330, %select_n3A : vector<8x128xf32>
    %eq3A_335 = arith.cmpf oeq, %concatenate3A_330, %select_n3A : vector<8x128xf32>
    %and3A_336 = arith.andi %eq3A_335, %ge3A_333 : vector<8x128xi1>
    %or3A_337 = arith.ori %gt3A_334, %and3A_336 : vector<8x128xi1>
    %convert_element_type3A_338 = arith.extui %or3A_337 : vector<8x128xi1> to vector<8x128xi32>
    %add3A_339 = arith.addi %add3A_327, %convert_element_type3A_338 : vector<8x128xi32>
    %slice3A_340 = vector.extract_strided_slice %select_n3A {offsets = [0, 26], sizes = [8, 102], strides = [1, 1]} : vector<8x128xf32> to vector<8x102xf32>
    %slice3A_341 = vector.extract_strided_slice %select_n3A {offsets = [0, 0], sizes = [8, 26], strides = [1, 1]} : vector<8x128xf32> to vector<8x26xf32>
    %concatenate3A_342 = tpu.concatenate %slice3A_340, %slice3A_341 in 1 : vector<8x102xf32>, vector<8x26xf32> -> vector<8x128xf32>
    %ge3A_343 = arith.constant 102 : i32
    %ge3A_344 = vector.broadcast %ge3A_343 : i32 to vector<8x128xi32>
    %ge3A_345 = arith.cmpi sge, %iota3A, %ge3A_344 : vector<8x128xi32>
    %gt3A_346 = arith.cmpf ogt, %concatenate3A_342, %select_n3A : vector<8x128xf32>
    %eq3A_347 = arith.cmpf oeq, %concatenate3A_342, %select_n3A : vector<8x128xf32>
    %and3A_348 = arith.andi %eq3A_347, %ge3A_345 : vector<8x128xi1>
    %or3A_349 = arith.ori %gt3A_346, %and3A_348 : vector<8x128xi1>
    %convert_element_type3A_350 = arith.extui %or3A_349 : vector<8x128xi1> to vector<8x128xi32>
    %add3A_351 = arith.addi %add3A_339, %convert_element_type3A_350 : vector<8x128xi32>
    %slice3A_352 = vector.extract_strided_slice %select_n3A {offsets = [0, 27], sizes = [8, 101], strides = [1, 1]} : vector<8x128xf32> to vector<8x101xf32>
    %slice3A_353 = vector.extract_strided_slice %select_n3A {offsets = [0, 0], sizes = [8, 27], strides = [1, 1]} : vector<8x128xf32> to vector<8x27xf32>
    %concatenate3A_354 = tpu.concatenate %slice3A_352, %slice3A_353 in 1 : vector<8x101xf32>, vector<8x27xf32> -> vector<8x128xf32>
    %ge3A_355 = arith.constant 101 : i32
    %ge3A_356 = vector.broadcast %ge3A_355 : i32 to vector<8x128xi32>
    %ge3A_357 = arith.cmpi sge, %iota3A, %ge3A_356 : vector<8x128xi32>
    %gt3A_358 = arith.cmpf ogt, %concatenate3A_354, %select_n3A : vector<8x128xf32>
    %eq3A_359 = arith.cmpf oeq, %concatenate3A_354, %select_n3A : vector<8x128xf32>
    %and3A_360 = arith.andi %eq3A_359, %ge3A_357 : vector<8x128xi1>
    %or3A_361 = arith.ori %gt3A_358, %and3A_360 : vector<8x128xi1>
    %convert_element_type3A_362 = arith.extui %or3A_361 : vector<8x128xi1> to vector<8x128xi32>
    %add3A_363 = arith.addi %add3A_351, %convert_element_type3A_362 : vector<8x128xi32>
    %slice3A_364 = vector.extract_strided_slice %select_n3A {offsets = [0, 28], sizes = [8, 100], strides = [1, 1]} : vector<8x128xf32> to vector<8x100xf32>
    %slice3A_365 = vector.extract_strided_slice %select_n3A {offsets = [0, 0], sizes = [8, 28], strides = [1, 1]} : vector<8x128xf32> to vector<8x28xf32>
    %concatenate3A_366 = tpu.concatenate %slice3A_364, %slice3A_365 in 1 : vector<8x100xf32>, vector<8x28xf32> -> vector<8x128xf32>
    %ge3A_367 = arith.constant 100 : i32
    %ge3A_368 = vector.broadcast %ge3A_367 : i32 to vector<8x128xi32>
    %ge3A_369 = arith.cmpi sge, %iota3A, %ge3A_368 : vector<8x128xi32>
    %gt3A_370 = arith.cmpf ogt, %concatenate3A_366, %select_n3A : vector<8x128xf32>
    %eq3A_371 = arith.cmpf oeq, %concatenate3A_366, %select_n3A : vector<8x128xf32>
    %and3A_372 = arith.andi %eq3A_371, %ge3A_369 : vector<8x128xi1>
    %or3A_373 = arith.ori %gt3A_370, %and3A_372 : vector<8x128xi1>
    %convert_element_type3A_374 = arith.extui %or3A_373 : vector<8x128xi1> to vector<8x128xi32>
    %add3A_375 = arith.addi %add3A_363, %convert_element_type3A_374 : vector<8x128xi32>
    %slice3A_376 = vector.extract_strided_slice %select_n3A {offsets = [0, 29], sizes = [8, 99], strides = [1, 1]} : vector<8x128xf32> to vector<8x99xf32>
    %slice3A_377 = vector.extract_strided_slice %select_n3A {offsets = [0, 0], sizes = [8, 29], strides = [1, 1]} : vector<8x128xf32> to vector<8x29xf32>
    %concatenate3A_378 = tpu.concatenate %slice3A_376, %slice3A_377 in 1 : vector<8x99xf32>, vector<8x29xf32> -> vector<8x128xf32>
    %ge3A_379 = arith.constant 99 : i32
    %ge3A_380 = vector.broadcast %ge3A_379 : i32 to vector<8x128xi32>
    %ge3A_381 = arith.cmpi sge, %iota3A, %ge3A_380 : vector<8x128xi32>
    %gt3A_382 = arith.cmpf ogt, %concatenate3A_378, %select_n3A : vector<8x128xf32>
    %eq3A_383 = arith.cmpf oeq, %concatenate3A_378, %select_n3A : vector<8x128xf32>
    %and3A_384 = arith.andi %eq3A_383, %ge3A_381 : vector<8x128xi1>
    %or3A_385 = arith.ori %gt3A_382, %and3A_384 : vector<8x128xi1>
    %convert_element_type3A_386 = arith.extui %or3A_385 : vector<8x128xi1> to vector<8x128xi32>
    %add3A_387 = arith.addi %add3A_375, %convert_element_type3A_386 : vector<8x128xi32>
    %slice3A_388 = vector.extract_strided_slice %select_n3A {offsets = [0, 30], sizes = [8, 98], strides = [1, 1]} : vector<8x128xf32> to vector<8x98xf32>
    %slice3A_389 = vector.extract_strided_slice %select_n3A {offsets = [0, 0], sizes = [8, 30], strides = [1, 1]} : vector<8x128xf32> to vector<8x30xf32>
    %concatenate3A_390 = tpu.concatenate %slice3A_388, %slice3A_389 in 1 : vector<8x98xf32>, vector<8x30xf32> -> vector<8x128xf32>
    %ge3A_391 = arith.constant 98 : i32
    %ge3A_392 = vector.broadcast %ge3A_391 : i32 to vector<8x128xi32>
    %ge3A_393 = arith.cmpi sge, %iota3A, %ge3A_392 : vector<8x128xi32>
    %gt3A_394 = arith.cmpf ogt, %concatenate3A_390, %select_n3A : vector<8x128xf32>
    %eq3A_395 = arith.cmpf oeq, %concatenate3A_390, %select_n3A : vector<8x128xf32>
    %and3A_396 = arith.andi %eq3A_395, %ge3A_393 : vector<8x128xi1>
    %or3A_397 = arith.ori %gt3A_394, %and3A_396 : vector<8x128xi1>
    %convert_element_type3A_398 = arith.extui %or3A_397 : vector<8x128xi1> to vector<8x128xi32>
    %add3A_399 = arith.addi %add3A_387, %convert_element_type3A_398 : vector<8x128xi32>
    %slice3A_400 = vector.extract_strided_slice %select_n3A {offsets = [0, 31], sizes = [8, 97], strides = [1, 1]} : vector<8x128xf32> to vector<8x97xf32>
    %slice3A_401 = vector.extract_strided_slice %select_n3A {offsets = [0, 0], sizes = [8, 31], strides = [1, 1]} : vector<8x128xf32> to vector<8x31xf32>
    %concatenate3A_402 = tpu.concatenate %slice3A_400, %slice3A_401 in 1 : vector<8x97xf32>, vector<8x31xf32> -> vector<8x128xf32>
    %ge3A_403 = arith.constant 97 : i32
    %ge3A_404 = vector.broadcast %ge3A_403 : i32 to vector<8x128xi32>
    %ge3A_405 = arith.cmpi sge, %iota3A, %ge3A_404 : vector<8x128xi32>
    %gt3A_406 = arith.cmpf ogt, %concatenate3A_402, %select_n3A : vector<8x128xf32>
    %eq3A_407 = arith.cmpf oeq, %concatenate3A_402, %select_n3A : vector<8x128xf32>
    %and3A_408 = arith.andi %eq3A_407, %ge3A_405 : vector<8x128xi1>
    %or3A_409 = arith.ori %gt3A_406, %and3A_408 : vector<8x128xi1>
    %convert_element_type3A_410 = arith.extui %or3A_409 : vector<8x128xi1> to vector<8x128xi32>
    %add3A_411 = arith.addi %add3A_399, %convert_element_type3A_410 : vector<8x128xi32>
    %slice3A_412 = vector.extract_strided_slice %select_n3A {offsets = [0, 32], sizes = [8, 96], strides = [1, 1]} : vector<8x128xf32> to vector<8x96xf32>
    %slice3A_413 = vector.extract_strided_slice %select_n3A {offsets = [0, 0], sizes = [8, 32], strides = [1, 1]} : vector<8x128xf32> to vector<8x32xf32>
    %concatenate3A_414 = tpu.concatenate %slice3A_412, %slice3A_413 in 1 : vector<8x96xf32>, vector<8x32xf32> -> vector<8x128xf32>
    %ge3A_415 = arith.constant 96 : i32
    %ge3A_416 = vector.broadcast %ge3A_415 : i32 to vector<8x128xi32>
    %ge3A_417 = arith.cmpi sge, %iota3A, %ge3A_416 : vector<8x128xi32>
    %gt3A_418 = arith.cmpf ogt, %concatenate3A_414, %select_n3A : vector<8x128xf32>
    %eq3A_419 = arith.cmpf oeq, %concatenate3A_414, %select_n3A : vector<8x128xf32>
    %and3A_420 = arith.andi %eq3A_419, %ge3A_417 : vector<8x128xi1>
    %or3A_421 = arith.ori %gt3A_418, %and3A_420 : vector<8x128xi1>
    %convert_element_type3A_422 = arith.extui %or3A_421 : vector<8x128xi1> to vector<8x128xi32>
    %add3A_423 = arith.addi %add3A_411, %convert_element_type3A_422 : vector<8x128xi32>
    %slice3A_424 = vector.extract_strided_slice %select_n3A {offsets = [0, 33], sizes = [8, 95], strides = [1, 1]} : vector<8x128xf32> to vector<8x95xf32>
    %slice3A_425 = vector.extract_strided_slice %select_n3A {offsets = [0, 0], sizes = [8, 33], strides = [1, 1]} : vector<8x128xf32> to vector<8x33xf32>
    %concatenate3A_426 = tpu.concatenate %slice3A_424, %slice3A_425 in 1 : vector<8x95xf32>, vector<8x33xf32> -> vector<8x128xf32>
    %ge3A_427 = arith.constant 95 : i32
    %ge3A_428 = vector.broadcast %ge3A_427 : i32 to vector<8x128xi32>
    %ge3A_429 = arith.cmpi sge, %iota3A, %ge3A_428 : vector<8x128xi32>
    %gt3A_430 = arith.cmpf ogt, %concatenate3A_426, %select_n3A : vector<8x128xf32>
    %eq3A_431 = arith.cmpf oeq, %concatenate3A_426, %select_n3A : vector<8x128xf32>
    %and3A_432 = arith.andi %eq3A_431, %ge3A_429 : vector<8x128xi1>
    %or3A_433 = arith.ori %gt3A_430, %and3A_432 : vector<8x128xi1>
    %convert_element_type3A_434 = arith.extui %or3A_433 : vector<8x128xi1> to vector<8x128xi32>
    %add3A_435 = arith.addi %add3A_423, %convert_element_type3A_434 : vector<8x128xi32>
    %slice3A_436 = vector.extract_strided_slice %select_n3A {offsets = [0, 34], sizes = [8, 94], strides = [1, 1]} : vector<8x128xf32> to vector<8x94xf32>
    %slice3A_437 = vector.extract_strided_slice %select_n3A {offsets = [0, 0], sizes = [8, 34], strides = [1, 1]} : vector<8x128xf32> to vector<8x34xf32>
    %concatenate3A_438 = tpu.concatenate %slice3A_436, %slice3A_437 in 1 : vector<8x94xf32>, vector<8x34xf32> -> vector<8x128xf32>
    %ge3A_439 = arith.constant 94 : i32
    %ge3A_440 = vector.broadcast %ge3A_439 : i32 to vector<8x128xi32>
    %ge3A_441 = arith.cmpi sge, %iota3A, %ge3A_440 : vector<8x128xi32>
    %gt3A_442 = arith.cmpf ogt, %concatenate3A_438, %select_n3A : vector<8x128xf32>
    %eq3A_443 = arith.cmpf oeq, %concatenate3A_438, %select_n3A : vector<8x128xf32>
    %and3A_444 = arith.andi %eq3A_443, %ge3A_441 : vector<8x128xi1>
    %or3A_445 = arith.ori %gt3A_442, %and3A_444 : vector<8x128xi1>
    %convert_element_type3A_446 = arith.extui %or3A_445 : vector<8x128xi1> to vector<8x128xi32>
    %add3A_447 = arith.addi %add3A_435, %convert_element_type3A_446 : vector<8x128xi32>
    %slice3A_448 = vector.extract_strided_slice %select_n3A {offsets = [0, 35], sizes = [8, 93], strides = [1, 1]} : vector<8x128xf32> to vector<8x93xf32>
    %slice3A_449 = vector.extract_strided_slice %select_n3A {offsets = [0, 0], sizes = [8, 35], strides = [1, 1]} : vector<8x128xf32> to vector<8x35xf32>
    %concatenate3A_450 = tpu.concatenate %slice3A_448, %slice3A_449 in 1 : vector<8x93xf32>, vector<8x35xf32> -> vector<8x128xf32>
    %ge3A_451 = arith.constant 93 : i32
    %ge3A_452 = vector.broadcast %ge3A_451 : i32 to vector<8x128xi32>
    %ge3A_453 = arith.cmpi sge, %iota3A, %ge3A_452 : vector<8x128xi32>
    %gt3A_454 = arith.cmpf ogt, %concatenate3A_450, %select_n3A : vector<8x128xf32>
    %eq3A_455 = arith.cmpf oeq, %concatenate3A_450, %select_n3A : vector<8x128xf32>
    %and3A_456 = arith.andi %eq3A_455, %ge3A_453 : vector<8x128xi1>
    %or3A_457 = arith.ori %gt3A_454, %and3A_456 : vector<8x128xi1>
    %convert_element_type3A_458 = arith.extui %or3A_457 : vector<8x128xi1> to vector<8x128xi32>
    %add3A_459 = arith.addi %add3A_447, %convert_element_type3A_458 : vector<8x128xi32>
    %slice3A_460 = vector.extract_strided_slice %select_n3A {offsets = [0, 36], sizes = [8, 92], strides = [1, 1]} : vector<8x128xf32> to vector<8x92xf32>
    %slice3A_461 = vector.extract_strided_slice %select_n3A {offsets = [0, 0], sizes = [8, 36], strides = [1, 1]} : vector<8x128xf32> to vector<8x36xf32>
    %concatenate3A_462 = tpu.concatenate %slice3A_460, %slice3A_461 in 1 : vector<8x92xf32>, vector<8x36xf32> -> vector<8x128xf32>
    %ge3A_463 = arith.constant 92 : i32
    %ge3A_464 = vector.broadcast %ge3A_463 : i32 to vector<8x128xi32>
    %ge3A_465 = arith.cmpi sge, %iota3A, %ge3A_464 : vector<8x128xi32>
    %gt3A_466 = arith.cmpf ogt, %concatenate3A_462, %select_n3A : vector<8x128xf32>
    %eq3A_467 = arith.cmpf oeq, %concatenate3A_462, %select_n3A : vector<8x128xf32>
    %and3A_468 = arith.andi %eq3A_467, %ge3A_465 : vector<8x128xi1>
    %or3A_469 = arith.ori %gt3A_466, %and3A_468 : vector<8x128xi1>
    %convert_element_type3A_470 = arith.extui %or3A_469 : vector<8x128xi1> to vector<8x128xi32>
    %add3A_471 = arith.addi %add3A_459, %convert_element_type3A_470 : vector<8x128xi32>
    %slice3A_472 = vector.extract_strided_slice %select_n3A {offsets = [0, 37], sizes = [8, 91], strides = [1, 1]} : vector<8x128xf32> to vector<8x91xf32>
    %slice3A_473 = vector.extract_strided_slice %select_n3A {offsets = [0, 0], sizes = [8, 37], strides = [1, 1]} : vector<8x128xf32> to vector<8x37xf32>
    %concatenate3A_474 = tpu.concatenate %slice3A_472, %slice3A_473 in 1 : vector<8x91xf32>, vector<8x37xf32> -> vector<8x128xf32>
    %ge3A_475 = arith.constant 91 : i32
    %ge3A_476 = vector.broadcast %ge3A_475 : i32 to vector<8x128xi32>
    %ge3A_477 = arith.cmpi sge, %iota3A, %ge3A_476 : vector<8x128xi32>
    %gt3A_478 = arith.cmpf ogt, %concatenate3A_474, %select_n3A : vector<8x128xf32>
    %eq3A_479 = arith.cmpf oeq, %concatenate3A_474, %select_n3A : vector<8x128xf32>
    %and3A_480 = arith.andi %eq3A_479, %ge3A_477 : vector<8x128xi1>
    %or3A_481 = arith.ori %gt3A_478, %and3A_480 : vector<8x128xi1>
    %convert_element_type3A_482 = arith.extui %or3A_481 : vector<8x128xi1> to vector<8x128xi32>
    %add3A_483 = arith.addi %add3A_471, %convert_element_type3A_482 : vector<8x128xi32>
    %slice3A_484 = vector.extract_strided_slice %select_n3A {offsets = [0, 38], sizes = [8, 90], strides = [1, 1]} : vector<8x128xf32> to vector<8x90xf32>
    %slice3A_485 = vector.extract_strided_slice %select_n3A {offsets = [0, 0], sizes = [8, 38], strides = [1, 1]} : vector<8x128xf32> to vector<8x38xf32>
    %concatenate3A_486 = tpu.concatenate %slice3A_484, %slice3A_485 in 1 : vector<8x90xf32>, vector<8x38xf32> -> vector<8x128xf32>
    %ge3A_487 = arith.constant 90 : i32
    %ge3A_488 = vector.broadcast %ge3A_487 : i32 to vector<8x128xi32>
    %ge3A_489 = arith.cmpi sge, %iota3A, %ge3A_488 : vector<8x128xi32>
    %gt3A_490 = arith.cmpf ogt, %concatenate3A_486, %select_n3A : vector<8x128xf32>
    %eq3A_491 = arith.cmpf oeq, %concatenate3A_486, %select_n3A : vector<8x128xf32>
    %and3A_492 = arith.andi %eq3A_491, %ge3A_489 : vector<8x128xi1>
    %or3A_493 = arith.ori %gt3A_490, %and3A_492 : vector<8x128xi1>
    %convert_element_type3A_494 = arith.extui %or3A_493 : vector<8x128xi1> to vector<8x128xi32>
    %add3A_495 = arith.addi %add3A_483, %convert_element_type3A_494 : vector<8x128xi32>
    %slice3A_496 = vector.extract_strided_slice %select_n3A {offsets = [0, 39], sizes = [8, 89], strides = [1, 1]} : vector<8x128xf32> to vector<8x89xf32>
    %slice3A_497 = vector.extract_strided_slice %select_n3A {offsets = [0, 0], sizes = [8, 39], strides = [1, 1]} : vector<8x128xf32> to vector<8x39xf32>
    %concatenate3A_498 = tpu.concatenate %slice3A_496, %slice3A_497 in 1 : vector<8x89xf32>, vector<8x39xf32> -> vector<8x128xf32>
    %ge3A_499 = arith.constant 89 : i32
    %ge3A_500 = vector.broadcast %ge3A_499 : i32 to vector<8x128xi32>
    %ge3A_501 = arith.cmpi sge, %iota3A, %ge3A_500 : vector<8x128xi32>
    %gt3A_502 = arith.cmpf ogt, %concatenate3A_498, %select_n3A : vector<8x128xf32>
    %eq3A_503 = arith.cmpf oeq, %concatenate3A_498, %select_n3A : vector<8x128xf32>
    %and3A_504 = arith.andi %eq3A_503, %ge3A_501 : vector<8x128xi1>
    %or3A_505 = arith.ori %gt3A_502, %and3A_504 : vector<8x128xi1>
    %convert_element_type3A_506 = arith.extui %or3A_505 : vector<8x128xi1> to vector<8x128xi32>
    %add3A_507 = arith.addi %add3A_495, %convert_element_type3A_506 : vector<8x128xi32>
    %slice3A_508 = vector.extract_strided_slice %select_n3A {offsets = [0, 40], sizes = [8, 88], strides = [1, 1]} : vector<8x128xf32> to vector<8x88xf32>
    %slice3A_509 = vector.extract_strided_slice %select_n3A {offsets = [0, 0], sizes = [8, 40], strides = [1, 1]} : vector<8x128xf32> to vector<8x40xf32>
    %concatenate3A_510 = tpu.concatenate %slice3A_508, %slice3A_509 in 1 : vector<8x88xf32>, vector<8x40xf32> -> vector<8x128xf32>
    %ge3A_511 = arith.constant 88 : i32
    %ge3A_512 = vector.broadcast %ge3A_511 : i32 to vector<8x128xi32>
    %ge3A_513 = arith.cmpi sge, %iota3A, %ge3A_512 : vector<8x128xi32>
    %gt3A_514 = arith.cmpf ogt, %concatenate3A_510, %select_n3A : vector<8x128xf32>
    %eq3A_515 = arith.cmpf oeq, %concatenate3A_510, %select_n3A : vector<8x128xf32>
    %and3A_516 = arith.andi %eq3A_515, %ge3A_513 : vector<8x128xi1>
    %or3A_517 = arith.ori %gt3A_514, %and3A_516 : vector<8x128xi1>
    %convert_element_type3A_518 = arith.extui %or3A_517 : vector<8x128xi1> to vector<8x128xi32>
    %add3A_519 = arith.addi %add3A_507, %convert_element_type3A_518 : vector<8x128xi32>
    %slice3A_520 = vector.extract_strided_slice %select_n3A {offsets = [0, 41], sizes = [8, 87], strides = [1, 1]} : vector<8x128xf32> to vector<8x87xf32>
    %slice3A_521 = vector.extract_strided_slice %select_n3A {offsets = [0, 0], sizes = [8, 41], strides = [1, 1]} : vector<8x128xf32> to vector<8x41xf32>
    %concatenate3A_522 = tpu.concatenate %slice3A_520, %slice3A_521 in 1 : vector<8x87xf32>, vector<8x41xf32> -> vector<8x128xf32>
    %ge3A_523 = arith.constant 87 : i32
    %ge3A_524 = vector.broadcast %ge3A_523 : i32 to vector<8x128xi32>
    %ge3A_525 = arith.cmpi sge, %iota3A, %ge3A_524 : vector<8x128xi32>
    %gt3A_526 = arith.cmpf ogt, %concatenate3A_522, %select_n3A : vector<8x128xf32>
    %eq3A_527 = arith.cmpf oeq, %concatenate3A_522, %select_n3A : vector<8x128xf32>
    %and3A_528 = arith.andi %eq3A_527, %ge3A_525 : vector<8x128xi1>
    %or3A_529 = arith.ori %gt3A_526, %and3A_528 : vector<8x128xi1>
    %convert_element_type3A_530 = arith.extui %or3A_529 : vector<8x128xi1> to vector<8x128xi32>
    %add3A_531 = arith.addi %add3A_519, %convert_element_type3A_530 : vector<8x128xi32>
    %slice3A_532 = vector.extract_strided_slice %select_n3A {offsets = [0, 42], sizes = [8, 86], strides = [1, 1]} : vector<8x128xf32> to vector<8x86xf32>
    %slice3A_533 = vector.extract_strided_slice %select_n3A {offsets = [0, 0], sizes = [8, 42], strides = [1, 1]} : vector<8x128xf32> to vector<8x42xf32>
    %concatenate3A_534 = tpu.concatenate %slice3A_532, %slice3A_533 in 1 : vector<8x86xf32>, vector<8x42xf32> -> vector<8x128xf32>
    %ge3A_535 = arith.constant 86 : i32
    %ge3A_536 = vector.broadcast %ge3A_535 : i32 to vector<8x128xi32>
    %ge3A_537 = arith.cmpi sge, %iota3A, %ge3A_536 : vector<8x128xi32>
    %gt3A_538 = arith.cmpf ogt, %concatenate3A_534, %select_n3A : vector<8x128xf32>
    %eq3A_539 = arith.cmpf oeq, %concatenate3A_534, %select_n3A : vector<8x128xf32>
    %and3A_540 = arith.andi %eq3A_539, %ge3A_537 : vector<8x128xi1>
    %or3A_541 = arith.ori %gt3A_538, %and3A_540 : vector<8x128xi1>
    %convert_element_type3A_542 = arith.extui %or3A_541 : vector<8x128xi1> to vector<8x128xi32>
    %add3A_543 = arith.addi %add3A_531, %convert_element_type3A_542 : vector<8x128xi32>
    %slice3A_544 = vector.extract_strided_slice %select_n3A {offsets = [0, 43], sizes = [8, 85], strides = [1, 1]} : vector<8x128xf32> to vector<8x85xf32>
    %slice3A_545 = vector.extract_strided_slice %select_n3A {offsets = [0, 0], sizes = [8, 43], strides = [1, 1]} : vector<8x128xf32> to vector<8x43xf32>
    %concatenate3A_546 = tpu.concatenate %slice3A_544, %slice3A_545 in 1 : vector<8x85xf32>, vector<8x43xf32> -> vector<8x128xf32>
    %ge3A_547 = arith.constant 85 : i32
    %ge3A_548 = vector.broadcast %ge3A_547 : i32 to vector<8x128xi32>
    %ge3A_549 = arith.cmpi sge, %iota3A, %ge3A_548 : vector<8x128xi32>
    %gt3A_550 = arith.cmpf ogt, %concatenate3A_546, %select_n3A : vector<8x128xf32>
    %eq3A_551 = arith.cmpf oeq, %concatenate3A_546, %select_n3A : vector<8x128xf32>
    %and3A_552 = arith.andi %eq3A_551, %ge3A_549 : vector<8x128xi1>
    %or3A_553 = arith.ori %gt3A_550, %and3A_552 : vector<8x128xi1>
    %convert_element_type3A_554 = arith.extui %or3A_553 : vector<8x128xi1> to vector<8x128xi32>
    %add3A_555 = arith.addi %add3A_543, %convert_element_type3A_554 : vector<8x128xi32>
    %slice3A_556 = vector.extract_strided_slice %select_n3A {offsets = [0, 44], sizes = [8, 84], strides = [1, 1]} : vector<8x128xf32> to vector<8x84xf32>
    %slice3A_557 = vector.extract_strided_slice %select_n3A {offsets = [0, 0], sizes = [8, 44], strides = [1, 1]} : vector<8x128xf32> to vector<8x44xf32>
    %concatenate3A_558 = tpu.concatenate %slice3A_556, %slice3A_557 in 1 : vector<8x84xf32>, vector<8x44xf32> -> vector<8x128xf32>
    %ge3A_559 = arith.constant 84 : i32
    %ge3A_560 = vector.broadcast %ge3A_559 : i32 to vector<8x128xi32>
    %ge3A_561 = arith.cmpi sge, %iota3A, %ge3A_560 : vector<8x128xi32>
    %gt3A_562 = arith.cmpf ogt, %concatenate3A_558, %select_n3A : vector<8x128xf32>
    %eq3A_563 = arith.cmpf oeq, %concatenate3A_558, %select_n3A : vector<8x128xf32>
    %and3A_564 = arith.andi %eq3A_563, %ge3A_561 : vector<8x128xi1>
    %or3A_565 = arith.ori %gt3A_562, %and3A_564 : vector<8x128xi1>
    %convert_element_type3A_566 = arith.extui %or3A_565 : vector<8x128xi1> to vector<8x128xi32>
    %add3A_567 = arith.addi %add3A_555, %convert_element_type3A_566 : vector<8x128xi32>
    %slice3A_568 = vector.extract_strided_slice %select_n3A {offsets = [0, 45], sizes = [8, 83], strides = [1, 1]} : vector<8x128xf32> to vector<8x83xf32>
    %slice3A_569 = vector.extract_strided_slice %select_n3A {offsets = [0, 0], sizes = [8, 45], strides = [1, 1]} : vector<8x128xf32> to vector<8x45xf32>
    %concatenate3A_570 = tpu.concatenate %slice3A_568, %slice3A_569 in 1 : vector<8x83xf32>, vector<8x45xf32> -> vector<8x128xf32>
    %ge3A_571 = arith.constant 83 : i32
    %ge3A_572 = vector.broadcast %ge3A_571 : i32 to vector<8x128xi32>
    %ge3A_573 = arith.cmpi sge, %iota3A, %ge3A_572 : vector<8x128xi32>
    %gt3A_574 = arith.cmpf ogt, %concatenate3A_570, %select_n3A : vector<8x128xf32>
    %eq3A_575 = arith.cmpf oeq, %concatenate3A_570, %select_n3A : vector<8x128xf32>
    %and3A_576 = arith.andi %eq3A_575, %ge3A_573 : vector<8x128xi1>
    %or3A_577 = arith.ori %gt3A_574, %and3A_576 : vector<8x128xi1>
    %convert_element_type3A_578 = arith.extui %or3A_577 : vector<8x128xi1> to vector<8x128xi32>
    %add3A_579 = arith.addi %add3A_567, %convert_element_type3A_578 : vector<8x128xi32>
    %slice3A_580 = vector.extract_strided_slice %select_n3A {offsets = [0, 46], sizes = [8, 82], strides = [1, 1]} : vector<8x128xf32> to vector<8x82xf32>
    %slice3A_581 = vector.extract_strided_slice %select_n3A {offsets = [0, 0], sizes = [8, 46], strides = [1, 1]} : vector<8x128xf32> to vector<8x46xf32>
    %concatenate3A_582 = tpu.concatenate %slice3A_580, %slice3A_581 in 1 : vector<8x82xf32>, vector<8x46xf32> -> vector<8x128xf32>
    %ge3A_583 = arith.constant 82 : i32
    %ge3A_584 = vector.broadcast %ge3A_583 : i32 to vector<8x128xi32>
    %ge3A_585 = arith.cmpi sge, %iota3A, %ge3A_584 : vector<8x128xi32>
    %gt3A_586 = arith.cmpf ogt, %concatenate3A_582, %select_n3A : vector<8x128xf32>
    %eq3A_587 = arith.cmpf oeq, %concatenate3A_582, %select_n3A : vector<8x128xf32>
    %and3A_588 = arith.andi %eq3A_587, %ge3A_585 : vector<8x128xi1>
    %or3A_589 = arith.ori %gt3A_586, %and3A_588 : vector<8x128xi1>
    %convert_element_type3A_590 = arith.extui %or3A_589 : vector<8x128xi1> to vector<8x128xi32>
    %add3A_591 = arith.addi %add3A_579, %convert_element_type3A_590 : vector<8x128xi32>
    %slice3A_592 = vector.extract_strided_slice %select_n3A {offsets = [0, 47], sizes = [8, 81], strides = [1, 1]} : vector<8x128xf32> to vector<8x81xf32>
    %slice3A_593 = vector.extract_strided_slice %select_n3A {offsets = [0, 0], sizes = [8, 47], strides = [1, 1]} : vector<8x128xf32> to vector<8x47xf32>
    %concatenate3A_594 = tpu.concatenate %slice3A_592, %slice3A_593 in 1 : vector<8x81xf32>, vector<8x47xf32> -> vector<8x128xf32>
    %ge3A_595 = arith.constant 81 : i32
    %ge3A_596 = vector.broadcast %ge3A_595 : i32 to vector<8x128xi32>
    %ge3A_597 = arith.cmpi sge, %iota3A, %ge3A_596 : vector<8x128xi32>
    %gt3A_598 = arith.cmpf ogt, %concatenate3A_594, %select_n3A : vector<8x128xf32>
    %eq3A_599 = arith.cmpf oeq, %concatenate3A_594, %select_n3A : vector<8x128xf32>
    %and3A_600 = arith.andi %eq3A_599, %ge3A_597 : vector<8x128xi1>
    %or3A_601 = arith.ori %gt3A_598, %and3A_600 : vector<8x128xi1>
    %convert_element_type3A_602 = arith.extui %or3A_601 : vector<8x128xi1> to vector<8x128xi32>
    %add3A_603 = arith.addi %add3A_591, %convert_element_type3A_602 : vector<8x128xi32>
    %slice3A_604 = vector.extract_strided_slice %select_n3A {offsets = [0, 48], sizes = [8, 80], strides = [1, 1]} : vector<8x128xf32> to vector<8x80xf32>
    %slice3A_605 = vector.extract_strided_slice %select_n3A {offsets = [0, 0], sizes = [8, 48], strides = [1, 1]} : vector<8x128xf32> to vector<8x48xf32>
    %concatenate3A_606 = tpu.concatenate %slice3A_604, %slice3A_605 in 1 : vector<8x80xf32>, vector<8x48xf32> -> vector<8x128xf32>
    %ge3A_607 = arith.constant 80 : i32
    %ge3A_608 = vector.broadcast %ge3A_607 : i32 to vector<8x128xi32>
    %ge3A_609 = arith.cmpi sge, %iota3A, %ge3A_608 : vector<8x128xi32>
    %gt3A_610 = arith.cmpf ogt, %concatenate3A_606, %select_n3A : vector<8x128xf32>
    %eq3A_611 = arith.cmpf oeq, %concatenate3A_606, %select_n3A : vector<8x128xf32>
    %and3A_612 = arith.andi %eq3A_611, %ge3A_609 : vector<8x128xi1>
    %or3A_613 = arith.ori %gt3A_610, %and3A_612 : vector<8x128xi1>
    %convert_element_type3A_614 = arith.extui %or3A_613 : vector<8x128xi1> to vector<8x128xi32>
    %add3A_615 = arith.addi %add3A_603, %convert_element_type3A_614 : vector<8x128xi32>
    %slice3A_616 = vector.extract_strided_slice %select_n3A {offsets = [0, 49], sizes = [8, 79], strides = [1, 1]} : vector<8x128xf32> to vector<8x79xf32>
    %slice3A_617 = vector.extract_strided_slice %select_n3A {offsets = [0, 0], sizes = [8, 49], strides = [1, 1]} : vector<8x128xf32> to vector<8x49xf32>
    %concatenate3A_618 = tpu.concatenate %slice3A_616, %slice3A_617 in 1 : vector<8x79xf32>, vector<8x49xf32> -> vector<8x128xf32>
    %ge3A_619 = arith.constant 79 : i32
    %ge3A_620 = vector.broadcast %ge3A_619 : i32 to vector<8x128xi32>
    %ge3A_621 = arith.cmpi sge, %iota3A, %ge3A_620 : vector<8x128xi32>
    %gt3A_622 = arith.cmpf ogt, %concatenate3A_618, %select_n3A : vector<8x128xf32>
    %eq3A_623 = arith.cmpf oeq, %concatenate3A_618, %select_n3A : vector<8x128xf32>
    %and3A_624 = arith.andi %eq3A_623, %ge3A_621 : vector<8x128xi1>
    %or3A_625 = arith.ori %gt3A_622, %and3A_624 : vector<8x128xi1>
    %convert_element_type3A_626 = arith.extui %or3A_625 : vector<8x128xi1> to vector<8x128xi32>
    %add3A_627 = arith.addi %add3A_615, %convert_element_type3A_626 : vector<8x128xi32>
    %slice3A_628 = vector.extract_strided_slice %select_n3A {offsets = [0, 50], sizes = [8, 78], strides = [1, 1]} : vector<8x128xf32> to vector<8x78xf32>
    %slice3A_629 = vector.extract_strided_slice %select_n3A {offsets = [0, 0], sizes = [8, 50], strides = [1, 1]} : vector<8x128xf32> to vector<8x50xf32>
    %concatenate3A_630 = tpu.concatenate %slice3A_628, %slice3A_629 in 1 : vector<8x78xf32>, vector<8x50xf32> -> vector<8x128xf32>
    %ge3A_631 = arith.constant 78 : i32
    %ge3A_632 = vector.broadcast %ge3A_631 : i32 to vector<8x128xi32>
    %ge3A_633 = arith.cmpi sge, %iota3A, %ge3A_632 : vector<8x128xi32>
    %gt3A_634 = arith.cmpf ogt, %concatenate3A_630, %select_n3A : vector<8x128xf32>
    %eq3A_635 = arith.cmpf oeq, %concatenate3A_630, %select_n3A : vector<8x128xf32>
    %and3A_636 = arith.andi %eq3A_635, %ge3A_633 : vector<8x128xi1>
    %or3A_637 = arith.ori %gt3A_634, %and3A_636 : vector<8x128xi1>
    %convert_element_type3A_638 = arith.extui %or3A_637 : vector<8x128xi1> to vector<8x128xi32>
    %add3A_639 = arith.addi %add3A_627, %convert_element_type3A_638 : vector<8x128xi32>
    %slice3A_640 = vector.extract_strided_slice %select_n3A {offsets = [0, 51], sizes = [8, 77], strides = [1, 1]} : vector<8x128xf32> to vector<8x77xf32>
    %slice3A_641 = vector.extract_strided_slice %select_n3A {offsets = [0, 0], sizes = [8, 51], strides = [1, 1]} : vector<8x128xf32> to vector<8x51xf32>
    %concatenate3A_642 = tpu.concatenate %slice3A_640, %slice3A_641 in 1 : vector<8x77xf32>, vector<8x51xf32> -> vector<8x128xf32>
    %ge3A_643 = arith.constant 77 : i32
    %ge3A_644 = vector.broadcast %ge3A_643 : i32 to vector<8x128xi32>
    %ge3A_645 = arith.cmpi sge, %iota3A, %ge3A_644 : vector<8x128xi32>
    %gt3A_646 = arith.cmpf ogt, %concatenate3A_642, %select_n3A : vector<8x128xf32>
    %eq3A_647 = arith.cmpf oeq, %concatenate3A_642, %select_n3A : vector<8x128xf32>
    %and3A_648 = arith.andi %eq3A_647, %ge3A_645 : vector<8x128xi1>
    %or3A_649 = arith.ori %gt3A_646, %and3A_648 : vector<8x128xi1>
    %convert_element_type3A_650 = arith.extui %or3A_649 : vector<8x128xi1> to vector<8x128xi32>
    %add3A_651 = arith.addi %add3A_639, %convert_element_type3A_650 : vector<8x128xi32>
    %slice3A_652 = vector.extract_strided_slice %select_n3A {offsets = [0, 52], sizes = [8, 76], strides = [1, 1]} : vector<8x128xf32> to vector<8x76xf32>
    %slice3A_653 = vector.extract_strided_slice %select_n3A {offsets = [0, 0], sizes = [8, 52], strides = [1, 1]} : vector<8x128xf32> to vector<8x52xf32>
    %concatenate3A_654 = tpu.concatenate %slice3A_652, %slice3A_653 in 1 : vector<8x76xf32>, vector<8x52xf32> -> vector<8x128xf32>
    %ge3A_655 = arith.constant 76 : i32
    %ge3A_656 = vector.broadcast %ge3A_655 : i32 to vector<8x128xi32>
    %ge3A_657 = arith.cmpi sge, %iota3A, %ge3A_656 : vector<8x128xi32>
    %gt3A_658 = arith.cmpf ogt, %concatenate3A_654, %select_n3A : vector<8x128xf32>
    %eq3A_659 = arith.cmpf oeq, %concatenate3A_654, %select_n3A : vector<8x128xf32>
    %and3A_660 = arith.andi %eq3A_659, %ge3A_657 : vector<8x128xi1>
    %or3A_661 = arith.ori %gt3A_658, %and3A_660 : vector<8x128xi1>
    %convert_element_type3A_662 = arith.extui %or3A_661 : vector<8x128xi1> to vector<8x128xi32>
    %add3A_663 = arith.addi %add3A_651, %convert_element_type3A_662 : vector<8x128xi32>
    %slice3A_664 = vector.extract_strided_slice %select_n3A {offsets = [0, 53], sizes = [8, 75], strides = [1, 1]} : vector<8x128xf32> to vector<8x75xf32>
    %slice3A_665 = vector.extract_strided_slice %select_n3A {offsets = [0, 0], sizes = [8, 53], strides = [1, 1]} : vector<8x128xf32> to vector<8x53xf32>
    %concatenate3A_666 = tpu.concatenate %slice3A_664, %slice3A_665 in 1 : vector<8x75xf32>, vector<8x53xf32> -> vector<8x128xf32>
    %ge3A_667 = arith.constant 75 : i32
    %ge3A_668 = vector.broadcast %ge3A_667 : i32 to vector<8x128xi32>
    %ge3A_669 = arith.cmpi sge, %iota3A, %ge3A_668 : vector<8x128xi32>
    %gt3A_670 = arith.cmpf ogt, %concatenate3A_666, %select_n3A : vector<8x128xf32>
    %eq3A_671 = arith.cmpf oeq, %concatenate3A_666, %select_n3A : vector<8x128xf32>
    %and3A_672 = arith.andi %eq3A_671, %ge3A_669 : vector<8x128xi1>
    %or3A_673 = arith.ori %gt3A_670, %and3A_672 : vector<8x128xi1>
    %convert_element_type3A_674 = arith.extui %or3A_673 : vector<8x128xi1> to vector<8x128xi32>
    %add3A_675 = arith.addi %add3A_663, %convert_element_type3A_674 : vector<8x128xi32>
    %slice3A_676 = vector.extract_strided_slice %select_n3A {offsets = [0, 54], sizes = [8, 74], strides = [1, 1]} : vector<8x128xf32> to vector<8x74xf32>
    %slice3A_677 = vector.extract_strided_slice %select_n3A {offsets = [0, 0], sizes = [8, 54], strides = [1, 1]} : vector<8x128xf32> to vector<8x54xf32>
    %concatenate3A_678 = tpu.concatenate %slice3A_676, %slice3A_677 in 1 : vector<8x74xf32>, vector<8x54xf32> -> vector<8x128xf32>
    %ge3A_679 = arith.constant 74 : i32
    %ge3A_680 = vector.broadcast %ge3A_679 : i32 to vector<8x128xi32>
    %ge3A_681 = arith.cmpi sge, %iota3A, %ge3A_680 : vector<8x128xi32>
    %gt3A_682 = arith.cmpf ogt, %concatenate3A_678, %select_n3A : vector<8x128xf32>
    %eq3A_683 = arith.cmpf oeq, %concatenate3A_678, %select_n3A : vector<8x128xf32>
    %and3A_684 = arith.andi %eq3A_683, %ge3A_681 : vector<8x128xi1>
    %or3A_685 = arith.ori %gt3A_682, %and3A_684 : vector<8x128xi1>
    %convert_element_type3A_686 = arith.extui %or3A_685 : vector<8x128xi1> to vector<8x128xi32>
    %add3A_687 = arith.addi %add3A_675, %convert_element_type3A_686 : vector<8x128xi32>
    %slice3A_688 = vector.extract_strided_slice %select_n3A {offsets = [0, 55], sizes = [8, 73], strides = [1, 1]} : vector<8x128xf32> to vector<8x73xf32>
    %slice3A_689 = vector.extract_strided_slice %select_n3A {offsets = [0, 0], sizes = [8, 55], strides = [1, 1]} : vector<8x128xf32> to vector<8x55xf32>
    %concatenate3A_690 = tpu.concatenate %slice3A_688, %slice3A_689 in 1 : vector<8x73xf32>, vector<8x55xf32> -> vector<8x128xf32>
    %ge3A_691 = arith.constant 73 : i32
    %ge3A_692 = vector.broadcast %ge3A_691 : i32 to vector<8x128xi32>
    %ge3A_693 = arith.cmpi sge, %iota3A, %ge3A_692 : vector<8x128xi32>
    %gt3A_694 = arith.cmpf ogt, %concatenate3A_690, %select_n3A : vector<8x128xf32>
    %eq3A_695 = arith.cmpf oeq, %concatenate3A_690, %select_n3A : vector<8x128xf32>
    %and3A_696 = arith.andi %eq3A_695, %ge3A_693 : vector<8x128xi1>
    %or3A_697 = arith.ori %gt3A_694, %and3A_696 : vector<8x128xi1>
    %convert_element_type3A_698 = arith.extui %or3A_697 : vector<8x128xi1> to vector<8x128xi32>
    %add3A_699 = arith.addi %add3A_687, %convert_element_type3A_698 : vector<8x128xi32>
    %slice3A_700 = vector.extract_strided_slice %select_n3A {offsets = [0, 56], sizes = [8, 72], strides = [1, 1]} : vector<8x128xf32> to vector<8x72xf32>
    %slice3A_701 = vector.extract_strided_slice %select_n3A {offsets = [0, 0], sizes = [8, 56], strides = [1, 1]} : vector<8x128xf32> to vector<8x56xf32>
    %concatenate3A_702 = tpu.concatenate %slice3A_700, %slice3A_701 in 1 : vector<8x72xf32>, vector<8x56xf32> -> vector<8x128xf32>
    %ge3A_703 = arith.constant 72 : i32
    %ge3A_704 = vector.broadcast %ge3A_703 : i32 to vector<8x128xi32>
    %ge3A_705 = arith.cmpi sge, %iota3A, %ge3A_704 : vector<8x128xi32>
    %gt3A_706 = arith.cmpf ogt, %concatenate3A_702, %select_n3A : vector<8x128xf32>
    %eq3A_707 = arith.cmpf oeq, %concatenate3A_702, %select_n3A : vector<8x128xf32>
    %and3A_708 = arith.andi %eq3A_707, %ge3A_705 : vector<8x128xi1>
    %or3A_709 = arith.ori %gt3A_706, %and3A_708 : vector<8x128xi1>
    %convert_element_type3A_710 = arith.extui %or3A_709 : vector<8x128xi1> to vector<8x128xi32>
    %add3A_711 = arith.addi %add3A_699, %convert_element_type3A_710 : vector<8x128xi32>
    %slice3A_712 = vector.extract_strided_slice %select_n3A {offsets = [0, 57], sizes = [8, 71], strides = [1, 1]} : vector<8x128xf32> to vector<8x71xf32>
    %slice3A_713 = vector.extract_strided_slice %select_n3A {offsets = [0, 0], sizes = [8, 57], strides = [1, 1]} : vector<8x128xf32> to vector<8x57xf32>
    %concatenate3A_714 = tpu.concatenate %slice3A_712, %slice3A_713 in 1 : vector<8x71xf32>, vector<8x57xf32> -> vector<8x128xf32>
    %ge3A_715 = arith.constant 71 : i32
    %ge3A_716 = vector.broadcast %ge3A_715 : i32 to vector<8x128xi32>
    %ge3A_717 = arith.cmpi sge, %iota3A, %ge3A_716 : vector<8x128xi32>
    %gt3A_718 = arith.cmpf ogt, %concatenate3A_714, %select_n3A : vector<8x128xf32>
    %eq3A_719 = arith.cmpf oeq, %concatenate3A_714, %select_n3A : vector<8x128xf32>
    %and3A_720 = arith.andi %eq3A_719, %ge3A_717 : vector<8x128xi1>
    %or3A_721 = arith.ori %gt3A_718, %and3A_720 : vector<8x128xi1>
    %convert_element_type3A_722 = arith.extui %or3A_721 : vector<8x128xi1> to vector<8x128xi32>
    %add3A_723 = arith.addi %add3A_711, %convert_element_type3A_722 : vector<8x128xi32>
    %slice3A_724 = vector.extract_strided_slice %select_n3A {offsets = [0, 58], sizes = [8, 70], strides = [1, 1]} : vector<8x128xf32> to vector<8x70xf32>
    %slice3A_725 = vector.extract_strided_slice %select_n3A {offsets = [0, 0], sizes = [8, 58], strides = [1, 1]} : vector<8x128xf32> to vector<8x58xf32>
    %concatenate3A_726 = tpu.concatenate %slice3A_724, %slice3A_725 in 1 : vector<8x70xf32>, vector<8x58xf32> -> vector<8x128xf32>
    %ge3A_727 = arith.constant 70 : i32
    %ge3A_728 = vector.broadcast %ge3A_727 : i32 to vector<8x128xi32>
    %ge3A_729 = arith.cmpi sge, %iota3A, %ge3A_728 : vector<8x128xi32>
    %gt3A_730 = arith.cmpf ogt, %concatenate3A_726, %select_n3A : vector<8x128xf32>
    %eq3A_731 = arith.cmpf oeq, %concatenate3A_726, %select_n3A : vector<8x128xf32>
    %and3A_732 = arith.andi %eq3A_731, %ge3A_729 : vector<8x128xi1>
    %or3A_733 = arith.ori %gt3A_730, %and3A_732 : vector<8x128xi1>
    %convert_element_type3A_734 = arith.extui %or3A_733 : vector<8x128xi1> to vector<8x128xi32>
    %add3A_735 = arith.addi %add3A_723, %convert_element_type3A_734 : vector<8x128xi32>
    %slice3A_736 = vector.extract_strided_slice %select_n3A {offsets = [0, 59], sizes = [8, 69], strides = [1, 1]} : vector<8x128xf32> to vector<8x69xf32>
    %slice3A_737 = vector.extract_strided_slice %select_n3A {offsets = [0, 0], sizes = [8, 59], strides = [1, 1]} : vector<8x128xf32> to vector<8x59xf32>
    %concatenate3A_738 = tpu.concatenate %slice3A_736, %slice3A_737 in 1 : vector<8x69xf32>, vector<8x59xf32> -> vector<8x128xf32>
    %ge3A_739 = arith.constant 69 : i32
    %ge3A_740 = vector.broadcast %ge3A_739 : i32 to vector<8x128xi32>
    %ge3A_741 = arith.cmpi sge, %iota3A, %ge3A_740 : vector<8x128xi32>
    %gt3A_742 = arith.cmpf ogt, %concatenate3A_738, %select_n3A : vector<8x128xf32>
    %eq3A_743 = arith.cmpf oeq, %concatenate3A_738, %select_n3A : vector<8x128xf32>
    %and3A_744 = arith.andi %eq3A_743, %ge3A_741 : vector<8x128xi1>
    %or3A_745 = arith.ori %gt3A_742, %and3A_744 : vector<8x128xi1>
    %convert_element_type3A_746 = arith.extui %or3A_745 : vector<8x128xi1> to vector<8x128xi32>
    %add3A_747 = arith.addi %add3A_735, %convert_element_type3A_746 : vector<8x128xi32>
    %slice3A_748 = vector.extract_strided_slice %select_n3A {offsets = [0, 60], sizes = [8, 68], strides = [1, 1]} : vector<8x128xf32> to vector<8x68xf32>
    %slice3A_749 = vector.extract_strided_slice %select_n3A {offsets = [0, 0], sizes = [8, 60], strides = [1, 1]} : vector<8x128xf32> to vector<8x60xf32>
    %concatenate3A_750 = tpu.concatenate %slice3A_748, %slice3A_749 in 1 : vector<8x68xf32>, vector<8x60xf32> -> vector<8x128xf32>
    %ge3A_751 = arith.constant 68 : i32
    %ge3A_752 = vector.broadcast %ge3A_751 : i32 to vector<8x128xi32>
    %ge3A_753 = arith.cmpi sge, %iota3A, %ge3A_752 : vector<8x128xi32>
    %gt3A_754 = arith.cmpf ogt, %concatenate3A_750, %select_n3A : vector<8x128xf32>
    %eq3A_755 = arith.cmpf oeq, %concatenate3A_750, %select_n3A : vector<8x128xf32>
    %and3A_756 = arith.andi %eq3A_755, %ge3A_753 : vector<8x128xi1>
    %or3A_757 = arith.ori %gt3A_754, %and3A_756 : vector<8x128xi1>
    %convert_element_type3A_758 = arith.extui %or3A_757 : vector<8x128xi1> to vector<8x128xi32>
    %add3A_759 = arith.addi %add3A_747, %convert_element_type3A_758 : vector<8x128xi32>
    %slice3A_760 = vector.extract_strided_slice %select_n3A {offsets = [0, 61], sizes = [8, 67], strides = [1, 1]} : vector<8x128xf32> to vector<8x67xf32>
    %slice3A_761 = vector.extract_strided_slice %select_n3A {offsets = [0, 0], sizes = [8, 61], strides = [1, 1]} : vector<8x128xf32> to vector<8x61xf32>
    %concatenate3A_762 = tpu.concatenate %slice3A_760, %slice3A_761 in 1 : vector<8x67xf32>, vector<8x61xf32> -> vector<8x128xf32>
    %ge3A_763 = arith.constant 67 : i32
    %ge3A_764 = vector.broadcast %ge3A_763 : i32 to vector<8x128xi32>
    %ge3A_765 = arith.cmpi sge, %iota3A, %ge3A_764 : vector<8x128xi32>
    %gt3A_766 = arith.cmpf ogt, %concatenate3A_762, %select_n3A : vector<8x128xf32>
    %eq3A_767 = arith.cmpf oeq, %concatenate3A_762, %select_n3A : vector<8x128xf32>
    %and3A_768 = arith.andi %eq3A_767, %ge3A_765 : vector<8x128xi1>
    %or3A_769 = arith.ori %gt3A_766, %and3A_768 : vector<8x128xi1>
    %convert_element_type3A_770 = arith.extui %or3A_769 : vector<8x128xi1> to vector<8x128xi32>
    %add3A_771 = arith.addi %add3A_759, %convert_element_type3A_770 : vector<8x128xi32>
    %slice3A_772 = vector.extract_strided_slice %select_n3A {offsets = [0, 62], sizes = [8, 66], strides = [1, 1]} : vector<8x128xf32> to vector<8x66xf32>
    %slice3A_773 = vector.extract_strided_slice %select_n3A {offsets = [0, 0], sizes = [8, 62], strides = [1, 1]} : vector<8x128xf32> to vector<8x62xf32>
    %concatenate3A_774 = tpu.concatenate %slice3A_772, %slice3A_773 in 1 : vector<8x66xf32>, vector<8x62xf32> -> vector<8x128xf32>
    %ge3A_775 = arith.constant 66 : i32
    %ge3A_776 = vector.broadcast %ge3A_775 : i32 to vector<8x128xi32>
    %ge3A_777 = arith.cmpi sge, %iota3A, %ge3A_776 : vector<8x128xi32>
    %gt3A_778 = arith.cmpf ogt, %concatenate3A_774, %select_n3A : vector<8x128xf32>
    %eq3A_779 = arith.cmpf oeq, %concatenate3A_774, %select_n3A : vector<8x128xf32>
    %and3A_780 = arith.andi %eq3A_779, %ge3A_777 : vector<8x128xi1>
    %or3A_781 = arith.ori %gt3A_778, %and3A_780 : vector<8x128xi1>
    %convert_element_type3A_782 = arith.extui %or3A_781 : vector<8x128xi1> to vector<8x128xi32>
    %add3A_783 = arith.addi %add3A_771, %convert_element_type3A_782 : vector<8x128xi32>
    %slice3A_784 = vector.extract_strided_slice %select_n3A {offsets = [0, 63], sizes = [8, 65], strides = [1, 1]} : vector<8x128xf32> to vector<8x65xf32>
    %slice3A_785 = vector.extract_strided_slice %select_n3A {offsets = [0, 0], sizes = [8, 63], strides = [1, 1]} : vector<8x128xf32> to vector<8x63xf32>
    %concatenate3A_786 = tpu.concatenate %slice3A_784, %slice3A_785 in 1 : vector<8x65xf32>, vector<8x63xf32> -> vector<8x128xf32>
    %ge3A_787 = arith.constant 65 : i32
    %ge3A_788 = vector.broadcast %ge3A_787 : i32 to vector<8x128xi32>
    %ge3A_789 = arith.cmpi sge, %iota3A, %ge3A_788 : vector<8x128xi32>
    %gt3A_790 = arith.cmpf ogt, %concatenate3A_786, %select_n3A : vector<8x128xf32>
    %eq3A_791 = arith.cmpf oeq, %concatenate3A_786, %select_n3A : vector<8x128xf32>
    %and3A_792 = arith.andi %eq3A_791, %ge3A_789 : vector<8x128xi1>
    %or3A_793 = arith.ori %gt3A_790, %and3A_792 : vector<8x128xi1>
    %convert_element_type3A_794 = arith.extui %or3A_793 : vector<8x128xi1> to vector<8x128xi32>
    %add3A_795 = arith.addi %add3A_783, %convert_element_type3A_794 : vector<8x128xi32>
    %slice3A_796 = vector.extract_strided_slice %select_n3A {offsets = [0, 64], sizes = [8, 64], strides = [1, 1]} : vector<8x128xf32> to vector<8x64xf32>
    %slice3A_797 = vector.extract_strided_slice %select_n3A {offsets = [0, 0], sizes = [8, 64], strides = [1, 1]} : vector<8x128xf32> to vector<8x64xf32>
    %concatenate3A_798 = tpu.concatenate %slice3A_796, %slice3A_797 in 1 : vector<8x64xf32>, vector<8x64xf32> -> vector<8x128xf32>
    %ge3A_799 = arith.constant 64 : i32
    %ge3A_800 = vector.broadcast %ge3A_799 : i32 to vector<8x128xi32>
    %ge3A_801 = arith.cmpi sge, %iota3A, %ge3A_800 : vector<8x128xi32>
    %gt3A_802 = arith.cmpf ogt, %concatenate3A_798, %select_n3A : vector<8x128xf32>
    %eq3A_803 = arith.cmpf oeq, %concatenate3A_798, %select_n3A : vector<8x128xf32>
    %and3A_804 = arith.andi %eq3A_803, %ge3A_801 : vector<8x128xi1>
    %or3A_805 = arith.ori %gt3A_802, %and3A_804 : vector<8x128xi1>
    %convert_element_type3A_806 = arith.extui %or3A_805 : vector<8x128xi1> to vector<8x128xi32>
    %add3A_807 = arith.addi %add3A_795, %convert_element_type3A_806 : vector<8x128xi32>
    %slice3A_808 = vector.extract_strided_slice %select_n3A {offsets = [0, 65], sizes = [8, 63], strides = [1, 1]} : vector<8x128xf32> to vector<8x63xf32>
    %slice3A_809 = vector.extract_strided_slice %select_n3A {offsets = [0, 0], sizes = [8, 65], strides = [1, 1]} : vector<8x128xf32> to vector<8x65xf32>
    %concatenate3A_810 = tpu.concatenate %slice3A_808, %slice3A_809 in 1 : vector<8x63xf32>, vector<8x65xf32> -> vector<8x128xf32>
    %ge3A_811 = arith.constant 63 : i32
    %ge3A_812 = vector.broadcast %ge3A_811 : i32 to vector<8x128xi32>
    %ge3A_813 = arith.cmpi sge, %iota3A, %ge3A_812 : vector<8x128xi32>
    %gt3A_814 = arith.cmpf ogt, %concatenate3A_810, %select_n3A : vector<8x128xf32>
    %eq3A_815 = arith.cmpf oeq, %concatenate3A_810, %select_n3A : vector<8x128xf32>
    %and3A_816 = arith.andi %eq3A_815, %ge3A_813 : vector<8x128xi1>
    %or3A_817 = arith.ori %gt3A_814, %and3A_816 : vector<8x128xi1>
    %convert_element_type3A_818 = arith.extui %or3A_817 : vector<8x128xi1> to vector<8x128xi32>
    %add3A_819 = arith.addi %add3A_807, %convert_element_type3A_818 : vector<8x128xi32>
    %slice3A_820 = vector.extract_strided_slice %select_n3A {offsets = [0, 66], sizes = [8, 62], strides = [1, 1]} : vector<8x128xf32> to vector<8x62xf32>
    %slice3A_821 = vector.extract_strided_slice %select_n3A {offsets = [0, 0], sizes = [8, 66], strides = [1, 1]} : vector<8x128xf32> to vector<8x66xf32>
    %concatenate3A_822 = tpu.concatenate %slice3A_820, %slice3A_821 in 1 : vector<8x62xf32>, vector<8x66xf32> -> vector<8x128xf32>
    %ge3A_823 = arith.constant 62 : i32
    %ge3A_824 = vector.broadcast %ge3A_823 : i32 to vector<8x128xi32>
    %ge3A_825 = arith.cmpi sge, %iota3A, %ge3A_824 : vector<8x128xi32>
    %gt3A_826 = arith.cmpf ogt, %concatenate3A_822, %select_n3A : vector<8x128xf32>
    %eq3A_827 = arith.cmpf oeq, %concatenate3A_822, %select_n3A : vector<8x128xf32>
    %and3A_828 = arith.andi %eq3A_827, %ge3A_825 : vector<8x128xi1>
    %or3A_829 = arith.ori %gt3A_826, %and3A_828 : vector<8x128xi1>
    %convert_element_type3A_830 = arith.extui %or3A_829 : vector<8x128xi1> to vector<8x128xi32>
    %add3A_831 = arith.addi %add3A_819, %convert_element_type3A_830 : vector<8x128xi32>
    %slice3A_832 = vector.extract_strided_slice %select_n3A {offsets = [0, 67], sizes = [8, 61], strides = [1, 1]} : vector<8x128xf32> to vector<8x61xf32>
    %slice3A_833 = vector.extract_strided_slice %select_n3A {offsets = [0, 0], sizes = [8, 67], strides = [1, 1]} : vector<8x128xf32> to vector<8x67xf32>
    %concatenate3A_834 = tpu.concatenate %slice3A_832, %slice3A_833 in 1 : vector<8x61xf32>, vector<8x67xf32> -> vector<8x128xf32>
    %ge3A_835 = arith.constant 61 : i32
    %ge3A_836 = vector.broadcast %ge3A_835 : i32 to vector<8x128xi32>
    %ge3A_837 = arith.cmpi sge, %iota3A, %ge3A_836 : vector<8x128xi32>
    %gt3A_838 = arith.cmpf ogt, %concatenate3A_834, %select_n3A : vector<8x128xf32>
    %eq3A_839 = arith.cmpf oeq, %concatenate3A_834, %select_n3A : vector<8x128xf32>
    %and3A_840 = arith.andi %eq3A_839, %ge3A_837 : vector<8x128xi1>
    %or3A_841 = arith.ori %gt3A_838, %and3A_840 : vector<8x128xi1>
    %convert_element_type3A_842 = arith.extui %or3A_841 : vector<8x128xi1> to vector<8x128xi32>
    %add3A_843 = arith.addi %add3A_831, %convert_element_type3A_842 : vector<8x128xi32>
    %slice3A_844 = vector.extract_strided_slice %select_n3A {offsets = [0, 68], sizes = [8, 60], strides = [1, 1]} : vector<8x128xf32> to vector<8x60xf32>
    %slice3A_845 = vector.extract_strided_slice %select_n3A {offsets = [0, 0], sizes = [8, 68], strides = [1, 1]} : vector<8x128xf32> to vector<8x68xf32>
    %concatenate3A_846 = tpu.concatenate %slice3A_844, %slice3A_845 in 1 : vector<8x60xf32>, vector<8x68xf32> -> vector<8x128xf32>
    %ge3A_847 = arith.constant 60 : i32
    %ge3A_848 = vector.broadcast %ge3A_847 : i32 to vector<8x128xi32>
    %ge3A_849 = arith.cmpi sge, %iota3A, %ge3A_848 : vector<8x128xi32>
    %gt3A_850 = arith.cmpf ogt, %concatenate3A_846, %select_n3A : vector<8x128xf32>
    %eq3A_851 = arith.cmpf oeq, %concatenate3A_846, %select_n3A : vector<8x128xf32>
    %and3A_852 = arith.andi %eq3A_851, %ge3A_849 : vector<8x128xi1>
    %or3A_853 = arith.ori %gt3A_850, %and3A_852 : vector<8x128xi1>
    %convert_element_type3A_854 = arith.extui %or3A_853 : vector<8x128xi1> to vector<8x128xi32>
    %add3A_855 = arith.addi %add3A_843, %convert_element_type3A_854 : vector<8x128xi32>
    %slice3A_856 = vector.extract_strided_slice %select_n3A {offsets = [0, 69], sizes = [8, 59], strides = [1, 1]} : vector<8x128xf32> to vector<8x59xf32>
    %slice3A_857 = vector.extract_strided_slice %select_n3A {offsets = [0, 0], sizes = [8, 69], strides = [1, 1]} : vector<8x128xf32> to vector<8x69xf32>
    %concatenate3A_858 = tpu.concatenate %slice3A_856, %slice3A_857 in 1 : vector<8x59xf32>, vector<8x69xf32> -> vector<8x128xf32>
    %ge3A_859 = arith.constant 59 : i32
    %ge3A_860 = vector.broadcast %ge3A_859 : i32 to vector<8x128xi32>
    %ge3A_861 = arith.cmpi sge, %iota3A, %ge3A_860 : vector<8x128xi32>
    %gt3A_862 = arith.cmpf ogt, %concatenate3A_858, %select_n3A : vector<8x128xf32>
    %eq3A_863 = arith.cmpf oeq, %concatenate3A_858, %select_n3A : vector<8x128xf32>
    %and3A_864 = arith.andi %eq3A_863, %ge3A_861 : vector<8x128xi1>
    %or3A_865 = arith.ori %gt3A_862, %and3A_864 : vector<8x128xi1>
    %convert_element_type3A_866 = arith.extui %or3A_865 : vector<8x128xi1> to vector<8x128xi32>
    %add3A_867 = arith.addi %add3A_855, %convert_element_type3A_866 : vector<8x128xi32>
    %slice3A_868 = vector.extract_strided_slice %select_n3A {offsets = [0, 70], sizes = [8, 58], strides = [1, 1]} : vector<8x128xf32> to vector<8x58xf32>
    %slice3A_869 = vector.extract_strided_slice %select_n3A {offsets = [0, 0], sizes = [8, 70], strides = [1, 1]} : vector<8x128xf32> to vector<8x70xf32>
    %concatenate3A_870 = tpu.concatenate %slice3A_868, %slice3A_869 in 1 : vector<8x58xf32>, vector<8x70xf32> -> vector<8x128xf32>
    %ge3A_871 = arith.constant 58 : i32
    %ge3A_872 = vector.broadcast %ge3A_871 : i32 to vector<8x128xi32>
    %ge3A_873 = arith.cmpi sge, %iota3A, %ge3A_872 : vector<8x128xi32>
    %gt3A_874 = arith.cmpf ogt, %concatenate3A_870, %select_n3A : vector<8x128xf32>
    %eq3A_875 = arith.cmpf oeq, %concatenate3A_870, %select_n3A : vector<8x128xf32>
    %and3A_876 = arith.andi %eq3A_875, %ge3A_873 : vector<8x128xi1>
    %or3A_877 = arith.ori %gt3A_874, %and3A_876 : vector<8x128xi1>
    %convert_element_type3A_878 = arith.extui %or3A_877 : vector<8x128xi1> to vector<8x128xi32>
    %add3A_879 = arith.addi %add3A_867, %convert_element_type3A_878 : vector<8x128xi32>
    %slice3A_880 = vector.extract_strided_slice %select_n3A {offsets = [0, 71], sizes = [8, 57], strides = [1, 1]} : vector<8x128xf32> to vector<8x57xf32>
    %slice3A_881 = vector.extract_strided_slice %select_n3A {offsets = [0, 0], sizes = [8, 71], strides = [1, 1]} : vector<8x128xf32> to vector<8x71xf32>
    %concatenate3A_882 = tpu.concatenate %slice3A_880, %slice3A_881 in 1 : vector<8x57xf32>, vector<8x71xf32> -> vector<8x128xf32>
    %ge3A_883 = arith.constant 57 : i32
    %ge3A_884 = vector.broadcast %ge3A_883 : i32 to vector<8x128xi32>
    %ge3A_885 = arith.cmpi sge, %iota3A, %ge3A_884 : vector<8x128xi32>
    %gt3A_886 = arith.cmpf ogt, %concatenate3A_882, %select_n3A : vector<8x128xf32>
    %eq3A_887 = arith.cmpf oeq, %concatenate3A_882, %select_n3A : vector<8x128xf32>
    %and3A_888 = arith.andi %eq3A_887, %ge3A_885 : vector<8x128xi1>
    %or3A_889 = arith.ori %gt3A_886, %and3A_888 : vector<8x128xi1>
    %convert_element_type3A_890 = arith.extui %or3A_889 : vector<8x128xi1> to vector<8x128xi32>
    %add3A_891 = arith.addi %add3A_879, %convert_element_type3A_890 : vector<8x128xi32>
    %slice3A_892 = vector.extract_strided_slice %select_n3A {offsets = [0, 72], sizes = [8, 56], strides = [1, 1]} : vector<8x128xf32> to vector<8x56xf32>
    %slice3A_893 = vector.extract_strided_slice %select_n3A {offsets = [0, 0], sizes = [8, 72], strides = [1, 1]} : vector<8x128xf32> to vector<8x72xf32>
    %concatenate3A_894 = tpu.concatenate %slice3A_892, %slice3A_893 in 1 : vector<8x56xf32>, vector<8x72xf32> -> vector<8x128xf32>
    %ge3A_895 = arith.constant 56 : i32
    %ge3A_896 = vector.broadcast %ge3A_895 : i32 to vector<8x128xi32>
    %ge3A_897 = arith.cmpi sge, %iota3A, %ge3A_896 : vector<8x128xi32>
    %gt3A_898 = arith.cmpf ogt, %concatenate3A_894, %select_n3A : vector<8x128xf32>
    %eq3A_899 = arith.cmpf oeq, %concatenate3A_894, %select_n3A : vector<8x128xf32>
    %and3A_900 = arith.andi %eq3A_899, %ge3A_897 : vector<8x128xi1>
    %or3A_901 = arith.ori %gt3A_898, %and3A_900 : vector<8x128xi1>
    %convert_element_type3A_902 = arith.extui %or3A_901 : vector<8x128xi1> to vector<8x128xi32>
    %add3A_903 = arith.addi %add3A_891, %convert_element_type3A_902 : vector<8x128xi32>
    %slice3A_904 = vector.extract_strided_slice %select_n3A {offsets = [0, 73], sizes = [8, 55], strides = [1, 1]} : vector<8x128xf32> to vector<8x55xf32>
    %slice3A_905 = vector.extract_strided_slice %select_n3A {offsets = [0, 0], sizes = [8, 73], strides = [1, 1]} : vector<8x128xf32> to vector<8x73xf32>
    %concatenate3A_906 = tpu.concatenate %slice3A_904, %slice3A_905 in 1 : vector<8x55xf32>, vector<8x73xf32> -> vector<8x128xf32>
    %ge3A_907 = arith.constant 55 : i32
    %ge3A_908 = vector.broadcast %ge3A_907 : i32 to vector<8x128xi32>
    %ge3A_909 = arith.cmpi sge, %iota3A, %ge3A_908 : vector<8x128xi32>
    %gt3A_910 = arith.cmpf ogt, %concatenate3A_906, %select_n3A : vector<8x128xf32>
    %eq3A_911 = arith.cmpf oeq, %concatenate3A_906, %select_n3A : vector<8x128xf32>
    %and3A_912 = arith.andi %eq3A_911, %ge3A_909 : vector<8x128xi1>
    %or3A_913 = arith.ori %gt3A_910, %and3A_912 : vector<8x128xi1>
    %convert_element_type3A_914 = arith.extui %or3A_913 : vector<8x128xi1> to vector<8x128xi32>
    %add3A_915 = arith.addi %add3A_903, %convert_element_type3A_914 : vector<8x128xi32>
    %slice3A_916 = vector.extract_strided_slice %select_n3A {offsets = [0, 74], sizes = [8, 54], strides = [1, 1]} : vector<8x128xf32> to vector<8x54xf32>
    %slice3A_917 = vector.extract_strided_slice %select_n3A {offsets = [0, 0], sizes = [8, 74], strides = [1, 1]} : vector<8x128xf32> to vector<8x74xf32>
    %concatenate3A_918 = tpu.concatenate %slice3A_916, %slice3A_917 in 1 : vector<8x54xf32>, vector<8x74xf32> -> vector<8x128xf32>
    %ge3A_919 = arith.constant 54 : i32
    %ge3A_920 = vector.broadcast %ge3A_919 : i32 to vector<8x128xi32>
    %ge3A_921 = arith.cmpi sge, %iota3A, %ge3A_920 : vector<8x128xi32>
    %gt3A_922 = arith.cmpf ogt, %concatenate3A_918, %select_n3A : vector<8x128xf32>
    %eq3A_923 = arith.cmpf oeq, %concatenate3A_918, %select_n3A : vector<8x128xf32>
    %and3A_924 = arith.andi %eq3A_923, %ge3A_921 : vector<8x128xi1>
    %or3A_925 = arith.ori %gt3A_922, %and3A_924 : vector<8x128xi1>
    %convert_element_type3A_926 = arith.extui %or3A_925 : vector<8x128xi1> to vector<8x128xi32>
    %add3A_927 = arith.addi %add3A_915, %convert_element_type3A_926 : vector<8x128xi32>
    %slice3A_928 = vector.extract_strided_slice %select_n3A {offsets = [0, 75], sizes = [8, 53], strides = [1, 1]} : vector<8x128xf32> to vector<8x53xf32>
    %slice3A_929 = vector.extract_strided_slice %select_n3A {offsets = [0, 0], sizes = [8, 75], strides = [1, 1]} : vector<8x128xf32> to vector<8x75xf32>
    %concatenate3A_930 = tpu.concatenate %slice3A_928, %slice3A_929 in 1 : vector<8x53xf32>, vector<8x75xf32> -> vector<8x128xf32>
    %ge3A_931 = arith.constant 53 : i32
    %ge3A_932 = vector.broadcast %ge3A_931 : i32 to vector<8x128xi32>
    %ge3A_933 = arith.cmpi sge, %iota3A, %ge3A_932 : vector<8x128xi32>
    %gt3A_934 = arith.cmpf ogt, %concatenate3A_930, %select_n3A : vector<8x128xf32>
    %eq3A_935 = arith.cmpf oeq, %concatenate3A_930, %select_n3A : vector<8x128xf32>
    %and3A_936 = arith.andi %eq3A_935, %ge3A_933 : vector<8x128xi1>
    %or3A_937 = arith.ori %gt3A_934, %and3A_936 : vector<8x128xi1>
    %convert_element_type3A_938 = arith.extui %or3A_937 : vector<8x128xi1> to vector<8x128xi32>
    %add3A_939 = arith.addi %add3A_927, %convert_element_type3A_938 : vector<8x128xi32>
    %slice3A_940 = vector.extract_strided_slice %select_n3A {offsets = [0, 76], sizes = [8, 52], strides = [1, 1]} : vector<8x128xf32> to vector<8x52xf32>
    %slice3A_941 = vector.extract_strided_slice %select_n3A {offsets = [0, 0], sizes = [8, 76], strides = [1, 1]} : vector<8x128xf32> to vector<8x76xf32>
    %concatenate3A_942 = tpu.concatenate %slice3A_940, %slice3A_941 in 1 : vector<8x52xf32>, vector<8x76xf32> -> vector<8x128xf32>
    %ge3A_943 = arith.constant 52 : i32
    %ge3A_944 = vector.broadcast %ge3A_943 : i32 to vector<8x128xi32>
    %ge3A_945 = arith.cmpi sge, %iota3A, %ge3A_944 : vector<8x128xi32>
    %gt3A_946 = arith.cmpf ogt, %concatenate3A_942, %select_n3A : vector<8x128xf32>
    %eq3A_947 = arith.cmpf oeq, %concatenate3A_942, %select_n3A : vector<8x128xf32>
    %and3A_948 = arith.andi %eq3A_947, %ge3A_945 : vector<8x128xi1>
    %or3A_949 = arith.ori %gt3A_946, %and3A_948 : vector<8x128xi1>
    %convert_element_type3A_950 = arith.extui %or3A_949 : vector<8x128xi1> to vector<8x128xi32>
    %add3A_951 = arith.addi %add3A_939, %convert_element_type3A_950 : vector<8x128xi32>
    %slice3A_952 = vector.extract_strided_slice %select_n3A {offsets = [0, 77], sizes = [8, 51], strides = [1, 1]} : vector<8x128xf32> to vector<8x51xf32>
    %slice3A_953 = vector.extract_strided_slice %select_n3A {offsets = [0, 0], sizes = [8, 77], strides = [1, 1]} : vector<8x128xf32> to vector<8x77xf32>
    %concatenate3A_954 = tpu.concatenate %slice3A_952, %slice3A_953 in 1 : vector<8x51xf32>, vector<8x77xf32> -> vector<8x128xf32>
    %ge3A_955 = arith.constant 51 : i32
    %ge3A_956 = vector.broadcast %ge3A_955 : i32 to vector<8x128xi32>
    %ge3A_957 = arith.cmpi sge, %iota3A, %ge3A_956 : vector<8x128xi32>
    %gt3A_958 = arith.cmpf ogt, %concatenate3A_954, %select_n3A : vector<8x128xf32>
    %eq3A_959 = arith.cmpf oeq, %concatenate3A_954, %select_n3A : vector<8x128xf32>
    %and3A_960 = arith.andi %eq3A_959, %ge3A_957 : vector<8x128xi1>
    %or3A_961 = arith.ori %gt3A_958, %and3A_960 : vector<8x128xi1>
    %convert_element_type3A_962 = arith.extui %or3A_961 : vector<8x128xi1> to vector<8x128xi32>
    %add3A_963 = arith.addi %add3A_951, %convert_element_type3A_962 : vector<8x128xi32>
    %slice3A_964 = vector.extract_strided_slice %select_n3A {offsets = [0, 78], sizes = [8, 50], strides = [1, 1]} : vector<8x128xf32> to vector<8x50xf32>
    %slice3A_965 = vector.extract_strided_slice %select_n3A {offsets = [0, 0], sizes = [8, 78], strides = [1, 1]} : vector<8x128xf32> to vector<8x78xf32>
    %concatenate3A_966 = tpu.concatenate %slice3A_964, %slice3A_965 in 1 : vector<8x50xf32>, vector<8x78xf32> -> vector<8x128xf32>
    %ge3A_967 = arith.constant 50 : i32
    %ge3A_968 = vector.broadcast %ge3A_967 : i32 to vector<8x128xi32>
    %ge3A_969 = arith.cmpi sge, %iota3A, %ge3A_968 : vector<8x128xi32>
    %gt3A_970 = arith.cmpf ogt, %concatenate3A_966, %select_n3A : vector<8x128xf32>
    %eq3A_971 = arith.cmpf oeq, %concatenate3A_966, %select_n3A : vector<8x128xf32>
    %and3A_972 = arith.andi %eq3A_971, %ge3A_969 : vector<8x128xi1>
    %or3A_973 = arith.ori %gt3A_970, %and3A_972 : vector<8x128xi1>
    %convert_element_type3A_974 = arith.extui %or3A_973 : vector<8x128xi1> to vector<8x128xi32>
    %add3A_975 = arith.addi %add3A_963, %convert_element_type3A_974 : vector<8x128xi32>
    %slice3A_976 = vector.extract_strided_slice %select_n3A {offsets = [0, 79], sizes = [8, 49], strides = [1, 1]} : vector<8x128xf32> to vector<8x49xf32>
    %slice3A_977 = vector.extract_strided_slice %select_n3A {offsets = [0, 0], sizes = [8, 79], strides = [1, 1]} : vector<8x128xf32> to vector<8x79xf32>
    %concatenate3A_978 = tpu.concatenate %slice3A_976, %slice3A_977 in 1 : vector<8x49xf32>, vector<8x79xf32> -> vector<8x128xf32>
    %ge3A_979 = arith.constant 49 : i32
    %ge3A_980 = vector.broadcast %ge3A_979 : i32 to vector<8x128xi32>
    %ge3A_981 = arith.cmpi sge, %iota3A, %ge3A_980 : vector<8x128xi32>
    %gt3A_982 = arith.cmpf ogt, %concatenate3A_978, %select_n3A : vector<8x128xf32>
    %eq3A_983 = arith.cmpf oeq, %concatenate3A_978, %select_n3A : vector<8x128xf32>
    %and3A_984 = arith.andi %eq3A_983, %ge3A_981 : vector<8x128xi1>
    %or3A_985 = arith.ori %gt3A_982, %and3A_984 : vector<8x128xi1>
    %convert_element_type3A_986 = arith.extui %or3A_985 : vector<8x128xi1> to vector<8x128xi32>
    %add3A_987 = arith.addi %add3A_975, %convert_element_type3A_986 : vector<8x128xi32>
    %slice3A_988 = vector.extract_strided_slice %select_n3A {offsets = [0, 80], sizes = [8, 48], strides = [1, 1]} : vector<8x128xf32> to vector<8x48xf32>
    %slice3A_989 = vector.extract_strided_slice %select_n3A {offsets = [0, 0], sizes = [8, 80], strides = [1, 1]} : vector<8x128xf32> to vector<8x80xf32>
    %concatenate3A_990 = tpu.concatenate %slice3A_988, %slice3A_989 in 1 : vector<8x48xf32>, vector<8x80xf32> -> vector<8x128xf32>
    %ge3A_991 = arith.constant 48 : i32
    %ge3A_992 = vector.broadcast %ge3A_991 : i32 to vector<8x128xi32>
    %ge3A_993 = arith.cmpi sge, %iota3A, %ge3A_992 : vector<8x128xi32>
    %gt3A_994 = arith.cmpf ogt, %concatenate3A_990, %select_n3A : vector<8x128xf32>
    %eq3A_995 = arith.cmpf oeq, %concatenate3A_990, %select_n3A : vector<8x128xf32>
    %and3A_996 = arith.andi %eq3A_995, %ge3A_993 : vector<8x128xi1>
    %or3A_997 = arith.ori %gt3A_994, %and3A_996 : vector<8x128xi1>
    %convert_element_type3A_998 = arith.extui %or3A_997 : vector<8x128xi1> to vector<8x128xi32>
    %add3A_999 = arith.addi %add3A_987, %convert_element_type3A_998 : vector<8x128xi32>
    %slice3A_1000 = vector.extract_strided_slice %select_n3A {offsets = [0, 81], sizes = [8, 47], strides = [1, 1]} : vector<8x128xf32> to vector<8x47xf32>
    %slice3A_1001 = vector.extract_strided_slice %select_n3A {offsets = [0, 0], sizes = [8, 81], strides = [1, 1]} : vector<8x128xf32> to vector<8x81xf32>
    %concatenate3A_1002 = tpu.concatenate %slice3A_1000, %slice3A_1001 in 1 : vector<8x47xf32>, vector<8x81xf32> -> vector<8x128xf32>
    %ge3A_1003 = arith.constant 47 : i32
    %ge3A_1004 = vector.broadcast %ge3A_1003 : i32 to vector<8x128xi32>
    %ge3A_1005 = arith.cmpi sge, %iota3A, %ge3A_1004 : vector<8x128xi32>
    %gt3A_1006 = arith.cmpf ogt, %concatenate3A_1002, %select_n3A : vector<8x128xf32>
    %eq3A_1007 = arith.cmpf oeq, %concatenate3A_1002, %select_n3A : vector<8x128xf32>
    %and3A_1008 = arith.andi %eq3A_1007, %ge3A_1005 : vector<8x128xi1>
    %or3A_1009 = arith.ori %gt3A_1006, %and3A_1008 : vector<8x128xi1>
    %convert_element_type3A_1010 = arith.extui %or3A_1009 : vector<8x128xi1> to vector<8x128xi32>
    %add3A_1011 = arith.addi %add3A_999, %convert_element_type3A_1010 : vector<8x128xi32>
    %slice3A_1012 = vector.extract_strided_slice %select_n3A {offsets = [0, 82], sizes = [8, 46], strides = [1, 1]} : vector<8x128xf32> to vector<8x46xf32>
    %slice3A_1013 = vector.extract_strided_slice %select_n3A {offsets = [0, 0], sizes = [8, 82], strides = [1, 1]} : vector<8x128xf32> to vector<8x82xf32>
    %concatenate3A_1014 = tpu.concatenate %slice3A_1012, %slice3A_1013 in 1 : vector<8x46xf32>, vector<8x82xf32> -> vector<8x128xf32>
    %ge3A_1015 = arith.constant 46 : i32
    %ge3A_1016 = vector.broadcast %ge3A_1015 : i32 to vector<8x128xi32>
    %ge3A_1017 = arith.cmpi sge, %iota3A, %ge3A_1016 : vector<8x128xi32>
    %gt3A_1018 = arith.cmpf ogt, %concatenate3A_1014, %select_n3A : vector<8x128xf32>
    %eq3A_1019 = arith.cmpf oeq, %concatenate3A_1014, %select_n3A : vector<8x128xf32>
    %and3A_1020 = arith.andi %eq3A_1019, %ge3A_1017 : vector<8x128xi1>
    %or3A_1021 = arith.ori %gt3A_1018, %and3A_1020 : vector<8x128xi1>
    %convert_element_type3A_1022 = arith.extui %or3A_1021 : vector<8x128xi1> to vector<8x128xi32>
    %add3A_1023 = arith.addi %add3A_1011, %convert_element_type3A_1022 : vector<8x128xi32>
    %slice3A_1024 = vector.extract_strided_slice %select_n3A {offsets = [0, 83], sizes = [8, 45], strides = [1, 1]} : vector<8x128xf32> to vector<8x45xf32>
    %slice3A_1025 = vector.extract_strided_slice %select_n3A {offsets = [0, 0], sizes = [8, 83], strides = [1, 1]} : vector<8x128xf32> to vector<8x83xf32>
    %concatenate3A_1026 = tpu.concatenate %slice3A_1024, %slice3A_1025 in 1 : vector<8x45xf32>, vector<8x83xf32> -> vector<8x128xf32>
    %ge3A_1027 = arith.constant 45 : i32
    %ge3A_1028 = vector.broadcast %ge3A_1027 : i32 to vector<8x128xi32>
    %ge3A_1029 = arith.cmpi sge, %iota3A, %ge3A_1028 : vector<8x128xi32>
    %gt3A_1030 = arith.cmpf ogt, %concatenate3A_1026, %select_n3A : vector<8x128xf32>
    %eq3A_1031 = arith.cmpf oeq, %concatenate3A_1026, %select_n3A : vector<8x128xf32>
    %and3A_1032 = arith.andi %eq3A_1031, %ge3A_1029 : vector<8x128xi1>
    %or3A_1033 = arith.ori %gt3A_1030, %and3A_1032 : vector<8x128xi1>
    %convert_element_type3A_1034 = arith.extui %or3A_1033 : vector<8x128xi1> to vector<8x128xi32>
    %add3A_1035 = arith.addi %add3A_1023, %convert_element_type3A_1034 : vector<8x128xi32>
    %slice3A_1036 = vector.extract_strided_slice %select_n3A {offsets = [0, 84], sizes = [8, 44], strides = [1, 1]} : vector<8x128xf32> to vector<8x44xf32>
    %slice3A_1037 = vector.extract_strided_slice %select_n3A {offsets = [0, 0], sizes = [8, 84], strides = [1, 1]} : vector<8x128xf32> to vector<8x84xf32>
    %concatenate3A_1038 = tpu.concatenate %slice3A_1036, %slice3A_1037 in 1 : vector<8x44xf32>, vector<8x84xf32> -> vector<8x128xf32>
    %ge3A_1039 = arith.constant 44 : i32
    %ge3A_1040 = vector.broadcast %ge3A_1039 : i32 to vector<8x128xi32>
    %ge3A_1041 = arith.cmpi sge, %iota3A, %ge3A_1040 : vector<8x128xi32>
    %gt3A_1042 = arith.cmpf ogt, %concatenate3A_1038, %select_n3A : vector<8x128xf32>
    %eq3A_1043 = arith.cmpf oeq, %concatenate3A_1038, %select_n3A : vector<8x128xf32>
    %and3A_1044 = arith.andi %eq3A_1043, %ge3A_1041 : vector<8x128xi1>
    %or3A_1045 = arith.ori %gt3A_1042, %and3A_1044 : vector<8x128xi1>
    %convert_element_type3A_1046 = arith.extui %or3A_1045 : vector<8x128xi1> to vector<8x128xi32>
    %add3A_1047 = arith.addi %add3A_1035, %convert_element_type3A_1046 : vector<8x128xi32>
    %slice3A_1048 = vector.extract_strided_slice %select_n3A {offsets = [0, 85], sizes = [8, 43], strides = [1, 1]} : vector<8x128xf32> to vector<8x43xf32>
    %slice3A_1049 = vector.extract_strided_slice %select_n3A {offsets = [0, 0], sizes = [8, 85], strides = [1, 1]} : vector<8x128xf32> to vector<8x85xf32>
    %concatenate3A_1050 = tpu.concatenate %slice3A_1048, %slice3A_1049 in 1 : vector<8x43xf32>, vector<8x85xf32> -> vector<8x128xf32>
    %ge3A_1051 = arith.constant 43 : i32
    %ge3A_1052 = vector.broadcast %ge3A_1051 : i32 to vector<8x128xi32>
    %ge3A_1053 = arith.cmpi sge, %iota3A, %ge3A_1052 : vector<8x128xi32>
    %gt3A_1054 = arith.cmpf ogt, %concatenate3A_1050, %select_n3A : vector<8x128xf32>
    %eq3A_1055 = arith.cmpf oeq, %concatenate3A_1050, %select_n3A : vector<8x128xf32>
    %and3A_1056 = arith.andi %eq3A_1055, %ge3A_1053 : vector<8x128xi1>
    %or3A_1057 = arith.ori %gt3A_1054, %and3A_1056 : vector<8x128xi1>
    %convert_element_type3A_1058 = arith.extui %or3A_1057 : vector<8x128xi1> to vector<8x128xi32>
    %add3A_1059 = arith.addi %add3A_1047, %convert_element_type3A_1058 : vector<8x128xi32>
    %slice3A_1060 = vector.extract_strided_slice %select_n3A {offsets = [0, 86], sizes = [8, 42], strides = [1, 1]} : vector<8x128xf32> to vector<8x42xf32>
    %slice3A_1061 = vector.extract_strided_slice %select_n3A {offsets = [0, 0], sizes = [8, 86], strides = [1, 1]} : vector<8x128xf32> to vector<8x86xf32>
    %concatenate3A_1062 = tpu.concatenate %slice3A_1060, %slice3A_1061 in 1 : vector<8x42xf32>, vector<8x86xf32> -> vector<8x128xf32>
    %ge3A_1063 = arith.constant 42 : i32
    %ge3A_1064 = vector.broadcast %ge3A_1063 : i32 to vector<8x128xi32>
    %ge3A_1065 = arith.cmpi sge, %iota3A, %ge3A_1064 : vector<8x128xi32>
    %gt3A_1066 = arith.cmpf ogt, %concatenate3A_1062, %select_n3A : vector<8x128xf32>
    %eq3A_1067 = arith.cmpf oeq, %concatenate3A_1062, %select_n3A : vector<8x128xf32>
    %and3A_1068 = arith.andi %eq3A_1067, %ge3A_1065 : vector<8x128xi1>
    %or3A_1069 = arith.ori %gt3A_1066, %and3A_1068 : vector<8x128xi1>
    %convert_element_type3A_1070 = arith.extui %or3A_1069 : vector<8x128xi1> to vector<8x128xi32>
    %add3A_1071 = arith.addi %add3A_1059, %convert_element_type3A_1070 : vector<8x128xi32>
    %slice3A_1072 = vector.extract_strided_slice %select_n3A {offsets = [0, 87], sizes = [8, 41], strides = [1, 1]} : vector<8x128xf32> to vector<8x41xf32>
    %slice3A_1073 = vector.extract_strided_slice %select_n3A {offsets = [0, 0], sizes = [8, 87], strides = [1, 1]} : vector<8x128xf32> to vector<8x87xf32>
    %concatenate3A_1074 = tpu.concatenate %slice3A_1072, %slice3A_1073 in 1 : vector<8x41xf32>, vector<8x87xf32> -> vector<8x128xf32>
    %ge3A_1075 = arith.constant 41 : i32
    %ge3A_1076 = vector.broadcast %ge3A_1075 : i32 to vector<8x128xi32>
    %ge3A_1077 = arith.cmpi sge, %iota3A, %ge3A_1076 : vector<8x128xi32>
    %gt3A_1078 = arith.cmpf ogt, %concatenate3A_1074, %select_n3A : vector<8x128xf32>
    %eq3A_1079 = arith.cmpf oeq, %concatenate3A_1074, %select_n3A : vector<8x128xf32>
    %and3A_1080 = arith.andi %eq3A_1079, %ge3A_1077 : vector<8x128xi1>
    %or3A_1081 = arith.ori %gt3A_1078, %and3A_1080 : vector<8x128xi1>
    %convert_element_type3A_1082 = arith.extui %or3A_1081 : vector<8x128xi1> to vector<8x128xi32>
    %add3A_1083 = arith.addi %add3A_1071, %convert_element_type3A_1082 : vector<8x128xi32>
    %slice3A_1084 = vector.extract_strided_slice %select_n3A {offsets = [0, 88], sizes = [8, 40], strides = [1, 1]} : vector<8x128xf32> to vector<8x40xf32>
    %slice3A_1085 = vector.extract_strided_slice %select_n3A {offsets = [0, 0], sizes = [8, 88], strides = [1, 1]} : vector<8x128xf32> to vector<8x88xf32>
    %concatenate3A_1086 = tpu.concatenate %slice3A_1084, %slice3A_1085 in 1 : vector<8x40xf32>, vector<8x88xf32> -> vector<8x128xf32>
    %ge3A_1087 = arith.constant 40 : i32
    %ge3A_1088 = vector.broadcast %ge3A_1087 : i32 to vector<8x128xi32>
    %ge3A_1089 = arith.cmpi sge, %iota3A, %ge3A_1088 : vector<8x128xi32>
    %gt3A_1090 = arith.cmpf ogt, %concatenate3A_1086, %select_n3A : vector<8x128xf32>
    %eq3A_1091 = arith.cmpf oeq, %concatenate3A_1086, %select_n3A : vector<8x128xf32>
    %and3A_1092 = arith.andi %eq3A_1091, %ge3A_1089 : vector<8x128xi1>
    %or3A_1093 = arith.ori %gt3A_1090, %and3A_1092 : vector<8x128xi1>
    %convert_element_type3A_1094 = arith.extui %or3A_1093 : vector<8x128xi1> to vector<8x128xi32>
    %add3A_1095 = arith.addi %add3A_1083, %convert_element_type3A_1094 : vector<8x128xi32>
    %slice3A_1096 = vector.extract_strided_slice %select_n3A {offsets = [0, 89], sizes = [8, 39], strides = [1, 1]} : vector<8x128xf32> to vector<8x39xf32>
    %slice3A_1097 = vector.extract_strided_slice %select_n3A {offsets = [0, 0], sizes = [8, 89], strides = [1, 1]} : vector<8x128xf32> to vector<8x89xf32>
    %concatenate3A_1098 = tpu.concatenate %slice3A_1096, %slice3A_1097 in 1 : vector<8x39xf32>, vector<8x89xf32> -> vector<8x128xf32>
    %ge3A_1099 = arith.constant 39 : i32
    %ge3A_1100 = vector.broadcast %ge3A_1099 : i32 to vector<8x128xi32>
    %ge3A_1101 = arith.cmpi sge, %iota3A, %ge3A_1100 : vector<8x128xi32>
    %gt3A_1102 = arith.cmpf ogt, %concatenate3A_1098, %select_n3A : vector<8x128xf32>
    %eq3A_1103 = arith.cmpf oeq, %concatenate3A_1098, %select_n3A : vector<8x128xf32>
    %and3A_1104 = arith.andi %eq3A_1103, %ge3A_1101 : vector<8x128xi1>
    %or3A_1105 = arith.ori %gt3A_1102, %and3A_1104 : vector<8x128xi1>
    %convert_element_type3A_1106 = arith.extui %or3A_1105 : vector<8x128xi1> to vector<8x128xi32>
    %add3A_1107 = arith.addi %add3A_1095, %convert_element_type3A_1106 : vector<8x128xi32>
    %slice3A_1108 = vector.extract_strided_slice %select_n3A {offsets = [0, 90], sizes = [8, 38], strides = [1, 1]} : vector<8x128xf32> to vector<8x38xf32>
    %slice3A_1109 = vector.extract_strided_slice %select_n3A {offsets = [0, 0], sizes = [8, 90], strides = [1, 1]} : vector<8x128xf32> to vector<8x90xf32>
    %concatenate3A_1110 = tpu.concatenate %slice3A_1108, %slice3A_1109 in 1 : vector<8x38xf32>, vector<8x90xf32> -> vector<8x128xf32>
    %ge3A_1111 = arith.constant 38 : i32
    %ge3A_1112 = vector.broadcast %ge3A_1111 : i32 to vector<8x128xi32>
    %ge3A_1113 = arith.cmpi sge, %iota3A, %ge3A_1112 : vector<8x128xi32>
    %gt3A_1114 = arith.cmpf ogt, %concatenate3A_1110, %select_n3A : vector<8x128xf32>
    %eq3A_1115 = arith.cmpf oeq, %concatenate3A_1110, %select_n3A : vector<8x128xf32>
    %and3A_1116 = arith.andi %eq3A_1115, %ge3A_1113 : vector<8x128xi1>
    %or3A_1117 = arith.ori %gt3A_1114, %and3A_1116 : vector<8x128xi1>
    %convert_element_type3A_1118 = arith.extui %or3A_1117 : vector<8x128xi1> to vector<8x128xi32>
    %add3A_1119 = arith.addi %add3A_1107, %convert_element_type3A_1118 : vector<8x128xi32>
    %slice3A_1120 = vector.extract_strided_slice %select_n3A {offsets = [0, 91], sizes = [8, 37], strides = [1, 1]} : vector<8x128xf32> to vector<8x37xf32>
    %slice3A_1121 = vector.extract_strided_slice %select_n3A {offsets = [0, 0], sizes = [8, 91], strides = [1, 1]} : vector<8x128xf32> to vector<8x91xf32>
    %concatenate3A_1122 = tpu.concatenate %slice3A_1120, %slice3A_1121 in 1 : vector<8x37xf32>, vector<8x91xf32> -> vector<8x128xf32>
    %ge3A_1123 = arith.constant 37 : i32
    %ge3A_1124 = vector.broadcast %ge3A_1123 : i32 to vector<8x128xi32>
    %ge3A_1125 = arith.cmpi sge, %iota3A, %ge3A_1124 : vector<8x128xi32>
    %gt3A_1126 = arith.cmpf ogt, %concatenate3A_1122, %select_n3A : vector<8x128xf32>
    %eq3A_1127 = arith.cmpf oeq, %concatenate3A_1122, %select_n3A : vector<8x128xf32>
    %and3A_1128 = arith.andi %eq3A_1127, %ge3A_1125 : vector<8x128xi1>
    %or3A_1129 = arith.ori %gt3A_1126, %and3A_1128 : vector<8x128xi1>
    %convert_element_type3A_1130 = arith.extui %or3A_1129 : vector<8x128xi1> to vector<8x128xi32>
    %add3A_1131 = arith.addi %add3A_1119, %convert_element_type3A_1130 : vector<8x128xi32>
    %slice3A_1132 = vector.extract_strided_slice %select_n3A {offsets = [0, 92], sizes = [8, 36], strides = [1, 1]} : vector<8x128xf32> to vector<8x36xf32>
    %slice3A_1133 = vector.extract_strided_slice %select_n3A {offsets = [0, 0], sizes = [8, 92], strides = [1, 1]} : vector<8x128xf32> to vector<8x92xf32>
    %concatenate3A_1134 = tpu.concatenate %slice3A_1132, %slice3A_1133 in 1 : vector<8x36xf32>, vector<8x92xf32> -> vector<8x128xf32>
    %ge3A_1135 = arith.constant 36 : i32
    %ge3A_1136 = vector.broadcast %ge3A_1135 : i32 to vector<8x128xi32>
    %ge3A_1137 = arith.cmpi sge, %iota3A, %ge3A_1136 : vector<8x128xi32>
    %gt3A_1138 = arith.cmpf ogt, %concatenate3A_1134, %select_n3A : vector<8x128xf32>
    %eq3A_1139 = arith.cmpf oeq, %concatenate3A_1134, %select_n3A : vector<8x128xf32>
    %and3A_1140 = arith.andi %eq3A_1139, %ge3A_1137 : vector<8x128xi1>
    %or3A_1141 = arith.ori %gt3A_1138, %and3A_1140 : vector<8x128xi1>
    %convert_element_type3A_1142 = arith.extui %or3A_1141 : vector<8x128xi1> to vector<8x128xi32>
    %add3A_1143 = arith.addi %add3A_1131, %convert_element_type3A_1142 : vector<8x128xi32>
    %slice3A_1144 = vector.extract_strided_slice %select_n3A {offsets = [0, 93], sizes = [8, 35], strides = [1, 1]} : vector<8x128xf32> to vector<8x35xf32>
    %slice3A_1145 = vector.extract_strided_slice %select_n3A {offsets = [0, 0], sizes = [8, 93], strides = [1, 1]} : vector<8x128xf32> to vector<8x93xf32>
    %concatenate3A_1146 = tpu.concatenate %slice3A_1144, %slice3A_1145 in 1 : vector<8x35xf32>, vector<8x93xf32> -> vector<8x128xf32>
    %ge3A_1147 = arith.constant 35 : i32
    %ge3A_1148 = vector.broadcast %ge3A_1147 : i32 to vector<8x128xi32>
    %ge3A_1149 = arith.cmpi sge, %iota3A, %ge3A_1148 : vector<8x128xi32>
    %gt3A_1150 = arith.cmpf ogt, %concatenate3A_1146, %select_n3A : vector<8x128xf32>
    %eq3A_1151 = arith.cmpf oeq, %concatenate3A_1146, %select_n3A : vector<8x128xf32>
    %and3A_1152 = arith.andi %eq3A_1151, %ge3A_1149 : vector<8x128xi1>
    %or3A_1153 = arith.ori %gt3A_1150, %and3A_1152 : vector<8x128xi1>
    %convert_element_type3A_1154 = arith.extui %or3A_1153 : vector<8x128xi1> to vector<8x128xi32>
    %add3A_1155 = arith.addi %add3A_1143, %convert_element_type3A_1154 : vector<8x128xi32>
    %slice3A_1156 = vector.extract_strided_slice %select_n3A {offsets = [0, 94], sizes = [8, 34], strides = [1, 1]} : vector<8x128xf32> to vector<8x34xf32>
    %slice3A_1157 = vector.extract_strided_slice %select_n3A {offsets = [0, 0], sizes = [8, 94], strides = [1, 1]} : vector<8x128xf32> to vector<8x94xf32>
    %concatenate3A_1158 = tpu.concatenate %slice3A_1156, %slice3A_1157 in 1 : vector<8x34xf32>, vector<8x94xf32> -> vector<8x128xf32>
    %ge3A_1159 = arith.constant 34 : i32
    %ge3A_1160 = vector.broadcast %ge3A_1159 : i32 to vector<8x128xi32>
    %ge3A_1161 = arith.cmpi sge, %iota3A, %ge3A_1160 : vector<8x128xi32>
    %gt3A_1162 = arith.cmpf ogt, %concatenate3A_1158, %select_n3A : vector<8x128xf32>
    %eq3A_1163 = arith.cmpf oeq, %concatenate3A_1158, %select_n3A : vector<8x128xf32>
    %and3A_1164 = arith.andi %eq3A_1163, %ge3A_1161 : vector<8x128xi1>
    %or3A_1165 = arith.ori %gt3A_1162, %and3A_1164 : vector<8x128xi1>
    %convert_element_type3A_1166 = arith.extui %or3A_1165 : vector<8x128xi1> to vector<8x128xi32>
    %add3A_1167 = arith.addi %add3A_1155, %convert_element_type3A_1166 : vector<8x128xi32>
    %slice3A_1168 = vector.extract_strided_slice %select_n3A {offsets = [0, 95], sizes = [8, 33], strides = [1, 1]} : vector<8x128xf32> to vector<8x33xf32>
    %slice3A_1169 = vector.extract_strided_slice %select_n3A {offsets = [0, 0], sizes = [8, 95], strides = [1, 1]} : vector<8x128xf32> to vector<8x95xf32>
    %concatenate3A_1170 = tpu.concatenate %slice3A_1168, %slice3A_1169 in 1 : vector<8x33xf32>, vector<8x95xf32> -> vector<8x128xf32>
    %ge3A_1171 = arith.constant 33 : i32
    %ge3A_1172 = vector.broadcast %ge3A_1171 : i32 to vector<8x128xi32>
    %ge3A_1173 = arith.cmpi sge, %iota3A, %ge3A_1172 : vector<8x128xi32>
    %gt3A_1174 = arith.cmpf ogt, %concatenate3A_1170, %select_n3A : vector<8x128xf32>
    %eq3A_1175 = arith.cmpf oeq, %concatenate3A_1170, %select_n3A : vector<8x128xf32>
    %and3A_1176 = arith.andi %eq3A_1175, %ge3A_1173 : vector<8x128xi1>
    %or3A_1177 = arith.ori %gt3A_1174, %and3A_1176 : vector<8x128xi1>
    %convert_element_type3A_1178 = arith.extui %or3A_1177 : vector<8x128xi1> to vector<8x128xi32>
    %add3A_1179 = arith.addi %add3A_1167, %convert_element_type3A_1178 : vector<8x128xi32>
    %slice3A_1180 = vector.extract_strided_slice %select_n3A {offsets = [0, 96], sizes = [8, 32], strides = [1, 1]} : vector<8x128xf32> to vector<8x32xf32>
    %slice3A_1181 = vector.extract_strided_slice %select_n3A {offsets = [0, 0], sizes = [8, 96], strides = [1, 1]} : vector<8x128xf32> to vector<8x96xf32>
    %concatenate3A_1182 = tpu.concatenate %slice3A_1180, %slice3A_1181 in 1 : vector<8x32xf32>, vector<8x96xf32> -> vector<8x128xf32>
    %ge3A_1183 = arith.constant 32 : i32
    %ge3A_1184 = vector.broadcast %ge3A_1183 : i32 to vector<8x128xi32>
    %ge3A_1185 = arith.cmpi sge, %iota3A, %ge3A_1184 : vector<8x128xi32>
    %gt3A_1186 = arith.cmpf ogt, %concatenate3A_1182, %select_n3A : vector<8x128xf32>
    %eq3A_1187 = arith.cmpf oeq, %concatenate3A_1182, %select_n3A : vector<8x128xf32>
    %and3A_1188 = arith.andi %eq3A_1187, %ge3A_1185 : vector<8x128xi1>
    %or3A_1189 = arith.ori %gt3A_1186, %and3A_1188 : vector<8x128xi1>
    %convert_element_type3A_1190 = arith.extui %or3A_1189 : vector<8x128xi1> to vector<8x128xi32>
    %add3A_1191 = arith.addi %add3A_1179, %convert_element_type3A_1190 : vector<8x128xi32>
    %slice3A_1192 = vector.extract_strided_slice %select_n3A {offsets = [0, 97], sizes = [8, 31], strides = [1, 1]} : vector<8x128xf32> to vector<8x31xf32>
    %slice3A_1193 = vector.extract_strided_slice %select_n3A {offsets = [0, 0], sizes = [8, 97], strides = [1, 1]} : vector<8x128xf32> to vector<8x97xf32>
    %concatenate3A_1194 = tpu.concatenate %slice3A_1192, %slice3A_1193 in 1 : vector<8x31xf32>, vector<8x97xf32> -> vector<8x128xf32>
    %ge3A_1195 = arith.constant 31 : i32
    %ge3A_1196 = vector.broadcast %ge3A_1195 : i32 to vector<8x128xi32>
    %ge3A_1197 = arith.cmpi sge, %iota3A, %ge3A_1196 : vector<8x128xi32>
    %gt3A_1198 = arith.cmpf ogt, %concatenate3A_1194, %select_n3A : vector<8x128xf32>
    %eq3A_1199 = arith.cmpf oeq, %concatenate3A_1194, %select_n3A : vector<8x128xf32>
    %and3A_1200 = arith.andi %eq3A_1199, %ge3A_1197 : vector<8x128xi1>
    %or3A_1201 = arith.ori %gt3A_1198, %and3A_1200 : vector<8x128xi1>
    %convert_element_type3A_1202 = arith.extui %or3A_1201 : vector<8x128xi1> to vector<8x128xi32>
    %add3A_1203 = arith.addi %add3A_1191, %convert_element_type3A_1202 : vector<8x128xi32>
    %slice3A_1204 = vector.extract_strided_slice %select_n3A {offsets = [0, 98], sizes = [8, 30], strides = [1, 1]} : vector<8x128xf32> to vector<8x30xf32>
    %slice3A_1205 = vector.extract_strided_slice %select_n3A {offsets = [0, 0], sizes = [8, 98], strides = [1, 1]} : vector<8x128xf32> to vector<8x98xf32>
    %concatenate3A_1206 = tpu.concatenate %slice3A_1204, %slice3A_1205 in 1 : vector<8x30xf32>, vector<8x98xf32> -> vector<8x128xf32>
    %ge3A_1207 = arith.constant 30 : i32
    %ge3A_1208 = vector.broadcast %ge3A_1207 : i32 to vector<8x128xi32>
    %ge3A_1209 = arith.cmpi sge, %iota3A, %ge3A_1208 : vector<8x128xi32>
    %gt3A_1210 = arith.cmpf ogt, %concatenate3A_1206, %select_n3A : vector<8x128xf32>
    %eq3A_1211 = arith.cmpf oeq, %concatenate3A_1206, %select_n3A : vector<8x128xf32>
    %and3A_1212 = arith.andi %eq3A_1211, %ge3A_1209 : vector<8x128xi1>
    %or3A_1213 = arith.ori %gt3A_1210, %and3A_1212 : vector<8x128xi1>
    %convert_element_type3A_1214 = arith.extui %or3A_1213 : vector<8x128xi1> to vector<8x128xi32>
    %add3A_1215 = arith.addi %add3A_1203, %convert_element_type3A_1214 : vector<8x128xi32>
    %slice3A_1216 = vector.extract_strided_slice %select_n3A {offsets = [0, 99], sizes = [8, 29], strides = [1, 1]} : vector<8x128xf32> to vector<8x29xf32>
    %slice3A_1217 = vector.extract_strided_slice %select_n3A {offsets = [0, 0], sizes = [8, 99], strides = [1, 1]} : vector<8x128xf32> to vector<8x99xf32>
    %concatenate3A_1218 = tpu.concatenate %slice3A_1216, %slice3A_1217 in 1 : vector<8x29xf32>, vector<8x99xf32> -> vector<8x128xf32>
    %ge3A_1219 = arith.constant 29 : i32
    %ge3A_1220 = vector.broadcast %ge3A_1219 : i32 to vector<8x128xi32>
    %ge3A_1221 = arith.cmpi sge, %iota3A, %ge3A_1220 : vector<8x128xi32>
    %gt3A_1222 = arith.cmpf ogt, %concatenate3A_1218, %select_n3A : vector<8x128xf32>
    %eq3A_1223 = arith.cmpf oeq, %concatenate3A_1218, %select_n3A : vector<8x128xf32>
    %and3A_1224 = arith.andi %eq3A_1223, %ge3A_1221 : vector<8x128xi1>
    %or3A_1225 = arith.ori %gt3A_1222, %and3A_1224 : vector<8x128xi1>
    %convert_element_type3A_1226 = arith.extui %or3A_1225 : vector<8x128xi1> to vector<8x128xi32>
    %add3A_1227 = arith.addi %add3A_1215, %convert_element_type3A_1226 : vector<8x128xi32>
    %slice3A_1228 = vector.extract_strided_slice %select_n3A {offsets = [0, 100], sizes = [8, 28], strides = [1, 1]} : vector<8x128xf32> to vector<8x28xf32>
    %slice3A_1229 = vector.extract_strided_slice %select_n3A {offsets = [0, 0], sizes = [8, 100], strides = [1, 1]} : vector<8x128xf32> to vector<8x100xf32>
    %concatenate3A_1230 = tpu.concatenate %slice3A_1228, %slice3A_1229 in 1 : vector<8x28xf32>, vector<8x100xf32> -> vector<8x128xf32>
    %ge3A_1231 = arith.constant 28 : i32
    %ge3A_1232 = vector.broadcast %ge3A_1231 : i32 to vector<8x128xi32>
    %ge3A_1233 = arith.cmpi sge, %iota3A, %ge3A_1232 : vector<8x128xi32>
    %gt3A_1234 = arith.cmpf ogt, %concatenate3A_1230, %select_n3A : vector<8x128xf32>
    %eq3A_1235 = arith.cmpf oeq, %concatenate3A_1230, %select_n3A : vector<8x128xf32>
    %and3A_1236 = arith.andi %eq3A_1235, %ge3A_1233 : vector<8x128xi1>
    %or3A_1237 = arith.ori %gt3A_1234, %and3A_1236 : vector<8x128xi1>
    %convert_element_type3A_1238 = arith.extui %or3A_1237 : vector<8x128xi1> to vector<8x128xi32>
    %add3A_1239 = arith.addi %add3A_1227, %convert_element_type3A_1238 : vector<8x128xi32>
    %slice3A_1240 = vector.extract_strided_slice %select_n3A {offsets = [0, 101], sizes = [8, 27], strides = [1, 1]} : vector<8x128xf32> to vector<8x27xf32>
    %slice3A_1241 = vector.extract_strided_slice %select_n3A {offsets = [0, 0], sizes = [8, 101], strides = [1, 1]} : vector<8x128xf32> to vector<8x101xf32>
    %concatenate3A_1242 = tpu.concatenate %slice3A_1240, %slice3A_1241 in 1 : vector<8x27xf32>, vector<8x101xf32> -> vector<8x128xf32>
    %ge3A_1243 = arith.constant 27 : i32
    %ge3A_1244 = vector.broadcast %ge3A_1243 : i32 to vector<8x128xi32>
    %ge3A_1245 = arith.cmpi sge, %iota3A, %ge3A_1244 : vector<8x128xi32>
    %gt3A_1246 = arith.cmpf ogt, %concatenate3A_1242, %select_n3A : vector<8x128xf32>
    %eq3A_1247 = arith.cmpf oeq, %concatenate3A_1242, %select_n3A : vector<8x128xf32>
    %and3A_1248 = arith.andi %eq3A_1247, %ge3A_1245 : vector<8x128xi1>
    %or3A_1249 = arith.ori %gt3A_1246, %and3A_1248 : vector<8x128xi1>
    %convert_element_type3A_1250 = arith.extui %or3A_1249 : vector<8x128xi1> to vector<8x128xi32>
    %add3A_1251 = arith.addi %add3A_1239, %convert_element_type3A_1250 : vector<8x128xi32>
    %slice3A_1252 = vector.extract_strided_slice %select_n3A {offsets = [0, 102], sizes = [8, 26], strides = [1, 1]} : vector<8x128xf32> to vector<8x26xf32>
    %slice3A_1253 = vector.extract_strided_slice %select_n3A {offsets = [0, 0], sizes = [8, 102], strides = [1, 1]} : vector<8x128xf32> to vector<8x102xf32>
    %concatenate3A_1254 = tpu.concatenate %slice3A_1252, %slice3A_1253 in 1 : vector<8x26xf32>, vector<8x102xf32> -> vector<8x128xf32>
    %ge3A_1255 = arith.constant 26 : i32
    %ge3A_1256 = vector.broadcast %ge3A_1255 : i32 to vector<8x128xi32>
    %ge3A_1257 = arith.cmpi sge, %iota3A, %ge3A_1256 : vector<8x128xi32>
    %gt3A_1258 = arith.cmpf ogt, %concatenate3A_1254, %select_n3A : vector<8x128xf32>
    %eq3A_1259 = arith.cmpf oeq, %concatenate3A_1254, %select_n3A : vector<8x128xf32>
    %and3A_1260 = arith.andi %eq3A_1259, %ge3A_1257 : vector<8x128xi1>
    %or3A_1261 = arith.ori %gt3A_1258, %and3A_1260 : vector<8x128xi1>
    %convert_element_type3A_1262 = arith.extui %or3A_1261 : vector<8x128xi1> to vector<8x128xi32>
    %add3A_1263 = arith.addi %add3A_1251, %convert_element_type3A_1262 : vector<8x128xi32>
    %slice3A_1264 = vector.extract_strided_slice %select_n3A {offsets = [0, 103], sizes = [8, 25], strides = [1, 1]} : vector<8x128xf32> to vector<8x25xf32>
    %slice3A_1265 = vector.extract_strided_slice %select_n3A {offsets = [0, 0], sizes = [8, 103], strides = [1, 1]} : vector<8x128xf32> to vector<8x103xf32>
    %concatenate3A_1266 = tpu.concatenate %slice3A_1264, %slice3A_1265 in 1 : vector<8x25xf32>, vector<8x103xf32> -> vector<8x128xf32>
    %ge3A_1267 = arith.constant 25 : i32
    %ge3A_1268 = vector.broadcast %ge3A_1267 : i32 to vector<8x128xi32>
    %ge3A_1269 = arith.cmpi sge, %iota3A, %ge3A_1268 : vector<8x128xi32>
    %gt3A_1270 = arith.cmpf ogt, %concatenate3A_1266, %select_n3A : vector<8x128xf32>
    %eq3A_1271 = arith.cmpf oeq, %concatenate3A_1266, %select_n3A : vector<8x128xf32>
    %and3A_1272 = arith.andi %eq3A_1271, %ge3A_1269 : vector<8x128xi1>
    %or3A_1273 = arith.ori %gt3A_1270, %and3A_1272 : vector<8x128xi1>
    %convert_element_type3A_1274 = arith.extui %or3A_1273 : vector<8x128xi1> to vector<8x128xi32>
    %add3A_1275 = arith.addi %add3A_1263, %convert_element_type3A_1274 : vector<8x128xi32>
    %slice3A_1276 = vector.extract_strided_slice %select_n3A {offsets = [0, 104], sizes = [8, 24], strides = [1, 1]} : vector<8x128xf32> to vector<8x24xf32>
    %slice3A_1277 = vector.extract_strided_slice %select_n3A {offsets = [0, 0], sizes = [8, 104], strides = [1, 1]} : vector<8x128xf32> to vector<8x104xf32>
    %concatenate3A_1278 = tpu.concatenate %slice3A_1276, %slice3A_1277 in 1 : vector<8x24xf32>, vector<8x104xf32> -> vector<8x128xf32>
    %ge3A_1279 = arith.constant 24 : i32
    %ge3A_1280 = vector.broadcast %ge3A_1279 : i32 to vector<8x128xi32>
    %ge3A_1281 = arith.cmpi sge, %iota3A, %ge3A_1280 : vector<8x128xi32>
    %gt3A_1282 = arith.cmpf ogt, %concatenate3A_1278, %select_n3A : vector<8x128xf32>
    %eq3A_1283 = arith.cmpf oeq, %concatenate3A_1278, %select_n3A : vector<8x128xf32>
    %and3A_1284 = arith.andi %eq3A_1283, %ge3A_1281 : vector<8x128xi1>
    %or3A_1285 = arith.ori %gt3A_1282, %and3A_1284 : vector<8x128xi1>
    %convert_element_type3A_1286 = arith.extui %or3A_1285 : vector<8x128xi1> to vector<8x128xi32>
    %add3A_1287 = arith.addi %add3A_1275, %convert_element_type3A_1286 : vector<8x128xi32>
    %slice3A_1288 = vector.extract_strided_slice %select_n3A {offsets = [0, 105], sizes = [8, 23], strides = [1, 1]} : vector<8x128xf32> to vector<8x23xf32>
    %slice3A_1289 = vector.extract_strided_slice %select_n3A {offsets = [0, 0], sizes = [8, 105], strides = [1, 1]} : vector<8x128xf32> to vector<8x105xf32>
    %concatenate3A_1290 = tpu.concatenate %slice3A_1288, %slice3A_1289 in 1 : vector<8x23xf32>, vector<8x105xf32> -> vector<8x128xf32>
    %ge3A_1291 = arith.constant 23 : i32
    %ge3A_1292 = vector.broadcast %ge3A_1291 : i32 to vector<8x128xi32>
    %ge3A_1293 = arith.cmpi sge, %iota3A, %ge3A_1292 : vector<8x128xi32>
    %gt3A_1294 = arith.cmpf ogt, %concatenate3A_1290, %select_n3A : vector<8x128xf32>
    %eq3A_1295 = arith.cmpf oeq, %concatenate3A_1290, %select_n3A : vector<8x128xf32>
    %and3A_1296 = arith.andi %eq3A_1295, %ge3A_1293 : vector<8x128xi1>
    %or3A_1297 = arith.ori %gt3A_1294, %and3A_1296 : vector<8x128xi1>
    %convert_element_type3A_1298 = arith.extui %or3A_1297 : vector<8x128xi1> to vector<8x128xi32>
    %add3A_1299 = arith.addi %add3A_1287, %convert_element_type3A_1298 : vector<8x128xi32>
    %slice3A_1300 = vector.extract_strided_slice %select_n3A {offsets = [0, 106], sizes = [8, 22], strides = [1, 1]} : vector<8x128xf32> to vector<8x22xf32>
    %slice3A_1301 = vector.extract_strided_slice %select_n3A {offsets = [0, 0], sizes = [8, 106], strides = [1, 1]} : vector<8x128xf32> to vector<8x106xf32>
    %concatenate3A_1302 = tpu.concatenate %slice3A_1300, %slice3A_1301 in 1 : vector<8x22xf32>, vector<8x106xf32> -> vector<8x128xf32>
    %ge3A_1303 = arith.constant 22 : i32
    %ge3A_1304 = vector.broadcast %ge3A_1303 : i32 to vector<8x128xi32>
    %ge3A_1305 = arith.cmpi sge, %iota3A, %ge3A_1304 : vector<8x128xi32>
    %gt3A_1306 = arith.cmpf ogt, %concatenate3A_1302, %select_n3A : vector<8x128xf32>
    %eq3A_1307 = arith.cmpf oeq, %concatenate3A_1302, %select_n3A : vector<8x128xf32>
    %and3A_1308 = arith.andi %eq3A_1307, %ge3A_1305 : vector<8x128xi1>
    %or3A_1309 = arith.ori %gt3A_1306, %and3A_1308 : vector<8x128xi1>
    %convert_element_type3A_1310 = arith.extui %or3A_1309 : vector<8x128xi1> to vector<8x128xi32>
    %add3A_1311 = arith.addi %add3A_1299, %convert_element_type3A_1310 : vector<8x128xi32>
    %slice3A_1312 = vector.extract_strided_slice %select_n3A {offsets = [0, 107], sizes = [8, 21], strides = [1, 1]} : vector<8x128xf32> to vector<8x21xf32>
    %slice3A_1313 = vector.extract_strided_slice %select_n3A {offsets = [0, 0], sizes = [8, 107], strides = [1, 1]} : vector<8x128xf32> to vector<8x107xf32>
    %concatenate3A_1314 = tpu.concatenate %slice3A_1312, %slice3A_1313 in 1 : vector<8x21xf32>, vector<8x107xf32> -> vector<8x128xf32>
    %ge3A_1315 = arith.constant 21 : i32
    %ge3A_1316 = vector.broadcast %ge3A_1315 : i32 to vector<8x128xi32>
    %ge3A_1317 = arith.cmpi sge, %iota3A, %ge3A_1316 : vector<8x128xi32>
    %gt3A_1318 = arith.cmpf ogt, %concatenate3A_1314, %select_n3A : vector<8x128xf32>
    %eq3A_1319 = arith.cmpf oeq, %concatenate3A_1314, %select_n3A : vector<8x128xf32>
    %and3A_1320 = arith.andi %eq3A_1319, %ge3A_1317 : vector<8x128xi1>
    %or3A_1321 = arith.ori %gt3A_1318, %and3A_1320 : vector<8x128xi1>
    %convert_element_type3A_1322 = arith.extui %or3A_1321 : vector<8x128xi1> to vector<8x128xi32>
    %add3A_1323 = arith.addi %add3A_1311, %convert_element_type3A_1322 : vector<8x128xi32>
    %slice3A_1324 = vector.extract_strided_slice %select_n3A {offsets = [0, 108], sizes = [8, 20], strides = [1, 1]} : vector<8x128xf32> to vector<8x20xf32>
    %slice3A_1325 = vector.extract_strided_slice %select_n3A {offsets = [0, 0], sizes = [8, 108], strides = [1, 1]} : vector<8x128xf32> to vector<8x108xf32>
    %concatenate3A_1326 = tpu.concatenate %slice3A_1324, %slice3A_1325 in 1 : vector<8x20xf32>, vector<8x108xf32> -> vector<8x128xf32>
    %ge3A_1327 = arith.constant 20 : i32
    %ge3A_1328 = vector.broadcast %ge3A_1327 : i32 to vector<8x128xi32>
    %ge3A_1329 = arith.cmpi sge, %iota3A, %ge3A_1328 : vector<8x128xi32>
    %gt3A_1330 = arith.cmpf ogt, %concatenate3A_1326, %select_n3A : vector<8x128xf32>
    %eq3A_1331 = arith.cmpf oeq, %concatenate3A_1326, %select_n3A : vector<8x128xf32>
    %and3A_1332 = arith.andi %eq3A_1331, %ge3A_1329 : vector<8x128xi1>
    %or3A_1333 = arith.ori %gt3A_1330, %and3A_1332 : vector<8x128xi1>
    %convert_element_type3A_1334 = arith.extui %or3A_1333 : vector<8x128xi1> to vector<8x128xi32>
    %add3A_1335 = arith.addi %add3A_1323, %convert_element_type3A_1334 : vector<8x128xi32>
    %slice3A_1336 = vector.extract_strided_slice %select_n3A {offsets = [0, 109], sizes = [8, 19], strides = [1, 1]} : vector<8x128xf32> to vector<8x19xf32>
    %slice3A_1337 = vector.extract_strided_slice %select_n3A {offsets = [0, 0], sizes = [8, 109], strides = [1, 1]} : vector<8x128xf32> to vector<8x109xf32>
    %concatenate3A_1338 = tpu.concatenate %slice3A_1336, %slice3A_1337 in 1 : vector<8x19xf32>, vector<8x109xf32> -> vector<8x128xf32>
    %ge3A_1339 = arith.constant 19 : i32
    %ge3A_1340 = vector.broadcast %ge3A_1339 : i32 to vector<8x128xi32>
    %ge3A_1341 = arith.cmpi sge, %iota3A, %ge3A_1340 : vector<8x128xi32>
    %gt3A_1342 = arith.cmpf ogt, %concatenate3A_1338, %select_n3A : vector<8x128xf32>
    %eq3A_1343 = arith.cmpf oeq, %concatenate3A_1338, %select_n3A : vector<8x128xf32>
    %and3A_1344 = arith.andi %eq3A_1343, %ge3A_1341 : vector<8x128xi1>
    %or3A_1345 = arith.ori %gt3A_1342, %and3A_1344 : vector<8x128xi1>
    %convert_element_type3A_1346 = arith.extui %or3A_1345 : vector<8x128xi1> to vector<8x128xi32>
    %add3A_1347 = arith.addi %add3A_1335, %convert_element_type3A_1346 : vector<8x128xi32>
    %slice3A_1348 = vector.extract_strided_slice %select_n3A {offsets = [0, 110], sizes = [8, 18], strides = [1, 1]} : vector<8x128xf32> to vector<8x18xf32>
    %slice3A_1349 = vector.extract_strided_slice %select_n3A {offsets = [0, 0], sizes = [8, 110], strides = [1, 1]} : vector<8x128xf32> to vector<8x110xf32>
    %concatenate3A_1350 = tpu.concatenate %slice3A_1348, %slice3A_1349 in 1 : vector<8x18xf32>, vector<8x110xf32> -> vector<8x128xf32>
    %ge3A_1351 = arith.constant 18 : i32
    %ge3A_1352 = vector.broadcast %ge3A_1351 : i32 to vector<8x128xi32>
    %ge3A_1353 = arith.cmpi sge, %iota3A, %ge3A_1352 : vector<8x128xi32>
    %gt3A_1354 = arith.cmpf ogt, %concatenate3A_1350, %select_n3A : vector<8x128xf32>
    %eq3A_1355 = arith.cmpf oeq, %concatenate3A_1350, %select_n3A : vector<8x128xf32>
    %and3A_1356 = arith.andi %eq3A_1355, %ge3A_1353 : vector<8x128xi1>
    %or3A_1357 = arith.ori %gt3A_1354, %and3A_1356 : vector<8x128xi1>
    %convert_element_type3A_1358 = arith.extui %or3A_1357 : vector<8x128xi1> to vector<8x128xi32>
    %add3A_1359 = arith.addi %add3A_1347, %convert_element_type3A_1358 : vector<8x128xi32>
    %slice3A_1360 = vector.extract_strided_slice %select_n3A {offsets = [0, 111], sizes = [8, 17], strides = [1, 1]} : vector<8x128xf32> to vector<8x17xf32>
    %slice3A_1361 = vector.extract_strided_slice %select_n3A {offsets = [0, 0], sizes = [8, 111], strides = [1, 1]} : vector<8x128xf32> to vector<8x111xf32>
    %concatenate3A_1362 = tpu.concatenate %slice3A_1360, %slice3A_1361 in 1 : vector<8x17xf32>, vector<8x111xf32> -> vector<8x128xf32>
    %ge3A_1363 = arith.constant 17 : i32
    %ge3A_1364 = vector.broadcast %ge3A_1363 : i32 to vector<8x128xi32>
    %ge3A_1365 = arith.cmpi sge, %iota3A, %ge3A_1364 : vector<8x128xi32>
    %gt3A_1366 = arith.cmpf ogt, %concatenate3A_1362, %select_n3A : vector<8x128xf32>
    %eq3A_1367 = arith.cmpf oeq, %concatenate3A_1362, %select_n3A : vector<8x128xf32>
    %and3A_1368 = arith.andi %eq3A_1367, %ge3A_1365 : vector<8x128xi1>
    %or3A_1369 = arith.ori %gt3A_1366, %and3A_1368 : vector<8x128xi1>
    %convert_element_type3A_1370 = arith.extui %or3A_1369 : vector<8x128xi1> to vector<8x128xi32>
    %add3A_1371 = arith.addi %add3A_1359, %convert_element_type3A_1370 : vector<8x128xi32>
    %slice3A_1372 = vector.extract_strided_slice %select_n3A {offsets = [0, 112], sizes = [8, 16], strides = [1, 1]} : vector<8x128xf32> to vector<8x16xf32>
    %slice3A_1373 = vector.extract_strided_slice %select_n3A {offsets = [0, 0], sizes = [8, 112], strides = [1, 1]} : vector<8x128xf32> to vector<8x112xf32>
    %concatenate3A_1374 = tpu.concatenate %slice3A_1372, %slice3A_1373 in 1 : vector<8x16xf32>, vector<8x112xf32> -> vector<8x128xf32>
    %ge3A_1375 = arith.constant 16 : i32
    %ge3A_1376 = vector.broadcast %ge3A_1375 : i32 to vector<8x128xi32>
    %ge3A_1377 = arith.cmpi sge, %iota3A, %ge3A_1376 : vector<8x128xi32>
    %gt3A_1378 = arith.cmpf ogt, %concatenate3A_1374, %select_n3A : vector<8x128xf32>
    %eq3A_1379 = arith.cmpf oeq, %concatenate3A_1374, %select_n3A : vector<8x128xf32>
    %and3A_1380 = arith.andi %eq3A_1379, %ge3A_1377 : vector<8x128xi1>
    %or3A_1381 = arith.ori %gt3A_1378, %and3A_1380 : vector<8x128xi1>
    %convert_element_type3A_1382 = arith.extui %or3A_1381 : vector<8x128xi1> to vector<8x128xi32>
    %add3A_1383 = arith.addi %add3A_1371, %convert_element_type3A_1382 : vector<8x128xi32>
    %slice3A_1384 = vector.extract_strided_slice %select_n3A {offsets = [0, 113], sizes = [8, 15], strides = [1, 1]} : vector<8x128xf32> to vector<8x15xf32>
    %slice3A_1385 = vector.extract_strided_slice %select_n3A {offsets = [0, 0], sizes = [8, 113], strides = [1, 1]} : vector<8x128xf32> to vector<8x113xf32>
    %concatenate3A_1386 = tpu.concatenate %slice3A_1384, %slice3A_1385 in 1 : vector<8x15xf32>, vector<8x113xf32> -> vector<8x128xf32>
    %ge3A_1387 = arith.constant 15 : i32
    %ge3A_1388 = vector.broadcast %ge3A_1387 : i32 to vector<8x128xi32>
    %ge3A_1389 = arith.cmpi sge, %iota3A, %ge3A_1388 : vector<8x128xi32>
    %gt3A_1390 = arith.cmpf ogt, %concatenate3A_1386, %select_n3A : vector<8x128xf32>
    %eq3A_1391 = arith.cmpf oeq, %concatenate3A_1386, %select_n3A : vector<8x128xf32>
    %and3A_1392 = arith.andi %eq3A_1391, %ge3A_1389 : vector<8x128xi1>
    %or3A_1393 = arith.ori %gt3A_1390, %and3A_1392 : vector<8x128xi1>
    %convert_element_type3A_1394 = arith.extui %or3A_1393 : vector<8x128xi1> to vector<8x128xi32>
    %add3A_1395 = arith.addi %add3A_1383, %convert_element_type3A_1394 : vector<8x128xi32>
    %slice3A_1396 = vector.extract_strided_slice %select_n3A {offsets = [0, 114], sizes = [8, 14], strides = [1, 1]} : vector<8x128xf32> to vector<8x14xf32>
    %slice3A_1397 = vector.extract_strided_slice %select_n3A {offsets = [0, 0], sizes = [8, 114], strides = [1, 1]} : vector<8x128xf32> to vector<8x114xf32>
    %concatenate3A_1398 = tpu.concatenate %slice3A_1396, %slice3A_1397 in 1 : vector<8x14xf32>, vector<8x114xf32> -> vector<8x128xf32>
    %ge3A_1399 = arith.constant 14 : i32
    %ge3A_1400 = vector.broadcast %ge3A_1399 : i32 to vector<8x128xi32>
    %ge3A_1401 = arith.cmpi sge, %iota3A, %ge3A_1400 : vector<8x128xi32>
    %gt3A_1402 = arith.cmpf ogt, %concatenate3A_1398, %select_n3A : vector<8x128xf32>
    %eq3A_1403 = arith.cmpf oeq, %concatenate3A_1398, %select_n3A : vector<8x128xf32>
    %and3A_1404 = arith.andi %eq3A_1403, %ge3A_1401 : vector<8x128xi1>
    %or3A_1405 = arith.ori %gt3A_1402, %and3A_1404 : vector<8x128xi1>
    %convert_element_type3A_1406 = arith.extui %or3A_1405 : vector<8x128xi1> to vector<8x128xi32>
    %add3A_1407 = arith.addi %add3A_1395, %convert_element_type3A_1406 : vector<8x128xi32>
    %slice3A_1408 = vector.extract_strided_slice %select_n3A {offsets = [0, 115], sizes = [8, 13], strides = [1, 1]} : vector<8x128xf32> to vector<8x13xf32>
    %slice3A_1409 = vector.extract_strided_slice %select_n3A {offsets = [0, 0], sizes = [8, 115], strides = [1, 1]} : vector<8x128xf32> to vector<8x115xf32>
    %concatenate3A_1410 = tpu.concatenate %slice3A_1408, %slice3A_1409 in 1 : vector<8x13xf32>, vector<8x115xf32> -> vector<8x128xf32>
    %ge3A_1411 = arith.constant 13 : i32
    %ge3A_1412 = vector.broadcast %ge3A_1411 : i32 to vector<8x128xi32>
    %ge3A_1413 = arith.cmpi sge, %iota3A, %ge3A_1412 : vector<8x128xi32>
    %gt3A_1414 = arith.cmpf ogt, %concatenate3A_1410, %select_n3A : vector<8x128xf32>
    %eq3A_1415 = arith.cmpf oeq, %concatenate3A_1410, %select_n3A : vector<8x128xf32>
    %and3A_1416 = arith.andi %eq3A_1415, %ge3A_1413 : vector<8x128xi1>
    %or3A_1417 = arith.ori %gt3A_1414, %and3A_1416 : vector<8x128xi1>
    %convert_element_type3A_1418 = arith.extui %or3A_1417 : vector<8x128xi1> to vector<8x128xi32>
    %add3A_1419 = arith.addi %add3A_1407, %convert_element_type3A_1418 : vector<8x128xi32>
    %slice3A_1420 = vector.extract_strided_slice %select_n3A {offsets = [0, 116], sizes = [8, 12], strides = [1, 1]} : vector<8x128xf32> to vector<8x12xf32>
    %slice3A_1421 = vector.extract_strided_slice %select_n3A {offsets = [0, 0], sizes = [8, 116], strides = [1, 1]} : vector<8x128xf32> to vector<8x116xf32>
    %concatenate3A_1422 = tpu.concatenate %slice3A_1420, %slice3A_1421 in 1 : vector<8x12xf32>, vector<8x116xf32> -> vector<8x128xf32>
    %ge3A_1423 = arith.constant 12 : i32
    %ge3A_1424 = vector.broadcast %ge3A_1423 : i32 to vector<8x128xi32>
    %ge3A_1425 = arith.cmpi sge, %iota3A, %ge3A_1424 : vector<8x128xi32>
    %gt3A_1426 = arith.cmpf ogt, %concatenate3A_1422, %select_n3A : vector<8x128xf32>
    %eq3A_1427 = arith.cmpf oeq, %concatenate3A_1422, %select_n3A : vector<8x128xf32>
    %and3A_1428 = arith.andi %eq3A_1427, %ge3A_1425 : vector<8x128xi1>
    %or3A_1429 = arith.ori %gt3A_1426, %and3A_1428 : vector<8x128xi1>
    %convert_element_type3A_1430 = arith.extui %or3A_1429 : vector<8x128xi1> to vector<8x128xi32>
    %add3A_1431 = arith.addi %add3A_1419, %convert_element_type3A_1430 : vector<8x128xi32>
    %slice3A_1432 = vector.extract_strided_slice %select_n3A {offsets = [0, 117], sizes = [8, 11], strides = [1, 1]} : vector<8x128xf32> to vector<8x11xf32>
    %slice3A_1433 = vector.extract_strided_slice %select_n3A {offsets = [0, 0], sizes = [8, 117], strides = [1, 1]} : vector<8x128xf32> to vector<8x117xf32>
    %concatenate3A_1434 = tpu.concatenate %slice3A_1432, %slice3A_1433 in 1 : vector<8x11xf32>, vector<8x117xf32> -> vector<8x128xf32>
    %ge3A_1435 = arith.constant 11 : i32
    %ge3A_1436 = vector.broadcast %ge3A_1435 : i32 to vector<8x128xi32>
    %ge3A_1437 = arith.cmpi sge, %iota3A, %ge3A_1436 : vector<8x128xi32>
    %gt3A_1438 = arith.cmpf ogt, %concatenate3A_1434, %select_n3A : vector<8x128xf32>
    %eq3A_1439 = arith.cmpf oeq, %concatenate3A_1434, %select_n3A : vector<8x128xf32>
    %and3A_1440 = arith.andi %eq3A_1439, %ge3A_1437 : vector<8x128xi1>
    %or3A_1441 = arith.ori %gt3A_1438, %and3A_1440 : vector<8x128xi1>
    %convert_element_type3A_1442 = arith.extui %or3A_1441 : vector<8x128xi1> to vector<8x128xi32>
    %add3A_1443 = arith.addi %add3A_1431, %convert_element_type3A_1442 : vector<8x128xi32>
    %slice3A_1444 = vector.extract_strided_slice %select_n3A {offsets = [0, 118], sizes = [8, 10], strides = [1, 1]} : vector<8x128xf32> to vector<8x10xf32>
    %slice3A_1445 = vector.extract_strided_slice %select_n3A {offsets = [0, 0], sizes = [8, 118], strides = [1, 1]} : vector<8x128xf32> to vector<8x118xf32>
    %concatenate3A_1446 = tpu.concatenate %slice3A_1444, %slice3A_1445 in 1 : vector<8x10xf32>, vector<8x118xf32> -> vector<8x128xf32>
    %ge3A_1447 = arith.constant 10 : i32
    %ge3A_1448 = vector.broadcast %ge3A_1447 : i32 to vector<8x128xi32>
    %ge3A_1449 = arith.cmpi sge, %iota3A, %ge3A_1448 : vector<8x128xi32>
    %gt3A_1450 = arith.cmpf ogt, %concatenate3A_1446, %select_n3A : vector<8x128xf32>
    %eq3A_1451 = arith.cmpf oeq, %concatenate3A_1446, %select_n3A : vector<8x128xf32>
    %and3A_1452 = arith.andi %eq3A_1451, %ge3A_1449 : vector<8x128xi1>
    %or3A_1453 = arith.ori %gt3A_1450, %and3A_1452 : vector<8x128xi1>
    %convert_element_type3A_1454 = arith.extui %or3A_1453 : vector<8x128xi1> to vector<8x128xi32>
    %add3A_1455 = arith.addi %add3A_1443, %convert_element_type3A_1454 : vector<8x128xi32>
    %slice3A_1456 = vector.extract_strided_slice %select_n3A {offsets = [0, 119], sizes = [8, 9], strides = [1, 1]} : vector<8x128xf32> to vector<8x9xf32>
    %slice3A_1457 = vector.extract_strided_slice %select_n3A {offsets = [0, 0], sizes = [8, 119], strides = [1, 1]} : vector<8x128xf32> to vector<8x119xf32>
    %concatenate3A_1458 = tpu.concatenate %slice3A_1456, %slice3A_1457 in 1 : vector<8x9xf32>, vector<8x119xf32> -> vector<8x128xf32>
    %ge3A_1459 = arith.constant 9 : i32
    %ge3A_1460 = vector.broadcast %ge3A_1459 : i32 to vector<8x128xi32>
    %ge3A_1461 = arith.cmpi sge, %iota3A, %ge3A_1460 : vector<8x128xi32>
    %gt3A_1462 = arith.cmpf ogt, %concatenate3A_1458, %select_n3A : vector<8x128xf32>
    %eq3A_1463 = arith.cmpf oeq, %concatenate3A_1458, %select_n3A : vector<8x128xf32>
    %and3A_1464 = arith.andi %eq3A_1463, %ge3A_1461 : vector<8x128xi1>
    %or3A_1465 = arith.ori %gt3A_1462, %and3A_1464 : vector<8x128xi1>
    %convert_element_type3A_1466 = arith.extui %or3A_1465 : vector<8x128xi1> to vector<8x128xi32>
    %add3A_1467 = arith.addi %add3A_1455, %convert_element_type3A_1466 : vector<8x128xi32>
    %slice3A_1468 = vector.extract_strided_slice %select_n3A {offsets = [0, 120], sizes = [8, 8], strides = [1, 1]} : vector<8x128xf32> to vector<8x8xf32>
    %slice3A_1469 = vector.extract_strided_slice %select_n3A {offsets = [0, 0], sizes = [8, 120], strides = [1, 1]} : vector<8x128xf32> to vector<8x120xf32>
    %concatenate3A_1470 = tpu.concatenate %slice3A_1468, %slice3A_1469 in 1 : vector<8x8xf32>, vector<8x120xf32> -> vector<8x128xf32>
    %ge3A_1471 = arith.constant 8 : i32
    %ge3A_1472 = vector.broadcast %ge3A_1471 : i32 to vector<8x128xi32>
    %ge3A_1473 = arith.cmpi sge, %iota3A, %ge3A_1472 : vector<8x128xi32>
    %gt3A_1474 = arith.cmpf ogt, %concatenate3A_1470, %select_n3A : vector<8x128xf32>
    %eq3A_1475 = arith.cmpf oeq, %concatenate3A_1470, %select_n3A : vector<8x128xf32>
    %and3A_1476 = arith.andi %eq3A_1475, %ge3A_1473 : vector<8x128xi1>
    %or3A_1477 = arith.ori %gt3A_1474, %and3A_1476 : vector<8x128xi1>
    %convert_element_type3A_1478 = arith.extui %or3A_1477 : vector<8x128xi1> to vector<8x128xi32>
    %add3A_1479 = arith.addi %add3A_1467, %convert_element_type3A_1478 : vector<8x128xi32>
    %slice3A_1480 = vector.extract_strided_slice %select_n3A {offsets = [0, 121], sizes = [8, 7], strides = [1, 1]} : vector<8x128xf32> to vector<8x7xf32>
    %slice3A_1481 = vector.extract_strided_slice %select_n3A {offsets = [0, 0], sizes = [8, 121], strides = [1, 1]} : vector<8x128xf32> to vector<8x121xf32>
    %concatenate3A_1482 = tpu.concatenate %slice3A_1480, %slice3A_1481 in 1 : vector<8x7xf32>, vector<8x121xf32> -> vector<8x128xf32>
    %ge3A_1483 = arith.constant 7 : i32
    %ge3A_1484 = vector.broadcast %ge3A_1483 : i32 to vector<8x128xi32>
    %ge3A_1485 = arith.cmpi sge, %iota3A, %ge3A_1484 : vector<8x128xi32>
    %gt3A_1486 = arith.cmpf ogt, %concatenate3A_1482, %select_n3A : vector<8x128xf32>
    %eq3A_1487 = arith.cmpf oeq, %concatenate3A_1482, %select_n3A : vector<8x128xf32>
    %and3A_1488 = arith.andi %eq3A_1487, %ge3A_1485 : vector<8x128xi1>
    %or3A_1489 = arith.ori %gt3A_1486, %and3A_1488 : vector<8x128xi1>
    %convert_element_type3A_1490 = arith.extui %or3A_1489 : vector<8x128xi1> to vector<8x128xi32>
    %add3A_1491 = arith.addi %add3A_1479, %convert_element_type3A_1490 : vector<8x128xi32>
    %slice3A_1492 = vector.extract_strided_slice %select_n3A {offsets = [0, 122], sizes = [8, 6], strides = [1, 1]} : vector<8x128xf32> to vector<8x6xf32>
    %slice3A_1493 = vector.extract_strided_slice %select_n3A {offsets = [0, 0], sizes = [8, 122], strides = [1, 1]} : vector<8x128xf32> to vector<8x122xf32>
    %concatenate3A_1494 = tpu.concatenate %slice3A_1492, %slice3A_1493 in 1 : vector<8x6xf32>, vector<8x122xf32> -> vector<8x128xf32>
    %ge3A_1495 = arith.constant 6 : i32
    %ge3A_1496 = vector.broadcast %ge3A_1495 : i32 to vector<8x128xi32>
    %ge3A_1497 = arith.cmpi sge, %iota3A, %ge3A_1496 : vector<8x128xi32>
    %gt3A_1498 = arith.cmpf ogt, %concatenate3A_1494, %select_n3A : vector<8x128xf32>
    %eq3A_1499 = arith.cmpf oeq, %concatenate3A_1494, %select_n3A : vector<8x128xf32>
    %and3A_1500 = arith.andi %eq3A_1499, %ge3A_1497 : vector<8x128xi1>
    %or3A_1501 = arith.ori %gt3A_1498, %and3A_1500 : vector<8x128xi1>
    %convert_element_type3A_1502 = arith.extui %or3A_1501 : vector<8x128xi1> to vector<8x128xi32>
    %add3A_1503 = arith.addi %add3A_1491, %convert_element_type3A_1502 : vector<8x128xi32>
    %slice3A_1504 = vector.extract_strided_slice %select_n3A {offsets = [0, 123], sizes = [8, 5], strides = [1, 1]} : vector<8x128xf32> to vector<8x5xf32>
    %slice3A_1505 = vector.extract_strided_slice %select_n3A {offsets = [0, 0], sizes = [8, 123], strides = [1, 1]} : vector<8x128xf32> to vector<8x123xf32>
    %concatenate3A_1506 = tpu.concatenate %slice3A_1504, %slice3A_1505 in 1 : vector<8x5xf32>, vector<8x123xf32> -> vector<8x128xf32>
    %ge3A_1507 = arith.constant 5 : i32
    %ge3A_1508 = vector.broadcast %ge3A_1507 : i32 to vector<8x128xi32>
    %ge3A_1509 = arith.cmpi sge, %iota3A, %ge3A_1508 : vector<8x128xi32>
    %gt3A_1510 = arith.cmpf ogt, %concatenate3A_1506, %select_n3A : vector<8x128xf32>
    %eq3A_1511 = arith.cmpf oeq, %concatenate3A_1506, %select_n3A : vector<8x128xf32>
    %and3A_1512 = arith.andi %eq3A_1511, %ge3A_1509 : vector<8x128xi1>
    %or3A_1513 = arith.ori %gt3A_1510, %and3A_1512 : vector<8x128xi1>
    %convert_element_type3A_1514 = arith.extui %or3A_1513 : vector<8x128xi1> to vector<8x128xi32>
    %add3A_1515 = arith.addi %add3A_1503, %convert_element_type3A_1514 : vector<8x128xi32>
    %slice3A_1516 = vector.extract_strided_slice %select_n3A {offsets = [0, 124], sizes = [8, 4], strides = [1, 1]} : vector<8x128xf32> to vector<8x4xf32>
    %slice3A_1517 = vector.extract_strided_slice %select_n3A {offsets = [0, 0], sizes = [8, 124], strides = [1, 1]} : vector<8x128xf32> to vector<8x124xf32>
    %concatenate3A_1518 = tpu.concatenate %slice3A_1516, %slice3A_1517 in 1 : vector<8x4xf32>, vector<8x124xf32> -> vector<8x128xf32>
    %ge3A_1519 = arith.constant 4 : i32
    %ge3A_1520 = vector.broadcast %ge3A_1519 : i32 to vector<8x128xi32>
    %ge3A_1521 = arith.cmpi sge, %iota3A, %ge3A_1520 : vector<8x128xi32>
    %gt3A_1522 = arith.cmpf ogt, %concatenate3A_1518, %select_n3A : vector<8x128xf32>
    %eq3A_1523 = arith.cmpf oeq, %concatenate3A_1518, %select_n3A : vector<8x128xf32>
    %and3A_1524 = arith.andi %eq3A_1523, %ge3A_1521 : vector<8x128xi1>
    %or3A_1525 = arith.ori %gt3A_1522, %and3A_1524 : vector<8x128xi1>
    %convert_element_type3A_1526 = arith.extui %or3A_1525 : vector<8x128xi1> to vector<8x128xi32>
    %add3A_1527 = arith.addi %add3A_1515, %convert_element_type3A_1526 : vector<8x128xi32>
    %slice3A_1528 = vector.extract_strided_slice %select_n3A {offsets = [0, 125], sizes = [8, 3], strides = [1, 1]} : vector<8x128xf32> to vector<8x3xf32>
    %slice3A_1529 = vector.extract_strided_slice %select_n3A {offsets = [0, 0], sizes = [8, 125], strides = [1, 1]} : vector<8x128xf32> to vector<8x125xf32>
    %concatenate3A_1530 = tpu.concatenate %slice3A_1528, %slice3A_1529 in 1 : vector<8x3xf32>, vector<8x125xf32> -> vector<8x128xf32>
    %ge3A_1531 = arith.constant 3 : i32
    %ge3A_1532 = vector.broadcast %ge3A_1531 : i32 to vector<8x128xi32>
    %ge3A_1533 = arith.cmpi sge, %iota3A, %ge3A_1532 : vector<8x128xi32>
    %gt3A_1534 = arith.cmpf ogt, %concatenate3A_1530, %select_n3A : vector<8x128xf32>
    %eq3A_1535 = arith.cmpf oeq, %concatenate3A_1530, %select_n3A : vector<8x128xf32>
    %and3A_1536 = arith.andi %eq3A_1535, %ge3A_1533 : vector<8x128xi1>
    %or3A_1537 = arith.ori %gt3A_1534, %and3A_1536 : vector<8x128xi1>
    %convert_element_type3A_1538 = arith.extui %or3A_1537 : vector<8x128xi1> to vector<8x128xi32>
    %add3A_1539 = arith.addi %add3A_1527, %convert_element_type3A_1538 : vector<8x128xi32>
    %slice3A_1540 = vector.extract_strided_slice %select_n3A {offsets = [0, 126], sizes = [8, 2], strides = [1, 1]} : vector<8x128xf32> to vector<8x2xf32>
    %slice3A_1541 = vector.extract_strided_slice %select_n3A {offsets = [0, 0], sizes = [8, 126], strides = [1, 1]} : vector<8x128xf32> to vector<8x126xf32>
    %concatenate3A_1542 = tpu.concatenate %slice3A_1540, %slice3A_1541 in 1 : vector<8x2xf32>, vector<8x126xf32> -> vector<8x128xf32>
    %ge3A_1543 = arith.constant 2 : i32
    %ge3A_1544 = vector.broadcast %ge3A_1543 : i32 to vector<8x128xi32>
    %ge3A_1545 = arith.cmpi sge, %iota3A, %ge3A_1544 : vector<8x128xi32>
    %gt3A_1546 = arith.cmpf ogt, %concatenate3A_1542, %select_n3A : vector<8x128xf32>
    %eq3A_1547 = arith.cmpf oeq, %concatenate3A_1542, %select_n3A : vector<8x128xf32>
    %and3A_1548 = arith.andi %eq3A_1547, %ge3A_1545 : vector<8x128xi1>
    %or3A_1549 = arith.ori %gt3A_1546, %and3A_1548 : vector<8x128xi1>
    %convert_element_type3A_1550 = arith.extui %or3A_1549 : vector<8x128xi1> to vector<8x128xi32>
    %add3A_1551 = arith.addi %add3A_1539, %convert_element_type3A_1550 : vector<8x128xi32>
    %slice3A_1552 = vector.extract_strided_slice %select_n3A {offsets = [0, 127], sizes = [8, 1], strides = [1, 1]} : vector<8x128xf32> to vector<8x1xf32>
    %slice3A_1553 = vector.extract_strided_slice %select_n3A {offsets = [0, 0], sizes = [8, 127], strides = [1, 1]} : vector<8x128xf32> to vector<8x127xf32>
    %concatenate3A_1554 = tpu.concatenate %slice3A_1552, %slice3A_1553 in 1 : vector<8x1xf32>, vector<8x127xf32> -> vector<8x128xf32>
    %ge3A_1555 = arith.constant 1 : i32
    %ge3A_1556 = vector.broadcast %ge3A_1555 : i32 to vector<8x128xi32>
    %ge3A_1557 = arith.cmpi sge, %iota3A, %ge3A_1556 : vector<8x128xi32>
    %gt3A_1558 = arith.cmpf ogt, %concatenate3A_1554, %select_n3A : vector<8x128xf32>
    %eq3A_1559 = arith.cmpf oeq, %concatenate3A_1554, %select_n3A : vector<8x128xf32>
    %and3A_1560 = arith.andi %eq3A_1559, %ge3A_1557 : vector<8x128xi1>
    %or3A_1561 = arith.ori %gt3A_1558, %and3A_1560 : vector<8x128xi1>
    %convert_element_type3A_1562 = arith.extui %or3A_1561 : vector<8x128xi1> to vector<8x128xi32>
    %add3A_1563 = arith.addi %add3A_1551, %convert_element_type3A_1562 : vector<8x128xi32>
    %eq3A_1564 = arith.cmpi eq, %add3A_1563, %iota3A : vector<8x128xi32>
    %jit3A_1565 = arith.constant 0.000000e+00 : f32
    %broadcast_in_dim3A_1566 = vector.broadcast %jit3A_1565 : f32 to vector<8x128xf32>
    %select_n3A_1567 = arith.select %eq3A_1564, %mul3A_35, %broadcast_in_dim3A_1566 : vector<8x128xi1>, vector<8x128xf32>
    %jit3A_1568 = arith.constant 0.000000e+00 : f32
    %broadcast_in_dim3A_1569 = vector.broadcast %jit3A_1568 : f32 to vector<8x128xf32>
    %select_n3A_1570 = arith.select %eq3A_1564, %mul3A_42, %broadcast_in_dim3A_1569 : vector<8x128xi1>, vector<8x128xf32>
    %slice3A_1571 = vector.extract_strided_slice %add3A_1563 {offsets = [0, 1], sizes = [8, 127], strides = [1, 1]} : vector<8x128xi32> to vector<8x127xi32>
    %slice3A_1572 = vector.extract_strided_slice %add3A_1563 {offsets = [0, 0], sizes = [8, 1], strides = [1, 1]} : vector<8x128xi32> to vector<8x1xi32>
    %concatenate3A_1573 = tpu.concatenate %slice3A_1571, %slice3A_1572 in 1 : vector<8x127xi32>, vector<8x1xi32> -> vector<8x128xi32>
    %eq3A_1574 = arith.cmpi eq, %concatenate3A_1573, %iota3A : vector<8x128xi32>
    %slice3A_1575 = vector.extract_strided_slice %mul3A_35 {offsets = [0, 1], sizes = [8, 127], strides = [1, 1]} : vector<8x128xf32> to vector<8x127xf32>
    %slice3A_1576 = vector.extract_strided_slice %mul3A_35 {offsets = [0, 0], sizes = [8, 1], strides = [1, 1]} : vector<8x128xf32> to vector<8x1xf32>
    %concatenate3A_1577 = tpu.concatenate %slice3A_1575, %slice3A_1576 in 1 : vector<8x127xf32>, vector<8x1xf32> -> vector<8x128xf32>
    %select_n3A_1578 = arith.select %eq3A_1574, %concatenate3A_1577, %select_n3A_1567 : vector<8x128xi1>, vector<8x128xf32>
    %slice3A_1579 = vector.extract_strided_slice %mul3A_42 {offsets = [0, 1], sizes = [8, 127], strides = [1, 1]} : vector<8x128xf32> to vector<8x127xf32>
    %slice3A_1580 = vector.extract_strided_slice %mul3A_42 {offsets = [0, 0], sizes = [8, 1], strides = [1, 1]} : vector<8x128xf32> to vector<8x1xf32>
    %concatenate3A_1581 = tpu.concatenate %slice3A_1579, %slice3A_1580 in 1 : vector<8x127xf32>, vector<8x1xf32> -> vector<8x128xf32>
    %select_n3A_1582 = arith.select %eq3A_1574, %concatenate3A_1581, %select_n3A_1570 : vector<8x128xi1>, vector<8x128xf32>
    %slice3A_1583 = vector.extract_strided_slice %add3A_1563 {offsets = [0, 2], sizes = [8, 126], strides = [1, 1]} : vector<8x128xi32> to vector<8x126xi32>
    %slice3A_1584 = vector.extract_strided_slice %add3A_1563 {offsets = [0, 0], sizes = [8, 2], strides = [1, 1]} : vector<8x128xi32> to vector<8x2xi32>
    %concatenate3A_1585 = tpu.concatenate %slice3A_1583, %slice3A_1584 in 1 : vector<8x126xi32>, vector<8x2xi32> -> vector<8x128xi32>
    %eq3A_1586 = arith.cmpi eq, %concatenate3A_1585, %iota3A : vector<8x128xi32>
    %slice3A_1587 = vector.extract_strided_slice %mul3A_35 {offsets = [0, 2], sizes = [8, 126], strides = [1, 1]} : vector<8x128xf32> to vector<8x126xf32>
    %slice3A_1588 = vector.extract_strided_slice %mul3A_35 {offsets = [0, 0], sizes = [8, 2], strides = [1, 1]} : vector<8x128xf32> to vector<8x2xf32>
    %concatenate3A_1589 = tpu.concatenate %slice3A_1587, %slice3A_1588 in 1 : vector<8x126xf32>, vector<8x2xf32> -> vector<8x128xf32>
    %select_n3A_1590 = arith.select %eq3A_1586, %concatenate3A_1589, %select_n3A_1578 : vector<8x128xi1>, vector<8x128xf32>
    %slice3A_1591 = vector.extract_strided_slice %mul3A_42 {offsets = [0, 2], sizes = [8, 126], strides = [1, 1]} : vector<8x128xf32> to vector<8x126xf32>
    %slice3A_1592 = vector.extract_strided_slice %mul3A_42 {offsets = [0, 0], sizes = [8, 2], strides = [1, 1]} : vector<8x128xf32> to vector<8x2xf32>
    %concatenate3A_1593 = tpu.concatenate %slice3A_1591, %slice3A_1592 in 1 : vector<8x126xf32>, vector<8x2xf32> -> vector<8x128xf32>
    %select_n3A_1594 = arith.select %eq3A_1586, %concatenate3A_1593, %select_n3A_1582 : vector<8x128xi1>, vector<8x128xf32>
    %slice3A_1595 = vector.extract_strided_slice %add3A_1563 {offsets = [0, 3], sizes = [8, 125], strides = [1, 1]} : vector<8x128xi32> to vector<8x125xi32>
    %slice3A_1596 = vector.extract_strided_slice %add3A_1563 {offsets = [0, 0], sizes = [8, 3], strides = [1, 1]} : vector<8x128xi32> to vector<8x3xi32>
    %concatenate3A_1597 = tpu.concatenate %slice3A_1595, %slice3A_1596 in 1 : vector<8x125xi32>, vector<8x3xi32> -> vector<8x128xi32>
    %eq3A_1598 = arith.cmpi eq, %concatenate3A_1597, %iota3A : vector<8x128xi32>
    %slice3A_1599 = vector.extract_strided_slice %mul3A_35 {offsets = [0, 3], sizes = [8, 125], strides = [1, 1]} : vector<8x128xf32> to vector<8x125xf32>
    %slice3A_1600 = vector.extract_strided_slice %mul3A_35 {offsets = [0, 0], sizes = [8, 3], strides = [1, 1]} : vector<8x128xf32> to vector<8x3xf32>
    %concatenate3A_1601 = tpu.concatenate %slice3A_1599, %slice3A_1600 in 1 : vector<8x125xf32>, vector<8x3xf32> -> vector<8x128xf32>
    %select_n3A_1602 = arith.select %eq3A_1598, %concatenate3A_1601, %select_n3A_1590 : vector<8x128xi1>, vector<8x128xf32>
    %slice3A_1603 = vector.extract_strided_slice %mul3A_42 {offsets = [0, 3], sizes = [8, 125], strides = [1, 1]} : vector<8x128xf32> to vector<8x125xf32>
    %slice3A_1604 = vector.extract_strided_slice %mul3A_42 {offsets = [0, 0], sizes = [8, 3], strides = [1, 1]} : vector<8x128xf32> to vector<8x3xf32>
    %concatenate3A_1605 = tpu.concatenate %slice3A_1603, %slice3A_1604 in 1 : vector<8x125xf32>, vector<8x3xf32> -> vector<8x128xf32>
    %select_n3A_1606 = arith.select %eq3A_1598, %concatenate3A_1605, %select_n3A_1594 : vector<8x128xi1>, vector<8x128xf32>
    %slice3A_1607 = vector.extract_strided_slice %add3A_1563 {offsets = [0, 4], sizes = [8, 124], strides = [1, 1]} : vector<8x128xi32> to vector<8x124xi32>
    %slice3A_1608 = vector.extract_strided_slice %add3A_1563 {offsets = [0, 0], sizes = [8, 4], strides = [1, 1]} : vector<8x128xi32> to vector<8x4xi32>
    %concatenate3A_1609 = tpu.concatenate %slice3A_1607, %slice3A_1608 in 1 : vector<8x124xi32>, vector<8x4xi32> -> vector<8x128xi32>
    %eq3A_1610 = arith.cmpi eq, %concatenate3A_1609, %iota3A : vector<8x128xi32>
    %slice3A_1611 = vector.extract_strided_slice %mul3A_35 {offsets = [0, 4], sizes = [8, 124], strides = [1, 1]} : vector<8x128xf32> to vector<8x124xf32>
    %slice3A_1612 = vector.extract_strided_slice %mul3A_35 {offsets = [0, 0], sizes = [8, 4], strides = [1, 1]} : vector<8x128xf32> to vector<8x4xf32>
    %concatenate3A_1613 = tpu.concatenate %slice3A_1611, %slice3A_1612 in 1 : vector<8x124xf32>, vector<8x4xf32> -> vector<8x128xf32>
    %select_n3A_1614 = arith.select %eq3A_1610, %concatenate3A_1613, %select_n3A_1602 : vector<8x128xi1>, vector<8x128xf32>
    %slice3A_1615 = vector.extract_strided_slice %mul3A_42 {offsets = [0, 4], sizes = [8, 124], strides = [1, 1]} : vector<8x128xf32> to vector<8x124xf32>
    %slice3A_1616 = vector.extract_strided_slice %mul3A_42 {offsets = [0, 0], sizes = [8, 4], strides = [1, 1]} : vector<8x128xf32> to vector<8x4xf32>
    %concatenate3A_1617 = tpu.concatenate %slice3A_1615, %slice3A_1616 in 1 : vector<8x124xf32>, vector<8x4xf32> -> vector<8x128xf32>
    %select_n3A_1618 = arith.select %eq3A_1610, %concatenate3A_1617, %select_n3A_1606 : vector<8x128xi1>, vector<8x128xf32>
    %slice3A_1619 = vector.extract_strided_slice %add3A_1563 {offsets = [0, 5], sizes = [8, 123], strides = [1, 1]} : vector<8x128xi32> to vector<8x123xi32>
    %slice3A_1620 = vector.extract_strided_slice %add3A_1563 {offsets = [0, 0], sizes = [8, 5], strides = [1, 1]} : vector<8x128xi32> to vector<8x5xi32>
    %concatenate3A_1621 = tpu.concatenate %slice3A_1619, %slice3A_1620 in 1 : vector<8x123xi32>, vector<8x5xi32> -> vector<8x128xi32>
    %eq3A_1622 = arith.cmpi eq, %concatenate3A_1621, %iota3A : vector<8x128xi32>
    %slice3A_1623 = vector.extract_strided_slice %mul3A_35 {offsets = [0, 5], sizes = [8, 123], strides = [1, 1]} : vector<8x128xf32> to vector<8x123xf32>
    %slice3A_1624 = vector.extract_strided_slice %mul3A_35 {offsets = [0, 0], sizes = [8, 5], strides = [1, 1]} : vector<8x128xf32> to vector<8x5xf32>
    %concatenate3A_1625 = tpu.concatenate %slice3A_1623, %slice3A_1624 in 1 : vector<8x123xf32>, vector<8x5xf32> -> vector<8x128xf32>
    %select_n3A_1626 = arith.select %eq3A_1622, %concatenate3A_1625, %select_n3A_1614 : vector<8x128xi1>, vector<8x128xf32>
    %slice3A_1627 = vector.extract_strided_slice %mul3A_42 {offsets = [0, 5], sizes = [8, 123], strides = [1, 1]} : vector<8x128xf32> to vector<8x123xf32>
    %slice3A_1628 = vector.extract_strided_slice %mul3A_42 {offsets = [0, 0], sizes = [8, 5], strides = [1, 1]} : vector<8x128xf32> to vector<8x5xf32>
    %concatenate3A_1629 = tpu.concatenate %slice3A_1627, %slice3A_1628 in 1 : vector<8x123xf32>, vector<8x5xf32> -> vector<8x128xf32>
    %select_n3A_1630 = arith.select %eq3A_1622, %concatenate3A_1629, %select_n3A_1618 : vector<8x128xi1>, vector<8x128xf32>
    %slice3A_1631 = vector.extract_strided_slice %add3A_1563 {offsets = [0, 6], sizes = [8, 122], strides = [1, 1]} : vector<8x128xi32> to vector<8x122xi32>
    %slice3A_1632 = vector.extract_strided_slice %add3A_1563 {offsets = [0, 0], sizes = [8, 6], strides = [1, 1]} : vector<8x128xi32> to vector<8x6xi32>
    %concatenate3A_1633 = tpu.concatenate %slice3A_1631, %slice3A_1632 in 1 : vector<8x122xi32>, vector<8x6xi32> -> vector<8x128xi32>
    %eq3A_1634 = arith.cmpi eq, %concatenate3A_1633, %iota3A : vector<8x128xi32>
    %slice3A_1635 = vector.extract_strided_slice %mul3A_35 {offsets = [0, 6], sizes = [8, 122], strides = [1, 1]} : vector<8x128xf32> to vector<8x122xf32>
    %slice3A_1636 = vector.extract_strided_slice %mul3A_35 {offsets = [0, 0], sizes = [8, 6], strides = [1, 1]} : vector<8x128xf32> to vector<8x6xf32>
    %concatenate3A_1637 = tpu.concatenate %slice3A_1635, %slice3A_1636 in 1 : vector<8x122xf32>, vector<8x6xf32> -> vector<8x128xf32>
    %select_n3A_1638 = arith.select %eq3A_1634, %concatenate3A_1637, %select_n3A_1626 : vector<8x128xi1>, vector<8x128xf32>
    %slice3A_1639 = vector.extract_strided_slice %mul3A_42 {offsets = [0, 6], sizes = [8, 122], strides = [1, 1]} : vector<8x128xf32> to vector<8x122xf32>
    %slice3A_1640 = vector.extract_strided_slice %mul3A_42 {offsets = [0, 0], sizes = [8, 6], strides = [1, 1]} : vector<8x128xf32> to vector<8x6xf32>
    %concatenate3A_1641 = tpu.concatenate %slice3A_1639, %slice3A_1640 in 1 : vector<8x122xf32>, vector<8x6xf32> -> vector<8x128xf32>
    %select_n3A_1642 = arith.select %eq3A_1634, %concatenate3A_1641, %select_n3A_1630 : vector<8x128xi1>, vector<8x128xf32>
    %slice3A_1643 = vector.extract_strided_slice %add3A_1563 {offsets = [0, 7], sizes = [8, 121], strides = [1, 1]} : vector<8x128xi32> to vector<8x121xi32>
    %slice3A_1644 = vector.extract_strided_slice %add3A_1563 {offsets = [0, 0], sizes = [8, 7], strides = [1, 1]} : vector<8x128xi32> to vector<8x7xi32>
    %concatenate3A_1645 = tpu.concatenate %slice3A_1643, %slice3A_1644 in 1 : vector<8x121xi32>, vector<8x7xi32> -> vector<8x128xi32>
    %eq3A_1646 = arith.cmpi eq, %concatenate3A_1645, %iota3A : vector<8x128xi32>
    %slice3A_1647 = vector.extract_strided_slice %mul3A_35 {offsets = [0, 7], sizes = [8, 121], strides = [1, 1]} : vector<8x128xf32> to vector<8x121xf32>
    %slice3A_1648 = vector.extract_strided_slice %mul3A_35 {offsets = [0, 0], sizes = [8, 7], strides = [1, 1]} : vector<8x128xf32> to vector<8x7xf32>
    %concatenate3A_1649 = tpu.concatenate %slice3A_1647, %slice3A_1648 in 1 : vector<8x121xf32>, vector<8x7xf32> -> vector<8x128xf32>
    %select_n3A_1650 = arith.select %eq3A_1646, %concatenate3A_1649, %select_n3A_1638 : vector<8x128xi1>, vector<8x128xf32>
    %slice3A_1651 = vector.extract_strided_slice %mul3A_42 {offsets = [0, 7], sizes = [8, 121], strides = [1, 1]} : vector<8x128xf32> to vector<8x121xf32>
    %slice3A_1652 = vector.extract_strided_slice %mul3A_42 {offsets = [0, 0], sizes = [8, 7], strides = [1, 1]} : vector<8x128xf32> to vector<8x7xf32>
    %concatenate3A_1653 = tpu.concatenate %slice3A_1651, %slice3A_1652 in 1 : vector<8x121xf32>, vector<8x7xf32> -> vector<8x128xf32>
    %select_n3A_1654 = arith.select %eq3A_1646, %concatenate3A_1653, %select_n3A_1642 : vector<8x128xi1>, vector<8x128xf32>
    %slice3A_1655 = vector.extract_strided_slice %add3A_1563 {offsets = [0, 8], sizes = [8, 120], strides = [1, 1]} : vector<8x128xi32> to vector<8x120xi32>
    %slice3A_1656 = vector.extract_strided_slice %add3A_1563 {offsets = [0, 0], sizes = [8, 8], strides = [1, 1]} : vector<8x128xi32> to vector<8x8xi32>
    %concatenate3A_1657 = tpu.concatenate %slice3A_1655, %slice3A_1656 in 1 : vector<8x120xi32>, vector<8x8xi32> -> vector<8x128xi32>
    %eq3A_1658 = arith.cmpi eq, %concatenate3A_1657, %iota3A : vector<8x128xi32>
    %slice3A_1659 = vector.extract_strided_slice %mul3A_35 {offsets = [0, 8], sizes = [8, 120], strides = [1, 1]} : vector<8x128xf32> to vector<8x120xf32>
    %slice3A_1660 = vector.extract_strided_slice %mul3A_35 {offsets = [0, 0], sizes = [8, 8], strides = [1, 1]} : vector<8x128xf32> to vector<8x8xf32>
    %concatenate3A_1661 = tpu.concatenate %slice3A_1659, %slice3A_1660 in 1 : vector<8x120xf32>, vector<8x8xf32> -> vector<8x128xf32>
    %select_n3A_1662 = arith.select %eq3A_1658, %concatenate3A_1661, %select_n3A_1650 : vector<8x128xi1>, vector<8x128xf32>
    %slice3A_1663 = vector.extract_strided_slice %mul3A_42 {offsets = [0, 8], sizes = [8, 120], strides = [1, 1]} : vector<8x128xf32> to vector<8x120xf32>
    %slice3A_1664 = vector.extract_strided_slice %mul3A_42 {offsets = [0, 0], sizes = [8, 8], strides = [1, 1]} : vector<8x128xf32> to vector<8x8xf32>
    %concatenate3A_1665 = tpu.concatenate %slice3A_1663, %slice3A_1664 in 1 : vector<8x120xf32>, vector<8x8xf32> -> vector<8x128xf32>
    %select_n3A_1666 = arith.select %eq3A_1658, %concatenate3A_1665, %select_n3A_1654 : vector<8x128xi1>, vector<8x128xf32>
    %slice3A_1667 = vector.extract_strided_slice %add3A_1563 {offsets = [0, 9], sizes = [8, 119], strides = [1, 1]} : vector<8x128xi32> to vector<8x119xi32>
    %slice3A_1668 = vector.extract_strided_slice %add3A_1563 {offsets = [0, 0], sizes = [8, 9], strides = [1, 1]} : vector<8x128xi32> to vector<8x9xi32>
    %concatenate3A_1669 = tpu.concatenate %slice3A_1667, %slice3A_1668 in 1 : vector<8x119xi32>, vector<8x9xi32> -> vector<8x128xi32>
    %eq3A_1670 = arith.cmpi eq, %concatenate3A_1669, %iota3A : vector<8x128xi32>
    %slice3A_1671 = vector.extract_strided_slice %mul3A_35 {offsets = [0, 9], sizes = [8, 119], strides = [1, 1]} : vector<8x128xf32> to vector<8x119xf32>
    %slice3A_1672 = vector.extract_strided_slice %mul3A_35 {offsets = [0, 0], sizes = [8, 9], strides = [1, 1]} : vector<8x128xf32> to vector<8x9xf32>
    %concatenate3A_1673 = tpu.concatenate %slice3A_1671, %slice3A_1672 in 1 : vector<8x119xf32>, vector<8x9xf32> -> vector<8x128xf32>
    %select_n3A_1674 = arith.select %eq3A_1670, %concatenate3A_1673, %select_n3A_1662 : vector<8x128xi1>, vector<8x128xf32>
    %slice3A_1675 = vector.extract_strided_slice %mul3A_42 {offsets = [0, 9], sizes = [8, 119], strides = [1, 1]} : vector<8x128xf32> to vector<8x119xf32>
    %slice3A_1676 = vector.extract_strided_slice %mul3A_42 {offsets = [0, 0], sizes = [8, 9], strides = [1, 1]} : vector<8x128xf32> to vector<8x9xf32>
    %concatenate3A_1677 = tpu.concatenate %slice3A_1675, %slice3A_1676 in 1 : vector<8x119xf32>, vector<8x9xf32> -> vector<8x128xf32>
    %select_n3A_1678 = arith.select %eq3A_1670, %concatenate3A_1677, %select_n3A_1666 : vector<8x128xi1>, vector<8x128xf32>
    %slice3A_1679 = vector.extract_strided_slice %add3A_1563 {offsets = [0, 10], sizes = [8, 118], strides = [1, 1]} : vector<8x128xi32> to vector<8x118xi32>
    %slice3A_1680 = vector.extract_strided_slice %add3A_1563 {offsets = [0, 0], sizes = [8, 10], strides = [1, 1]} : vector<8x128xi32> to vector<8x10xi32>
    %concatenate3A_1681 = tpu.concatenate %slice3A_1679, %slice3A_1680 in 1 : vector<8x118xi32>, vector<8x10xi32> -> vector<8x128xi32>
    %eq3A_1682 = arith.cmpi eq, %concatenate3A_1681, %iota3A : vector<8x128xi32>
    %slice3A_1683 = vector.extract_strided_slice %mul3A_35 {offsets = [0, 10], sizes = [8, 118], strides = [1, 1]} : vector<8x128xf32> to vector<8x118xf32>
    %slice3A_1684 = vector.extract_strided_slice %mul3A_35 {offsets = [0, 0], sizes = [8, 10], strides = [1, 1]} : vector<8x128xf32> to vector<8x10xf32>
    %concatenate3A_1685 = tpu.concatenate %slice3A_1683, %slice3A_1684 in 1 : vector<8x118xf32>, vector<8x10xf32> -> vector<8x128xf32>
    %select_n3A_1686 = arith.select %eq3A_1682, %concatenate3A_1685, %select_n3A_1674 : vector<8x128xi1>, vector<8x128xf32>
    %slice3A_1687 = vector.extract_strided_slice %mul3A_42 {offsets = [0, 10], sizes = [8, 118], strides = [1, 1]} : vector<8x128xf32> to vector<8x118xf32>
    %slice3A_1688 = vector.extract_strided_slice %mul3A_42 {offsets = [0, 0], sizes = [8, 10], strides = [1, 1]} : vector<8x128xf32> to vector<8x10xf32>
    %concatenate3A_1689 = tpu.concatenate %slice3A_1687, %slice3A_1688 in 1 : vector<8x118xf32>, vector<8x10xf32> -> vector<8x128xf32>
    %select_n3A_1690 = arith.select %eq3A_1682, %concatenate3A_1689, %select_n3A_1678 : vector<8x128xi1>, vector<8x128xf32>
    %slice3A_1691 = vector.extract_strided_slice %add3A_1563 {offsets = [0, 11], sizes = [8, 117], strides = [1, 1]} : vector<8x128xi32> to vector<8x117xi32>
    %slice3A_1692 = vector.extract_strided_slice %add3A_1563 {offsets = [0, 0], sizes = [8, 11], strides = [1, 1]} : vector<8x128xi32> to vector<8x11xi32>
    %concatenate3A_1693 = tpu.concatenate %slice3A_1691, %slice3A_1692 in 1 : vector<8x117xi32>, vector<8x11xi32> -> vector<8x128xi32>
    %eq3A_1694 = arith.cmpi eq, %concatenate3A_1693, %iota3A : vector<8x128xi32>
    %slice3A_1695 = vector.extract_strided_slice %mul3A_35 {offsets = [0, 11], sizes = [8, 117], strides = [1, 1]} : vector<8x128xf32> to vector<8x117xf32>
    %slice3A_1696 = vector.extract_strided_slice %mul3A_35 {offsets = [0, 0], sizes = [8, 11], strides = [1, 1]} : vector<8x128xf32> to vector<8x11xf32>
    %concatenate3A_1697 = tpu.concatenate %slice3A_1695, %slice3A_1696 in 1 : vector<8x117xf32>, vector<8x11xf32> -> vector<8x128xf32>
    %select_n3A_1698 = arith.select %eq3A_1694, %concatenate3A_1697, %select_n3A_1686 : vector<8x128xi1>, vector<8x128xf32>
    %slice3A_1699 = vector.extract_strided_slice %mul3A_42 {offsets = [0, 11], sizes = [8, 117], strides = [1, 1]} : vector<8x128xf32> to vector<8x117xf32>
    %slice3A_1700 = vector.extract_strided_slice %mul3A_42 {offsets = [0, 0], sizes = [8, 11], strides = [1, 1]} : vector<8x128xf32> to vector<8x11xf32>
    %concatenate3A_1701 = tpu.concatenate %slice3A_1699, %slice3A_1700 in 1 : vector<8x117xf32>, vector<8x11xf32> -> vector<8x128xf32>
    %select_n3A_1702 = arith.select %eq3A_1694, %concatenate3A_1701, %select_n3A_1690 : vector<8x128xi1>, vector<8x128xf32>
    %slice3A_1703 = vector.extract_strided_slice %add3A_1563 {offsets = [0, 12], sizes = [8, 116], strides = [1, 1]} : vector<8x128xi32> to vector<8x116xi32>
    %slice3A_1704 = vector.extract_strided_slice %add3A_1563 {offsets = [0, 0], sizes = [8, 12], strides = [1, 1]} : vector<8x128xi32> to vector<8x12xi32>
    %concatenate3A_1705 = tpu.concatenate %slice3A_1703, %slice3A_1704 in 1 : vector<8x116xi32>, vector<8x12xi32> -> vector<8x128xi32>
    %eq3A_1706 = arith.cmpi eq, %concatenate3A_1705, %iota3A : vector<8x128xi32>
    %slice3A_1707 = vector.extract_strided_slice %mul3A_35 {offsets = [0, 12], sizes = [8, 116], strides = [1, 1]} : vector<8x128xf32> to vector<8x116xf32>
    %slice3A_1708 = vector.extract_strided_slice %mul3A_35 {offsets = [0, 0], sizes = [8, 12], strides = [1, 1]} : vector<8x128xf32> to vector<8x12xf32>
    %concatenate3A_1709 = tpu.concatenate %slice3A_1707, %slice3A_1708 in 1 : vector<8x116xf32>, vector<8x12xf32> -> vector<8x128xf32>
    %select_n3A_1710 = arith.select %eq3A_1706, %concatenate3A_1709, %select_n3A_1698 : vector<8x128xi1>, vector<8x128xf32>
    %slice3A_1711 = vector.extract_strided_slice %mul3A_42 {offsets = [0, 12], sizes = [8, 116], strides = [1, 1]} : vector<8x128xf32> to vector<8x116xf32>
    %slice3A_1712 = vector.extract_strided_slice %mul3A_42 {offsets = [0, 0], sizes = [8, 12], strides = [1, 1]} : vector<8x128xf32> to vector<8x12xf32>
    %concatenate3A_1713 = tpu.concatenate %slice3A_1711, %slice3A_1712 in 1 : vector<8x116xf32>, vector<8x12xf32> -> vector<8x128xf32>
    %select_n3A_1714 = arith.select %eq3A_1706, %concatenate3A_1713, %select_n3A_1702 : vector<8x128xi1>, vector<8x128xf32>
    %slice3A_1715 = vector.extract_strided_slice %add3A_1563 {offsets = [0, 13], sizes = [8, 115], strides = [1, 1]} : vector<8x128xi32> to vector<8x115xi32>
    %slice3A_1716 = vector.extract_strided_slice %add3A_1563 {offsets = [0, 0], sizes = [8, 13], strides = [1, 1]} : vector<8x128xi32> to vector<8x13xi32>
    %concatenate3A_1717 = tpu.concatenate %slice3A_1715, %slice3A_1716 in 1 : vector<8x115xi32>, vector<8x13xi32> -> vector<8x128xi32>
    %eq3A_1718 = arith.cmpi eq, %concatenate3A_1717, %iota3A : vector<8x128xi32>
    %slice3A_1719 = vector.extract_strided_slice %mul3A_35 {offsets = [0, 13], sizes = [8, 115], strides = [1, 1]} : vector<8x128xf32> to vector<8x115xf32>
    %slice3A_1720 = vector.extract_strided_slice %mul3A_35 {offsets = [0, 0], sizes = [8, 13], strides = [1, 1]} : vector<8x128xf32> to vector<8x13xf32>
    %concatenate3A_1721 = tpu.concatenate %slice3A_1719, %slice3A_1720 in 1 : vector<8x115xf32>, vector<8x13xf32> -> vector<8x128xf32>
    %select_n3A_1722 = arith.select %eq3A_1718, %concatenate3A_1721, %select_n3A_1710 : vector<8x128xi1>, vector<8x128xf32>
    %slice3A_1723 = vector.extract_strided_slice %mul3A_42 {offsets = [0, 13], sizes = [8, 115], strides = [1, 1]} : vector<8x128xf32> to vector<8x115xf32>
    %slice3A_1724 = vector.extract_strided_slice %mul3A_42 {offsets = [0, 0], sizes = [8, 13], strides = [1, 1]} : vector<8x128xf32> to vector<8x13xf32>
    %concatenate3A_1725 = tpu.concatenate %slice3A_1723, %slice3A_1724 in 1 : vector<8x115xf32>, vector<8x13xf32> -> vector<8x128xf32>
    %select_n3A_1726 = arith.select %eq3A_1718, %concatenate3A_1725, %select_n3A_1714 : vector<8x128xi1>, vector<8x128xf32>
    %slice3A_1727 = vector.extract_strided_slice %add3A_1563 {offsets = [0, 14], sizes = [8, 114], strides = [1, 1]} : vector<8x128xi32> to vector<8x114xi32>
    %slice3A_1728 = vector.extract_strided_slice %add3A_1563 {offsets = [0, 0], sizes = [8, 14], strides = [1, 1]} : vector<8x128xi32> to vector<8x14xi32>
    %concatenate3A_1729 = tpu.concatenate %slice3A_1727, %slice3A_1728 in 1 : vector<8x114xi32>, vector<8x14xi32> -> vector<8x128xi32>
    %eq3A_1730 = arith.cmpi eq, %concatenate3A_1729, %iota3A : vector<8x128xi32>
    %slice3A_1731 = vector.extract_strided_slice %mul3A_35 {offsets = [0, 14], sizes = [8, 114], strides = [1, 1]} : vector<8x128xf32> to vector<8x114xf32>
    %slice3A_1732 = vector.extract_strided_slice %mul3A_35 {offsets = [0, 0], sizes = [8, 14], strides = [1, 1]} : vector<8x128xf32> to vector<8x14xf32>
    %concatenate3A_1733 = tpu.concatenate %slice3A_1731, %slice3A_1732 in 1 : vector<8x114xf32>, vector<8x14xf32> -> vector<8x128xf32>
    %select_n3A_1734 = arith.select %eq3A_1730, %concatenate3A_1733, %select_n3A_1722 : vector<8x128xi1>, vector<8x128xf32>
    %slice3A_1735 = vector.extract_strided_slice %mul3A_42 {offsets = [0, 14], sizes = [8, 114], strides = [1, 1]} : vector<8x128xf32> to vector<8x114xf32>
    %slice3A_1736 = vector.extract_strided_slice %mul3A_42 {offsets = [0, 0], sizes = [8, 14], strides = [1, 1]} : vector<8x128xf32> to vector<8x14xf32>
    %concatenate3A_1737 = tpu.concatenate %slice3A_1735, %slice3A_1736 in 1 : vector<8x114xf32>, vector<8x14xf32> -> vector<8x128xf32>
    %select_n3A_1738 = arith.select %eq3A_1730, %concatenate3A_1737, %select_n3A_1726 : vector<8x128xi1>, vector<8x128xf32>
    %slice3A_1739 = vector.extract_strided_slice %add3A_1563 {offsets = [0, 15], sizes = [8, 113], strides = [1, 1]} : vector<8x128xi32> to vector<8x113xi32>
    %slice3A_1740 = vector.extract_strided_slice %add3A_1563 {offsets = [0, 0], sizes = [8, 15], strides = [1, 1]} : vector<8x128xi32> to vector<8x15xi32>
    %concatenate3A_1741 = tpu.concatenate %slice3A_1739, %slice3A_1740 in 1 : vector<8x113xi32>, vector<8x15xi32> -> vector<8x128xi32>
    %eq3A_1742 = arith.cmpi eq, %concatenate3A_1741, %iota3A : vector<8x128xi32>
    %slice3A_1743 = vector.extract_strided_slice %mul3A_35 {offsets = [0, 15], sizes = [8, 113], strides = [1, 1]} : vector<8x128xf32> to vector<8x113xf32>
    %slice3A_1744 = vector.extract_strided_slice %mul3A_35 {offsets = [0, 0], sizes = [8, 15], strides = [1, 1]} : vector<8x128xf32> to vector<8x15xf32>
    %concatenate3A_1745 = tpu.concatenate %slice3A_1743, %slice3A_1744 in 1 : vector<8x113xf32>, vector<8x15xf32> -> vector<8x128xf32>
    %select_n3A_1746 = arith.select %eq3A_1742, %concatenate3A_1745, %select_n3A_1734 : vector<8x128xi1>, vector<8x128xf32>
    %slice3A_1747 = vector.extract_strided_slice %mul3A_42 {offsets = [0, 15], sizes = [8, 113], strides = [1, 1]} : vector<8x128xf32> to vector<8x113xf32>
    %slice3A_1748 = vector.extract_strided_slice %mul3A_42 {offsets = [0, 0], sizes = [8, 15], strides = [1, 1]} : vector<8x128xf32> to vector<8x15xf32>
    %concatenate3A_1749 = tpu.concatenate %slice3A_1747, %slice3A_1748 in 1 : vector<8x113xf32>, vector<8x15xf32> -> vector<8x128xf32>
    %select_n3A_1750 = arith.select %eq3A_1742, %concatenate3A_1749, %select_n3A_1738 : vector<8x128xi1>, vector<8x128xf32>
    %slice3A_1751 = vector.extract_strided_slice %add3A_1563 {offsets = [0, 16], sizes = [8, 112], strides = [1, 1]} : vector<8x128xi32> to vector<8x112xi32>
    %slice3A_1752 = vector.extract_strided_slice %add3A_1563 {offsets = [0, 0], sizes = [8, 16], strides = [1, 1]} : vector<8x128xi32> to vector<8x16xi32>
    %concatenate3A_1753 = tpu.concatenate %slice3A_1751, %slice3A_1752 in 1 : vector<8x112xi32>, vector<8x16xi32> -> vector<8x128xi32>
    %eq3A_1754 = arith.cmpi eq, %concatenate3A_1753, %iota3A : vector<8x128xi32>
    %slice3A_1755 = vector.extract_strided_slice %mul3A_35 {offsets = [0, 16], sizes = [8, 112], strides = [1, 1]} : vector<8x128xf32> to vector<8x112xf32>
    %slice3A_1756 = vector.extract_strided_slice %mul3A_35 {offsets = [0, 0], sizes = [8, 16], strides = [1, 1]} : vector<8x128xf32> to vector<8x16xf32>
    %concatenate3A_1757 = tpu.concatenate %slice3A_1755, %slice3A_1756 in 1 : vector<8x112xf32>, vector<8x16xf32> -> vector<8x128xf32>
    %select_n3A_1758 = arith.select %eq3A_1754, %concatenate3A_1757, %select_n3A_1746 : vector<8x128xi1>, vector<8x128xf32>
    %slice3A_1759 = vector.extract_strided_slice %mul3A_42 {offsets = [0, 16], sizes = [8, 112], strides = [1, 1]} : vector<8x128xf32> to vector<8x112xf32>
    %slice3A_1760 = vector.extract_strided_slice %mul3A_42 {offsets = [0, 0], sizes = [8, 16], strides = [1, 1]} : vector<8x128xf32> to vector<8x16xf32>
    %concatenate3A_1761 = tpu.concatenate %slice3A_1759, %slice3A_1760 in 1 : vector<8x112xf32>, vector<8x16xf32> -> vector<8x128xf32>
    %select_n3A_1762 = arith.select %eq3A_1754, %concatenate3A_1761, %select_n3A_1750 : vector<8x128xi1>, vector<8x128xf32>
    %slice3A_1763 = vector.extract_strided_slice %add3A_1563 {offsets = [0, 17], sizes = [8, 111], strides = [1, 1]} : vector<8x128xi32> to vector<8x111xi32>
    %slice3A_1764 = vector.extract_strided_slice %add3A_1563 {offsets = [0, 0], sizes = [8, 17], strides = [1, 1]} : vector<8x128xi32> to vector<8x17xi32>
    %concatenate3A_1765 = tpu.concatenate %slice3A_1763, %slice3A_1764 in 1 : vector<8x111xi32>, vector<8x17xi32> -> vector<8x128xi32>
    %eq3A_1766 = arith.cmpi eq, %concatenate3A_1765, %iota3A : vector<8x128xi32>
    %slice3A_1767 = vector.extract_strided_slice %mul3A_35 {offsets = [0, 17], sizes = [8, 111], strides = [1, 1]} : vector<8x128xf32> to vector<8x111xf32>
    %slice3A_1768 = vector.extract_strided_slice %mul3A_35 {offsets = [0, 0], sizes = [8, 17], strides = [1, 1]} : vector<8x128xf32> to vector<8x17xf32>
    %concatenate3A_1769 = tpu.concatenate %slice3A_1767, %slice3A_1768 in 1 : vector<8x111xf32>, vector<8x17xf32> -> vector<8x128xf32>
    %select_n3A_1770 = arith.select %eq3A_1766, %concatenate3A_1769, %select_n3A_1758 : vector<8x128xi1>, vector<8x128xf32>
    %slice3A_1771 = vector.extract_strided_slice %mul3A_42 {offsets = [0, 17], sizes = [8, 111], strides = [1, 1]} : vector<8x128xf32> to vector<8x111xf32>
    %slice3A_1772 = vector.extract_strided_slice %mul3A_42 {offsets = [0, 0], sizes = [8, 17], strides = [1, 1]} : vector<8x128xf32> to vector<8x17xf32>
    %concatenate3A_1773 = tpu.concatenate %slice3A_1771, %slice3A_1772 in 1 : vector<8x111xf32>, vector<8x17xf32> -> vector<8x128xf32>
    %select_n3A_1774 = arith.select %eq3A_1766, %concatenate3A_1773, %select_n3A_1762 : vector<8x128xi1>, vector<8x128xf32>
    %slice3A_1775 = vector.extract_strided_slice %add3A_1563 {offsets = [0, 18], sizes = [8, 110], strides = [1, 1]} : vector<8x128xi32> to vector<8x110xi32>
    %slice3A_1776 = vector.extract_strided_slice %add3A_1563 {offsets = [0, 0], sizes = [8, 18], strides = [1, 1]} : vector<8x128xi32> to vector<8x18xi32>
    %concatenate3A_1777 = tpu.concatenate %slice3A_1775, %slice3A_1776 in 1 : vector<8x110xi32>, vector<8x18xi32> -> vector<8x128xi32>
    %eq3A_1778 = arith.cmpi eq, %concatenate3A_1777, %iota3A : vector<8x128xi32>
    %slice3A_1779 = vector.extract_strided_slice %mul3A_35 {offsets = [0, 18], sizes = [8, 110], strides = [1, 1]} : vector<8x128xf32> to vector<8x110xf32>
    %slice3A_1780 = vector.extract_strided_slice %mul3A_35 {offsets = [0, 0], sizes = [8, 18], strides = [1, 1]} : vector<8x128xf32> to vector<8x18xf32>
    %concatenate3A_1781 = tpu.concatenate %slice3A_1779, %slice3A_1780 in 1 : vector<8x110xf32>, vector<8x18xf32> -> vector<8x128xf32>
    %select_n3A_1782 = arith.select %eq3A_1778, %concatenate3A_1781, %select_n3A_1770 : vector<8x128xi1>, vector<8x128xf32>
    %slice3A_1783 = vector.extract_strided_slice %mul3A_42 {offsets = [0, 18], sizes = [8, 110], strides = [1, 1]} : vector<8x128xf32> to vector<8x110xf32>
    %slice3A_1784 = vector.extract_strided_slice %mul3A_42 {offsets = [0, 0], sizes = [8, 18], strides = [1, 1]} : vector<8x128xf32> to vector<8x18xf32>
    %concatenate3A_1785 = tpu.concatenate %slice3A_1783, %slice3A_1784 in 1 : vector<8x110xf32>, vector<8x18xf32> -> vector<8x128xf32>
    %select_n3A_1786 = arith.select %eq3A_1778, %concatenate3A_1785, %select_n3A_1774 : vector<8x128xi1>, vector<8x128xf32>
    %slice3A_1787 = vector.extract_strided_slice %add3A_1563 {offsets = [0, 19], sizes = [8, 109], strides = [1, 1]} : vector<8x128xi32> to vector<8x109xi32>
    %slice3A_1788 = vector.extract_strided_slice %add3A_1563 {offsets = [0, 0], sizes = [8, 19], strides = [1, 1]} : vector<8x128xi32> to vector<8x19xi32>
    %concatenate3A_1789 = tpu.concatenate %slice3A_1787, %slice3A_1788 in 1 : vector<8x109xi32>, vector<8x19xi32> -> vector<8x128xi32>
    %eq3A_1790 = arith.cmpi eq, %concatenate3A_1789, %iota3A : vector<8x128xi32>
    %slice3A_1791 = vector.extract_strided_slice %mul3A_35 {offsets = [0, 19], sizes = [8, 109], strides = [1, 1]} : vector<8x128xf32> to vector<8x109xf32>
    %slice3A_1792 = vector.extract_strided_slice %mul3A_35 {offsets = [0, 0], sizes = [8, 19], strides = [1, 1]} : vector<8x128xf32> to vector<8x19xf32>
    %concatenate3A_1793 = tpu.concatenate %slice3A_1791, %slice3A_1792 in 1 : vector<8x109xf32>, vector<8x19xf32> -> vector<8x128xf32>
    %select_n3A_1794 = arith.select %eq3A_1790, %concatenate3A_1793, %select_n3A_1782 : vector<8x128xi1>, vector<8x128xf32>
    %slice3A_1795 = vector.extract_strided_slice %mul3A_42 {offsets = [0, 19], sizes = [8, 109], strides = [1, 1]} : vector<8x128xf32> to vector<8x109xf32>
    %slice3A_1796 = vector.extract_strided_slice %mul3A_42 {offsets = [0, 0], sizes = [8, 19], strides = [1, 1]} : vector<8x128xf32> to vector<8x19xf32>
    %concatenate3A_1797 = tpu.concatenate %slice3A_1795, %slice3A_1796 in 1 : vector<8x109xf32>, vector<8x19xf32> -> vector<8x128xf32>
    %select_n3A_1798 = arith.select %eq3A_1790, %concatenate3A_1797, %select_n3A_1786 : vector<8x128xi1>, vector<8x128xf32>
    %slice3A_1799 = vector.extract_strided_slice %add3A_1563 {offsets = [0, 20], sizes = [8, 108], strides = [1, 1]} : vector<8x128xi32> to vector<8x108xi32>
    %slice3A_1800 = vector.extract_strided_slice %add3A_1563 {offsets = [0, 0], sizes = [8, 20], strides = [1, 1]} : vector<8x128xi32> to vector<8x20xi32>
    %concatenate3A_1801 = tpu.concatenate %slice3A_1799, %slice3A_1800 in 1 : vector<8x108xi32>, vector<8x20xi32> -> vector<8x128xi32>
    %eq3A_1802 = arith.cmpi eq, %concatenate3A_1801, %iota3A : vector<8x128xi32>
    %slice3A_1803 = vector.extract_strided_slice %mul3A_35 {offsets = [0, 20], sizes = [8, 108], strides = [1, 1]} : vector<8x128xf32> to vector<8x108xf32>
    %slice3A_1804 = vector.extract_strided_slice %mul3A_35 {offsets = [0, 0], sizes = [8, 20], strides = [1, 1]} : vector<8x128xf32> to vector<8x20xf32>
    %concatenate3A_1805 = tpu.concatenate %slice3A_1803, %slice3A_1804 in 1 : vector<8x108xf32>, vector<8x20xf32> -> vector<8x128xf32>
    %select_n3A_1806 = arith.select %eq3A_1802, %concatenate3A_1805, %select_n3A_1794 : vector<8x128xi1>, vector<8x128xf32>
    %slice3A_1807 = vector.extract_strided_slice %mul3A_42 {offsets = [0, 20], sizes = [8, 108], strides = [1, 1]} : vector<8x128xf32> to vector<8x108xf32>
    %slice3A_1808 = vector.extract_strided_slice %mul3A_42 {offsets = [0, 0], sizes = [8, 20], strides = [1, 1]} : vector<8x128xf32> to vector<8x20xf32>
    %concatenate3A_1809 = tpu.concatenate %slice3A_1807, %slice3A_1808 in 1 : vector<8x108xf32>, vector<8x20xf32> -> vector<8x128xf32>
    %select_n3A_1810 = arith.select %eq3A_1802, %concatenate3A_1809, %select_n3A_1798 : vector<8x128xi1>, vector<8x128xf32>
    %slice3A_1811 = vector.extract_strided_slice %add3A_1563 {offsets = [0, 21], sizes = [8, 107], strides = [1, 1]} : vector<8x128xi32> to vector<8x107xi32>
    %slice3A_1812 = vector.extract_strided_slice %add3A_1563 {offsets = [0, 0], sizes = [8, 21], strides = [1, 1]} : vector<8x128xi32> to vector<8x21xi32>
    %concatenate3A_1813 = tpu.concatenate %slice3A_1811, %slice3A_1812 in 1 : vector<8x107xi32>, vector<8x21xi32> -> vector<8x128xi32>
    %eq3A_1814 = arith.cmpi eq, %concatenate3A_1813, %iota3A : vector<8x128xi32>
    %slice3A_1815 = vector.extract_strided_slice %mul3A_35 {offsets = [0, 21], sizes = [8, 107], strides = [1, 1]} : vector<8x128xf32> to vector<8x107xf32>
    %slice3A_1816 = vector.extract_strided_slice %mul3A_35 {offsets = [0, 0], sizes = [8, 21], strides = [1, 1]} : vector<8x128xf32> to vector<8x21xf32>
    %concatenate3A_1817 = tpu.concatenate %slice3A_1815, %slice3A_1816 in 1 : vector<8x107xf32>, vector<8x21xf32> -> vector<8x128xf32>
    %select_n3A_1818 = arith.select %eq3A_1814, %concatenate3A_1817, %select_n3A_1806 : vector<8x128xi1>, vector<8x128xf32>
    %slice3A_1819 = vector.extract_strided_slice %mul3A_42 {offsets = [0, 21], sizes = [8, 107], strides = [1, 1]} : vector<8x128xf32> to vector<8x107xf32>
    %slice3A_1820 = vector.extract_strided_slice %mul3A_42 {offsets = [0, 0], sizes = [8, 21], strides = [1, 1]} : vector<8x128xf32> to vector<8x21xf32>
    %concatenate3A_1821 = tpu.concatenate %slice3A_1819, %slice3A_1820 in 1 : vector<8x107xf32>, vector<8x21xf32> -> vector<8x128xf32>
    %select_n3A_1822 = arith.select %eq3A_1814, %concatenate3A_1821, %select_n3A_1810 : vector<8x128xi1>, vector<8x128xf32>
    %slice3A_1823 = vector.extract_strided_slice %add3A_1563 {offsets = [0, 22], sizes = [8, 106], strides = [1, 1]} : vector<8x128xi32> to vector<8x106xi32>
    %slice3A_1824 = vector.extract_strided_slice %add3A_1563 {offsets = [0, 0], sizes = [8, 22], strides = [1, 1]} : vector<8x128xi32> to vector<8x22xi32>
    %concatenate3A_1825 = tpu.concatenate %slice3A_1823, %slice3A_1824 in 1 : vector<8x106xi32>, vector<8x22xi32> -> vector<8x128xi32>
    %eq3A_1826 = arith.cmpi eq, %concatenate3A_1825, %iota3A : vector<8x128xi32>
    %slice3A_1827 = vector.extract_strided_slice %mul3A_35 {offsets = [0, 22], sizes = [8, 106], strides = [1, 1]} : vector<8x128xf32> to vector<8x106xf32>
    %slice3A_1828 = vector.extract_strided_slice %mul3A_35 {offsets = [0, 0], sizes = [8, 22], strides = [1, 1]} : vector<8x128xf32> to vector<8x22xf32>
    %concatenate3A_1829 = tpu.concatenate %slice3A_1827, %slice3A_1828 in 1 : vector<8x106xf32>, vector<8x22xf32> -> vector<8x128xf32>
    %select_n3A_1830 = arith.select %eq3A_1826, %concatenate3A_1829, %select_n3A_1818 : vector<8x128xi1>, vector<8x128xf32>
    %slice3A_1831 = vector.extract_strided_slice %mul3A_42 {offsets = [0, 22], sizes = [8, 106], strides = [1, 1]} : vector<8x128xf32> to vector<8x106xf32>
    %slice3A_1832 = vector.extract_strided_slice %mul3A_42 {offsets = [0, 0], sizes = [8, 22], strides = [1, 1]} : vector<8x128xf32> to vector<8x22xf32>
    %concatenate3A_1833 = tpu.concatenate %slice3A_1831, %slice3A_1832 in 1 : vector<8x106xf32>, vector<8x22xf32> -> vector<8x128xf32>
    %select_n3A_1834 = arith.select %eq3A_1826, %concatenate3A_1833, %select_n3A_1822 : vector<8x128xi1>, vector<8x128xf32>
    %slice3A_1835 = vector.extract_strided_slice %add3A_1563 {offsets = [0, 23], sizes = [8, 105], strides = [1, 1]} : vector<8x128xi32> to vector<8x105xi32>
    %slice3A_1836 = vector.extract_strided_slice %add3A_1563 {offsets = [0, 0], sizes = [8, 23], strides = [1, 1]} : vector<8x128xi32> to vector<8x23xi32>
    %concatenate3A_1837 = tpu.concatenate %slice3A_1835, %slice3A_1836 in 1 : vector<8x105xi32>, vector<8x23xi32> -> vector<8x128xi32>
    %eq3A_1838 = arith.cmpi eq, %concatenate3A_1837, %iota3A : vector<8x128xi32>
    %slice3A_1839 = vector.extract_strided_slice %mul3A_35 {offsets = [0, 23], sizes = [8, 105], strides = [1, 1]} : vector<8x128xf32> to vector<8x105xf32>
    %slice3A_1840 = vector.extract_strided_slice %mul3A_35 {offsets = [0, 0], sizes = [8, 23], strides = [1, 1]} : vector<8x128xf32> to vector<8x23xf32>
    %concatenate3A_1841 = tpu.concatenate %slice3A_1839, %slice3A_1840 in 1 : vector<8x105xf32>, vector<8x23xf32> -> vector<8x128xf32>
    %select_n3A_1842 = arith.select %eq3A_1838, %concatenate3A_1841, %select_n3A_1830 : vector<8x128xi1>, vector<8x128xf32>
    %slice3A_1843 = vector.extract_strided_slice %mul3A_42 {offsets = [0, 23], sizes = [8, 105], strides = [1, 1]} : vector<8x128xf32> to vector<8x105xf32>
    %slice3A_1844 = vector.extract_strided_slice %mul3A_42 {offsets = [0, 0], sizes = [8, 23], strides = [1, 1]} : vector<8x128xf32> to vector<8x23xf32>
    %concatenate3A_1845 = tpu.concatenate %slice3A_1843, %slice3A_1844 in 1 : vector<8x105xf32>, vector<8x23xf32> -> vector<8x128xf32>
    %select_n3A_1846 = arith.select %eq3A_1838, %concatenate3A_1845, %select_n3A_1834 : vector<8x128xi1>, vector<8x128xf32>
    %slice3A_1847 = vector.extract_strided_slice %add3A_1563 {offsets = [0, 24], sizes = [8, 104], strides = [1, 1]} : vector<8x128xi32> to vector<8x104xi32>
    %slice3A_1848 = vector.extract_strided_slice %add3A_1563 {offsets = [0, 0], sizes = [8, 24], strides = [1, 1]} : vector<8x128xi32> to vector<8x24xi32>
    %concatenate3A_1849 = tpu.concatenate %slice3A_1847, %slice3A_1848 in 1 : vector<8x104xi32>, vector<8x24xi32> -> vector<8x128xi32>
    %eq3A_1850 = arith.cmpi eq, %concatenate3A_1849, %iota3A : vector<8x128xi32>
    %slice3A_1851 = vector.extract_strided_slice %mul3A_35 {offsets = [0, 24], sizes = [8, 104], strides = [1, 1]} : vector<8x128xf32> to vector<8x104xf32>
    %slice3A_1852 = vector.extract_strided_slice %mul3A_35 {offsets = [0, 0], sizes = [8, 24], strides = [1, 1]} : vector<8x128xf32> to vector<8x24xf32>
    %concatenate3A_1853 = tpu.concatenate %slice3A_1851, %slice3A_1852 in 1 : vector<8x104xf32>, vector<8x24xf32> -> vector<8x128xf32>
    %select_n3A_1854 = arith.select %eq3A_1850, %concatenate3A_1853, %select_n3A_1842 : vector<8x128xi1>, vector<8x128xf32>
    %slice3A_1855 = vector.extract_strided_slice %mul3A_42 {offsets = [0, 24], sizes = [8, 104], strides = [1, 1]} : vector<8x128xf32> to vector<8x104xf32>
    %slice3A_1856 = vector.extract_strided_slice %mul3A_42 {offsets = [0, 0], sizes = [8, 24], strides = [1, 1]} : vector<8x128xf32> to vector<8x24xf32>
    %concatenate3A_1857 = tpu.concatenate %slice3A_1855, %slice3A_1856 in 1 : vector<8x104xf32>, vector<8x24xf32> -> vector<8x128xf32>
    %select_n3A_1858 = arith.select %eq3A_1850, %concatenate3A_1857, %select_n3A_1846 : vector<8x128xi1>, vector<8x128xf32>
    %slice3A_1859 = vector.extract_strided_slice %add3A_1563 {offsets = [0, 25], sizes = [8, 103], strides = [1, 1]} : vector<8x128xi32> to vector<8x103xi32>
    %slice3A_1860 = vector.extract_strided_slice %add3A_1563 {offsets = [0, 0], sizes = [8, 25], strides = [1, 1]} : vector<8x128xi32> to vector<8x25xi32>
    %concatenate3A_1861 = tpu.concatenate %slice3A_1859, %slice3A_1860 in 1 : vector<8x103xi32>, vector<8x25xi32> -> vector<8x128xi32>
    %eq3A_1862 = arith.cmpi eq, %concatenate3A_1861, %iota3A : vector<8x128xi32>
    %slice3A_1863 = vector.extract_strided_slice %mul3A_35 {offsets = [0, 25], sizes = [8, 103], strides = [1, 1]} : vector<8x128xf32> to vector<8x103xf32>
    %slice3A_1864 = vector.extract_strided_slice %mul3A_35 {offsets = [0, 0], sizes = [8, 25], strides = [1, 1]} : vector<8x128xf32> to vector<8x25xf32>
    %concatenate3A_1865 = tpu.concatenate %slice3A_1863, %slice3A_1864 in 1 : vector<8x103xf32>, vector<8x25xf32> -> vector<8x128xf32>
    %select_n3A_1866 = arith.select %eq3A_1862, %concatenate3A_1865, %select_n3A_1854 : vector<8x128xi1>, vector<8x128xf32>
    %slice3A_1867 = vector.extract_strided_slice %mul3A_42 {offsets = [0, 25], sizes = [8, 103], strides = [1, 1]} : vector<8x128xf32> to vector<8x103xf32>
    %slice3A_1868 = vector.extract_strided_slice %mul3A_42 {offsets = [0, 0], sizes = [8, 25], strides = [1, 1]} : vector<8x128xf32> to vector<8x25xf32>
    %concatenate3A_1869 = tpu.concatenate %slice3A_1867, %slice3A_1868 in 1 : vector<8x103xf32>, vector<8x25xf32> -> vector<8x128xf32>
    %select_n3A_1870 = arith.select %eq3A_1862, %concatenate3A_1869, %select_n3A_1858 : vector<8x128xi1>, vector<8x128xf32>
    %slice3A_1871 = vector.extract_strided_slice %add3A_1563 {offsets = [0, 26], sizes = [8, 102], strides = [1, 1]} : vector<8x128xi32> to vector<8x102xi32>
    %slice3A_1872 = vector.extract_strided_slice %add3A_1563 {offsets = [0, 0], sizes = [8, 26], strides = [1, 1]} : vector<8x128xi32> to vector<8x26xi32>
    %concatenate3A_1873 = tpu.concatenate %slice3A_1871, %slice3A_1872 in 1 : vector<8x102xi32>, vector<8x26xi32> -> vector<8x128xi32>
    %eq3A_1874 = arith.cmpi eq, %concatenate3A_1873, %iota3A : vector<8x128xi32>
    %slice3A_1875 = vector.extract_strided_slice %mul3A_35 {offsets = [0, 26], sizes = [8, 102], strides = [1, 1]} : vector<8x128xf32> to vector<8x102xf32>
    %slice3A_1876 = vector.extract_strided_slice %mul3A_35 {offsets = [0, 0], sizes = [8, 26], strides = [1, 1]} : vector<8x128xf32> to vector<8x26xf32>
    %concatenate3A_1877 = tpu.concatenate %slice3A_1875, %slice3A_1876 in 1 : vector<8x102xf32>, vector<8x26xf32> -> vector<8x128xf32>
    %select_n3A_1878 = arith.select %eq3A_1874, %concatenate3A_1877, %select_n3A_1866 : vector<8x128xi1>, vector<8x128xf32>
    %slice3A_1879 = vector.extract_strided_slice %mul3A_42 {offsets = [0, 26], sizes = [8, 102], strides = [1, 1]} : vector<8x128xf32> to vector<8x102xf32>
    %slice3A_1880 = vector.extract_strided_slice %mul3A_42 {offsets = [0, 0], sizes = [8, 26], strides = [1, 1]} : vector<8x128xf32> to vector<8x26xf32>
    %concatenate3A_1881 = tpu.concatenate %slice3A_1879, %slice3A_1880 in 1 : vector<8x102xf32>, vector<8x26xf32> -> vector<8x128xf32>
    %select_n3A_1882 = arith.select %eq3A_1874, %concatenate3A_1881, %select_n3A_1870 : vector<8x128xi1>, vector<8x128xf32>
    %slice3A_1883 = vector.extract_strided_slice %add3A_1563 {offsets = [0, 27], sizes = [8, 101], strides = [1, 1]} : vector<8x128xi32> to vector<8x101xi32>
    %slice3A_1884 = vector.extract_strided_slice %add3A_1563 {offsets = [0, 0], sizes = [8, 27], strides = [1, 1]} : vector<8x128xi32> to vector<8x27xi32>
    %concatenate3A_1885 = tpu.concatenate %slice3A_1883, %slice3A_1884 in 1 : vector<8x101xi32>, vector<8x27xi32> -> vector<8x128xi32>
    %eq3A_1886 = arith.cmpi eq, %concatenate3A_1885, %iota3A : vector<8x128xi32>
    %slice3A_1887 = vector.extract_strided_slice %mul3A_35 {offsets = [0, 27], sizes = [8, 101], strides = [1, 1]} : vector<8x128xf32> to vector<8x101xf32>
    %slice3A_1888 = vector.extract_strided_slice %mul3A_35 {offsets = [0, 0], sizes = [8, 27], strides = [1, 1]} : vector<8x128xf32> to vector<8x27xf32>
    %concatenate3A_1889 = tpu.concatenate %slice3A_1887, %slice3A_1888 in 1 : vector<8x101xf32>, vector<8x27xf32> -> vector<8x128xf32>
    %select_n3A_1890 = arith.select %eq3A_1886, %concatenate3A_1889, %select_n3A_1878 : vector<8x128xi1>, vector<8x128xf32>
    %slice3A_1891 = vector.extract_strided_slice %mul3A_42 {offsets = [0, 27], sizes = [8, 101], strides = [1, 1]} : vector<8x128xf32> to vector<8x101xf32>
    %slice3A_1892 = vector.extract_strided_slice %mul3A_42 {offsets = [0, 0], sizes = [8, 27], strides = [1, 1]} : vector<8x128xf32> to vector<8x27xf32>
    %concatenate3A_1893 = tpu.concatenate %slice3A_1891, %slice3A_1892 in 1 : vector<8x101xf32>, vector<8x27xf32> -> vector<8x128xf32>
    %select_n3A_1894 = arith.select %eq3A_1886, %concatenate3A_1893, %select_n3A_1882 : vector<8x128xi1>, vector<8x128xf32>
    %slice3A_1895 = vector.extract_strided_slice %add3A_1563 {offsets = [0, 28], sizes = [8, 100], strides = [1, 1]} : vector<8x128xi32> to vector<8x100xi32>
    %slice3A_1896 = vector.extract_strided_slice %add3A_1563 {offsets = [0, 0], sizes = [8, 28], strides = [1, 1]} : vector<8x128xi32> to vector<8x28xi32>
    %concatenate3A_1897 = tpu.concatenate %slice3A_1895, %slice3A_1896 in 1 : vector<8x100xi32>, vector<8x28xi32> -> vector<8x128xi32>
    %eq3A_1898 = arith.cmpi eq, %concatenate3A_1897, %iota3A : vector<8x128xi32>
    %slice3A_1899 = vector.extract_strided_slice %mul3A_35 {offsets = [0, 28], sizes = [8, 100], strides = [1, 1]} : vector<8x128xf32> to vector<8x100xf32>
    %slice3A_1900 = vector.extract_strided_slice %mul3A_35 {offsets = [0, 0], sizes = [8, 28], strides = [1, 1]} : vector<8x128xf32> to vector<8x28xf32>
    %concatenate3A_1901 = tpu.concatenate %slice3A_1899, %slice3A_1900 in 1 : vector<8x100xf32>, vector<8x28xf32> -> vector<8x128xf32>
    %select_n3A_1902 = arith.select %eq3A_1898, %concatenate3A_1901, %select_n3A_1890 : vector<8x128xi1>, vector<8x128xf32>
    %slice3A_1903 = vector.extract_strided_slice %mul3A_42 {offsets = [0, 28], sizes = [8, 100], strides = [1, 1]} : vector<8x128xf32> to vector<8x100xf32>
    %slice3A_1904 = vector.extract_strided_slice %mul3A_42 {offsets = [0, 0], sizes = [8, 28], strides = [1, 1]} : vector<8x128xf32> to vector<8x28xf32>
    %concatenate3A_1905 = tpu.concatenate %slice3A_1903, %slice3A_1904 in 1 : vector<8x100xf32>, vector<8x28xf32> -> vector<8x128xf32>
    %select_n3A_1906 = arith.select %eq3A_1898, %concatenate3A_1905, %select_n3A_1894 : vector<8x128xi1>, vector<8x128xf32>
    %slice3A_1907 = vector.extract_strided_slice %add3A_1563 {offsets = [0, 29], sizes = [8, 99], strides = [1, 1]} : vector<8x128xi32> to vector<8x99xi32>
    %slice3A_1908 = vector.extract_strided_slice %add3A_1563 {offsets = [0, 0], sizes = [8, 29], strides = [1, 1]} : vector<8x128xi32> to vector<8x29xi32>
    %concatenate3A_1909 = tpu.concatenate %slice3A_1907, %slice3A_1908 in 1 : vector<8x99xi32>, vector<8x29xi32> -> vector<8x128xi32>
    %eq3A_1910 = arith.cmpi eq, %concatenate3A_1909, %iota3A : vector<8x128xi32>
    %slice3A_1911 = vector.extract_strided_slice %mul3A_35 {offsets = [0, 29], sizes = [8, 99], strides = [1, 1]} : vector<8x128xf32> to vector<8x99xf32>
    %slice3A_1912 = vector.extract_strided_slice %mul3A_35 {offsets = [0, 0], sizes = [8, 29], strides = [1, 1]} : vector<8x128xf32> to vector<8x29xf32>
    %concatenate3A_1913 = tpu.concatenate %slice3A_1911, %slice3A_1912 in 1 : vector<8x99xf32>, vector<8x29xf32> -> vector<8x128xf32>
    %select_n3A_1914 = arith.select %eq3A_1910, %concatenate3A_1913, %select_n3A_1902 : vector<8x128xi1>, vector<8x128xf32>
    %slice3A_1915 = vector.extract_strided_slice %mul3A_42 {offsets = [0, 29], sizes = [8, 99], strides = [1, 1]} : vector<8x128xf32> to vector<8x99xf32>
    %slice3A_1916 = vector.extract_strided_slice %mul3A_42 {offsets = [0, 0], sizes = [8, 29], strides = [1, 1]} : vector<8x128xf32> to vector<8x29xf32>
    %concatenate3A_1917 = tpu.concatenate %slice3A_1915, %slice3A_1916 in 1 : vector<8x99xf32>, vector<8x29xf32> -> vector<8x128xf32>
    %select_n3A_1918 = arith.select %eq3A_1910, %concatenate3A_1917, %select_n3A_1906 : vector<8x128xi1>, vector<8x128xf32>
    %slice3A_1919 = vector.extract_strided_slice %add3A_1563 {offsets = [0, 30], sizes = [8, 98], strides = [1, 1]} : vector<8x128xi32> to vector<8x98xi32>
    %slice3A_1920 = vector.extract_strided_slice %add3A_1563 {offsets = [0, 0], sizes = [8, 30], strides = [1, 1]} : vector<8x128xi32> to vector<8x30xi32>
    %concatenate3A_1921 = tpu.concatenate %slice3A_1919, %slice3A_1920 in 1 : vector<8x98xi32>, vector<8x30xi32> -> vector<8x128xi32>
    %eq3A_1922 = arith.cmpi eq, %concatenate3A_1921, %iota3A : vector<8x128xi32>
    %slice3A_1923 = vector.extract_strided_slice %mul3A_35 {offsets = [0, 30], sizes = [8, 98], strides = [1, 1]} : vector<8x128xf32> to vector<8x98xf32>
    %slice3A_1924 = vector.extract_strided_slice %mul3A_35 {offsets = [0, 0], sizes = [8, 30], strides = [1, 1]} : vector<8x128xf32> to vector<8x30xf32>
    %concatenate3A_1925 = tpu.concatenate %slice3A_1923, %slice3A_1924 in 1 : vector<8x98xf32>, vector<8x30xf32> -> vector<8x128xf32>
    %select_n3A_1926 = arith.select %eq3A_1922, %concatenate3A_1925, %select_n3A_1914 : vector<8x128xi1>, vector<8x128xf32>
    %slice3A_1927 = vector.extract_strided_slice %mul3A_42 {offsets = [0, 30], sizes = [8, 98], strides = [1, 1]} : vector<8x128xf32> to vector<8x98xf32>
    %slice3A_1928 = vector.extract_strided_slice %mul3A_42 {offsets = [0, 0], sizes = [8, 30], strides = [1, 1]} : vector<8x128xf32> to vector<8x30xf32>
    %concatenate3A_1929 = tpu.concatenate %slice3A_1927, %slice3A_1928 in 1 : vector<8x98xf32>, vector<8x30xf32> -> vector<8x128xf32>
    %select_n3A_1930 = arith.select %eq3A_1922, %concatenate3A_1929, %select_n3A_1918 : vector<8x128xi1>, vector<8x128xf32>
    %slice3A_1931 = vector.extract_strided_slice %add3A_1563 {offsets = [0, 31], sizes = [8, 97], strides = [1, 1]} : vector<8x128xi32> to vector<8x97xi32>
    %slice3A_1932 = vector.extract_strided_slice %add3A_1563 {offsets = [0, 0], sizes = [8, 31], strides = [1, 1]} : vector<8x128xi32> to vector<8x31xi32>
    %concatenate3A_1933 = tpu.concatenate %slice3A_1931, %slice3A_1932 in 1 : vector<8x97xi32>, vector<8x31xi32> -> vector<8x128xi32>
    %eq3A_1934 = arith.cmpi eq, %concatenate3A_1933, %iota3A : vector<8x128xi32>
    %slice3A_1935 = vector.extract_strided_slice %mul3A_35 {offsets = [0, 31], sizes = [8, 97], strides = [1, 1]} : vector<8x128xf32> to vector<8x97xf32>
    %slice3A_1936 = vector.extract_strided_slice %mul3A_35 {offsets = [0, 0], sizes = [8, 31], strides = [1, 1]} : vector<8x128xf32> to vector<8x31xf32>
    %concatenate3A_1937 = tpu.concatenate %slice3A_1935, %slice3A_1936 in 1 : vector<8x97xf32>, vector<8x31xf32> -> vector<8x128xf32>
    %select_n3A_1938 = arith.select %eq3A_1934, %concatenate3A_1937, %select_n3A_1926 : vector<8x128xi1>, vector<8x128xf32>
    %slice3A_1939 = vector.extract_strided_slice %mul3A_42 {offsets = [0, 31], sizes = [8, 97], strides = [1, 1]} : vector<8x128xf32> to vector<8x97xf32>
    %slice3A_1940 = vector.extract_strided_slice %mul3A_42 {offsets = [0, 0], sizes = [8, 31], strides = [1, 1]} : vector<8x128xf32> to vector<8x31xf32>
    %concatenate3A_1941 = tpu.concatenate %slice3A_1939, %slice3A_1940 in 1 : vector<8x97xf32>, vector<8x31xf32> -> vector<8x128xf32>
    %select_n3A_1942 = arith.select %eq3A_1934, %concatenate3A_1941, %select_n3A_1930 : vector<8x128xi1>, vector<8x128xf32>
    %slice3A_1943 = vector.extract_strided_slice %add3A_1563 {offsets = [0, 32], sizes = [8, 96], strides = [1, 1]} : vector<8x128xi32> to vector<8x96xi32>
    %slice3A_1944 = vector.extract_strided_slice %add3A_1563 {offsets = [0, 0], sizes = [8, 32], strides = [1, 1]} : vector<8x128xi32> to vector<8x32xi32>
    %concatenate3A_1945 = tpu.concatenate %slice3A_1943, %slice3A_1944 in 1 : vector<8x96xi32>, vector<8x32xi32> -> vector<8x128xi32>
    %eq3A_1946 = arith.cmpi eq, %concatenate3A_1945, %iota3A : vector<8x128xi32>
    %slice3A_1947 = vector.extract_strided_slice %mul3A_35 {offsets = [0, 32], sizes = [8, 96], strides = [1, 1]} : vector<8x128xf32> to vector<8x96xf32>
    %slice3A_1948 = vector.extract_strided_slice %mul3A_35 {offsets = [0, 0], sizes = [8, 32], strides = [1, 1]} : vector<8x128xf32> to vector<8x32xf32>
    %concatenate3A_1949 = tpu.concatenate %slice3A_1947, %slice3A_1948 in 1 : vector<8x96xf32>, vector<8x32xf32> -> vector<8x128xf32>
    %select_n3A_1950 = arith.select %eq3A_1946, %concatenate3A_1949, %select_n3A_1938 : vector<8x128xi1>, vector<8x128xf32>
    %slice3A_1951 = vector.extract_strided_slice %mul3A_42 {offsets = [0, 32], sizes = [8, 96], strides = [1, 1]} : vector<8x128xf32> to vector<8x96xf32>
    %slice3A_1952 = vector.extract_strided_slice %mul3A_42 {offsets = [0, 0], sizes = [8, 32], strides = [1, 1]} : vector<8x128xf32> to vector<8x32xf32>
    %concatenate3A_1953 = tpu.concatenate %slice3A_1951, %slice3A_1952 in 1 : vector<8x96xf32>, vector<8x32xf32> -> vector<8x128xf32>
    %select_n3A_1954 = arith.select %eq3A_1946, %concatenate3A_1953, %select_n3A_1942 : vector<8x128xi1>, vector<8x128xf32>
    %slice3A_1955 = vector.extract_strided_slice %add3A_1563 {offsets = [0, 33], sizes = [8, 95], strides = [1, 1]} : vector<8x128xi32> to vector<8x95xi32>
    %slice3A_1956 = vector.extract_strided_slice %add3A_1563 {offsets = [0, 0], sizes = [8, 33], strides = [1, 1]} : vector<8x128xi32> to vector<8x33xi32>
    %concatenate3A_1957 = tpu.concatenate %slice3A_1955, %slice3A_1956 in 1 : vector<8x95xi32>, vector<8x33xi32> -> vector<8x128xi32>
    %eq3A_1958 = arith.cmpi eq, %concatenate3A_1957, %iota3A : vector<8x128xi32>
    %slice3A_1959 = vector.extract_strided_slice %mul3A_35 {offsets = [0, 33], sizes = [8, 95], strides = [1, 1]} : vector<8x128xf32> to vector<8x95xf32>
    %slice3A_1960 = vector.extract_strided_slice %mul3A_35 {offsets = [0, 0], sizes = [8, 33], strides = [1, 1]} : vector<8x128xf32> to vector<8x33xf32>
    %concatenate3A_1961 = tpu.concatenate %slice3A_1959, %slice3A_1960 in 1 : vector<8x95xf32>, vector<8x33xf32> -> vector<8x128xf32>
    %select_n3A_1962 = arith.select %eq3A_1958, %concatenate3A_1961, %select_n3A_1950 : vector<8x128xi1>, vector<8x128xf32>
    %slice3A_1963 = vector.extract_strided_slice %mul3A_42 {offsets = [0, 33], sizes = [8, 95], strides = [1, 1]} : vector<8x128xf32> to vector<8x95xf32>
    %slice3A_1964 = vector.extract_strided_slice %mul3A_42 {offsets = [0, 0], sizes = [8, 33], strides = [1, 1]} : vector<8x128xf32> to vector<8x33xf32>
    %concatenate3A_1965 = tpu.concatenate %slice3A_1963, %slice3A_1964 in 1 : vector<8x95xf32>, vector<8x33xf32> -> vector<8x128xf32>
    %select_n3A_1966 = arith.select %eq3A_1958, %concatenate3A_1965, %select_n3A_1954 : vector<8x128xi1>, vector<8x128xf32>
    %slice3A_1967 = vector.extract_strided_slice %add3A_1563 {offsets = [0, 34], sizes = [8, 94], strides = [1, 1]} : vector<8x128xi32> to vector<8x94xi32>
    %slice3A_1968 = vector.extract_strided_slice %add3A_1563 {offsets = [0, 0], sizes = [8, 34], strides = [1, 1]} : vector<8x128xi32> to vector<8x34xi32>
    %concatenate3A_1969 = tpu.concatenate %slice3A_1967, %slice3A_1968 in 1 : vector<8x94xi32>, vector<8x34xi32> -> vector<8x128xi32>
    %eq3A_1970 = arith.cmpi eq, %concatenate3A_1969, %iota3A : vector<8x128xi32>
    %slice3A_1971 = vector.extract_strided_slice %mul3A_35 {offsets = [0, 34], sizes = [8, 94], strides = [1, 1]} : vector<8x128xf32> to vector<8x94xf32>
    %slice3A_1972 = vector.extract_strided_slice %mul3A_35 {offsets = [0, 0], sizes = [8, 34], strides = [1, 1]} : vector<8x128xf32> to vector<8x34xf32>
    %concatenate3A_1973 = tpu.concatenate %slice3A_1971, %slice3A_1972 in 1 : vector<8x94xf32>, vector<8x34xf32> -> vector<8x128xf32>
    %select_n3A_1974 = arith.select %eq3A_1970, %concatenate3A_1973, %select_n3A_1962 : vector<8x128xi1>, vector<8x128xf32>
    %slice3A_1975 = vector.extract_strided_slice %mul3A_42 {offsets = [0, 34], sizes = [8, 94], strides = [1, 1]} : vector<8x128xf32> to vector<8x94xf32>
    %slice3A_1976 = vector.extract_strided_slice %mul3A_42 {offsets = [0, 0], sizes = [8, 34], strides = [1, 1]} : vector<8x128xf32> to vector<8x34xf32>
    %concatenate3A_1977 = tpu.concatenate %slice3A_1975, %slice3A_1976 in 1 : vector<8x94xf32>, vector<8x34xf32> -> vector<8x128xf32>
    %select_n3A_1978 = arith.select %eq3A_1970, %concatenate3A_1977, %select_n3A_1966 : vector<8x128xi1>, vector<8x128xf32>
    %slice3A_1979 = vector.extract_strided_slice %add3A_1563 {offsets = [0, 35], sizes = [8, 93], strides = [1, 1]} : vector<8x128xi32> to vector<8x93xi32>
    %slice3A_1980 = vector.extract_strided_slice %add3A_1563 {offsets = [0, 0], sizes = [8, 35], strides = [1, 1]} : vector<8x128xi32> to vector<8x35xi32>
    %concatenate3A_1981 = tpu.concatenate %slice3A_1979, %slice3A_1980 in 1 : vector<8x93xi32>, vector<8x35xi32> -> vector<8x128xi32>
    %eq3A_1982 = arith.cmpi eq, %concatenate3A_1981, %iota3A : vector<8x128xi32>
    %slice3A_1983 = vector.extract_strided_slice %mul3A_35 {offsets = [0, 35], sizes = [8, 93], strides = [1, 1]} : vector<8x128xf32> to vector<8x93xf32>
    %slice3A_1984 = vector.extract_strided_slice %mul3A_35 {offsets = [0, 0], sizes = [8, 35], strides = [1, 1]} : vector<8x128xf32> to vector<8x35xf32>
    %concatenate3A_1985 = tpu.concatenate %slice3A_1983, %slice3A_1984 in 1 : vector<8x93xf32>, vector<8x35xf32> -> vector<8x128xf32>
    %select_n3A_1986 = arith.select %eq3A_1982, %concatenate3A_1985, %select_n3A_1974 : vector<8x128xi1>, vector<8x128xf32>
    %slice3A_1987 = vector.extract_strided_slice %mul3A_42 {offsets = [0, 35], sizes = [8, 93], strides = [1, 1]} : vector<8x128xf32> to vector<8x93xf32>
    %slice3A_1988 = vector.extract_strided_slice %mul3A_42 {offsets = [0, 0], sizes = [8, 35], strides = [1, 1]} : vector<8x128xf32> to vector<8x35xf32>
    %concatenate3A_1989 = tpu.concatenate %slice3A_1987, %slice3A_1988 in 1 : vector<8x93xf32>, vector<8x35xf32> -> vector<8x128xf32>
    %select_n3A_1990 = arith.select %eq3A_1982, %concatenate3A_1989, %select_n3A_1978 : vector<8x128xi1>, vector<8x128xf32>
    %slice3A_1991 = vector.extract_strided_slice %add3A_1563 {offsets = [0, 36], sizes = [8, 92], strides = [1, 1]} : vector<8x128xi32> to vector<8x92xi32>
    %slice3A_1992 = vector.extract_strided_slice %add3A_1563 {offsets = [0, 0], sizes = [8, 36], strides = [1, 1]} : vector<8x128xi32> to vector<8x36xi32>
    %concatenate3A_1993 = tpu.concatenate %slice3A_1991, %slice3A_1992 in 1 : vector<8x92xi32>, vector<8x36xi32> -> vector<8x128xi32>
    %eq3A_1994 = arith.cmpi eq, %concatenate3A_1993, %iota3A : vector<8x128xi32>
    %slice3A_1995 = vector.extract_strided_slice %mul3A_35 {offsets = [0, 36], sizes = [8, 92], strides = [1, 1]} : vector<8x128xf32> to vector<8x92xf32>
    %slice3A_1996 = vector.extract_strided_slice %mul3A_35 {offsets = [0, 0], sizes = [8, 36], strides = [1, 1]} : vector<8x128xf32> to vector<8x36xf32>
    %concatenate3A_1997 = tpu.concatenate %slice3A_1995, %slice3A_1996 in 1 : vector<8x92xf32>, vector<8x36xf32> -> vector<8x128xf32>
    %select_n3A_1998 = arith.select %eq3A_1994, %concatenate3A_1997, %select_n3A_1986 : vector<8x128xi1>, vector<8x128xf32>
    %slice3A_1999 = vector.extract_strided_slice %mul3A_42 {offsets = [0, 36], sizes = [8, 92], strides = [1, 1]} : vector<8x128xf32> to vector<8x92xf32>
    %slice3A_2000 = vector.extract_strided_slice %mul3A_42 {offsets = [0, 0], sizes = [8, 36], strides = [1, 1]} : vector<8x128xf32> to vector<8x36xf32>
    %concatenate3A_2001 = tpu.concatenate %slice3A_1999, %slice3A_2000 in 1 : vector<8x92xf32>, vector<8x36xf32> -> vector<8x128xf32>
    %select_n3A_2002 = arith.select %eq3A_1994, %concatenate3A_2001, %select_n3A_1990 : vector<8x128xi1>, vector<8x128xf32>
    %slice3A_2003 = vector.extract_strided_slice %add3A_1563 {offsets = [0, 37], sizes = [8, 91], strides = [1, 1]} : vector<8x128xi32> to vector<8x91xi32>
    %slice3A_2004 = vector.extract_strided_slice %add3A_1563 {offsets = [0, 0], sizes = [8, 37], strides = [1, 1]} : vector<8x128xi32> to vector<8x37xi32>
    %concatenate3A_2005 = tpu.concatenate %slice3A_2003, %slice3A_2004 in 1 : vector<8x91xi32>, vector<8x37xi32> -> vector<8x128xi32>
    %eq3A_2006 = arith.cmpi eq, %concatenate3A_2005, %iota3A : vector<8x128xi32>
    %slice3A_2007 = vector.extract_strided_slice %mul3A_35 {offsets = [0, 37], sizes = [8, 91], strides = [1, 1]} : vector<8x128xf32> to vector<8x91xf32>
    %slice3A_2008 = vector.extract_strided_slice %mul3A_35 {offsets = [0, 0], sizes = [8, 37], strides = [1, 1]} : vector<8x128xf32> to vector<8x37xf32>
    %concatenate3A_2009 = tpu.concatenate %slice3A_2007, %slice3A_2008 in 1 : vector<8x91xf32>, vector<8x37xf32> -> vector<8x128xf32>
    %select_n3A_2010 = arith.select %eq3A_2006, %concatenate3A_2009, %select_n3A_1998 : vector<8x128xi1>, vector<8x128xf32>
    %slice3A_2011 = vector.extract_strided_slice %mul3A_42 {offsets = [0, 37], sizes = [8, 91], strides = [1, 1]} : vector<8x128xf32> to vector<8x91xf32>
    %slice3A_2012 = vector.extract_strided_slice %mul3A_42 {offsets = [0, 0], sizes = [8, 37], strides = [1, 1]} : vector<8x128xf32> to vector<8x37xf32>
    %concatenate3A_2013 = tpu.concatenate %slice3A_2011, %slice3A_2012 in 1 : vector<8x91xf32>, vector<8x37xf32> -> vector<8x128xf32>
    %select_n3A_2014 = arith.select %eq3A_2006, %concatenate3A_2013, %select_n3A_2002 : vector<8x128xi1>, vector<8x128xf32>
    %slice3A_2015 = vector.extract_strided_slice %add3A_1563 {offsets = [0, 38], sizes = [8, 90], strides = [1, 1]} : vector<8x128xi32> to vector<8x90xi32>
    %slice3A_2016 = vector.extract_strided_slice %add3A_1563 {offsets = [0, 0], sizes = [8, 38], strides = [1, 1]} : vector<8x128xi32> to vector<8x38xi32>
    %concatenate3A_2017 = tpu.concatenate %slice3A_2015, %slice3A_2016 in 1 : vector<8x90xi32>, vector<8x38xi32> -> vector<8x128xi32>
    %eq3A_2018 = arith.cmpi eq, %concatenate3A_2017, %iota3A : vector<8x128xi32>
    %slice3A_2019 = vector.extract_strided_slice %mul3A_35 {offsets = [0, 38], sizes = [8, 90], strides = [1, 1]} : vector<8x128xf32> to vector<8x90xf32>
    %slice3A_2020 = vector.extract_strided_slice %mul3A_35 {offsets = [0, 0], sizes = [8, 38], strides = [1, 1]} : vector<8x128xf32> to vector<8x38xf32>
    %concatenate3A_2021 = tpu.concatenate %slice3A_2019, %slice3A_2020 in 1 : vector<8x90xf32>, vector<8x38xf32> -> vector<8x128xf32>
    %select_n3A_2022 = arith.select %eq3A_2018, %concatenate3A_2021, %select_n3A_2010 : vector<8x128xi1>, vector<8x128xf32>
    %slice3A_2023 = vector.extract_strided_slice %mul3A_42 {offsets = [0, 38], sizes = [8, 90], strides = [1, 1]} : vector<8x128xf32> to vector<8x90xf32>
    %slice3A_2024 = vector.extract_strided_slice %mul3A_42 {offsets = [0, 0], sizes = [8, 38], strides = [1, 1]} : vector<8x128xf32> to vector<8x38xf32>
    %concatenate3A_2025 = tpu.concatenate %slice3A_2023, %slice3A_2024 in 1 : vector<8x90xf32>, vector<8x38xf32> -> vector<8x128xf32>
    %select_n3A_2026 = arith.select %eq3A_2018, %concatenate3A_2025, %select_n3A_2014 : vector<8x128xi1>, vector<8x128xf32>
    %slice3A_2027 = vector.extract_strided_slice %add3A_1563 {offsets = [0, 39], sizes = [8, 89], strides = [1, 1]} : vector<8x128xi32> to vector<8x89xi32>
    %slice3A_2028 = vector.extract_strided_slice %add3A_1563 {offsets = [0, 0], sizes = [8, 39], strides = [1, 1]} : vector<8x128xi32> to vector<8x39xi32>
    %concatenate3A_2029 = tpu.concatenate %slice3A_2027, %slice3A_2028 in 1 : vector<8x89xi32>, vector<8x39xi32> -> vector<8x128xi32>
    %eq3A_2030 = arith.cmpi eq, %concatenate3A_2029, %iota3A : vector<8x128xi32>
    %slice3A_2031 = vector.extract_strided_slice %mul3A_35 {offsets = [0, 39], sizes = [8, 89], strides = [1, 1]} : vector<8x128xf32> to vector<8x89xf32>
    %slice3A_2032 = vector.extract_strided_slice %mul3A_35 {offsets = [0, 0], sizes = [8, 39], strides = [1, 1]} : vector<8x128xf32> to vector<8x39xf32>
    %concatenate3A_2033 = tpu.concatenate %slice3A_2031, %slice3A_2032 in 1 : vector<8x89xf32>, vector<8x39xf32> -> vector<8x128xf32>
    %select_n3A_2034 = arith.select %eq3A_2030, %concatenate3A_2033, %select_n3A_2022 : vector<8x128xi1>, vector<8x128xf32>
    %slice3A_2035 = vector.extract_strided_slice %mul3A_42 {offsets = [0, 39], sizes = [8, 89], strides = [1, 1]} : vector<8x128xf32> to vector<8x89xf32>
    %slice3A_2036 = vector.extract_strided_slice %mul3A_42 {offsets = [0, 0], sizes = [8, 39], strides = [1, 1]} : vector<8x128xf32> to vector<8x39xf32>
    %concatenate3A_2037 = tpu.concatenate %slice3A_2035, %slice3A_2036 in 1 : vector<8x89xf32>, vector<8x39xf32> -> vector<8x128xf32>
    %select_n3A_2038 = arith.select %eq3A_2030, %concatenate3A_2037, %select_n3A_2026 : vector<8x128xi1>, vector<8x128xf32>
    %slice3A_2039 = vector.extract_strided_slice %add3A_1563 {offsets = [0, 40], sizes = [8, 88], strides = [1, 1]} : vector<8x128xi32> to vector<8x88xi32>
    %slice3A_2040 = vector.extract_strided_slice %add3A_1563 {offsets = [0, 0], sizes = [8, 40], strides = [1, 1]} : vector<8x128xi32> to vector<8x40xi32>
    %concatenate3A_2041 = tpu.concatenate %slice3A_2039, %slice3A_2040 in 1 : vector<8x88xi32>, vector<8x40xi32> -> vector<8x128xi32>
    %eq3A_2042 = arith.cmpi eq, %concatenate3A_2041, %iota3A : vector<8x128xi32>
    %slice3A_2043 = vector.extract_strided_slice %mul3A_35 {offsets = [0, 40], sizes = [8, 88], strides = [1, 1]} : vector<8x128xf32> to vector<8x88xf32>
    %slice3A_2044 = vector.extract_strided_slice %mul3A_35 {offsets = [0, 0], sizes = [8, 40], strides = [1, 1]} : vector<8x128xf32> to vector<8x40xf32>
    %concatenate3A_2045 = tpu.concatenate %slice3A_2043, %slice3A_2044 in 1 : vector<8x88xf32>, vector<8x40xf32> -> vector<8x128xf32>
    %select_n3A_2046 = arith.select %eq3A_2042, %concatenate3A_2045, %select_n3A_2034 : vector<8x128xi1>, vector<8x128xf32>
    %slice3A_2047 = vector.extract_strided_slice %mul3A_42 {offsets = [0, 40], sizes = [8, 88], strides = [1, 1]} : vector<8x128xf32> to vector<8x88xf32>
    %slice3A_2048 = vector.extract_strided_slice %mul3A_42 {offsets = [0, 0], sizes = [8, 40], strides = [1, 1]} : vector<8x128xf32> to vector<8x40xf32>
    %concatenate3A_2049 = tpu.concatenate %slice3A_2047, %slice3A_2048 in 1 : vector<8x88xf32>, vector<8x40xf32> -> vector<8x128xf32>
    %select_n3A_2050 = arith.select %eq3A_2042, %concatenate3A_2049, %select_n3A_2038 : vector<8x128xi1>, vector<8x128xf32>
    %slice3A_2051 = vector.extract_strided_slice %add3A_1563 {offsets = [0, 41], sizes = [8, 87], strides = [1, 1]} : vector<8x128xi32> to vector<8x87xi32>
    %slice3A_2052 = vector.extract_strided_slice %add3A_1563 {offsets = [0, 0], sizes = [8, 41], strides = [1, 1]} : vector<8x128xi32> to vector<8x41xi32>
    %concatenate3A_2053 = tpu.concatenate %slice3A_2051, %slice3A_2052 in 1 : vector<8x87xi32>, vector<8x41xi32> -> vector<8x128xi32>
    %eq3A_2054 = arith.cmpi eq, %concatenate3A_2053, %iota3A : vector<8x128xi32>
    %slice3A_2055 = vector.extract_strided_slice %mul3A_35 {offsets = [0, 41], sizes = [8, 87], strides = [1, 1]} : vector<8x128xf32> to vector<8x87xf32>
    %slice3A_2056 = vector.extract_strided_slice %mul3A_35 {offsets = [0, 0], sizes = [8, 41], strides = [1, 1]} : vector<8x128xf32> to vector<8x41xf32>
    %concatenate3A_2057 = tpu.concatenate %slice3A_2055, %slice3A_2056 in 1 : vector<8x87xf32>, vector<8x41xf32> -> vector<8x128xf32>
    %select_n3A_2058 = arith.select %eq3A_2054, %concatenate3A_2057, %select_n3A_2046 : vector<8x128xi1>, vector<8x128xf32>
    %slice3A_2059 = vector.extract_strided_slice %mul3A_42 {offsets = [0, 41], sizes = [8, 87], strides = [1, 1]} : vector<8x128xf32> to vector<8x87xf32>
    %slice3A_2060 = vector.extract_strided_slice %mul3A_42 {offsets = [0, 0], sizes = [8, 41], strides = [1, 1]} : vector<8x128xf32> to vector<8x41xf32>
    %concatenate3A_2061 = tpu.concatenate %slice3A_2059, %slice3A_2060 in 1 : vector<8x87xf32>, vector<8x41xf32> -> vector<8x128xf32>
    %select_n3A_2062 = arith.select %eq3A_2054, %concatenate3A_2061, %select_n3A_2050 : vector<8x128xi1>, vector<8x128xf32>
    %slice3A_2063 = vector.extract_strided_slice %add3A_1563 {offsets = [0, 42], sizes = [8, 86], strides = [1, 1]} : vector<8x128xi32> to vector<8x86xi32>
    %slice3A_2064 = vector.extract_strided_slice %add3A_1563 {offsets = [0, 0], sizes = [8, 42], strides = [1, 1]} : vector<8x128xi32> to vector<8x42xi32>
    %concatenate3A_2065 = tpu.concatenate %slice3A_2063, %slice3A_2064 in 1 : vector<8x86xi32>, vector<8x42xi32> -> vector<8x128xi32>
    %eq3A_2066 = arith.cmpi eq, %concatenate3A_2065, %iota3A : vector<8x128xi32>
    %slice3A_2067 = vector.extract_strided_slice %mul3A_35 {offsets = [0, 42], sizes = [8, 86], strides = [1, 1]} : vector<8x128xf32> to vector<8x86xf32>
    %slice3A_2068 = vector.extract_strided_slice %mul3A_35 {offsets = [0, 0], sizes = [8, 42], strides = [1, 1]} : vector<8x128xf32> to vector<8x42xf32>
    %concatenate3A_2069 = tpu.concatenate %slice3A_2067, %slice3A_2068 in 1 : vector<8x86xf32>, vector<8x42xf32> -> vector<8x128xf32>
    %select_n3A_2070 = arith.select %eq3A_2066, %concatenate3A_2069, %select_n3A_2058 : vector<8x128xi1>, vector<8x128xf32>
    %slice3A_2071 = vector.extract_strided_slice %mul3A_42 {offsets = [0, 42], sizes = [8, 86], strides = [1, 1]} : vector<8x128xf32> to vector<8x86xf32>
    %slice3A_2072 = vector.extract_strided_slice %mul3A_42 {offsets = [0, 0], sizes = [8, 42], strides = [1, 1]} : vector<8x128xf32> to vector<8x42xf32>
    %concatenate3A_2073 = tpu.concatenate %slice3A_2071, %slice3A_2072 in 1 : vector<8x86xf32>, vector<8x42xf32> -> vector<8x128xf32>
    %select_n3A_2074 = arith.select %eq3A_2066, %concatenate3A_2073, %select_n3A_2062 : vector<8x128xi1>, vector<8x128xf32>
    %slice3A_2075 = vector.extract_strided_slice %add3A_1563 {offsets = [0, 43], sizes = [8, 85], strides = [1, 1]} : vector<8x128xi32> to vector<8x85xi32>
    %slice3A_2076 = vector.extract_strided_slice %add3A_1563 {offsets = [0, 0], sizes = [8, 43], strides = [1, 1]} : vector<8x128xi32> to vector<8x43xi32>
    %concatenate3A_2077 = tpu.concatenate %slice3A_2075, %slice3A_2076 in 1 : vector<8x85xi32>, vector<8x43xi32> -> vector<8x128xi32>
    %eq3A_2078 = arith.cmpi eq, %concatenate3A_2077, %iota3A : vector<8x128xi32>
    %slice3A_2079 = vector.extract_strided_slice %mul3A_35 {offsets = [0, 43], sizes = [8, 85], strides = [1, 1]} : vector<8x128xf32> to vector<8x85xf32>
    %slice3A_2080 = vector.extract_strided_slice %mul3A_35 {offsets = [0, 0], sizes = [8, 43], strides = [1, 1]} : vector<8x128xf32> to vector<8x43xf32>
    %concatenate3A_2081 = tpu.concatenate %slice3A_2079, %slice3A_2080 in 1 : vector<8x85xf32>, vector<8x43xf32> -> vector<8x128xf32>
    %select_n3A_2082 = arith.select %eq3A_2078, %concatenate3A_2081, %select_n3A_2070 : vector<8x128xi1>, vector<8x128xf32>
    %slice3A_2083 = vector.extract_strided_slice %mul3A_42 {offsets = [0, 43], sizes = [8, 85], strides = [1, 1]} : vector<8x128xf32> to vector<8x85xf32>
    %slice3A_2084 = vector.extract_strided_slice %mul3A_42 {offsets = [0, 0], sizes = [8, 43], strides = [1, 1]} : vector<8x128xf32> to vector<8x43xf32>
    %concatenate3A_2085 = tpu.concatenate %slice3A_2083, %slice3A_2084 in 1 : vector<8x85xf32>, vector<8x43xf32> -> vector<8x128xf32>
    %select_n3A_2086 = arith.select %eq3A_2078, %concatenate3A_2085, %select_n3A_2074 : vector<8x128xi1>, vector<8x128xf32>
    %slice3A_2087 = vector.extract_strided_slice %add3A_1563 {offsets = [0, 44], sizes = [8, 84], strides = [1, 1]} : vector<8x128xi32> to vector<8x84xi32>
    %slice3A_2088 = vector.extract_strided_slice %add3A_1563 {offsets = [0, 0], sizes = [8, 44], strides = [1, 1]} : vector<8x128xi32> to vector<8x44xi32>
    %concatenate3A_2089 = tpu.concatenate %slice3A_2087, %slice3A_2088 in 1 : vector<8x84xi32>, vector<8x44xi32> -> vector<8x128xi32>
    %eq3A_2090 = arith.cmpi eq, %concatenate3A_2089, %iota3A : vector<8x128xi32>
    %slice3A_2091 = vector.extract_strided_slice %mul3A_35 {offsets = [0, 44], sizes = [8, 84], strides = [1, 1]} : vector<8x128xf32> to vector<8x84xf32>
    %slice3A_2092 = vector.extract_strided_slice %mul3A_35 {offsets = [0, 0], sizes = [8, 44], strides = [1, 1]} : vector<8x128xf32> to vector<8x44xf32>
    %concatenate3A_2093 = tpu.concatenate %slice3A_2091, %slice3A_2092 in 1 : vector<8x84xf32>, vector<8x44xf32> -> vector<8x128xf32>
    %select_n3A_2094 = arith.select %eq3A_2090, %concatenate3A_2093, %select_n3A_2082 : vector<8x128xi1>, vector<8x128xf32>
    %slice3A_2095 = vector.extract_strided_slice %mul3A_42 {offsets = [0, 44], sizes = [8, 84], strides = [1, 1]} : vector<8x128xf32> to vector<8x84xf32>
    %slice3A_2096 = vector.extract_strided_slice %mul3A_42 {offsets = [0, 0], sizes = [8, 44], strides = [1, 1]} : vector<8x128xf32> to vector<8x44xf32>
    %concatenate3A_2097 = tpu.concatenate %slice3A_2095, %slice3A_2096 in 1 : vector<8x84xf32>, vector<8x44xf32> -> vector<8x128xf32>
    %select_n3A_2098 = arith.select %eq3A_2090, %concatenate3A_2097, %select_n3A_2086 : vector<8x128xi1>, vector<8x128xf32>
    %slice3A_2099 = vector.extract_strided_slice %add3A_1563 {offsets = [0, 45], sizes = [8, 83], strides = [1, 1]} : vector<8x128xi32> to vector<8x83xi32>
    %slice3A_2100 = vector.extract_strided_slice %add3A_1563 {offsets = [0, 0], sizes = [8, 45], strides = [1, 1]} : vector<8x128xi32> to vector<8x45xi32>
    %concatenate3A_2101 = tpu.concatenate %slice3A_2099, %slice3A_2100 in 1 : vector<8x83xi32>, vector<8x45xi32> -> vector<8x128xi32>
    %eq3A_2102 = arith.cmpi eq, %concatenate3A_2101, %iota3A : vector<8x128xi32>
    %slice3A_2103 = vector.extract_strided_slice %mul3A_35 {offsets = [0, 45], sizes = [8, 83], strides = [1, 1]} : vector<8x128xf32> to vector<8x83xf32>
    %slice3A_2104 = vector.extract_strided_slice %mul3A_35 {offsets = [0, 0], sizes = [8, 45], strides = [1, 1]} : vector<8x128xf32> to vector<8x45xf32>
    %concatenate3A_2105 = tpu.concatenate %slice3A_2103, %slice3A_2104 in 1 : vector<8x83xf32>, vector<8x45xf32> -> vector<8x128xf32>
    %select_n3A_2106 = arith.select %eq3A_2102, %concatenate3A_2105, %select_n3A_2094 : vector<8x128xi1>, vector<8x128xf32>
    %slice3A_2107 = vector.extract_strided_slice %mul3A_42 {offsets = [0, 45], sizes = [8, 83], strides = [1, 1]} : vector<8x128xf32> to vector<8x83xf32>
    %slice3A_2108 = vector.extract_strided_slice %mul3A_42 {offsets = [0, 0], sizes = [8, 45], strides = [1, 1]} : vector<8x128xf32> to vector<8x45xf32>
    %concatenate3A_2109 = tpu.concatenate %slice3A_2107, %slice3A_2108 in 1 : vector<8x83xf32>, vector<8x45xf32> -> vector<8x128xf32>
    %select_n3A_2110 = arith.select %eq3A_2102, %concatenate3A_2109, %select_n3A_2098 : vector<8x128xi1>, vector<8x128xf32>
    %slice3A_2111 = vector.extract_strided_slice %add3A_1563 {offsets = [0, 46], sizes = [8, 82], strides = [1, 1]} : vector<8x128xi32> to vector<8x82xi32>
    %slice3A_2112 = vector.extract_strided_slice %add3A_1563 {offsets = [0, 0], sizes = [8, 46], strides = [1, 1]} : vector<8x128xi32> to vector<8x46xi32>
    %concatenate3A_2113 = tpu.concatenate %slice3A_2111, %slice3A_2112 in 1 : vector<8x82xi32>, vector<8x46xi32> -> vector<8x128xi32>
    %eq3A_2114 = arith.cmpi eq, %concatenate3A_2113, %iota3A : vector<8x128xi32>
    %slice3A_2115 = vector.extract_strided_slice %mul3A_35 {offsets = [0, 46], sizes = [8, 82], strides = [1, 1]} : vector<8x128xf32> to vector<8x82xf32>
    %slice3A_2116 = vector.extract_strided_slice %mul3A_35 {offsets = [0, 0], sizes = [8, 46], strides = [1, 1]} : vector<8x128xf32> to vector<8x46xf32>
    %concatenate3A_2117 = tpu.concatenate %slice3A_2115, %slice3A_2116 in 1 : vector<8x82xf32>, vector<8x46xf32> -> vector<8x128xf32>
    %select_n3A_2118 = arith.select %eq3A_2114, %concatenate3A_2117, %select_n3A_2106 : vector<8x128xi1>, vector<8x128xf32>
    %slice3A_2119 = vector.extract_strided_slice %mul3A_42 {offsets = [0, 46], sizes = [8, 82], strides = [1, 1]} : vector<8x128xf32> to vector<8x82xf32>
    %slice3A_2120 = vector.extract_strided_slice %mul3A_42 {offsets = [0, 0], sizes = [8, 46], strides = [1, 1]} : vector<8x128xf32> to vector<8x46xf32>
    %concatenate3A_2121 = tpu.concatenate %slice3A_2119, %slice3A_2120 in 1 : vector<8x82xf32>, vector<8x46xf32> -> vector<8x128xf32>
    %select_n3A_2122 = arith.select %eq3A_2114, %concatenate3A_2121, %select_n3A_2110 : vector<8x128xi1>, vector<8x128xf32>
    %slice3A_2123 = vector.extract_strided_slice %add3A_1563 {offsets = [0, 47], sizes = [8, 81], strides = [1, 1]} : vector<8x128xi32> to vector<8x81xi32>
    %slice3A_2124 = vector.extract_strided_slice %add3A_1563 {offsets = [0, 0], sizes = [8, 47], strides = [1, 1]} : vector<8x128xi32> to vector<8x47xi32>
    %concatenate3A_2125 = tpu.concatenate %slice3A_2123, %slice3A_2124 in 1 : vector<8x81xi32>, vector<8x47xi32> -> vector<8x128xi32>
    %eq3A_2126 = arith.cmpi eq, %concatenate3A_2125, %iota3A : vector<8x128xi32>
    %slice3A_2127 = vector.extract_strided_slice %mul3A_35 {offsets = [0, 47], sizes = [8, 81], strides = [1, 1]} : vector<8x128xf32> to vector<8x81xf32>
    %slice3A_2128 = vector.extract_strided_slice %mul3A_35 {offsets = [0, 0], sizes = [8, 47], strides = [1, 1]} : vector<8x128xf32> to vector<8x47xf32>
    %concatenate3A_2129 = tpu.concatenate %slice3A_2127, %slice3A_2128 in 1 : vector<8x81xf32>, vector<8x47xf32> -> vector<8x128xf32>
    %select_n3A_2130 = arith.select %eq3A_2126, %concatenate3A_2129, %select_n3A_2118 : vector<8x128xi1>, vector<8x128xf32>
    %slice3A_2131 = vector.extract_strided_slice %mul3A_42 {offsets = [0, 47], sizes = [8, 81], strides = [1, 1]} : vector<8x128xf32> to vector<8x81xf32>
    %slice3A_2132 = vector.extract_strided_slice %mul3A_42 {offsets = [0, 0], sizes = [8, 47], strides = [1, 1]} : vector<8x128xf32> to vector<8x47xf32>
    %concatenate3A_2133 = tpu.concatenate %slice3A_2131, %slice3A_2132 in 1 : vector<8x81xf32>, vector<8x47xf32> -> vector<8x128xf32>
    %select_n3A_2134 = arith.select %eq3A_2126, %concatenate3A_2133, %select_n3A_2122 : vector<8x128xi1>, vector<8x128xf32>
    %slice3A_2135 = vector.extract_strided_slice %add3A_1563 {offsets = [0, 48], sizes = [8, 80], strides = [1, 1]} : vector<8x128xi32> to vector<8x80xi32>
    %slice3A_2136 = vector.extract_strided_slice %add3A_1563 {offsets = [0, 0], sizes = [8, 48], strides = [1, 1]} : vector<8x128xi32> to vector<8x48xi32>
    %concatenate3A_2137 = tpu.concatenate %slice3A_2135, %slice3A_2136 in 1 : vector<8x80xi32>, vector<8x48xi32> -> vector<8x128xi32>
    %eq3A_2138 = arith.cmpi eq, %concatenate3A_2137, %iota3A : vector<8x128xi32>
    %slice3A_2139 = vector.extract_strided_slice %mul3A_35 {offsets = [0, 48], sizes = [8, 80], strides = [1, 1]} : vector<8x128xf32> to vector<8x80xf32>
    %slice3A_2140 = vector.extract_strided_slice %mul3A_35 {offsets = [0, 0], sizes = [8, 48], strides = [1, 1]} : vector<8x128xf32> to vector<8x48xf32>
    %concatenate3A_2141 = tpu.concatenate %slice3A_2139, %slice3A_2140 in 1 : vector<8x80xf32>, vector<8x48xf32> -> vector<8x128xf32>
    %select_n3A_2142 = arith.select %eq3A_2138, %concatenate3A_2141, %select_n3A_2130 : vector<8x128xi1>, vector<8x128xf32>
    %slice3A_2143 = vector.extract_strided_slice %mul3A_42 {offsets = [0, 48], sizes = [8, 80], strides = [1, 1]} : vector<8x128xf32> to vector<8x80xf32>
    %slice3A_2144 = vector.extract_strided_slice %mul3A_42 {offsets = [0, 0], sizes = [8, 48], strides = [1, 1]} : vector<8x128xf32> to vector<8x48xf32>
    %concatenate3A_2145 = tpu.concatenate %slice3A_2143, %slice3A_2144 in 1 : vector<8x80xf32>, vector<8x48xf32> -> vector<8x128xf32>
    %select_n3A_2146 = arith.select %eq3A_2138, %concatenate3A_2145, %select_n3A_2134 : vector<8x128xi1>, vector<8x128xf32>
    %slice3A_2147 = vector.extract_strided_slice %add3A_1563 {offsets = [0, 49], sizes = [8, 79], strides = [1, 1]} : vector<8x128xi32> to vector<8x79xi32>
    %slice3A_2148 = vector.extract_strided_slice %add3A_1563 {offsets = [0, 0], sizes = [8, 49], strides = [1, 1]} : vector<8x128xi32> to vector<8x49xi32>
    %concatenate3A_2149 = tpu.concatenate %slice3A_2147, %slice3A_2148 in 1 : vector<8x79xi32>, vector<8x49xi32> -> vector<8x128xi32>
    %eq3A_2150 = arith.cmpi eq, %concatenate3A_2149, %iota3A : vector<8x128xi32>
    %slice3A_2151 = vector.extract_strided_slice %mul3A_35 {offsets = [0, 49], sizes = [8, 79], strides = [1, 1]} : vector<8x128xf32> to vector<8x79xf32>
    %slice3A_2152 = vector.extract_strided_slice %mul3A_35 {offsets = [0, 0], sizes = [8, 49], strides = [1, 1]} : vector<8x128xf32> to vector<8x49xf32>
    %concatenate3A_2153 = tpu.concatenate %slice3A_2151, %slice3A_2152 in 1 : vector<8x79xf32>, vector<8x49xf32> -> vector<8x128xf32>
    %select_n3A_2154 = arith.select %eq3A_2150, %concatenate3A_2153, %select_n3A_2142 : vector<8x128xi1>, vector<8x128xf32>
    %slice3A_2155 = vector.extract_strided_slice %mul3A_42 {offsets = [0, 49], sizes = [8, 79], strides = [1, 1]} : vector<8x128xf32> to vector<8x79xf32>
    %slice3A_2156 = vector.extract_strided_slice %mul3A_42 {offsets = [0, 0], sizes = [8, 49], strides = [1, 1]} : vector<8x128xf32> to vector<8x49xf32>
    %concatenate3A_2157 = tpu.concatenate %slice3A_2155, %slice3A_2156 in 1 : vector<8x79xf32>, vector<8x49xf32> -> vector<8x128xf32>
    %select_n3A_2158 = arith.select %eq3A_2150, %concatenate3A_2157, %select_n3A_2146 : vector<8x128xi1>, vector<8x128xf32>
    %slice3A_2159 = vector.extract_strided_slice %add3A_1563 {offsets = [0, 50], sizes = [8, 78], strides = [1, 1]} : vector<8x128xi32> to vector<8x78xi32>
    %slice3A_2160 = vector.extract_strided_slice %add3A_1563 {offsets = [0, 0], sizes = [8, 50], strides = [1, 1]} : vector<8x128xi32> to vector<8x50xi32>
    %concatenate3A_2161 = tpu.concatenate %slice3A_2159, %slice3A_2160 in 1 : vector<8x78xi32>, vector<8x50xi32> -> vector<8x128xi32>
    %eq3A_2162 = arith.cmpi eq, %concatenate3A_2161, %iota3A : vector<8x128xi32>
    %slice3A_2163 = vector.extract_strided_slice %mul3A_35 {offsets = [0, 50], sizes = [8, 78], strides = [1, 1]} : vector<8x128xf32> to vector<8x78xf32>
    %slice3A_2164 = vector.extract_strided_slice %mul3A_35 {offsets = [0, 0], sizes = [8, 50], strides = [1, 1]} : vector<8x128xf32> to vector<8x50xf32>
    %concatenate3A_2165 = tpu.concatenate %slice3A_2163, %slice3A_2164 in 1 : vector<8x78xf32>, vector<8x50xf32> -> vector<8x128xf32>
    %select_n3A_2166 = arith.select %eq3A_2162, %concatenate3A_2165, %select_n3A_2154 : vector<8x128xi1>, vector<8x128xf32>
    %slice3A_2167 = vector.extract_strided_slice %mul3A_42 {offsets = [0, 50], sizes = [8, 78], strides = [1, 1]} : vector<8x128xf32> to vector<8x78xf32>
    %slice3A_2168 = vector.extract_strided_slice %mul3A_42 {offsets = [0, 0], sizes = [8, 50], strides = [1, 1]} : vector<8x128xf32> to vector<8x50xf32>
    %concatenate3A_2169 = tpu.concatenate %slice3A_2167, %slice3A_2168 in 1 : vector<8x78xf32>, vector<8x50xf32> -> vector<8x128xf32>
    %select_n3A_2170 = arith.select %eq3A_2162, %concatenate3A_2169, %select_n3A_2158 : vector<8x128xi1>, vector<8x128xf32>
    %slice3A_2171 = vector.extract_strided_slice %add3A_1563 {offsets = [0, 51], sizes = [8, 77], strides = [1, 1]} : vector<8x128xi32> to vector<8x77xi32>
    %slice3A_2172 = vector.extract_strided_slice %add3A_1563 {offsets = [0, 0], sizes = [8, 51], strides = [1, 1]} : vector<8x128xi32> to vector<8x51xi32>
    %concatenate3A_2173 = tpu.concatenate %slice3A_2171, %slice3A_2172 in 1 : vector<8x77xi32>, vector<8x51xi32> -> vector<8x128xi32>
    %eq3A_2174 = arith.cmpi eq, %concatenate3A_2173, %iota3A : vector<8x128xi32>
    %slice3A_2175 = vector.extract_strided_slice %mul3A_35 {offsets = [0, 51], sizes = [8, 77], strides = [1, 1]} : vector<8x128xf32> to vector<8x77xf32>
    %slice3A_2176 = vector.extract_strided_slice %mul3A_35 {offsets = [0, 0], sizes = [8, 51], strides = [1, 1]} : vector<8x128xf32> to vector<8x51xf32>
    %concatenate3A_2177 = tpu.concatenate %slice3A_2175, %slice3A_2176 in 1 : vector<8x77xf32>, vector<8x51xf32> -> vector<8x128xf32>
    %select_n3A_2178 = arith.select %eq3A_2174, %concatenate3A_2177, %select_n3A_2166 : vector<8x128xi1>, vector<8x128xf32>
    %slice3A_2179 = vector.extract_strided_slice %mul3A_42 {offsets = [0, 51], sizes = [8, 77], strides = [1, 1]} : vector<8x128xf32> to vector<8x77xf32>
    %slice3A_2180 = vector.extract_strided_slice %mul3A_42 {offsets = [0, 0], sizes = [8, 51], strides = [1, 1]} : vector<8x128xf32> to vector<8x51xf32>
    %concatenate3A_2181 = tpu.concatenate %slice3A_2179, %slice3A_2180 in 1 : vector<8x77xf32>, vector<8x51xf32> -> vector<8x128xf32>
    %select_n3A_2182 = arith.select %eq3A_2174, %concatenate3A_2181, %select_n3A_2170 : vector<8x128xi1>, vector<8x128xf32>
    %slice3A_2183 = vector.extract_strided_slice %add3A_1563 {offsets = [0, 52], sizes = [8, 76], strides = [1, 1]} : vector<8x128xi32> to vector<8x76xi32>
    %slice3A_2184 = vector.extract_strided_slice %add3A_1563 {offsets = [0, 0], sizes = [8, 52], strides = [1, 1]} : vector<8x128xi32> to vector<8x52xi32>
    %concatenate3A_2185 = tpu.concatenate %slice3A_2183, %slice3A_2184 in 1 : vector<8x76xi32>, vector<8x52xi32> -> vector<8x128xi32>
    %eq3A_2186 = arith.cmpi eq, %concatenate3A_2185, %iota3A : vector<8x128xi32>
    %slice3A_2187 = vector.extract_strided_slice %mul3A_35 {offsets = [0, 52], sizes = [8, 76], strides = [1, 1]} : vector<8x128xf32> to vector<8x76xf32>
    %slice3A_2188 = vector.extract_strided_slice %mul3A_35 {offsets = [0, 0], sizes = [8, 52], strides = [1, 1]} : vector<8x128xf32> to vector<8x52xf32>
    %concatenate3A_2189 = tpu.concatenate %slice3A_2187, %slice3A_2188 in 1 : vector<8x76xf32>, vector<8x52xf32> -> vector<8x128xf32>
    %select_n3A_2190 = arith.select %eq3A_2186, %concatenate3A_2189, %select_n3A_2178 : vector<8x128xi1>, vector<8x128xf32>
    %slice3A_2191 = vector.extract_strided_slice %mul3A_42 {offsets = [0, 52], sizes = [8, 76], strides = [1, 1]} : vector<8x128xf32> to vector<8x76xf32>
    %slice3A_2192 = vector.extract_strided_slice %mul3A_42 {offsets = [0, 0], sizes = [8, 52], strides = [1, 1]} : vector<8x128xf32> to vector<8x52xf32>
    %concatenate3A_2193 = tpu.concatenate %slice3A_2191, %slice3A_2192 in 1 : vector<8x76xf32>, vector<8x52xf32> -> vector<8x128xf32>
    %select_n3A_2194 = arith.select %eq3A_2186, %concatenate3A_2193, %select_n3A_2182 : vector<8x128xi1>, vector<8x128xf32>
    %slice3A_2195 = vector.extract_strided_slice %add3A_1563 {offsets = [0, 53], sizes = [8, 75], strides = [1, 1]} : vector<8x128xi32> to vector<8x75xi32>
    %slice3A_2196 = vector.extract_strided_slice %add3A_1563 {offsets = [0, 0], sizes = [8, 53], strides = [1, 1]} : vector<8x128xi32> to vector<8x53xi32>
    %concatenate3A_2197 = tpu.concatenate %slice3A_2195, %slice3A_2196 in 1 : vector<8x75xi32>, vector<8x53xi32> -> vector<8x128xi32>
    %eq3A_2198 = arith.cmpi eq, %concatenate3A_2197, %iota3A : vector<8x128xi32>
    %slice3A_2199 = vector.extract_strided_slice %mul3A_35 {offsets = [0, 53], sizes = [8, 75], strides = [1, 1]} : vector<8x128xf32> to vector<8x75xf32>
    %slice3A_2200 = vector.extract_strided_slice %mul3A_35 {offsets = [0, 0], sizes = [8, 53], strides = [1, 1]} : vector<8x128xf32> to vector<8x53xf32>
    %concatenate3A_2201 = tpu.concatenate %slice3A_2199, %slice3A_2200 in 1 : vector<8x75xf32>, vector<8x53xf32> -> vector<8x128xf32>
    %select_n3A_2202 = arith.select %eq3A_2198, %concatenate3A_2201, %select_n3A_2190 : vector<8x128xi1>, vector<8x128xf32>
    %slice3A_2203 = vector.extract_strided_slice %mul3A_42 {offsets = [0, 53], sizes = [8, 75], strides = [1, 1]} : vector<8x128xf32> to vector<8x75xf32>
    %slice3A_2204 = vector.extract_strided_slice %mul3A_42 {offsets = [0, 0], sizes = [8, 53], strides = [1, 1]} : vector<8x128xf32> to vector<8x53xf32>
    %concatenate3A_2205 = tpu.concatenate %slice3A_2203, %slice3A_2204 in 1 : vector<8x75xf32>, vector<8x53xf32> -> vector<8x128xf32>
    %select_n3A_2206 = arith.select %eq3A_2198, %concatenate3A_2205, %select_n3A_2194 : vector<8x128xi1>, vector<8x128xf32>
    %slice3A_2207 = vector.extract_strided_slice %add3A_1563 {offsets = [0, 54], sizes = [8, 74], strides = [1, 1]} : vector<8x128xi32> to vector<8x74xi32>
    %slice3A_2208 = vector.extract_strided_slice %add3A_1563 {offsets = [0, 0], sizes = [8, 54], strides = [1, 1]} : vector<8x128xi32> to vector<8x54xi32>
    %concatenate3A_2209 = tpu.concatenate %slice3A_2207, %slice3A_2208 in 1 : vector<8x74xi32>, vector<8x54xi32> -> vector<8x128xi32>
    %eq3A_2210 = arith.cmpi eq, %concatenate3A_2209, %iota3A : vector<8x128xi32>
    %slice3A_2211 = vector.extract_strided_slice %mul3A_35 {offsets = [0, 54], sizes = [8, 74], strides = [1, 1]} : vector<8x128xf32> to vector<8x74xf32>
    %slice3A_2212 = vector.extract_strided_slice %mul3A_35 {offsets = [0, 0], sizes = [8, 54], strides = [1, 1]} : vector<8x128xf32> to vector<8x54xf32>
    %concatenate3A_2213 = tpu.concatenate %slice3A_2211, %slice3A_2212 in 1 : vector<8x74xf32>, vector<8x54xf32> -> vector<8x128xf32>
    %select_n3A_2214 = arith.select %eq3A_2210, %concatenate3A_2213, %select_n3A_2202 : vector<8x128xi1>, vector<8x128xf32>
    %slice3A_2215 = vector.extract_strided_slice %mul3A_42 {offsets = [0, 54], sizes = [8, 74], strides = [1, 1]} : vector<8x128xf32> to vector<8x74xf32>
    %slice3A_2216 = vector.extract_strided_slice %mul3A_42 {offsets = [0, 0], sizes = [8, 54], strides = [1, 1]} : vector<8x128xf32> to vector<8x54xf32>
    %concatenate3A_2217 = tpu.concatenate %slice3A_2215, %slice3A_2216 in 1 : vector<8x74xf32>, vector<8x54xf32> -> vector<8x128xf32>
    %select_n3A_2218 = arith.select %eq3A_2210, %concatenate3A_2217, %select_n3A_2206 : vector<8x128xi1>, vector<8x128xf32>
    %slice3A_2219 = vector.extract_strided_slice %add3A_1563 {offsets = [0, 55], sizes = [8, 73], strides = [1, 1]} : vector<8x128xi32> to vector<8x73xi32>
    %slice3A_2220 = vector.extract_strided_slice %add3A_1563 {offsets = [0, 0], sizes = [8, 55], strides = [1, 1]} : vector<8x128xi32> to vector<8x55xi32>
    %concatenate3A_2221 = tpu.concatenate %slice3A_2219, %slice3A_2220 in 1 : vector<8x73xi32>, vector<8x55xi32> -> vector<8x128xi32>
    %eq3A_2222 = arith.cmpi eq, %concatenate3A_2221, %iota3A : vector<8x128xi32>
    %slice3A_2223 = vector.extract_strided_slice %mul3A_35 {offsets = [0, 55], sizes = [8, 73], strides = [1, 1]} : vector<8x128xf32> to vector<8x73xf32>
    %slice3A_2224 = vector.extract_strided_slice %mul3A_35 {offsets = [0, 0], sizes = [8, 55], strides = [1, 1]} : vector<8x128xf32> to vector<8x55xf32>
    %concatenate3A_2225 = tpu.concatenate %slice3A_2223, %slice3A_2224 in 1 : vector<8x73xf32>, vector<8x55xf32> -> vector<8x128xf32>
    %select_n3A_2226 = arith.select %eq3A_2222, %concatenate3A_2225, %select_n3A_2214 : vector<8x128xi1>, vector<8x128xf32>
    %slice3A_2227 = vector.extract_strided_slice %mul3A_42 {offsets = [0, 55], sizes = [8, 73], strides = [1, 1]} : vector<8x128xf32> to vector<8x73xf32>
    %slice3A_2228 = vector.extract_strided_slice %mul3A_42 {offsets = [0, 0], sizes = [8, 55], strides = [1, 1]} : vector<8x128xf32> to vector<8x55xf32>
    %concatenate3A_2229 = tpu.concatenate %slice3A_2227, %slice3A_2228 in 1 : vector<8x73xf32>, vector<8x55xf32> -> vector<8x128xf32>
    %select_n3A_2230 = arith.select %eq3A_2222, %concatenate3A_2229, %select_n3A_2218 : vector<8x128xi1>, vector<8x128xf32>
    %slice3A_2231 = vector.extract_strided_slice %add3A_1563 {offsets = [0, 56], sizes = [8, 72], strides = [1, 1]} : vector<8x128xi32> to vector<8x72xi32>
    %slice3A_2232 = vector.extract_strided_slice %add3A_1563 {offsets = [0, 0], sizes = [8, 56], strides = [1, 1]} : vector<8x128xi32> to vector<8x56xi32>
    %concatenate3A_2233 = tpu.concatenate %slice3A_2231, %slice3A_2232 in 1 : vector<8x72xi32>, vector<8x56xi32> -> vector<8x128xi32>
    %eq3A_2234 = arith.cmpi eq, %concatenate3A_2233, %iota3A : vector<8x128xi32>
    %slice3A_2235 = vector.extract_strided_slice %mul3A_35 {offsets = [0, 56], sizes = [8, 72], strides = [1, 1]} : vector<8x128xf32> to vector<8x72xf32>
    %slice3A_2236 = vector.extract_strided_slice %mul3A_35 {offsets = [0, 0], sizes = [8, 56], strides = [1, 1]} : vector<8x128xf32> to vector<8x56xf32>
    %concatenate3A_2237 = tpu.concatenate %slice3A_2235, %slice3A_2236 in 1 : vector<8x72xf32>, vector<8x56xf32> -> vector<8x128xf32>
    %select_n3A_2238 = arith.select %eq3A_2234, %concatenate3A_2237, %select_n3A_2226 : vector<8x128xi1>, vector<8x128xf32>
    %slice3A_2239 = vector.extract_strided_slice %mul3A_42 {offsets = [0, 56], sizes = [8, 72], strides = [1, 1]} : vector<8x128xf32> to vector<8x72xf32>
    %slice3A_2240 = vector.extract_strided_slice %mul3A_42 {offsets = [0, 0], sizes = [8, 56], strides = [1, 1]} : vector<8x128xf32> to vector<8x56xf32>
    %concatenate3A_2241 = tpu.concatenate %slice3A_2239, %slice3A_2240 in 1 : vector<8x72xf32>, vector<8x56xf32> -> vector<8x128xf32>
    %select_n3A_2242 = arith.select %eq3A_2234, %concatenate3A_2241, %select_n3A_2230 : vector<8x128xi1>, vector<8x128xf32>
    %slice3A_2243 = vector.extract_strided_slice %add3A_1563 {offsets = [0, 57], sizes = [8, 71], strides = [1, 1]} : vector<8x128xi32> to vector<8x71xi32>
    %slice3A_2244 = vector.extract_strided_slice %add3A_1563 {offsets = [0, 0], sizes = [8, 57], strides = [1, 1]} : vector<8x128xi32> to vector<8x57xi32>
    %concatenate3A_2245 = tpu.concatenate %slice3A_2243, %slice3A_2244 in 1 : vector<8x71xi32>, vector<8x57xi32> -> vector<8x128xi32>
    %eq3A_2246 = arith.cmpi eq, %concatenate3A_2245, %iota3A : vector<8x128xi32>
    %slice3A_2247 = vector.extract_strided_slice %mul3A_35 {offsets = [0, 57], sizes = [8, 71], strides = [1, 1]} : vector<8x128xf32> to vector<8x71xf32>
    %slice3A_2248 = vector.extract_strided_slice %mul3A_35 {offsets = [0, 0], sizes = [8, 57], strides = [1, 1]} : vector<8x128xf32> to vector<8x57xf32>
    %concatenate3A_2249 = tpu.concatenate %slice3A_2247, %slice3A_2248 in 1 : vector<8x71xf32>, vector<8x57xf32> -> vector<8x128xf32>
    %select_n3A_2250 = arith.select %eq3A_2246, %concatenate3A_2249, %select_n3A_2238 : vector<8x128xi1>, vector<8x128xf32>
    %slice3A_2251 = vector.extract_strided_slice %mul3A_42 {offsets = [0, 57], sizes = [8, 71], strides = [1, 1]} : vector<8x128xf32> to vector<8x71xf32>
    %slice3A_2252 = vector.extract_strided_slice %mul3A_42 {offsets = [0, 0], sizes = [8, 57], strides = [1, 1]} : vector<8x128xf32> to vector<8x57xf32>
    %concatenate3A_2253 = tpu.concatenate %slice3A_2251, %slice3A_2252 in 1 : vector<8x71xf32>, vector<8x57xf32> -> vector<8x128xf32>
    %select_n3A_2254 = arith.select %eq3A_2246, %concatenate3A_2253, %select_n3A_2242 : vector<8x128xi1>, vector<8x128xf32>
    %slice3A_2255 = vector.extract_strided_slice %add3A_1563 {offsets = [0, 58], sizes = [8, 70], strides = [1, 1]} : vector<8x128xi32> to vector<8x70xi32>
    %slice3A_2256 = vector.extract_strided_slice %add3A_1563 {offsets = [0, 0], sizes = [8, 58], strides = [1, 1]} : vector<8x128xi32> to vector<8x58xi32>
    %concatenate3A_2257 = tpu.concatenate %slice3A_2255, %slice3A_2256 in 1 : vector<8x70xi32>, vector<8x58xi32> -> vector<8x128xi32>
    %eq3A_2258 = arith.cmpi eq, %concatenate3A_2257, %iota3A : vector<8x128xi32>
    %slice3A_2259 = vector.extract_strided_slice %mul3A_35 {offsets = [0, 58], sizes = [8, 70], strides = [1, 1]} : vector<8x128xf32> to vector<8x70xf32>
    %slice3A_2260 = vector.extract_strided_slice %mul3A_35 {offsets = [0, 0], sizes = [8, 58], strides = [1, 1]} : vector<8x128xf32> to vector<8x58xf32>
    %concatenate3A_2261 = tpu.concatenate %slice3A_2259, %slice3A_2260 in 1 : vector<8x70xf32>, vector<8x58xf32> -> vector<8x128xf32>
    %select_n3A_2262 = arith.select %eq3A_2258, %concatenate3A_2261, %select_n3A_2250 : vector<8x128xi1>, vector<8x128xf32>
    %slice3A_2263 = vector.extract_strided_slice %mul3A_42 {offsets = [0, 58], sizes = [8, 70], strides = [1, 1]} : vector<8x128xf32> to vector<8x70xf32>
    %slice3A_2264 = vector.extract_strided_slice %mul3A_42 {offsets = [0, 0], sizes = [8, 58], strides = [1, 1]} : vector<8x128xf32> to vector<8x58xf32>
    %concatenate3A_2265 = tpu.concatenate %slice3A_2263, %slice3A_2264 in 1 : vector<8x70xf32>, vector<8x58xf32> -> vector<8x128xf32>
    %select_n3A_2266 = arith.select %eq3A_2258, %concatenate3A_2265, %select_n3A_2254 : vector<8x128xi1>, vector<8x128xf32>
    %slice3A_2267 = vector.extract_strided_slice %add3A_1563 {offsets = [0, 59], sizes = [8, 69], strides = [1, 1]} : vector<8x128xi32> to vector<8x69xi32>
    %slice3A_2268 = vector.extract_strided_slice %add3A_1563 {offsets = [0, 0], sizes = [8, 59], strides = [1, 1]} : vector<8x128xi32> to vector<8x59xi32>
    %concatenate3A_2269 = tpu.concatenate %slice3A_2267, %slice3A_2268 in 1 : vector<8x69xi32>, vector<8x59xi32> -> vector<8x128xi32>
    %eq3A_2270 = arith.cmpi eq, %concatenate3A_2269, %iota3A : vector<8x128xi32>
    %slice3A_2271 = vector.extract_strided_slice %mul3A_35 {offsets = [0, 59], sizes = [8, 69], strides = [1, 1]} : vector<8x128xf32> to vector<8x69xf32>
    %slice3A_2272 = vector.extract_strided_slice %mul3A_35 {offsets = [0, 0], sizes = [8, 59], strides = [1, 1]} : vector<8x128xf32> to vector<8x59xf32>
    %concatenate3A_2273 = tpu.concatenate %slice3A_2271, %slice3A_2272 in 1 : vector<8x69xf32>, vector<8x59xf32> -> vector<8x128xf32>
    %select_n3A_2274 = arith.select %eq3A_2270, %concatenate3A_2273, %select_n3A_2262 : vector<8x128xi1>, vector<8x128xf32>
    %slice3A_2275 = vector.extract_strided_slice %mul3A_42 {offsets = [0, 59], sizes = [8, 69], strides = [1, 1]} : vector<8x128xf32> to vector<8x69xf32>
    %slice3A_2276 = vector.extract_strided_slice %mul3A_42 {offsets = [0, 0], sizes = [8, 59], strides = [1, 1]} : vector<8x128xf32> to vector<8x59xf32>
    %concatenate3A_2277 = tpu.concatenate %slice3A_2275, %slice3A_2276 in 1 : vector<8x69xf32>, vector<8x59xf32> -> vector<8x128xf32>
    %select_n3A_2278 = arith.select %eq3A_2270, %concatenate3A_2277, %select_n3A_2266 : vector<8x128xi1>, vector<8x128xf32>
    %slice3A_2279 = vector.extract_strided_slice %add3A_1563 {offsets = [0, 60], sizes = [8, 68], strides = [1, 1]} : vector<8x128xi32> to vector<8x68xi32>
    %slice3A_2280 = vector.extract_strided_slice %add3A_1563 {offsets = [0, 0], sizes = [8, 60], strides = [1, 1]} : vector<8x128xi32> to vector<8x60xi32>
    %concatenate3A_2281 = tpu.concatenate %slice3A_2279, %slice3A_2280 in 1 : vector<8x68xi32>, vector<8x60xi32> -> vector<8x128xi32>
    %eq3A_2282 = arith.cmpi eq, %concatenate3A_2281, %iota3A : vector<8x128xi32>
    %slice3A_2283 = vector.extract_strided_slice %mul3A_35 {offsets = [0, 60], sizes = [8, 68], strides = [1, 1]} : vector<8x128xf32> to vector<8x68xf32>
    %slice3A_2284 = vector.extract_strided_slice %mul3A_35 {offsets = [0, 0], sizes = [8, 60], strides = [1, 1]} : vector<8x128xf32> to vector<8x60xf32>
    %concatenate3A_2285 = tpu.concatenate %slice3A_2283, %slice3A_2284 in 1 : vector<8x68xf32>, vector<8x60xf32> -> vector<8x128xf32>
    %select_n3A_2286 = arith.select %eq3A_2282, %concatenate3A_2285, %select_n3A_2274 : vector<8x128xi1>, vector<8x128xf32>
    %slice3A_2287 = vector.extract_strided_slice %mul3A_42 {offsets = [0, 60], sizes = [8, 68], strides = [1, 1]} : vector<8x128xf32> to vector<8x68xf32>
    %slice3A_2288 = vector.extract_strided_slice %mul3A_42 {offsets = [0, 0], sizes = [8, 60], strides = [1, 1]} : vector<8x128xf32> to vector<8x60xf32>
    %concatenate3A_2289 = tpu.concatenate %slice3A_2287, %slice3A_2288 in 1 : vector<8x68xf32>, vector<8x60xf32> -> vector<8x128xf32>
    %select_n3A_2290 = arith.select %eq3A_2282, %concatenate3A_2289, %select_n3A_2278 : vector<8x128xi1>, vector<8x128xf32>
    %slice3A_2291 = vector.extract_strided_slice %add3A_1563 {offsets = [0, 61], sizes = [8, 67], strides = [1, 1]} : vector<8x128xi32> to vector<8x67xi32>
    %slice3A_2292 = vector.extract_strided_slice %add3A_1563 {offsets = [0, 0], sizes = [8, 61], strides = [1, 1]} : vector<8x128xi32> to vector<8x61xi32>
    %concatenate3A_2293 = tpu.concatenate %slice3A_2291, %slice3A_2292 in 1 : vector<8x67xi32>, vector<8x61xi32> -> vector<8x128xi32>
    %eq3A_2294 = arith.cmpi eq, %concatenate3A_2293, %iota3A : vector<8x128xi32>
    %slice3A_2295 = vector.extract_strided_slice %mul3A_35 {offsets = [0, 61], sizes = [8, 67], strides = [1, 1]} : vector<8x128xf32> to vector<8x67xf32>
    %slice3A_2296 = vector.extract_strided_slice %mul3A_35 {offsets = [0, 0], sizes = [8, 61], strides = [1, 1]} : vector<8x128xf32> to vector<8x61xf32>
    %concatenate3A_2297 = tpu.concatenate %slice3A_2295, %slice3A_2296 in 1 : vector<8x67xf32>, vector<8x61xf32> -> vector<8x128xf32>
    %select_n3A_2298 = arith.select %eq3A_2294, %concatenate3A_2297, %select_n3A_2286 : vector<8x128xi1>, vector<8x128xf32>
    %slice3A_2299 = vector.extract_strided_slice %mul3A_42 {offsets = [0, 61], sizes = [8, 67], strides = [1, 1]} : vector<8x128xf32> to vector<8x67xf32>
    %slice3A_2300 = vector.extract_strided_slice %mul3A_42 {offsets = [0, 0], sizes = [8, 61], strides = [1, 1]} : vector<8x128xf32> to vector<8x61xf32>
    %concatenate3A_2301 = tpu.concatenate %slice3A_2299, %slice3A_2300 in 1 : vector<8x67xf32>, vector<8x61xf32> -> vector<8x128xf32>
    %select_n3A_2302 = arith.select %eq3A_2294, %concatenate3A_2301, %select_n3A_2290 : vector<8x128xi1>, vector<8x128xf32>
    %slice3A_2303 = vector.extract_strided_slice %add3A_1563 {offsets = [0, 62], sizes = [8, 66], strides = [1, 1]} : vector<8x128xi32> to vector<8x66xi32>
    %slice3A_2304 = vector.extract_strided_slice %add3A_1563 {offsets = [0, 0], sizes = [8, 62], strides = [1, 1]} : vector<8x128xi32> to vector<8x62xi32>
    %concatenate3A_2305 = tpu.concatenate %slice3A_2303, %slice3A_2304 in 1 : vector<8x66xi32>, vector<8x62xi32> -> vector<8x128xi32>
    %eq3A_2306 = arith.cmpi eq, %concatenate3A_2305, %iota3A : vector<8x128xi32>
    %slice3A_2307 = vector.extract_strided_slice %mul3A_35 {offsets = [0, 62], sizes = [8, 66], strides = [1, 1]} : vector<8x128xf32> to vector<8x66xf32>
    %slice3A_2308 = vector.extract_strided_slice %mul3A_35 {offsets = [0, 0], sizes = [8, 62], strides = [1, 1]} : vector<8x128xf32> to vector<8x62xf32>
    %concatenate3A_2309 = tpu.concatenate %slice3A_2307, %slice3A_2308 in 1 : vector<8x66xf32>, vector<8x62xf32> -> vector<8x128xf32>
    %select_n3A_2310 = arith.select %eq3A_2306, %concatenate3A_2309, %select_n3A_2298 : vector<8x128xi1>, vector<8x128xf32>
    %slice3A_2311 = vector.extract_strided_slice %mul3A_42 {offsets = [0, 62], sizes = [8, 66], strides = [1, 1]} : vector<8x128xf32> to vector<8x66xf32>
    %slice3A_2312 = vector.extract_strided_slice %mul3A_42 {offsets = [0, 0], sizes = [8, 62], strides = [1, 1]} : vector<8x128xf32> to vector<8x62xf32>
    %concatenate3A_2313 = tpu.concatenate %slice3A_2311, %slice3A_2312 in 1 : vector<8x66xf32>, vector<8x62xf32> -> vector<8x128xf32>
    %select_n3A_2314 = arith.select %eq3A_2306, %concatenate3A_2313, %select_n3A_2302 : vector<8x128xi1>, vector<8x128xf32>
    %slice3A_2315 = vector.extract_strided_slice %add3A_1563 {offsets = [0, 63], sizes = [8, 65], strides = [1, 1]} : vector<8x128xi32> to vector<8x65xi32>
    %slice3A_2316 = vector.extract_strided_slice %add3A_1563 {offsets = [0, 0], sizes = [8, 63], strides = [1, 1]} : vector<8x128xi32> to vector<8x63xi32>
    %concatenate3A_2317 = tpu.concatenate %slice3A_2315, %slice3A_2316 in 1 : vector<8x65xi32>, vector<8x63xi32> -> vector<8x128xi32>
    %eq3A_2318 = arith.cmpi eq, %concatenate3A_2317, %iota3A : vector<8x128xi32>
    %slice3A_2319 = vector.extract_strided_slice %mul3A_35 {offsets = [0, 63], sizes = [8, 65], strides = [1, 1]} : vector<8x128xf32> to vector<8x65xf32>
    %slice3A_2320 = vector.extract_strided_slice %mul3A_35 {offsets = [0, 0], sizes = [8, 63], strides = [1, 1]} : vector<8x128xf32> to vector<8x63xf32>
    %concatenate3A_2321 = tpu.concatenate %slice3A_2319, %slice3A_2320 in 1 : vector<8x65xf32>, vector<8x63xf32> -> vector<8x128xf32>
    %select_n3A_2322 = arith.select %eq3A_2318, %concatenate3A_2321, %select_n3A_2310 : vector<8x128xi1>, vector<8x128xf32>
    %slice3A_2323 = vector.extract_strided_slice %mul3A_42 {offsets = [0, 63], sizes = [8, 65], strides = [1, 1]} : vector<8x128xf32> to vector<8x65xf32>
    %slice3A_2324 = vector.extract_strided_slice %mul3A_42 {offsets = [0, 0], sizes = [8, 63], strides = [1, 1]} : vector<8x128xf32> to vector<8x63xf32>
    %concatenate3A_2325 = tpu.concatenate %slice3A_2323, %slice3A_2324 in 1 : vector<8x65xf32>, vector<8x63xf32> -> vector<8x128xf32>
    %select_n3A_2326 = arith.select %eq3A_2318, %concatenate3A_2325, %select_n3A_2314 : vector<8x128xi1>, vector<8x128xf32>
    %slice3A_2327 = vector.extract_strided_slice %add3A_1563 {offsets = [0, 64], sizes = [8, 64], strides = [1, 1]} : vector<8x128xi32> to vector<8x64xi32>
    %slice3A_2328 = vector.extract_strided_slice %add3A_1563 {offsets = [0, 0], sizes = [8, 64], strides = [1, 1]} : vector<8x128xi32> to vector<8x64xi32>
    %concatenate3A_2329 = tpu.concatenate %slice3A_2327, %slice3A_2328 in 1 : vector<8x64xi32>, vector<8x64xi32> -> vector<8x128xi32>
    %eq3A_2330 = arith.cmpi eq, %concatenate3A_2329, %iota3A : vector<8x128xi32>
    %slice3A_2331 = vector.extract_strided_slice %mul3A_35 {offsets = [0, 64], sizes = [8, 64], strides = [1, 1]} : vector<8x128xf32> to vector<8x64xf32>
    %slice3A_2332 = vector.extract_strided_slice %mul3A_35 {offsets = [0, 0], sizes = [8, 64], strides = [1, 1]} : vector<8x128xf32> to vector<8x64xf32>
    %concatenate3A_2333 = tpu.concatenate %slice3A_2331, %slice3A_2332 in 1 : vector<8x64xf32>, vector<8x64xf32> -> vector<8x128xf32>
    %select_n3A_2334 = arith.select %eq3A_2330, %concatenate3A_2333, %select_n3A_2322 : vector<8x128xi1>, vector<8x128xf32>
    %slice3A_2335 = vector.extract_strided_slice %mul3A_42 {offsets = [0, 64], sizes = [8, 64], strides = [1, 1]} : vector<8x128xf32> to vector<8x64xf32>
    %slice3A_2336 = vector.extract_strided_slice %mul3A_42 {offsets = [0, 0], sizes = [8, 64], strides = [1, 1]} : vector<8x128xf32> to vector<8x64xf32>
    %concatenate3A_2337 = tpu.concatenate %slice3A_2335, %slice3A_2336 in 1 : vector<8x64xf32>, vector<8x64xf32> -> vector<8x128xf32>
    %select_n3A_2338 = arith.select %eq3A_2330, %concatenate3A_2337, %select_n3A_2326 : vector<8x128xi1>, vector<8x128xf32>
    %slice3A_2339 = vector.extract_strided_slice %add3A_1563 {offsets = [0, 65], sizes = [8, 63], strides = [1, 1]} : vector<8x128xi32> to vector<8x63xi32>
    %slice3A_2340 = vector.extract_strided_slice %add3A_1563 {offsets = [0, 0], sizes = [8, 65], strides = [1, 1]} : vector<8x128xi32> to vector<8x65xi32>
    %concatenate3A_2341 = tpu.concatenate %slice3A_2339, %slice3A_2340 in 1 : vector<8x63xi32>, vector<8x65xi32> -> vector<8x128xi32>
    %eq3A_2342 = arith.cmpi eq, %concatenate3A_2341, %iota3A : vector<8x128xi32>
    %slice3A_2343 = vector.extract_strided_slice %mul3A_35 {offsets = [0, 65], sizes = [8, 63], strides = [1, 1]} : vector<8x128xf32> to vector<8x63xf32>
    %slice3A_2344 = vector.extract_strided_slice %mul3A_35 {offsets = [0, 0], sizes = [8, 65], strides = [1, 1]} : vector<8x128xf32> to vector<8x65xf32>
    %concatenate3A_2345 = tpu.concatenate %slice3A_2343, %slice3A_2344 in 1 : vector<8x63xf32>, vector<8x65xf32> -> vector<8x128xf32>
    %select_n3A_2346 = arith.select %eq3A_2342, %concatenate3A_2345, %select_n3A_2334 : vector<8x128xi1>, vector<8x128xf32>
    %slice3A_2347 = vector.extract_strided_slice %mul3A_42 {offsets = [0, 65], sizes = [8, 63], strides = [1, 1]} : vector<8x128xf32> to vector<8x63xf32>
    %slice3A_2348 = vector.extract_strided_slice %mul3A_42 {offsets = [0, 0], sizes = [8, 65], strides = [1, 1]} : vector<8x128xf32> to vector<8x65xf32>
    %concatenate3A_2349 = tpu.concatenate %slice3A_2347, %slice3A_2348 in 1 : vector<8x63xf32>, vector<8x65xf32> -> vector<8x128xf32>
    %select_n3A_2350 = arith.select %eq3A_2342, %concatenate3A_2349, %select_n3A_2338 : vector<8x128xi1>, vector<8x128xf32>
    %slice3A_2351 = vector.extract_strided_slice %add3A_1563 {offsets = [0, 66], sizes = [8, 62], strides = [1, 1]} : vector<8x128xi32> to vector<8x62xi32>
    %slice3A_2352 = vector.extract_strided_slice %add3A_1563 {offsets = [0, 0], sizes = [8, 66], strides = [1, 1]} : vector<8x128xi32> to vector<8x66xi32>
    %concatenate3A_2353 = tpu.concatenate %slice3A_2351, %slice3A_2352 in 1 : vector<8x62xi32>, vector<8x66xi32> -> vector<8x128xi32>
    %eq3A_2354 = arith.cmpi eq, %concatenate3A_2353, %iota3A : vector<8x128xi32>
    %slice3A_2355 = vector.extract_strided_slice %mul3A_35 {offsets = [0, 66], sizes = [8, 62], strides = [1, 1]} : vector<8x128xf32> to vector<8x62xf32>
    %slice3A_2356 = vector.extract_strided_slice %mul3A_35 {offsets = [0, 0], sizes = [8, 66], strides = [1, 1]} : vector<8x128xf32> to vector<8x66xf32>
    %concatenate3A_2357 = tpu.concatenate %slice3A_2355, %slice3A_2356 in 1 : vector<8x62xf32>, vector<8x66xf32> -> vector<8x128xf32>
    %select_n3A_2358 = arith.select %eq3A_2354, %concatenate3A_2357, %select_n3A_2346 : vector<8x128xi1>, vector<8x128xf32>
    %slice3A_2359 = vector.extract_strided_slice %mul3A_42 {offsets = [0, 66], sizes = [8, 62], strides = [1, 1]} : vector<8x128xf32> to vector<8x62xf32>
    %slice3A_2360 = vector.extract_strided_slice %mul3A_42 {offsets = [0, 0], sizes = [8, 66], strides = [1, 1]} : vector<8x128xf32> to vector<8x66xf32>
    %concatenate3A_2361 = tpu.concatenate %slice3A_2359, %slice3A_2360 in 1 : vector<8x62xf32>, vector<8x66xf32> -> vector<8x128xf32>
    %select_n3A_2362 = arith.select %eq3A_2354, %concatenate3A_2361, %select_n3A_2350 : vector<8x128xi1>, vector<8x128xf32>
    %slice3A_2363 = vector.extract_strided_slice %add3A_1563 {offsets = [0, 67], sizes = [8, 61], strides = [1, 1]} : vector<8x128xi32> to vector<8x61xi32>
    %slice3A_2364 = vector.extract_strided_slice %add3A_1563 {offsets = [0, 0], sizes = [8, 67], strides = [1, 1]} : vector<8x128xi32> to vector<8x67xi32>
    %concatenate3A_2365 = tpu.concatenate %slice3A_2363, %slice3A_2364 in 1 : vector<8x61xi32>, vector<8x67xi32> -> vector<8x128xi32>
    %eq3A_2366 = arith.cmpi eq, %concatenate3A_2365, %iota3A : vector<8x128xi32>
    %slice3A_2367 = vector.extract_strided_slice %mul3A_35 {offsets = [0, 67], sizes = [8, 61], strides = [1, 1]} : vector<8x128xf32> to vector<8x61xf32>
    %slice3A_2368 = vector.extract_strided_slice %mul3A_35 {offsets = [0, 0], sizes = [8, 67], strides = [1, 1]} : vector<8x128xf32> to vector<8x67xf32>
    %concatenate3A_2369 = tpu.concatenate %slice3A_2367, %slice3A_2368 in 1 : vector<8x61xf32>, vector<8x67xf32> -> vector<8x128xf32>
    %select_n3A_2370 = arith.select %eq3A_2366, %concatenate3A_2369, %select_n3A_2358 : vector<8x128xi1>, vector<8x128xf32>
    %slice3A_2371 = vector.extract_strided_slice %mul3A_42 {offsets = [0, 67], sizes = [8, 61], strides = [1, 1]} : vector<8x128xf32> to vector<8x61xf32>
    %slice3A_2372 = vector.extract_strided_slice %mul3A_42 {offsets = [0, 0], sizes = [8, 67], strides = [1, 1]} : vector<8x128xf32> to vector<8x67xf32>
    %concatenate3A_2373 = tpu.concatenate %slice3A_2371, %slice3A_2372 in 1 : vector<8x61xf32>, vector<8x67xf32> -> vector<8x128xf32>
    %select_n3A_2374 = arith.select %eq3A_2366, %concatenate3A_2373, %select_n3A_2362 : vector<8x128xi1>, vector<8x128xf32>
    %slice3A_2375 = vector.extract_strided_slice %add3A_1563 {offsets = [0, 68], sizes = [8, 60], strides = [1, 1]} : vector<8x128xi32> to vector<8x60xi32>
    %slice3A_2376 = vector.extract_strided_slice %add3A_1563 {offsets = [0, 0], sizes = [8, 68], strides = [1, 1]} : vector<8x128xi32> to vector<8x68xi32>
    %concatenate3A_2377 = tpu.concatenate %slice3A_2375, %slice3A_2376 in 1 : vector<8x60xi32>, vector<8x68xi32> -> vector<8x128xi32>
    %eq3A_2378 = arith.cmpi eq, %concatenate3A_2377, %iota3A : vector<8x128xi32>
    %slice3A_2379 = vector.extract_strided_slice %mul3A_35 {offsets = [0, 68], sizes = [8, 60], strides = [1, 1]} : vector<8x128xf32> to vector<8x60xf32>
    %slice3A_2380 = vector.extract_strided_slice %mul3A_35 {offsets = [0, 0], sizes = [8, 68], strides = [1, 1]} : vector<8x128xf32> to vector<8x68xf32>
    %concatenate3A_2381 = tpu.concatenate %slice3A_2379, %slice3A_2380 in 1 : vector<8x60xf32>, vector<8x68xf32> -> vector<8x128xf32>
    %select_n3A_2382 = arith.select %eq3A_2378, %concatenate3A_2381, %select_n3A_2370 : vector<8x128xi1>, vector<8x128xf32>
    %slice3A_2383 = vector.extract_strided_slice %mul3A_42 {offsets = [0, 68], sizes = [8, 60], strides = [1, 1]} : vector<8x128xf32> to vector<8x60xf32>
    %slice3A_2384 = vector.extract_strided_slice %mul3A_42 {offsets = [0, 0], sizes = [8, 68], strides = [1, 1]} : vector<8x128xf32> to vector<8x68xf32>
    %concatenate3A_2385 = tpu.concatenate %slice3A_2383, %slice3A_2384 in 1 : vector<8x60xf32>, vector<8x68xf32> -> vector<8x128xf32>
    %select_n3A_2386 = arith.select %eq3A_2378, %concatenate3A_2385, %select_n3A_2374 : vector<8x128xi1>, vector<8x128xf32>
    %slice3A_2387 = vector.extract_strided_slice %add3A_1563 {offsets = [0, 69], sizes = [8, 59], strides = [1, 1]} : vector<8x128xi32> to vector<8x59xi32>
    %slice3A_2388 = vector.extract_strided_slice %add3A_1563 {offsets = [0, 0], sizes = [8, 69], strides = [1, 1]} : vector<8x128xi32> to vector<8x69xi32>
    %concatenate3A_2389 = tpu.concatenate %slice3A_2387, %slice3A_2388 in 1 : vector<8x59xi32>, vector<8x69xi32> -> vector<8x128xi32>
    %eq3A_2390 = arith.cmpi eq, %concatenate3A_2389, %iota3A : vector<8x128xi32>
    %slice3A_2391 = vector.extract_strided_slice %mul3A_35 {offsets = [0, 69], sizes = [8, 59], strides = [1, 1]} : vector<8x128xf32> to vector<8x59xf32>
    %slice3A_2392 = vector.extract_strided_slice %mul3A_35 {offsets = [0, 0], sizes = [8, 69], strides = [1, 1]} : vector<8x128xf32> to vector<8x69xf32>
    %concatenate3A_2393 = tpu.concatenate %slice3A_2391, %slice3A_2392 in 1 : vector<8x59xf32>, vector<8x69xf32> -> vector<8x128xf32>
    %select_n3A_2394 = arith.select %eq3A_2390, %concatenate3A_2393, %select_n3A_2382 : vector<8x128xi1>, vector<8x128xf32>
    %slice3A_2395 = vector.extract_strided_slice %mul3A_42 {offsets = [0, 69], sizes = [8, 59], strides = [1, 1]} : vector<8x128xf32> to vector<8x59xf32>
    %slice3A_2396 = vector.extract_strided_slice %mul3A_42 {offsets = [0, 0], sizes = [8, 69], strides = [1, 1]} : vector<8x128xf32> to vector<8x69xf32>
    %concatenate3A_2397 = tpu.concatenate %slice3A_2395, %slice3A_2396 in 1 : vector<8x59xf32>, vector<8x69xf32> -> vector<8x128xf32>
    %select_n3A_2398 = arith.select %eq3A_2390, %concatenate3A_2397, %select_n3A_2386 : vector<8x128xi1>, vector<8x128xf32>
    %slice3A_2399 = vector.extract_strided_slice %add3A_1563 {offsets = [0, 70], sizes = [8, 58], strides = [1, 1]} : vector<8x128xi32> to vector<8x58xi32>
    %slice3A_2400 = vector.extract_strided_slice %add3A_1563 {offsets = [0, 0], sizes = [8, 70], strides = [1, 1]} : vector<8x128xi32> to vector<8x70xi32>
    %concatenate3A_2401 = tpu.concatenate %slice3A_2399, %slice3A_2400 in 1 : vector<8x58xi32>, vector<8x70xi32> -> vector<8x128xi32>
    %eq3A_2402 = arith.cmpi eq, %concatenate3A_2401, %iota3A : vector<8x128xi32>
    %slice3A_2403 = vector.extract_strided_slice %mul3A_35 {offsets = [0, 70], sizes = [8, 58], strides = [1, 1]} : vector<8x128xf32> to vector<8x58xf32>
    %slice3A_2404 = vector.extract_strided_slice %mul3A_35 {offsets = [0, 0], sizes = [8, 70], strides = [1, 1]} : vector<8x128xf32> to vector<8x70xf32>
    %concatenate3A_2405 = tpu.concatenate %slice3A_2403, %slice3A_2404 in 1 : vector<8x58xf32>, vector<8x70xf32> -> vector<8x128xf32>
    %select_n3A_2406 = arith.select %eq3A_2402, %concatenate3A_2405, %select_n3A_2394 : vector<8x128xi1>, vector<8x128xf32>
    %slice3A_2407 = vector.extract_strided_slice %mul3A_42 {offsets = [0, 70], sizes = [8, 58], strides = [1, 1]} : vector<8x128xf32> to vector<8x58xf32>
    %slice3A_2408 = vector.extract_strided_slice %mul3A_42 {offsets = [0, 0], sizes = [8, 70], strides = [1, 1]} : vector<8x128xf32> to vector<8x70xf32>
    %concatenate3A_2409 = tpu.concatenate %slice3A_2407, %slice3A_2408 in 1 : vector<8x58xf32>, vector<8x70xf32> -> vector<8x128xf32>
    %select_n3A_2410 = arith.select %eq3A_2402, %concatenate3A_2409, %select_n3A_2398 : vector<8x128xi1>, vector<8x128xf32>
    %slice3A_2411 = vector.extract_strided_slice %add3A_1563 {offsets = [0, 71], sizes = [8, 57], strides = [1, 1]} : vector<8x128xi32> to vector<8x57xi32>
    %slice3A_2412 = vector.extract_strided_slice %add3A_1563 {offsets = [0, 0], sizes = [8, 71], strides = [1, 1]} : vector<8x128xi32> to vector<8x71xi32>
    %concatenate3A_2413 = tpu.concatenate %slice3A_2411, %slice3A_2412 in 1 : vector<8x57xi32>, vector<8x71xi32> -> vector<8x128xi32>
    %eq3A_2414 = arith.cmpi eq, %concatenate3A_2413, %iota3A : vector<8x128xi32>
    %slice3A_2415 = vector.extract_strided_slice %mul3A_35 {offsets = [0, 71], sizes = [8, 57], strides = [1, 1]} : vector<8x128xf32> to vector<8x57xf32>
    %slice3A_2416 = vector.extract_strided_slice %mul3A_35 {offsets = [0, 0], sizes = [8, 71], strides = [1, 1]} : vector<8x128xf32> to vector<8x71xf32>
    %concatenate3A_2417 = tpu.concatenate %slice3A_2415, %slice3A_2416 in 1 : vector<8x57xf32>, vector<8x71xf32> -> vector<8x128xf32>
    %select_n3A_2418 = arith.select %eq3A_2414, %concatenate3A_2417, %select_n3A_2406 : vector<8x128xi1>, vector<8x128xf32>
    %slice3A_2419 = vector.extract_strided_slice %mul3A_42 {offsets = [0, 71], sizes = [8, 57], strides = [1, 1]} : vector<8x128xf32> to vector<8x57xf32>
    %slice3A_2420 = vector.extract_strided_slice %mul3A_42 {offsets = [0, 0], sizes = [8, 71], strides = [1, 1]} : vector<8x128xf32> to vector<8x71xf32>
    %concatenate3A_2421 = tpu.concatenate %slice3A_2419, %slice3A_2420 in 1 : vector<8x57xf32>, vector<8x71xf32> -> vector<8x128xf32>
    %select_n3A_2422 = arith.select %eq3A_2414, %concatenate3A_2421, %select_n3A_2410 : vector<8x128xi1>, vector<8x128xf32>
    %slice3A_2423 = vector.extract_strided_slice %add3A_1563 {offsets = [0, 72], sizes = [8, 56], strides = [1, 1]} : vector<8x128xi32> to vector<8x56xi32>
    %slice3A_2424 = vector.extract_strided_slice %add3A_1563 {offsets = [0, 0], sizes = [8, 72], strides = [1, 1]} : vector<8x128xi32> to vector<8x72xi32>
    %concatenate3A_2425 = tpu.concatenate %slice3A_2423, %slice3A_2424 in 1 : vector<8x56xi32>, vector<8x72xi32> -> vector<8x128xi32>
    %eq3A_2426 = arith.cmpi eq, %concatenate3A_2425, %iota3A : vector<8x128xi32>
    %slice3A_2427 = vector.extract_strided_slice %mul3A_35 {offsets = [0, 72], sizes = [8, 56], strides = [1, 1]} : vector<8x128xf32> to vector<8x56xf32>
    %slice3A_2428 = vector.extract_strided_slice %mul3A_35 {offsets = [0, 0], sizes = [8, 72], strides = [1, 1]} : vector<8x128xf32> to vector<8x72xf32>
    %concatenate3A_2429 = tpu.concatenate %slice3A_2427, %slice3A_2428 in 1 : vector<8x56xf32>, vector<8x72xf32> -> vector<8x128xf32>
    %select_n3A_2430 = arith.select %eq3A_2426, %concatenate3A_2429, %select_n3A_2418 : vector<8x128xi1>, vector<8x128xf32>
    %slice3A_2431 = vector.extract_strided_slice %mul3A_42 {offsets = [0, 72], sizes = [8, 56], strides = [1, 1]} : vector<8x128xf32> to vector<8x56xf32>
    %slice3A_2432 = vector.extract_strided_slice %mul3A_42 {offsets = [0, 0], sizes = [8, 72], strides = [1, 1]} : vector<8x128xf32> to vector<8x72xf32>
    %concatenate3A_2433 = tpu.concatenate %slice3A_2431, %slice3A_2432 in 1 : vector<8x56xf32>, vector<8x72xf32> -> vector<8x128xf32>
    %select_n3A_2434 = arith.select %eq3A_2426, %concatenate3A_2433, %select_n3A_2422 : vector<8x128xi1>, vector<8x128xf32>
    %slice3A_2435 = vector.extract_strided_slice %add3A_1563 {offsets = [0, 73], sizes = [8, 55], strides = [1, 1]} : vector<8x128xi32> to vector<8x55xi32>
    %slice3A_2436 = vector.extract_strided_slice %add3A_1563 {offsets = [0, 0], sizes = [8, 73], strides = [1, 1]} : vector<8x128xi32> to vector<8x73xi32>
    %concatenate3A_2437 = tpu.concatenate %slice3A_2435, %slice3A_2436 in 1 : vector<8x55xi32>, vector<8x73xi32> -> vector<8x128xi32>
    %eq3A_2438 = arith.cmpi eq, %concatenate3A_2437, %iota3A : vector<8x128xi32>
    %slice3A_2439 = vector.extract_strided_slice %mul3A_35 {offsets = [0, 73], sizes = [8, 55], strides = [1, 1]} : vector<8x128xf32> to vector<8x55xf32>
    %slice3A_2440 = vector.extract_strided_slice %mul3A_35 {offsets = [0, 0], sizes = [8, 73], strides = [1, 1]} : vector<8x128xf32> to vector<8x73xf32>
    %concatenate3A_2441 = tpu.concatenate %slice3A_2439, %slice3A_2440 in 1 : vector<8x55xf32>, vector<8x73xf32> -> vector<8x128xf32>
    %select_n3A_2442 = arith.select %eq3A_2438, %concatenate3A_2441, %select_n3A_2430 : vector<8x128xi1>, vector<8x128xf32>
    %slice3A_2443 = vector.extract_strided_slice %mul3A_42 {offsets = [0, 73], sizes = [8, 55], strides = [1, 1]} : vector<8x128xf32> to vector<8x55xf32>
    %slice3A_2444 = vector.extract_strided_slice %mul3A_42 {offsets = [0, 0], sizes = [8, 73], strides = [1, 1]} : vector<8x128xf32> to vector<8x73xf32>
    %concatenate3A_2445 = tpu.concatenate %slice3A_2443, %slice3A_2444 in 1 : vector<8x55xf32>, vector<8x73xf32> -> vector<8x128xf32>
    %select_n3A_2446 = arith.select %eq3A_2438, %concatenate3A_2445, %select_n3A_2434 : vector<8x128xi1>, vector<8x128xf32>
    %slice3A_2447 = vector.extract_strided_slice %add3A_1563 {offsets = [0, 74], sizes = [8, 54], strides = [1, 1]} : vector<8x128xi32> to vector<8x54xi32>
    %slice3A_2448 = vector.extract_strided_slice %add3A_1563 {offsets = [0, 0], sizes = [8, 74], strides = [1, 1]} : vector<8x128xi32> to vector<8x74xi32>
    %concatenate3A_2449 = tpu.concatenate %slice3A_2447, %slice3A_2448 in 1 : vector<8x54xi32>, vector<8x74xi32> -> vector<8x128xi32>
    %eq3A_2450 = arith.cmpi eq, %concatenate3A_2449, %iota3A : vector<8x128xi32>
    %slice3A_2451 = vector.extract_strided_slice %mul3A_35 {offsets = [0, 74], sizes = [8, 54], strides = [1, 1]} : vector<8x128xf32> to vector<8x54xf32>
    %slice3A_2452 = vector.extract_strided_slice %mul3A_35 {offsets = [0, 0], sizes = [8, 74], strides = [1, 1]} : vector<8x128xf32> to vector<8x74xf32>
    %concatenate3A_2453 = tpu.concatenate %slice3A_2451, %slice3A_2452 in 1 : vector<8x54xf32>, vector<8x74xf32> -> vector<8x128xf32>
    %select_n3A_2454 = arith.select %eq3A_2450, %concatenate3A_2453, %select_n3A_2442 : vector<8x128xi1>, vector<8x128xf32>
    %slice3A_2455 = vector.extract_strided_slice %mul3A_42 {offsets = [0, 74], sizes = [8, 54], strides = [1, 1]} : vector<8x128xf32> to vector<8x54xf32>
    %slice3A_2456 = vector.extract_strided_slice %mul3A_42 {offsets = [0, 0], sizes = [8, 74], strides = [1, 1]} : vector<8x128xf32> to vector<8x74xf32>
    %concatenate3A_2457 = tpu.concatenate %slice3A_2455, %slice3A_2456 in 1 : vector<8x54xf32>, vector<8x74xf32> -> vector<8x128xf32>
    %select_n3A_2458 = arith.select %eq3A_2450, %concatenate3A_2457, %select_n3A_2446 : vector<8x128xi1>, vector<8x128xf32>
    %slice3A_2459 = vector.extract_strided_slice %add3A_1563 {offsets = [0, 75], sizes = [8, 53], strides = [1, 1]} : vector<8x128xi32> to vector<8x53xi32>
    %slice3A_2460 = vector.extract_strided_slice %add3A_1563 {offsets = [0, 0], sizes = [8, 75], strides = [1, 1]} : vector<8x128xi32> to vector<8x75xi32>
    %concatenate3A_2461 = tpu.concatenate %slice3A_2459, %slice3A_2460 in 1 : vector<8x53xi32>, vector<8x75xi32> -> vector<8x128xi32>
    %eq3A_2462 = arith.cmpi eq, %concatenate3A_2461, %iota3A : vector<8x128xi32>
    %slice3A_2463 = vector.extract_strided_slice %mul3A_35 {offsets = [0, 75], sizes = [8, 53], strides = [1, 1]} : vector<8x128xf32> to vector<8x53xf32>
    %slice3A_2464 = vector.extract_strided_slice %mul3A_35 {offsets = [0, 0], sizes = [8, 75], strides = [1, 1]} : vector<8x128xf32> to vector<8x75xf32>
    %concatenate3A_2465 = tpu.concatenate %slice3A_2463, %slice3A_2464 in 1 : vector<8x53xf32>, vector<8x75xf32> -> vector<8x128xf32>
    %select_n3A_2466 = arith.select %eq3A_2462, %concatenate3A_2465, %select_n3A_2454 : vector<8x128xi1>, vector<8x128xf32>
    %slice3A_2467 = vector.extract_strided_slice %mul3A_42 {offsets = [0, 75], sizes = [8, 53], strides = [1, 1]} : vector<8x128xf32> to vector<8x53xf32>
    %slice3A_2468 = vector.extract_strided_slice %mul3A_42 {offsets = [0, 0], sizes = [8, 75], strides = [1, 1]} : vector<8x128xf32> to vector<8x75xf32>
    %concatenate3A_2469 = tpu.concatenate %slice3A_2467, %slice3A_2468 in 1 : vector<8x53xf32>, vector<8x75xf32> -> vector<8x128xf32>
    %select_n3A_2470 = arith.select %eq3A_2462, %concatenate3A_2469, %select_n3A_2458 : vector<8x128xi1>, vector<8x128xf32>
    %slice3A_2471 = vector.extract_strided_slice %add3A_1563 {offsets = [0, 76], sizes = [8, 52], strides = [1, 1]} : vector<8x128xi32> to vector<8x52xi32>
    %slice3A_2472 = vector.extract_strided_slice %add3A_1563 {offsets = [0, 0], sizes = [8, 76], strides = [1, 1]} : vector<8x128xi32> to vector<8x76xi32>
    %concatenate3A_2473 = tpu.concatenate %slice3A_2471, %slice3A_2472 in 1 : vector<8x52xi32>, vector<8x76xi32> -> vector<8x128xi32>
    %eq3A_2474 = arith.cmpi eq, %concatenate3A_2473, %iota3A : vector<8x128xi32>
    %slice3A_2475 = vector.extract_strided_slice %mul3A_35 {offsets = [0, 76], sizes = [8, 52], strides = [1, 1]} : vector<8x128xf32> to vector<8x52xf32>
    %slice3A_2476 = vector.extract_strided_slice %mul3A_35 {offsets = [0, 0], sizes = [8, 76], strides = [1, 1]} : vector<8x128xf32> to vector<8x76xf32>
    %concatenate3A_2477 = tpu.concatenate %slice3A_2475, %slice3A_2476 in 1 : vector<8x52xf32>, vector<8x76xf32> -> vector<8x128xf32>
    %select_n3A_2478 = arith.select %eq3A_2474, %concatenate3A_2477, %select_n3A_2466 : vector<8x128xi1>, vector<8x128xf32>
    %slice3A_2479 = vector.extract_strided_slice %mul3A_42 {offsets = [0, 76], sizes = [8, 52], strides = [1, 1]} : vector<8x128xf32> to vector<8x52xf32>
    %slice3A_2480 = vector.extract_strided_slice %mul3A_42 {offsets = [0, 0], sizes = [8, 76], strides = [1, 1]} : vector<8x128xf32> to vector<8x76xf32>
    %concatenate3A_2481 = tpu.concatenate %slice3A_2479, %slice3A_2480 in 1 : vector<8x52xf32>, vector<8x76xf32> -> vector<8x128xf32>
    %select_n3A_2482 = arith.select %eq3A_2474, %concatenate3A_2481, %select_n3A_2470 : vector<8x128xi1>, vector<8x128xf32>
    %slice3A_2483 = vector.extract_strided_slice %add3A_1563 {offsets = [0, 77], sizes = [8, 51], strides = [1, 1]} : vector<8x128xi32> to vector<8x51xi32>
    %slice3A_2484 = vector.extract_strided_slice %add3A_1563 {offsets = [0, 0], sizes = [8, 77], strides = [1, 1]} : vector<8x128xi32> to vector<8x77xi32>
    %concatenate3A_2485 = tpu.concatenate %slice3A_2483, %slice3A_2484 in 1 : vector<8x51xi32>, vector<8x77xi32> -> vector<8x128xi32>
    %eq3A_2486 = arith.cmpi eq, %concatenate3A_2485, %iota3A : vector<8x128xi32>
    %slice3A_2487 = vector.extract_strided_slice %mul3A_35 {offsets = [0, 77], sizes = [8, 51], strides = [1, 1]} : vector<8x128xf32> to vector<8x51xf32>
    %slice3A_2488 = vector.extract_strided_slice %mul3A_35 {offsets = [0, 0], sizes = [8, 77], strides = [1, 1]} : vector<8x128xf32> to vector<8x77xf32>
    %concatenate3A_2489 = tpu.concatenate %slice3A_2487, %slice3A_2488 in 1 : vector<8x51xf32>, vector<8x77xf32> -> vector<8x128xf32>
    %select_n3A_2490 = arith.select %eq3A_2486, %concatenate3A_2489, %select_n3A_2478 : vector<8x128xi1>, vector<8x128xf32>
    %slice3A_2491 = vector.extract_strided_slice %mul3A_42 {offsets = [0, 77], sizes = [8, 51], strides = [1, 1]} : vector<8x128xf32> to vector<8x51xf32>
    %slice3A_2492 = vector.extract_strided_slice %mul3A_42 {offsets = [0, 0], sizes = [8, 77], strides = [1, 1]} : vector<8x128xf32> to vector<8x77xf32>
    %concatenate3A_2493 = tpu.concatenate %slice3A_2491, %slice3A_2492 in 1 : vector<8x51xf32>, vector<8x77xf32> -> vector<8x128xf32>
    %select_n3A_2494 = arith.select %eq3A_2486, %concatenate3A_2493, %select_n3A_2482 : vector<8x128xi1>, vector<8x128xf32>
    %slice3A_2495 = vector.extract_strided_slice %add3A_1563 {offsets = [0, 78], sizes = [8, 50], strides = [1, 1]} : vector<8x128xi32> to vector<8x50xi32>
    %slice3A_2496 = vector.extract_strided_slice %add3A_1563 {offsets = [0, 0], sizes = [8, 78], strides = [1, 1]} : vector<8x128xi32> to vector<8x78xi32>
    %concatenate3A_2497 = tpu.concatenate %slice3A_2495, %slice3A_2496 in 1 : vector<8x50xi32>, vector<8x78xi32> -> vector<8x128xi32>
    %eq3A_2498 = arith.cmpi eq, %concatenate3A_2497, %iota3A : vector<8x128xi32>
    %slice3A_2499 = vector.extract_strided_slice %mul3A_35 {offsets = [0, 78], sizes = [8, 50], strides = [1, 1]} : vector<8x128xf32> to vector<8x50xf32>
    %slice3A_2500 = vector.extract_strided_slice %mul3A_35 {offsets = [0, 0], sizes = [8, 78], strides = [1, 1]} : vector<8x128xf32> to vector<8x78xf32>
    %concatenate3A_2501 = tpu.concatenate %slice3A_2499, %slice3A_2500 in 1 : vector<8x50xf32>, vector<8x78xf32> -> vector<8x128xf32>
    %select_n3A_2502 = arith.select %eq3A_2498, %concatenate3A_2501, %select_n3A_2490 : vector<8x128xi1>, vector<8x128xf32>
    %slice3A_2503 = vector.extract_strided_slice %mul3A_42 {offsets = [0, 78], sizes = [8, 50], strides = [1, 1]} : vector<8x128xf32> to vector<8x50xf32>
    %slice3A_2504 = vector.extract_strided_slice %mul3A_42 {offsets = [0, 0], sizes = [8, 78], strides = [1, 1]} : vector<8x128xf32> to vector<8x78xf32>
    %concatenate3A_2505 = tpu.concatenate %slice3A_2503, %slice3A_2504 in 1 : vector<8x50xf32>, vector<8x78xf32> -> vector<8x128xf32>
    %select_n3A_2506 = arith.select %eq3A_2498, %concatenate3A_2505, %select_n3A_2494 : vector<8x128xi1>, vector<8x128xf32>
    %slice3A_2507 = vector.extract_strided_slice %add3A_1563 {offsets = [0, 79], sizes = [8, 49], strides = [1, 1]} : vector<8x128xi32> to vector<8x49xi32>
    %slice3A_2508 = vector.extract_strided_slice %add3A_1563 {offsets = [0, 0], sizes = [8, 79], strides = [1, 1]} : vector<8x128xi32> to vector<8x79xi32>
    %concatenate3A_2509 = tpu.concatenate %slice3A_2507, %slice3A_2508 in 1 : vector<8x49xi32>, vector<8x79xi32> -> vector<8x128xi32>
    %eq3A_2510 = arith.cmpi eq, %concatenate3A_2509, %iota3A : vector<8x128xi32>
    %slice3A_2511 = vector.extract_strided_slice %mul3A_35 {offsets = [0, 79], sizes = [8, 49], strides = [1, 1]} : vector<8x128xf32> to vector<8x49xf32>
    %slice3A_2512 = vector.extract_strided_slice %mul3A_35 {offsets = [0, 0], sizes = [8, 79], strides = [1, 1]} : vector<8x128xf32> to vector<8x79xf32>
    %concatenate3A_2513 = tpu.concatenate %slice3A_2511, %slice3A_2512 in 1 : vector<8x49xf32>, vector<8x79xf32> -> vector<8x128xf32>
    %select_n3A_2514 = arith.select %eq3A_2510, %concatenate3A_2513, %select_n3A_2502 : vector<8x128xi1>, vector<8x128xf32>
    %slice3A_2515 = vector.extract_strided_slice %mul3A_42 {offsets = [0, 79], sizes = [8, 49], strides = [1, 1]} : vector<8x128xf32> to vector<8x49xf32>
    %slice3A_2516 = vector.extract_strided_slice %mul3A_42 {offsets = [0, 0], sizes = [8, 79], strides = [1, 1]} : vector<8x128xf32> to vector<8x79xf32>
    %concatenate3A_2517 = tpu.concatenate %slice3A_2515, %slice3A_2516 in 1 : vector<8x49xf32>, vector<8x79xf32> -> vector<8x128xf32>
    %select_n3A_2518 = arith.select %eq3A_2510, %concatenate3A_2517, %select_n3A_2506 : vector<8x128xi1>, vector<8x128xf32>
    %slice3A_2519 = vector.extract_strided_slice %add3A_1563 {offsets = [0, 80], sizes = [8, 48], strides = [1, 1]} : vector<8x128xi32> to vector<8x48xi32>
    %slice3A_2520 = vector.extract_strided_slice %add3A_1563 {offsets = [0, 0], sizes = [8, 80], strides = [1, 1]} : vector<8x128xi32> to vector<8x80xi32>
    %concatenate3A_2521 = tpu.concatenate %slice3A_2519, %slice3A_2520 in 1 : vector<8x48xi32>, vector<8x80xi32> -> vector<8x128xi32>
    %eq3A_2522 = arith.cmpi eq, %concatenate3A_2521, %iota3A : vector<8x128xi32>
    %slice3A_2523 = vector.extract_strided_slice %mul3A_35 {offsets = [0, 80], sizes = [8, 48], strides = [1, 1]} : vector<8x128xf32> to vector<8x48xf32>
    %slice3A_2524 = vector.extract_strided_slice %mul3A_35 {offsets = [0, 0], sizes = [8, 80], strides = [1, 1]} : vector<8x128xf32> to vector<8x80xf32>
    %concatenate3A_2525 = tpu.concatenate %slice3A_2523, %slice3A_2524 in 1 : vector<8x48xf32>, vector<8x80xf32> -> vector<8x128xf32>
    %select_n3A_2526 = arith.select %eq3A_2522, %concatenate3A_2525, %select_n3A_2514 : vector<8x128xi1>, vector<8x128xf32>
    %slice3A_2527 = vector.extract_strided_slice %mul3A_42 {offsets = [0, 80], sizes = [8, 48], strides = [1, 1]} : vector<8x128xf32> to vector<8x48xf32>
    %slice3A_2528 = vector.extract_strided_slice %mul3A_42 {offsets = [0, 0], sizes = [8, 80], strides = [1, 1]} : vector<8x128xf32> to vector<8x80xf32>
    %concatenate3A_2529 = tpu.concatenate %slice3A_2527, %slice3A_2528 in 1 : vector<8x48xf32>, vector<8x80xf32> -> vector<8x128xf32>
    %select_n3A_2530 = arith.select %eq3A_2522, %concatenate3A_2529, %select_n3A_2518 : vector<8x128xi1>, vector<8x128xf32>
    %slice3A_2531 = vector.extract_strided_slice %add3A_1563 {offsets = [0, 81], sizes = [8, 47], strides = [1, 1]} : vector<8x128xi32> to vector<8x47xi32>
    %slice3A_2532 = vector.extract_strided_slice %add3A_1563 {offsets = [0, 0], sizes = [8, 81], strides = [1, 1]} : vector<8x128xi32> to vector<8x81xi32>
    %concatenate3A_2533 = tpu.concatenate %slice3A_2531, %slice3A_2532 in 1 : vector<8x47xi32>, vector<8x81xi32> -> vector<8x128xi32>
    %eq3A_2534 = arith.cmpi eq, %concatenate3A_2533, %iota3A : vector<8x128xi32>
    %slice3A_2535 = vector.extract_strided_slice %mul3A_35 {offsets = [0, 81], sizes = [8, 47], strides = [1, 1]} : vector<8x128xf32> to vector<8x47xf32>
    %slice3A_2536 = vector.extract_strided_slice %mul3A_35 {offsets = [0, 0], sizes = [8, 81], strides = [1, 1]} : vector<8x128xf32> to vector<8x81xf32>
    %concatenate3A_2537 = tpu.concatenate %slice3A_2535, %slice3A_2536 in 1 : vector<8x47xf32>, vector<8x81xf32> -> vector<8x128xf32>
    %select_n3A_2538 = arith.select %eq3A_2534, %concatenate3A_2537, %select_n3A_2526 : vector<8x128xi1>, vector<8x128xf32>
    %slice3A_2539 = vector.extract_strided_slice %mul3A_42 {offsets = [0, 81], sizes = [8, 47], strides = [1, 1]} : vector<8x128xf32> to vector<8x47xf32>
    %slice3A_2540 = vector.extract_strided_slice %mul3A_42 {offsets = [0, 0], sizes = [8, 81], strides = [1, 1]} : vector<8x128xf32> to vector<8x81xf32>
    %concatenate3A_2541 = tpu.concatenate %slice3A_2539, %slice3A_2540 in 1 : vector<8x47xf32>, vector<8x81xf32> -> vector<8x128xf32>
    %select_n3A_2542 = arith.select %eq3A_2534, %concatenate3A_2541, %select_n3A_2530 : vector<8x128xi1>, vector<8x128xf32>
    %slice3A_2543 = vector.extract_strided_slice %add3A_1563 {offsets = [0, 82], sizes = [8, 46], strides = [1, 1]} : vector<8x128xi32> to vector<8x46xi32>
    %slice3A_2544 = vector.extract_strided_slice %add3A_1563 {offsets = [0, 0], sizes = [8, 82], strides = [1, 1]} : vector<8x128xi32> to vector<8x82xi32>
    %concatenate3A_2545 = tpu.concatenate %slice3A_2543, %slice3A_2544 in 1 : vector<8x46xi32>, vector<8x82xi32> -> vector<8x128xi32>
    %eq3A_2546 = arith.cmpi eq, %concatenate3A_2545, %iota3A : vector<8x128xi32>
    %slice3A_2547 = vector.extract_strided_slice %mul3A_35 {offsets = [0, 82], sizes = [8, 46], strides = [1, 1]} : vector<8x128xf32> to vector<8x46xf32>
    %slice3A_2548 = vector.extract_strided_slice %mul3A_35 {offsets = [0, 0], sizes = [8, 82], strides = [1, 1]} : vector<8x128xf32> to vector<8x82xf32>
    %concatenate3A_2549 = tpu.concatenate %slice3A_2547, %slice3A_2548 in 1 : vector<8x46xf32>, vector<8x82xf32> -> vector<8x128xf32>
    %select_n3A_2550 = arith.select %eq3A_2546, %concatenate3A_2549, %select_n3A_2538 : vector<8x128xi1>, vector<8x128xf32>
    %slice3A_2551 = vector.extract_strided_slice %mul3A_42 {offsets = [0, 82], sizes = [8, 46], strides = [1, 1]} : vector<8x128xf32> to vector<8x46xf32>
    %slice3A_2552 = vector.extract_strided_slice %mul3A_42 {offsets = [0, 0], sizes = [8, 82], strides = [1, 1]} : vector<8x128xf32> to vector<8x82xf32>
    %concatenate3A_2553 = tpu.concatenate %slice3A_2551, %slice3A_2552 in 1 : vector<8x46xf32>, vector<8x82xf32> -> vector<8x128xf32>
    %select_n3A_2554 = arith.select %eq3A_2546, %concatenate3A_2553, %select_n3A_2542 : vector<8x128xi1>, vector<8x128xf32>
    %slice3A_2555 = vector.extract_strided_slice %add3A_1563 {offsets = [0, 83], sizes = [8, 45], strides = [1, 1]} : vector<8x128xi32> to vector<8x45xi32>
    %slice3A_2556 = vector.extract_strided_slice %add3A_1563 {offsets = [0, 0], sizes = [8, 83], strides = [1, 1]} : vector<8x128xi32> to vector<8x83xi32>
    %concatenate3A_2557 = tpu.concatenate %slice3A_2555, %slice3A_2556 in 1 : vector<8x45xi32>, vector<8x83xi32> -> vector<8x128xi32>
    %eq3A_2558 = arith.cmpi eq, %concatenate3A_2557, %iota3A : vector<8x128xi32>
    %slice3A_2559 = vector.extract_strided_slice %mul3A_35 {offsets = [0, 83], sizes = [8, 45], strides = [1, 1]} : vector<8x128xf32> to vector<8x45xf32>
    %slice3A_2560 = vector.extract_strided_slice %mul3A_35 {offsets = [0, 0], sizes = [8, 83], strides = [1, 1]} : vector<8x128xf32> to vector<8x83xf32>
    %concatenate3A_2561 = tpu.concatenate %slice3A_2559, %slice3A_2560 in 1 : vector<8x45xf32>, vector<8x83xf32> -> vector<8x128xf32>
    %select_n3A_2562 = arith.select %eq3A_2558, %concatenate3A_2561, %select_n3A_2550 : vector<8x128xi1>, vector<8x128xf32>
    %slice3A_2563 = vector.extract_strided_slice %mul3A_42 {offsets = [0, 83], sizes = [8, 45], strides = [1, 1]} : vector<8x128xf32> to vector<8x45xf32>
    %slice3A_2564 = vector.extract_strided_slice %mul3A_42 {offsets = [0, 0], sizes = [8, 83], strides = [1, 1]} : vector<8x128xf32> to vector<8x83xf32>
    %concatenate3A_2565 = tpu.concatenate %slice3A_2563, %slice3A_2564 in 1 : vector<8x45xf32>, vector<8x83xf32> -> vector<8x128xf32>
    %select_n3A_2566 = arith.select %eq3A_2558, %concatenate3A_2565, %select_n3A_2554 : vector<8x128xi1>, vector<8x128xf32>
    %slice3A_2567 = vector.extract_strided_slice %add3A_1563 {offsets = [0, 84], sizes = [8, 44], strides = [1, 1]} : vector<8x128xi32> to vector<8x44xi32>
    %slice3A_2568 = vector.extract_strided_slice %add3A_1563 {offsets = [0, 0], sizes = [8, 84], strides = [1, 1]} : vector<8x128xi32> to vector<8x84xi32>
    %concatenate3A_2569 = tpu.concatenate %slice3A_2567, %slice3A_2568 in 1 : vector<8x44xi32>, vector<8x84xi32> -> vector<8x128xi32>
    %eq3A_2570 = arith.cmpi eq, %concatenate3A_2569, %iota3A : vector<8x128xi32>
    %slice3A_2571 = vector.extract_strided_slice %mul3A_35 {offsets = [0, 84], sizes = [8, 44], strides = [1, 1]} : vector<8x128xf32> to vector<8x44xf32>
    %slice3A_2572 = vector.extract_strided_slice %mul3A_35 {offsets = [0, 0], sizes = [8, 84], strides = [1, 1]} : vector<8x128xf32> to vector<8x84xf32>
    %concatenate3A_2573 = tpu.concatenate %slice3A_2571, %slice3A_2572 in 1 : vector<8x44xf32>, vector<8x84xf32> -> vector<8x128xf32>
    %select_n3A_2574 = arith.select %eq3A_2570, %concatenate3A_2573, %select_n3A_2562 : vector<8x128xi1>, vector<8x128xf32>
    %slice3A_2575 = vector.extract_strided_slice %mul3A_42 {offsets = [0, 84], sizes = [8, 44], strides = [1, 1]} : vector<8x128xf32> to vector<8x44xf32>
    %slice3A_2576 = vector.extract_strided_slice %mul3A_42 {offsets = [0, 0], sizes = [8, 84], strides = [1, 1]} : vector<8x128xf32> to vector<8x84xf32>
    %concatenate3A_2577 = tpu.concatenate %slice3A_2575, %slice3A_2576 in 1 : vector<8x44xf32>, vector<8x84xf32> -> vector<8x128xf32>
    %select_n3A_2578 = arith.select %eq3A_2570, %concatenate3A_2577, %select_n3A_2566 : vector<8x128xi1>, vector<8x128xf32>
    %slice3A_2579 = vector.extract_strided_slice %add3A_1563 {offsets = [0, 85], sizes = [8, 43], strides = [1, 1]} : vector<8x128xi32> to vector<8x43xi32>
    %slice3A_2580 = vector.extract_strided_slice %add3A_1563 {offsets = [0, 0], sizes = [8, 85], strides = [1, 1]} : vector<8x128xi32> to vector<8x85xi32>
    %concatenate3A_2581 = tpu.concatenate %slice3A_2579, %slice3A_2580 in 1 : vector<8x43xi32>, vector<8x85xi32> -> vector<8x128xi32>
    %eq3A_2582 = arith.cmpi eq, %concatenate3A_2581, %iota3A : vector<8x128xi32>
    %slice3A_2583 = vector.extract_strided_slice %mul3A_35 {offsets = [0, 85], sizes = [8, 43], strides = [1, 1]} : vector<8x128xf32> to vector<8x43xf32>
    %slice3A_2584 = vector.extract_strided_slice %mul3A_35 {offsets = [0, 0], sizes = [8, 85], strides = [1, 1]} : vector<8x128xf32> to vector<8x85xf32>
    %concatenate3A_2585 = tpu.concatenate %slice3A_2583, %slice3A_2584 in 1 : vector<8x43xf32>, vector<8x85xf32> -> vector<8x128xf32>
    %select_n3A_2586 = arith.select %eq3A_2582, %concatenate3A_2585, %select_n3A_2574 : vector<8x128xi1>, vector<8x128xf32>
    %slice3A_2587 = vector.extract_strided_slice %mul3A_42 {offsets = [0, 85], sizes = [8, 43], strides = [1, 1]} : vector<8x128xf32> to vector<8x43xf32>
    %slice3A_2588 = vector.extract_strided_slice %mul3A_42 {offsets = [0, 0], sizes = [8, 85], strides = [1, 1]} : vector<8x128xf32> to vector<8x85xf32>
    %concatenate3A_2589 = tpu.concatenate %slice3A_2587, %slice3A_2588 in 1 : vector<8x43xf32>, vector<8x85xf32> -> vector<8x128xf32>
    %select_n3A_2590 = arith.select %eq3A_2582, %concatenate3A_2589, %select_n3A_2578 : vector<8x128xi1>, vector<8x128xf32>
    %slice3A_2591 = vector.extract_strided_slice %add3A_1563 {offsets = [0, 86], sizes = [8, 42], strides = [1, 1]} : vector<8x128xi32> to vector<8x42xi32>
    %slice3A_2592 = vector.extract_strided_slice %add3A_1563 {offsets = [0, 0], sizes = [8, 86], strides = [1, 1]} : vector<8x128xi32> to vector<8x86xi32>
    %concatenate3A_2593 = tpu.concatenate %slice3A_2591, %slice3A_2592 in 1 : vector<8x42xi32>, vector<8x86xi32> -> vector<8x128xi32>
    %eq3A_2594 = arith.cmpi eq, %concatenate3A_2593, %iota3A : vector<8x128xi32>
    %slice3A_2595 = vector.extract_strided_slice %mul3A_35 {offsets = [0, 86], sizes = [8, 42], strides = [1, 1]} : vector<8x128xf32> to vector<8x42xf32>
    %slice3A_2596 = vector.extract_strided_slice %mul3A_35 {offsets = [0, 0], sizes = [8, 86], strides = [1, 1]} : vector<8x128xf32> to vector<8x86xf32>
    %concatenate3A_2597 = tpu.concatenate %slice3A_2595, %slice3A_2596 in 1 : vector<8x42xf32>, vector<8x86xf32> -> vector<8x128xf32>
    %select_n3A_2598 = arith.select %eq3A_2594, %concatenate3A_2597, %select_n3A_2586 : vector<8x128xi1>, vector<8x128xf32>
    %slice3A_2599 = vector.extract_strided_slice %mul3A_42 {offsets = [0, 86], sizes = [8, 42], strides = [1, 1]} : vector<8x128xf32> to vector<8x42xf32>
    %slice3A_2600 = vector.extract_strided_slice %mul3A_42 {offsets = [0, 0], sizes = [8, 86], strides = [1, 1]} : vector<8x128xf32> to vector<8x86xf32>
    %concatenate3A_2601 = tpu.concatenate %slice3A_2599, %slice3A_2600 in 1 : vector<8x42xf32>, vector<8x86xf32> -> vector<8x128xf32>
    %select_n3A_2602 = arith.select %eq3A_2594, %concatenate3A_2601, %select_n3A_2590 : vector<8x128xi1>, vector<8x128xf32>
    %slice3A_2603 = vector.extract_strided_slice %add3A_1563 {offsets = [0, 87], sizes = [8, 41], strides = [1, 1]} : vector<8x128xi32> to vector<8x41xi32>
    %slice3A_2604 = vector.extract_strided_slice %add3A_1563 {offsets = [0, 0], sizes = [8, 87], strides = [1, 1]} : vector<8x128xi32> to vector<8x87xi32>
    %concatenate3A_2605 = tpu.concatenate %slice3A_2603, %slice3A_2604 in 1 : vector<8x41xi32>, vector<8x87xi32> -> vector<8x128xi32>
    %eq3A_2606 = arith.cmpi eq, %concatenate3A_2605, %iota3A : vector<8x128xi32>
    %slice3A_2607 = vector.extract_strided_slice %mul3A_35 {offsets = [0, 87], sizes = [8, 41], strides = [1, 1]} : vector<8x128xf32> to vector<8x41xf32>
    %slice3A_2608 = vector.extract_strided_slice %mul3A_35 {offsets = [0, 0], sizes = [8, 87], strides = [1, 1]} : vector<8x128xf32> to vector<8x87xf32>
    %concatenate3A_2609 = tpu.concatenate %slice3A_2607, %slice3A_2608 in 1 : vector<8x41xf32>, vector<8x87xf32> -> vector<8x128xf32>
    %select_n3A_2610 = arith.select %eq3A_2606, %concatenate3A_2609, %select_n3A_2598 : vector<8x128xi1>, vector<8x128xf32>
    %slice3A_2611 = vector.extract_strided_slice %mul3A_42 {offsets = [0, 87], sizes = [8, 41], strides = [1, 1]} : vector<8x128xf32> to vector<8x41xf32>
    %slice3A_2612 = vector.extract_strided_slice %mul3A_42 {offsets = [0, 0], sizes = [8, 87], strides = [1, 1]} : vector<8x128xf32> to vector<8x87xf32>
    %concatenate3A_2613 = tpu.concatenate %slice3A_2611, %slice3A_2612 in 1 : vector<8x41xf32>, vector<8x87xf32> -> vector<8x128xf32>
    %select_n3A_2614 = arith.select %eq3A_2606, %concatenate3A_2613, %select_n3A_2602 : vector<8x128xi1>, vector<8x128xf32>
    %slice3A_2615 = vector.extract_strided_slice %add3A_1563 {offsets = [0, 88], sizes = [8, 40], strides = [1, 1]} : vector<8x128xi32> to vector<8x40xi32>
    %slice3A_2616 = vector.extract_strided_slice %add3A_1563 {offsets = [0, 0], sizes = [8, 88], strides = [1, 1]} : vector<8x128xi32> to vector<8x88xi32>
    %concatenate3A_2617 = tpu.concatenate %slice3A_2615, %slice3A_2616 in 1 : vector<8x40xi32>, vector<8x88xi32> -> vector<8x128xi32>
    %eq3A_2618 = arith.cmpi eq, %concatenate3A_2617, %iota3A : vector<8x128xi32>
    %slice3A_2619 = vector.extract_strided_slice %mul3A_35 {offsets = [0, 88], sizes = [8, 40], strides = [1, 1]} : vector<8x128xf32> to vector<8x40xf32>
    %slice3A_2620 = vector.extract_strided_slice %mul3A_35 {offsets = [0, 0], sizes = [8, 88], strides = [1, 1]} : vector<8x128xf32> to vector<8x88xf32>
    %concatenate3A_2621 = tpu.concatenate %slice3A_2619, %slice3A_2620 in 1 : vector<8x40xf32>, vector<8x88xf32> -> vector<8x128xf32>
    %select_n3A_2622 = arith.select %eq3A_2618, %concatenate3A_2621, %select_n3A_2610 : vector<8x128xi1>, vector<8x128xf32>
    %slice3A_2623 = vector.extract_strided_slice %mul3A_42 {offsets = [0, 88], sizes = [8, 40], strides = [1, 1]} : vector<8x128xf32> to vector<8x40xf32>
    %slice3A_2624 = vector.extract_strided_slice %mul3A_42 {offsets = [0, 0], sizes = [8, 88], strides = [1, 1]} : vector<8x128xf32> to vector<8x88xf32>
    %concatenate3A_2625 = tpu.concatenate %slice3A_2623, %slice3A_2624 in 1 : vector<8x40xf32>, vector<8x88xf32> -> vector<8x128xf32>
    %select_n3A_2626 = arith.select %eq3A_2618, %concatenate3A_2625, %select_n3A_2614 : vector<8x128xi1>, vector<8x128xf32>
    %slice3A_2627 = vector.extract_strided_slice %add3A_1563 {offsets = [0, 89], sizes = [8, 39], strides = [1, 1]} : vector<8x128xi32> to vector<8x39xi32>
    %slice3A_2628 = vector.extract_strided_slice %add3A_1563 {offsets = [0, 0], sizes = [8, 89], strides = [1, 1]} : vector<8x128xi32> to vector<8x89xi32>
    %concatenate3A_2629 = tpu.concatenate %slice3A_2627, %slice3A_2628 in 1 : vector<8x39xi32>, vector<8x89xi32> -> vector<8x128xi32>
    %eq3A_2630 = arith.cmpi eq, %concatenate3A_2629, %iota3A : vector<8x128xi32>
    %slice3A_2631 = vector.extract_strided_slice %mul3A_35 {offsets = [0, 89], sizes = [8, 39], strides = [1, 1]} : vector<8x128xf32> to vector<8x39xf32>
    %slice3A_2632 = vector.extract_strided_slice %mul3A_35 {offsets = [0, 0], sizes = [8, 89], strides = [1, 1]} : vector<8x128xf32> to vector<8x89xf32>
    %concatenate3A_2633 = tpu.concatenate %slice3A_2631, %slice3A_2632 in 1 : vector<8x39xf32>, vector<8x89xf32> -> vector<8x128xf32>
    %select_n3A_2634 = arith.select %eq3A_2630, %concatenate3A_2633, %select_n3A_2622 : vector<8x128xi1>, vector<8x128xf32>
    %slice3A_2635 = vector.extract_strided_slice %mul3A_42 {offsets = [0, 89], sizes = [8, 39], strides = [1, 1]} : vector<8x128xf32> to vector<8x39xf32>
    %slice3A_2636 = vector.extract_strided_slice %mul3A_42 {offsets = [0, 0], sizes = [8, 89], strides = [1, 1]} : vector<8x128xf32> to vector<8x89xf32>
    %concatenate3A_2637 = tpu.concatenate %slice3A_2635, %slice3A_2636 in 1 : vector<8x39xf32>, vector<8x89xf32> -> vector<8x128xf32>
    %select_n3A_2638 = arith.select %eq3A_2630, %concatenate3A_2637, %select_n3A_2626 : vector<8x128xi1>, vector<8x128xf32>
    %slice3A_2639 = vector.extract_strided_slice %add3A_1563 {offsets = [0, 90], sizes = [8, 38], strides = [1, 1]} : vector<8x128xi32> to vector<8x38xi32>
    %slice3A_2640 = vector.extract_strided_slice %add3A_1563 {offsets = [0, 0], sizes = [8, 90], strides = [1, 1]} : vector<8x128xi32> to vector<8x90xi32>
    %concatenate3A_2641 = tpu.concatenate %slice3A_2639, %slice3A_2640 in 1 : vector<8x38xi32>, vector<8x90xi32> -> vector<8x128xi32>
    %eq3A_2642 = arith.cmpi eq, %concatenate3A_2641, %iota3A : vector<8x128xi32>
    %slice3A_2643 = vector.extract_strided_slice %mul3A_35 {offsets = [0, 90], sizes = [8, 38], strides = [1, 1]} : vector<8x128xf32> to vector<8x38xf32>
    %slice3A_2644 = vector.extract_strided_slice %mul3A_35 {offsets = [0, 0], sizes = [8, 90], strides = [1, 1]} : vector<8x128xf32> to vector<8x90xf32>
    %concatenate3A_2645 = tpu.concatenate %slice3A_2643, %slice3A_2644 in 1 : vector<8x38xf32>, vector<8x90xf32> -> vector<8x128xf32>
    %select_n3A_2646 = arith.select %eq3A_2642, %concatenate3A_2645, %select_n3A_2634 : vector<8x128xi1>, vector<8x128xf32>
    %slice3A_2647 = vector.extract_strided_slice %mul3A_42 {offsets = [0, 90], sizes = [8, 38], strides = [1, 1]} : vector<8x128xf32> to vector<8x38xf32>
    %slice3A_2648 = vector.extract_strided_slice %mul3A_42 {offsets = [0, 0], sizes = [8, 90], strides = [1, 1]} : vector<8x128xf32> to vector<8x90xf32>
    %concatenate3A_2649 = tpu.concatenate %slice3A_2647, %slice3A_2648 in 1 : vector<8x38xf32>, vector<8x90xf32> -> vector<8x128xf32>
    %select_n3A_2650 = arith.select %eq3A_2642, %concatenate3A_2649, %select_n3A_2638 : vector<8x128xi1>, vector<8x128xf32>
    %slice3A_2651 = vector.extract_strided_slice %add3A_1563 {offsets = [0, 91], sizes = [8, 37], strides = [1, 1]} : vector<8x128xi32> to vector<8x37xi32>
    %slice3A_2652 = vector.extract_strided_slice %add3A_1563 {offsets = [0, 0], sizes = [8, 91], strides = [1, 1]} : vector<8x128xi32> to vector<8x91xi32>
    %concatenate3A_2653 = tpu.concatenate %slice3A_2651, %slice3A_2652 in 1 : vector<8x37xi32>, vector<8x91xi32> -> vector<8x128xi32>
    %eq3A_2654 = arith.cmpi eq, %concatenate3A_2653, %iota3A : vector<8x128xi32>
    %slice3A_2655 = vector.extract_strided_slice %mul3A_35 {offsets = [0, 91], sizes = [8, 37], strides = [1, 1]} : vector<8x128xf32> to vector<8x37xf32>
    %slice3A_2656 = vector.extract_strided_slice %mul3A_35 {offsets = [0, 0], sizes = [8, 91], strides = [1, 1]} : vector<8x128xf32> to vector<8x91xf32>
    %concatenate3A_2657 = tpu.concatenate %slice3A_2655, %slice3A_2656 in 1 : vector<8x37xf32>, vector<8x91xf32> -> vector<8x128xf32>
    %select_n3A_2658 = arith.select %eq3A_2654, %concatenate3A_2657, %select_n3A_2646 : vector<8x128xi1>, vector<8x128xf32>
    %slice3A_2659 = vector.extract_strided_slice %mul3A_42 {offsets = [0, 91], sizes = [8, 37], strides = [1, 1]} : vector<8x128xf32> to vector<8x37xf32>
    %slice3A_2660 = vector.extract_strided_slice %mul3A_42 {offsets = [0, 0], sizes = [8, 91], strides = [1, 1]} : vector<8x128xf32> to vector<8x91xf32>
    %concatenate3A_2661 = tpu.concatenate %slice3A_2659, %slice3A_2660 in 1 : vector<8x37xf32>, vector<8x91xf32> -> vector<8x128xf32>
    %select_n3A_2662 = arith.select %eq3A_2654, %concatenate3A_2661, %select_n3A_2650 : vector<8x128xi1>, vector<8x128xf32>
    %slice3A_2663 = vector.extract_strided_slice %add3A_1563 {offsets = [0, 92], sizes = [8, 36], strides = [1, 1]} : vector<8x128xi32> to vector<8x36xi32>
    %slice3A_2664 = vector.extract_strided_slice %add3A_1563 {offsets = [0, 0], sizes = [8, 92], strides = [1, 1]} : vector<8x128xi32> to vector<8x92xi32>
    %concatenate3A_2665 = tpu.concatenate %slice3A_2663, %slice3A_2664 in 1 : vector<8x36xi32>, vector<8x92xi32> -> vector<8x128xi32>
    %eq3A_2666 = arith.cmpi eq, %concatenate3A_2665, %iota3A : vector<8x128xi32>
    %slice3A_2667 = vector.extract_strided_slice %mul3A_35 {offsets = [0, 92], sizes = [8, 36], strides = [1, 1]} : vector<8x128xf32> to vector<8x36xf32>
    %slice3A_2668 = vector.extract_strided_slice %mul3A_35 {offsets = [0, 0], sizes = [8, 92], strides = [1, 1]} : vector<8x128xf32> to vector<8x92xf32>
    %concatenate3A_2669 = tpu.concatenate %slice3A_2667, %slice3A_2668 in 1 : vector<8x36xf32>, vector<8x92xf32> -> vector<8x128xf32>
    %select_n3A_2670 = arith.select %eq3A_2666, %concatenate3A_2669, %select_n3A_2658 : vector<8x128xi1>, vector<8x128xf32>
    %slice3A_2671 = vector.extract_strided_slice %mul3A_42 {offsets = [0, 92], sizes = [8, 36], strides = [1, 1]} : vector<8x128xf32> to vector<8x36xf32>
    %slice3A_2672 = vector.extract_strided_slice %mul3A_42 {offsets = [0, 0], sizes = [8, 92], strides = [1, 1]} : vector<8x128xf32> to vector<8x92xf32>
    %concatenate3A_2673 = tpu.concatenate %slice3A_2671, %slice3A_2672 in 1 : vector<8x36xf32>, vector<8x92xf32> -> vector<8x128xf32>
    %select_n3A_2674 = arith.select %eq3A_2666, %concatenate3A_2673, %select_n3A_2662 : vector<8x128xi1>, vector<8x128xf32>
    %slice3A_2675 = vector.extract_strided_slice %add3A_1563 {offsets = [0, 93], sizes = [8, 35], strides = [1, 1]} : vector<8x128xi32> to vector<8x35xi32>
    %slice3A_2676 = vector.extract_strided_slice %add3A_1563 {offsets = [0, 0], sizes = [8, 93], strides = [1, 1]} : vector<8x128xi32> to vector<8x93xi32>
    %concatenate3A_2677 = tpu.concatenate %slice3A_2675, %slice3A_2676 in 1 : vector<8x35xi32>, vector<8x93xi32> -> vector<8x128xi32>
    %eq3A_2678 = arith.cmpi eq, %concatenate3A_2677, %iota3A : vector<8x128xi32>
    %slice3A_2679 = vector.extract_strided_slice %mul3A_35 {offsets = [0, 93], sizes = [8, 35], strides = [1, 1]} : vector<8x128xf32> to vector<8x35xf32>
    %slice3A_2680 = vector.extract_strided_slice %mul3A_35 {offsets = [0, 0], sizes = [8, 93], strides = [1, 1]} : vector<8x128xf32> to vector<8x93xf32>
    %concatenate3A_2681 = tpu.concatenate %slice3A_2679, %slice3A_2680 in 1 : vector<8x35xf32>, vector<8x93xf32> -> vector<8x128xf32>
    %select_n3A_2682 = arith.select %eq3A_2678, %concatenate3A_2681, %select_n3A_2670 : vector<8x128xi1>, vector<8x128xf32>
    %slice3A_2683 = vector.extract_strided_slice %mul3A_42 {offsets = [0, 93], sizes = [8, 35], strides = [1, 1]} : vector<8x128xf32> to vector<8x35xf32>
    %slice3A_2684 = vector.extract_strided_slice %mul3A_42 {offsets = [0, 0], sizes = [8, 93], strides = [1, 1]} : vector<8x128xf32> to vector<8x93xf32>
    %concatenate3A_2685 = tpu.concatenate %slice3A_2683, %slice3A_2684 in 1 : vector<8x35xf32>, vector<8x93xf32> -> vector<8x128xf32>
    %select_n3A_2686 = arith.select %eq3A_2678, %concatenate3A_2685, %select_n3A_2674 : vector<8x128xi1>, vector<8x128xf32>
    %slice3A_2687 = vector.extract_strided_slice %add3A_1563 {offsets = [0, 94], sizes = [8, 34], strides = [1, 1]} : vector<8x128xi32> to vector<8x34xi32>
    %slice3A_2688 = vector.extract_strided_slice %add3A_1563 {offsets = [0, 0], sizes = [8, 94], strides = [1, 1]} : vector<8x128xi32> to vector<8x94xi32>
    %concatenate3A_2689 = tpu.concatenate %slice3A_2687, %slice3A_2688 in 1 : vector<8x34xi32>, vector<8x94xi32> -> vector<8x128xi32>
    %eq3A_2690 = arith.cmpi eq, %concatenate3A_2689, %iota3A : vector<8x128xi32>
    %slice3A_2691 = vector.extract_strided_slice %mul3A_35 {offsets = [0, 94], sizes = [8, 34], strides = [1, 1]} : vector<8x128xf32> to vector<8x34xf32>
    %slice3A_2692 = vector.extract_strided_slice %mul3A_35 {offsets = [0, 0], sizes = [8, 94], strides = [1, 1]} : vector<8x128xf32> to vector<8x94xf32>
    %concatenate3A_2693 = tpu.concatenate %slice3A_2691, %slice3A_2692 in 1 : vector<8x34xf32>, vector<8x94xf32> -> vector<8x128xf32>
    %select_n3A_2694 = arith.select %eq3A_2690, %concatenate3A_2693, %select_n3A_2682 : vector<8x128xi1>, vector<8x128xf32>
    %slice3A_2695 = vector.extract_strided_slice %mul3A_42 {offsets = [0, 94], sizes = [8, 34], strides = [1, 1]} : vector<8x128xf32> to vector<8x34xf32>
    %slice3A_2696 = vector.extract_strided_slice %mul3A_42 {offsets = [0, 0], sizes = [8, 94], strides = [1, 1]} : vector<8x128xf32> to vector<8x94xf32>
    %concatenate3A_2697 = tpu.concatenate %slice3A_2695, %slice3A_2696 in 1 : vector<8x34xf32>, vector<8x94xf32> -> vector<8x128xf32>
    %select_n3A_2698 = arith.select %eq3A_2690, %concatenate3A_2697, %select_n3A_2686 : vector<8x128xi1>, vector<8x128xf32>
    %slice3A_2699 = vector.extract_strided_slice %add3A_1563 {offsets = [0, 95], sizes = [8, 33], strides = [1, 1]} : vector<8x128xi32> to vector<8x33xi32>
    %slice3A_2700 = vector.extract_strided_slice %add3A_1563 {offsets = [0, 0], sizes = [8, 95], strides = [1, 1]} : vector<8x128xi32> to vector<8x95xi32>
    %concatenate3A_2701 = tpu.concatenate %slice3A_2699, %slice3A_2700 in 1 : vector<8x33xi32>, vector<8x95xi32> -> vector<8x128xi32>
    %eq3A_2702 = arith.cmpi eq, %concatenate3A_2701, %iota3A : vector<8x128xi32>
    %slice3A_2703 = vector.extract_strided_slice %mul3A_35 {offsets = [0, 95], sizes = [8, 33], strides = [1, 1]} : vector<8x128xf32> to vector<8x33xf32>
    %slice3A_2704 = vector.extract_strided_slice %mul3A_35 {offsets = [0, 0], sizes = [8, 95], strides = [1, 1]} : vector<8x128xf32> to vector<8x95xf32>
    %concatenate3A_2705 = tpu.concatenate %slice3A_2703, %slice3A_2704 in 1 : vector<8x33xf32>, vector<8x95xf32> -> vector<8x128xf32>
    %select_n3A_2706 = arith.select %eq3A_2702, %concatenate3A_2705, %select_n3A_2694 : vector<8x128xi1>, vector<8x128xf32>
    %slice3A_2707 = vector.extract_strided_slice %mul3A_42 {offsets = [0, 95], sizes = [8, 33], strides = [1, 1]} : vector<8x128xf32> to vector<8x33xf32>
    %slice3A_2708 = vector.extract_strided_slice %mul3A_42 {offsets = [0, 0], sizes = [8, 95], strides = [1, 1]} : vector<8x128xf32> to vector<8x95xf32>
    %concatenate3A_2709 = tpu.concatenate %slice3A_2707, %slice3A_2708 in 1 : vector<8x33xf32>, vector<8x95xf32> -> vector<8x128xf32>
    %select_n3A_2710 = arith.select %eq3A_2702, %concatenate3A_2709, %select_n3A_2698 : vector<8x128xi1>, vector<8x128xf32>
    %slice3A_2711 = vector.extract_strided_slice %add3A_1563 {offsets = [0, 96], sizes = [8, 32], strides = [1, 1]} : vector<8x128xi32> to vector<8x32xi32>
    %slice3A_2712 = vector.extract_strided_slice %add3A_1563 {offsets = [0, 0], sizes = [8, 96], strides = [1, 1]} : vector<8x128xi32> to vector<8x96xi32>
    %concatenate3A_2713 = tpu.concatenate %slice3A_2711, %slice3A_2712 in 1 : vector<8x32xi32>, vector<8x96xi32> -> vector<8x128xi32>
    %eq3A_2714 = arith.cmpi eq, %concatenate3A_2713, %iota3A : vector<8x128xi32>
    %slice3A_2715 = vector.extract_strided_slice %mul3A_35 {offsets = [0, 96], sizes = [8, 32], strides = [1, 1]} : vector<8x128xf32> to vector<8x32xf32>
    %slice3A_2716 = vector.extract_strided_slice %mul3A_35 {offsets = [0, 0], sizes = [8, 96], strides = [1, 1]} : vector<8x128xf32> to vector<8x96xf32>
    %concatenate3A_2717 = tpu.concatenate %slice3A_2715, %slice3A_2716 in 1 : vector<8x32xf32>, vector<8x96xf32> -> vector<8x128xf32>
    %select_n3A_2718 = arith.select %eq3A_2714, %concatenate3A_2717, %select_n3A_2706 : vector<8x128xi1>, vector<8x128xf32>
    %slice3A_2719 = vector.extract_strided_slice %mul3A_42 {offsets = [0, 96], sizes = [8, 32], strides = [1, 1]} : vector<8x128xf32> to vector<8x32xf32>
    %slice3A_2720 = vector.extract_strided_slice %mul3A_42 {offsets = [0, 0], sizes = [8, 96], strides = [1, 1]} : vector<8x128xf32> to vector<8x96xf32>
    %concatenate3A_2721 = tpu.concatenate %slice3A_2719, %slice3A_2720 in 1 : vector<8x32xf32>, vector<8x96xf32> -> vector<8x128xf32>
    %select_n3A_2722 = arith.select %eq3A_2714, %concatenate3A_2721, %select_n3A_2710 : vector<8x128xi1>, vector<8x128xf32>
    %slice3A_2723 = vector.extract_strided_slice %add3A_1563 {offsets = [0, 97], sizes = [8, 31], strides = [1, 1]} : vector<8x128xi32> to vector<8x31xi32>
    %slice3A_2724 = vector.extract_strided_slice %add3A_1563 {offsets = [0, 0], sizes = [8, 97], strides = [1, 1]} : vector<8x128xi32> to vector<8x97xi32>
    %concatenate3A_2725 = tpu.concatenate %slice3A_2723, %slice3A_2724 in 1 : vector<8x31xi32>, vector<8x97xi32> -> vector<8x128xi32>
    %eq3A_2726 = arith.cmpi eq, %concatenate3A_2725, %iota3A : vector<8x128xi32>
    %slice3A_2727 = vector.extract_strided_slice %mul3A_35 {offsets = [0, 97], sizes = [8, 31], strides = [1, 1]} : vector<8x128xf32> to vector<8x31xf32>
    %slice3A_2728 = vector.extract_strided_slice %mul3A_35 {offsets = [0, 0], sizes = [8, 97], strides = [1, 1]} : vector<8x128xf32> to vector<8x97xf32>
    %concatenate3A_2729 = tpu.concatenate %slice3A_2727, %slice3A_2728 in 1 : vector<8x31xf32>, vector<8x97xf32> -> vector<8x128xf32>
    %select_n3A_2730 = arith.select %eq3A_2726, %concatenate3A_2729, %select_n3A_2718 : vector<8x128xi1>, vector<8x128xf32>
    %slice3A_2731 = vector.extract_strided_slice %mul3A_42 {offsets = [0, 97], sizes = [8, 31], strides = [1, 1]} : vector<8x128xf32> to vector<8x31xf32>
    %slice3A_2732 = vector.extract_strided_slice %mul3A_42 {offsets = [0, 0], sizes = [8, 97], strides = [1, 1]} : vector<8x128xf32> to vector<8x97xf32>
    %concatenate3A_2733 = tpu.concatenate %slice3A_2731, %slice3A_2732 in 1 : vector<8x31xf32>, vector<8x97xf32> -> vector<8x128xf32>
    %select_n3A_2734 = arith.select %eq3A_2726, %concatenate3A_2733, %select_n3A_2722 : vector<8x128xi1>, vector<8x128xf32>
    %slice3A_2735 = vector.extract_strided_slice %add3A_1563 {offsets = [0, 98], sizes = [8, 30], strides = [1, 1]} : vector<8x128xi32> to vector<8x30xi32>
    %slice3A_2736 = vector.extract_strided_slice %add3A_1563 {offsets = [0, 0], sizes = [8, 98], strides = [1, 1]} : vector<8x128xi32> to vector<8x98xi32>
    %concatenate3A_2737 = tpu.concatenate %slice3A_2735, %slice3A_2736 in 1 : vector<8x30xi32>, vector<8x98xi32> -> vector<8x128xi32>
    %eq3A_2738 = arith.cmpi eq, %concatenate3A_2737, %iota3A : vector<8x128xi32>
    %slice3A_2739 = vector.extract_strided_slice %mul3A_35 {offsets = [0, 98], sizes = [8, 30], strides = [1, 1]} : vector<8x128xf32> to vector<8x30xf32>
    %slice3A_2740 = vector.extract_strided_slice %mul3A_35 {offsets = [0, 0], sizes = [8, 98], strides = [1, 1]} : vector<8x128xf32> to vector<8x98xf32>
    %concatenate3A_2741 = tpu.concatenate %slice3A_2739, %slice3A_2740 in 1 : vector<8x30xf32>, vector<8x98xf32> -> vector<8x128xf32>
    %select_n3A_2742 = arith.select %eq3A_2738, %concatenate3A_2741, %select_n3A_2730 : vector<8x128xi1>, vector<8x128xf32>
    %slice3A_2743 = vector.extract_strided_slice %mul3A_42 {offsets = [0, 98], sizes = [8, 30], strides = [1, 1]} : vector<8x128xf32> to vector<8x30xf32>
    %slice3A_2744 = vector.extract_strided_slice %mul3A_42 {offsets = [0, 0], sizes = [8, 98], strides = [1, 1]} : vector<8x128xf32> to vector<8x98xf32>
    %concatenate3A_2745 = tpu.concatenate %slice3A_2743, %slice3A_2744 in 1 : vector<8x30xf32>, vector<8x98xf32> -> vector<8x128xf32>
    %select_n3A_2746 = arith.select %eq3A_2738, %concatenate3A_2745, %select_n3A_2734 : vector<8x128xi1>, vector<8x128xf32>
    %slice3A_2747 = vector.extract_strided_slice %add3A_1563 {offsets = [0, 99], sizes = [8, 29], strides = [1, 1]} : vector<8x128xi32> to vector<8x29xi32>
    %slice3A_2748 = vector.extract_strided_slice %add3A_1563 {offsets = [0, 0], sizes = [8, 99], strides = [1, 1]} : vector<8x128xi32> to vector<8x99xi32>
    %concatenate3A_2749 = tpu.concatenate %slice3A_2747, %slice3A_2748 in 1 : vector<8x29xi32>, vector<8x99xi32> -> vector<8x128xi32>
    %eq3A_2750 = arith.cmpi eq, %concatenate3A_2749, %iota3A : vector<8x128xi32>
    %slice3A_2751 = vector.extract_strided_slice %mul3A_35 {offsets = [0, 99], sizes = [8, 29], strides = [1, 1]} : vector<8x128xf32> to vector<8x29xf32>
    %slice3A_2752 = vector.extract_strided_slice %mul3A_35 {offsets = [0, 0], sizes = [8, 99], strides = [1, 1]} : vector<8x128xf32> to vector<8x99xf32>
    %concatenate3A_2753 = tpu.concatenate %slice3A_2751, %slice3A_2752 in 1 : vector<8x29xf32>, vector<8x99xf32> -> vector<8x128xf32>
    %select_n3A_2754 = arith.select %eq3A_2750, %concatenate3A_2753, %select_n3A_2742 : vector<8x128xi1>, vector<8x128xf32>
    %slice3A_2755 = vector.extract_strided_slice %mul3A_42 {offsets = [0, 99], sizes = [8, 29], strides = [1, 1]} : vector<8x128xf32> to vector<8x29xf32>
    %slice3A_2756 = vector.extract_strided_slice %mul3A_42 {offsets = [0, 0], sizes = [8, 99], strides = [1, 1]} : vector<8x128xf32> to vector<8x99xf32>
    %concatenate3A_2757 = tpu.concatenate %slice3A_2755, %slice3A_2756 in 1 : vector<8x29xf32>, vector<8x99xf32> -> vector<8x128xf32>
    %select_n3A_2758 = arith.select %eq3A_2750, %concatenate3A_2757, %select_n3A_2746 : vector<8x128xi1>, vector<8x128xf32>
    %slice3A_2759 = vector.extract_strided_slice %add3A_1563 {offsets = [0, 100], sizes = [8, 28], strides = [1, 1]} : vector<8x128xi32> to vector<8x28xi32>
    %slice3A_2760 = vector.extract_strided_slice %add3A_1563 {offsets = [0, 0], sizes = [8, 100], strides = [1, 1]} : vector<8x128xi32> to vector<8x100xi32>
    %concatenate3A_2761 = tpu.concatenate %slice3A_2759, %slice3A_2760 in 1 : vector<8x28xi32>, vector<8x100xi32> -> vector<8x128xi32>
    %eq3A_2762 = arith.cmpi eq, %concatenate3A_2761, %iota3A : vector<8x128xi32>
    %slice3A_2763 = vector.extract_strided_slice %mul3A_35 {offsets = [0, 100], sizes = [8, 28], strides = [1, 1]} : vector<8x128xf32> to vector<8x28xf32>
    %slice3A_2764 = vector.extract_strided_slice %mul3A_35 {offsets = [0, 0], sizes = [8, 100], strides = [1, 1]} : vector<8x128xf32> to vector<8x100xf32>
    %concatenate3A_2765 = tpu.concatenate %slice3A_2763, %slice3A_2764 in 1 : vector<8x28xf32>, vector<8x100xf32> -> vector<8x128xf32>
    %select_n3A_2766 = arith.select %eq3A_2762, %concatenate3A_2765, %select_n3A_2754 : vector<8x128xi1>, vector<8x128xf32>
    %slice3A_2767 = vector.extract_strided_slice %mul3A_42 {offsets = [0, 100], sizes = [8, 28], strides = [1, 1]} : vector<8x128xf32> to vector<8x28xf32>
    %slice3A_2768 = vector.extract_strided_slice %mul3A_42 {offsets = [0, 0], sizes = [8, 100], strides = [1, 1]} : vector<8x128xf32> to vector<8x100xf32>
    %concatenate3A_2769 = tpu.concatenate %slice3A_2767, %slice3A_2768 in 1 : vector<8x28xf32>, vector<8x100xf32> -> vector<8x128xf32>
    %select_n3A_2770 = arith.select %eq3A_2762, %concatenate3A_2769, %select_n3A_2758 : vector<8x128xi1>, vector<8x128xf32>
    %slice3A_2771 = vector.extract_strided_slice %add3A_1563 {offsets = [0, 101], sizes = [8, 27], strides = [1, 1]} : vector<8x128xi32> to vector<8x27xi32>
    %slice3A_2772 = vector.extract_strided_slice %add3A_1563 {offsets = [0, 0], sizes = [8, 101], strides = [1, 1]} : vector<8x128xi32> to vector<8x101xi32>
    %concatenate3A_2773 = tpu.concatenate %slice3A_2771, %slice3A_2772 in 1 : vector<8x27xi32>, vector<8x101xi32> -> vector<8x128xi32>
    %eq3A_2774 = arith.cmpi eq, %concatenate3A_2773, %iota3A : vector<8x128xi32>
    %slice3A_2775 = vector.extract_strided_slice %mul3A_35 {offsets = [0, 101], sizes = [8, 27], strides = [1, 1]} : vector<8x128xf32> to vector<8x27xf32>
    %slice3A_2776 = vector.extract_strided_slice %mul3A_35 {offsets = [0, 0], sizes = [8, 101], strides = [1, 1]} : vector<8x128xf32> to vector<8x101xf32>
    %concatenate3A_2777 = tpu.concatenate %slice3A_2775, %slice3A_2776 in 1 : vector<8x27xf32>, vector<8x101xf32> -> vector<8x128xf32>
    %select_n3A_2778 = arith.select %eq3A_2774, %concatenate3A_2777, %select_n3A_2766 : vector<8x128xi1>, vector<8x128xf32>
    %slice3A_2779 = vector.extract_strided_slice %mul3A_42 {offsets = [0, 101], sizes = [8, 27], strides = [1, 1]} : vector<8x128xf32> to vector<8x27xf32>
    %slice3A_2780 = vector.extract_strided_slice %mul3A_42 {offsets = [0, 0], sizes = [8, 101], strides = [1, 1]} : vector<8x128xf32> to vector<8x101xf32>
    %concatenate3A_2781 = tpu.concatenate %slice3A_2779, %slice3A_2780 in 1 : vector<8x27xf32>, vector<8x101xf32> -> vector<8x128xf32>
    %select_n3A_2782 = arith.select %eq3A_2774, %concatenate3A_2781, %select_n3A_2770 : vector<8x128xi1>, vector<8x128xf32>
    %slice3A_2783 = vector.extract_strided_slice %add3A_1563 {offsets = [0, 102], sizes = [8, 26], strides = [1, 1]} : vector<8x128xi32> to vector<8x26xi32>
    %slice3A_2784 = vector.extract_strided_slice %add3A_1563 {offsets = [0, 0], sizes = [8, 102], strides = [1, 1]} : vector<8x128xi32> to vector<8x102xi32>
    %concatenate3A_2785 = tpu.concatenate %slice3A_2783, %slice3A_2784 in 1 : vector<8x26xi32>, vector<8x102xi32> -> vector<8x128xi32>
    %eq3A_2786 = arith.cmpi eq, %concatenate3A_2785, %iota3A : vector<8x128xi32>
    %slice3A_2787 = vector.extract_strided_slice %mul3A_35 {offsets = [0, 102], sizes = [8, 26], strides = [1, 1]} : vector<8x128xf32> to vector<8x26xf32>
    %slice3A_2788 = vector.extract_strided_slice %mul3A_35 {offsets = [0, 0], sizes = [8, 102], strides = [1, 1]} : vector<8x128xf32> to vector<8x102xf32>
    %concatenate3A_2789 = tpu.concatenate %slice3A_2787, %slice3A_2788 in 1 : vector<8x26xf32>, vector<8x102xf32> -> vector<8x128xf32>
    %select_n3A_2790 = arith.select %eq3A_2786, %concatenate3A_2789, %select_n3A_2778 : vector<8x128xi1>, vector<8x128xf32>
    %slice3A_2791 = vector.extract_strided_slice %mul3A_42 {offsets = [0, 102], sizes = [8, 26], strides = [1, 1]} : vector<8x128xf32> to vector<8x26xf32>
    %slice3A_2792 = vector.extract_strided_slice %mul3A_42 {offsets = [0, 0], sizes = [8, 102], strides = [1, 1]} : vector<8x128xf32> to vector<8x102xf32>
    %concatenate3A_2793 = tpu.concatenate %slice3A_2791, %slice3A_2792 in 1 : vector<8x26xf32>, vector<8x102xf32> -> vector<8x128xf32>
    %select_n3A_2794 = arith.select %eq3A_2786, %concatenate3A_2793, %select_n3A_2782 : vector<8x128xi1>, vector<8x128xf32>
    %slice3A_2795 = vector.extract_strided_slice %add3A_1563 {offsets = [0, 103], sizes = [8, 25], strides = [1, 1]} : vector<8x128xi32> to vector<8x25xi32>
    %slice3A_2796 = vector.extract_strided_slice %add3A_1563 {offsets = [0, 0], sizes = [8, 103], strides = [1, 1]} : vector<8x128xi32> to vector<8x103xi32>
    %concatenate3A_2797 = tpu.concatenate %slice3A_2795, %slice3A_2796 in 1 : vector<8x25xi32>, vector<8x103xi32> -> vector<8x128xi32>
    %eq3A_2798 = arith.cmpi eq, %concatenate3A_2797, %iota3A : vector<8x128xi32>
    %slice3A_2799 = vector.extract_strided_slice %mul3A_35 {offsets = [0, 103], sizes = [8, 25], strides = [1, 1]} : vector<8x128xf32> to vector<8x25xf32>
    %slice3A_2800 = vector.extract_strided_slice %mul3A_35 {offsets = [0, 0], sizes = [8, 103], strides = [1, 1]} : vector<8x128xf32> to vector<8x103xf32>
    %concatenate3A_2801 = tpu.concatenate %slice3A_2799, %slice3A_2800 in 1 : vector<8x25xf32>, vector<8x103xf32> -> vector<8x128xf32>
    %select_n3A_2802 = arith.select %eq3A_2798, %concatenate3A_2801, %select_n3A_2790 : vector<8x128xi1>, vector<8x128xf32>
    %slice3A_2803 = vector.extract_strided_slice %mul3A_42 {offsets = [0, 103], sizes = [8, 25], strides = [1, 1]} : vector<8x128xf32> to vector<8x25xf32>
    %slice3A_2804 = vector.extract_strided_slice %mul3A_42 {offsets = [0, 0], sizes = [8, 103], strides = [1, 1]} : vector<8x128xf32> to vector<8x103xf32>
    %concatenate3A_2805 = tpu.concatenate %slice3A_2803, %slice3A_2804 in 1 : vector<8x25xf32>, vector<8x103xf32> -> vector<8x128xf32>
    %select_n3A_2806 = arith.select %eq3A_2798, %concatenate3A_2805, %select_n3A_2794 : vector<8x128xi1>, vector<8x128xf32>
    %slice3A_2807 = vector.extract_strided_slice %add3A_1563 {offsets = [0, 104], sizes = [8, 24], strides = [1, 1]} : vector<8x128xi32> to vector<8x24xi32>
    %slice3A_2808 = vector.extract_strided_slice %add3A_1563 {offsets = [0, 0], sizes = [8, 104], strides = [1, 1]} : vector<8x128xi32> to vector<8x104xi32>
    %concatenate3A_2809 = tpu.concatenate %slice3A_2807, %slice3A_2808 in 1 : vector<8x24xi32>, vector<8x104xi32> -> vector<8x128xi32>
    %eq3A_2810 = arith.cmpi eq, %concatenate3A_2809, %iota3A : vector<8x128xi32>
    %slice3A_2811 = vector.extract_strided_slice %mul3A_35 {offsets = [0, 104], sizes = [8, 24], strides = [1, 1]} : vector<8x128xf32> to vector<8x24xf32>
    %slice3A_2812 = vector.extract_strided_slice %mul3A_35 {offsets = [0, 0], sizes = [8, 104], strides = [1, 1]} : vector<8x128xf32> to vector<8x104xf32>
    %concatenate3A_2813 = tpu.concatenate %slice3A_2811, %slice3A_2812 in 1 : vector<8x24xf32>, vector<8x104xf32> -> vector<8x128xf32>
    %select_n3A_2814 = arith.select %eq3A_2810, %concatenate3A_2813, %select_n3A_2802 : vector<8x128xi1>, vector<8x128xf32>
    %slice3A_2815 = vector.extract_strided_slice %mul3A_42 {offsets = [0, 104], sizes = [8, 24], strides = [1, 1]} : vector<8x128xf32> to vector<8x24xf32>
    %slice3A_2816 = vector.extract_strided_slice %mul3A_42 {offsets = [0, 0], sizes = [8, 104], strides = [1, 1]} : vector<8x128xf32> to vector<8x104xf32>
    %concatenate3A_2817 = tpu.concatenate %slice3A_2815, %slice3A_2816 in 1 : vector<8x24xf32>, vector<8x104xf32> -> vector<8x128xf32>
    %select_n3A_2818 = arith.select %eq3A_2810, %concatenate3A_2817, %select_n3A_2806 : vector<8x128xi1>, vector<8x128xf32>
    %slice3A_2819 = vector.extract_strided_slice %add3A_1563 {offsets = [0, 105], sizes = [8, 23], strides = [1, 1]} : vector<8x128xi32> to vector<8x23xi32>
    %slice3A_2820 = vector.extract_strided_slice %add3A_1563 {offsets = [0, 0], sizes = [8, 105], strides = [1, 1]} : vector<8x128xi32> to vector<8x105xi32>
    %concatenate3A_2821 = tpu.concatenate %slice3A_2819, %slice3A_2820 in 1 : vector<8x23xi32>, vector<8x105xi32> -> vector<8x128xi32>
    %eq3A_2822 = arith.cmpi eq, %concatenate3A_2821, %iota3A : vector<8x128xi32>
    %slice3A_2823 = vector.extract_strided_slice %mul3A_35 {offsets = [0, 105], sizes = [8, 23], strides = [1, 1]} : vector<8x128xf32> to vector<8x23xf32>
    %slice3A_2824 = vector.extract_strided_slice %mul3A_35 {offsets = [0, 0], sizes = [8, 105], strides = [1, 1]} : vector<8x128xf32> to vector<8x105xf32>
    %concatenate3A_2825 = tpu.concatenate %slice3A_2823, %slice3A_2824 in 1 : vector<8x23xf32>, vector<8x105xf32> -> vector<8x128xf32>
    %select_n3A_2826 = arith.select %eq3A_2822, %concatenate3A_2825, %select_n3A_2814 : vector<8x128xi1>, vector<8x128xf32>
    %slice3A_2827 = vector.extract_strided_slice %mul3A_42 {offsets = [0, 105], sizes = [8, 23], strides = [1, 1]} : vector<8x128xf32> to vector<8x23xf32>
    %slice3A_2828 = vector.extract_strided_slice %mul3A_42 {offsets = [0, 0], sizes = [8, 105], strides = [1, 1]} : vector<8x128xf32> to vector<8x105xf32>
    %concatenate3A_2829 = tpu.concatenate %slice3A_2827, %slice3A_2828 in 1 : vector<8x23xf32>, vector<8x105xf32> -> vector<8x128xf32>
    %select_n3A_2830 = arith.select %eq3A_2822, %concatenate3A_2829, %select_n3A_2818 : vector<8x128xi1>, vector<8x128xf32>
    %slice3A_2831 = vector.extract_strided_slice %add3A_1563 {offsets = [0, 106], sizes = [8, 22], strides = [1, 1]} : vector<8x128xi32> to vector<8x22xi32>
    %slice3A_2832 = vector.extract_strided_slice %add3A_1563 {offsets = [0, 0], sizes = [8, 106], strides = [1, 1]} : vector<8x128xi32> to vector<8x106xi32>
    %concatenate3A_2833 = tpu.concatenate %slice3A_2831, %slice3A_2832 in 1 : vector<8x22xi32>, vector<8x106xi32> -> vector<8x128xi32>
    %eq3A_2834 = arith.cmpi eq, %concatenate3A_2833, %iota3A : vector<8x128xi32>
    %slice3A_2835 = vector.extract_strided_slice %mul3A_35 {offsets = [0, 106], sizes = [8, 22], strides = [1, 1]} : vector<8x128xf32> to vector<8x22xf32>
    %slice3A_2836 = vector.extract_strided_slice %mul3A_35 {offsets = [0, 0], sizes = [8, 106], strides = [1, 1]} : vector<8x128xf32> to vector<8x106xf32>
    %concatenate3A_2837 = tpu.concatenate %slice3A_2835, %slice3A_2836 in 1 : vector<8x22xf32>, vector<8x106xf32> -> vector<8x128xf32>
    %select_n3A_2838 = arith.select %eq3A_2834, %concatenate3A_2837, %select_n3A_2826 : vector<8x128xi1>, vector<8x128xf32>
    %slice3A_2839 = vector.extract_strided_slice %mul3A_42 {offsets = [0, 106], sizes = [8, 22], strides = [1, 1]} : vector<8x128xf32> to vector<8x22xf32>
    %slice3A_2840 = vector.extract_strided_slice %mul3A_42 {offsets = [0, 0], sizes = [8, 106], strides = [1, 1]} : vector<8x128xf32> to vector<8x106xf32>
    %concatenate3A_2841 = tpu.concatenate %slice3A_2839, %slice3A_2840 in 1 : vector<8x22xf32>, vector<8x106xf32> -> vector<8x128xf32>
    %select_n3A_2842 = arith.select %eq3A_2834, %concatenate3A_2841, %select_n3A_2830 : vector<8x128xi1>, vector<8x128xf32>
    %slice3A_2843 = vector.extract_strided_slice %add3A_1563 {offsets = [0, 107], sizes = [8, 21], strides = [1, 1]} : vector<8x128xi32> to vector<8x21xi32>
    %slice3A_2844 = vector.extract_strided_slice %add3A_1563 {offsets = [0, 0], sizes = [8, 107], strides = [1, 1]} : vector<8x128xi32> to vector<8x107xi32>
    %concatenate3A_2845 = tpu.concatenate %slice3A_2843, %slice3A_2844 in 1 : vector<8x21xi32>, vector<8x107xi32> -> vector<8x128xi32>
    %eq3A_2846 = arith.cmpi eq, %concatenate3A_2845, %iota3A : vector<8x128xi32>
    %slice3A_2847 = vector.extract_strided_slice %mul3A_35 {offsets = [0, 107], sizes = [8, 21], strides = [1, 1]} : vector<8x128xf32> to vector<8x21xf32>
    %slice3A_2848 = vector.extract_strided_slice %mul3A_35 {offsets = [0, 0], sizes = [8, 107], strides = [1, 1]} : vector<8x128xf32> to vector<8x107xf32>
    %concatenate3A_2849 = tpu.concatenate %slice3A_2847, %slice3A_2848 in 1 : vector<8x21xf32>, vector<8x107xf32> -> vector<8x128xf32>
    %select_n3A_2850 = arith.select %eq3A_2846, %concatenate3A_2849, %select_n3A_2838 : vector<8x128xi1>, vector<8x128xf32>
    %slice3A_2851 = vector.extract_strided_slice %mul3A_42 {offsets = [0, 107], sizes = [8, 21], strides = [1, 1]} : vector<8x128xf32> to vector<8x21xf32>
    %slice3A_2852 = vector.extract_strided_slice %mul3A_42 {offsets = [0, 0], sizes = [8, 107], strides = [1, 1]} : vector<8x128xf32> to vector<8x107xf32>
    %concatenate3A_2853 = tpu.concatenate %slice3A_2851, %slice3A_2852 in 1 : vector<8x21xf32>, vector<8x107xf32> -> vector<8x128xf32>
    %select_n3A_2854 = arith.select %eq3A_2846, %concatenate3A_2853, %select_n3A_2842 : vector<8x128xi1>, vector<8x128xf32>
    %slice3A_2855 = vector.extract_strided_slice %add3A_1563 {offsets = [0, 108], sizes = [8, 20], strides = [1, 1]} : vector<8x128xi32> to vector<8x20xi32>
    %slice3A_2856 = vector.extract_strided_slice %add3A_1563 {offsets = [0, 0], sizes = [8, 108], strides = [1, 1]} : vector<8x128xi32> to vector<8x108xi32>
    %concatenate3A_2857 = tpu.concatenate %slice3A_2855, %slice3A_2856 in 1 : vector<8x20xi32>, vector<8x108xi32> -> vector<8x128xi32>
    %eq3A_2858 = arith.cmpi eq, %concatenate3A_2857, %iota3A : vector<8x128xi32>
    %slice3A_2859 = vector.extract_strided_slice %mul3A_35 {offsets = [0, 108], sizes = [8, 20], strides = [1, 1]} : vector<8x128xf32> to vector<8x20xf32>
    %slice3A_2860 = vector.extract_strided_slice %mul3A_35 {offsets = [0, 0], sizes = [8, 108], strides = [1, 1]} : vector<8x128xf32> to vector<8x108xf32>
    %concatenate3A_2861 = tpu.concatenate %slice3A_2859, %slice3A_2860 in 1 : vector<8x20xf32>, vector<8x108xf32> -> vector<8x128xf32>
    %select_n3A_2862 = arith.select %eq3A_2858, %concatenate3A_2861, %select_n3A_2850 : vector<8x128xi1>, vector<8x128xf32>
    %slice3A_2863 = vector.extract_strided_slice %mul3A_42 {offsets = [0, 108], sizes = [8, 20], strides = [1, 1]} : vector<8x128xf32> to vector<8x20xf32>
    %slice3A_2864 = vector.extract_strided_slice %mul3A_42 {offsets = [0, 0], sizes = [8, 108], strides = [1, 1]} : vector<8x128xf32> to vector<8x108xf32>
    %concatenate3A_2865 = tpu.concatenate %slice3A_2863, %slice3A_2864 in 1 : vector<8x20xf32>, vector<8x108xf32> -> vector<8x128xf32>
    %select_n3A_2866 = arith.select %eq3A_2858, %concatenate3A_2865, %select_n3A_2854 : vector<8x128xi1>, vector<8x128xf32>
    %slice3A_2867 = vector.extract_strided_slice %add3A_1563 {offsets = [0, 109], sizes = [8, 19], strides = [1, 1]} : vector<8x128xi32> to vector<8x19xi32>
    %slice3A_2868 = vector.extract_strided_slice %add3A_1563 {offsets = [0, 0], sizes = [8, 109], strides = [1, 1]} : vector<8x128xi32> to vector<8x109xi32>
    %concatenate3A_2869 = tpu.concatenate %slice3A_2867, %slice3A_2868 in 1 : vector<8x19xi32>, vector<8x109xi32> -> vector<8x128xi32>
    %eq3A_2870 = arith.cmpi eq, %concatenate3A_2869, %iota3A : vector<8x128xi32>
    %slice3A_2871 = vector.extract_strided_slice %mul3A_35 {offsets = [0, 109], sizes = [8, 19], strides = [1, 1]} : vector<8x128xf32> to vector<8x19xf32>
    %slice3A_2872 = vector.extract_strided_slice %mul3A_35 {offsets = [0, 0], sizes = [8, 109], strides = [1, 1]} : vector<8x128xf32> to vector<8x109xf32>
    %concatenate3A_2873 = tpu.concatenate %slice3A_2871, %slice3A_2872 in 1 : vector<8x19xf32>, vector<8x109xf32> -> vector<8x128xf32>
    %select_n3A_2874 = arith.select %eq3A_2870, %concatenate3A_2873, %select_n3A_2862 : vector<8x128xi1>, vector<8x128xf32>
    %slice3A_2875 = vector.extract_strided_slice %mul3A_42 {offsets = [0, 109], sizes = [8, 19], strides = [1, 1]} : vector<8x128xf32> to vector<8x19xf32>
    %slice3A_2876 = vector.extract_strided_slice %mul3A_42 {offsets = [0, 0], sizes = [8, 109], strides = [1, 1]} : vector<8x128xf32> to vector<8x109xf32>
    %concatenate3A_2877 = tpu.concatenate %slice3A_2875, %slice3A_2876 in 1 : vector<8x19xf32>, vector<8x109xf32> -> vector<8x128xf32>
    %select_n3A_2878 = arith.select %eq3A_2870, %concatenate3A_2877, %select_n3A_2866 : vector<8x128xi1>, vector<8x128xf32>
    %slice3A_2879 = vector.extract_strided_slice %add3A_1563 {offsets = [0, 110], sizes = [8, 18], strides = [1, 1]} : vector<8x128xi32> to vector<8x18xi32>
    %slice3A_2880 = vector.extract_strided_slice %add3A_1563 {offsets = [0, 0], sizes = [8, 110], strides = [1, 1]} : vector<8x128xi32> to vector<8x110xi32>
    %concatenate3A_2881 = tpu.concatenate %slice3A_2879, %slice3A_2880 in 1 : vector<8x18xi32>, vector<8x110xi32> -> vector<8x128xi32>
    %eq3A_2882 = arith.cmpi eq, %concatenate3A_2881, %iota3A : vector<8x128xi32>
    %slice3A_2883 = vector.extract_strided_slice %mul3A_35 {offsets = [0, 110], sizes = [8, 18], strides = [1, 1]} : vector<8x128xf32> to vector<8x18xf32>
    %slice3A_2884 = vector.extract_strided_slice %mul3A_35 {offsets = [0, 0], sizes = [8, 110], strides = [1, 1]} : vector<8x128xf32> to vector<8x110xf32>
    %concatenate3A_2885 = tpu.concatenate %slice3A_2883, %slice3A_2884 in 1 : vector<8x18xf32>, vector<8x110xf32> -> vector<8x128xf32>
    %select_n3A_2886 = arith.select %eq3A_2882, %concatenate3A_2885, %select_n3A_2874 : vector<8x128xi1>, vector<8x128xf32>
    %slice3A_2887 = vector.extract_strided_slice %mul3A_42 {offsets = [0, 110], sizes = [8, 18], strides = [1, 1]} : vector<8x128xf32> to vector<8x18xf32>
    %slice3A_2888 = vector.extract_strided_slice %mul3A_42 {offsets = [0, 0], sizes = [8, 110], strides = [1, 1]} : vector<8x128xf32> to vector<8x110xf32>
    %concatenate3A_2889 = tpu.concatenate %slice3A_2887, %slice3A_2888 in 1 : vector<8x18xf32>, vector<8x110xf32> -> vector<8x128xf32>
    %select_n3A_2890 = arith.select %eq3A_2882, %concatenate3A_2889, %select_n3A_2878 : vector<8x128xi1>, vector<8x128xf32>
    %slice3A_2891 = vector.extract_strided_slice %add3A_1563 {offsets = [0, 111], sizes = [8, 17], strides = [1, 1]} : vector<8x128xi32> to vector<8x17xi32>
    %slice3A_2892 = vector.extract_strided_slice %add3A_1563 {offsets = [0, 0], sizes = [8, 111], strides = [1, 1]} : vector<8x128xi32> to vector<8x111xi32>
    %concatenate3A_2893 = tpu.concatenate %slice3A_2891, %slice3A_2892 in 1 : vector<8x17xi32>, vector<8x111xi32> -> vector<8x128xi32>
    %eq3A_2894 = arith.cmpi eq, %concatenate3A_2893, %iota3A : vector<8x128xi32>
    %slice3A_2895 = vector.extract_strided_slice %mul3A_35 {offsets = [0, 111], sizes = [8, 17], strides = [1, 1]} : vector<8x128xf32> to vector<8x17xf32>
    %slice3A_2896 = vector.extract_strided_slice %mul3A_35 {offsets = [0, 0], sizes = [8, 111], strides = [1, 1]} : vector<8x128xf32> to vector<8x111xf32>
    %concatenate3A_2897 = tpu.concatenate %slice3A_2895, %slice3A_2896 in 1 : vector<8x17xf32>, vector<8x111xf32> -> vector<8x128xf32>
    %select_n3A_2898 = arith.select %eq3A_2894, %concatenate3A_2897, %select_n3A_2886 : vector<8x128xi1>, vector<8x128xf32>
    %slice3A_2899 = vector.extract_strided_slice %mul3A_42 {offsets = [0, 111], sizes = [8, 17], strides = [1, 1]} : vector<8x128xf32> to vector<8x17xf32>
    %slice3A_2900 = vector.extract_strided_slice %mul3A_42 {offsets = [0, 0], sizes = [8, 111], strides = [1, 1]} : vector<8x128xf32> to vector<8x111xf32>
    %concatenate3A_2901 = tpu.concatenate %slice3A_2899, %slice3A_2900 in 1 : vector<8x17xf32>, vector<8x111xf32> -> vector<8x128xf32>
    %select_n3A_2902 = arith.select %eq3A_2894, %concatenate3A_2901, %select_n3A_2890 : vector<8x128xi1>, vector<8x128xf32>
    %slice3A_2903 = vector.extract_strided_slice %add3A_1563 {offsets = [0, 112], sizes = [8, 16], strides = [1, 1]} : vector<8x128xi32> to vector<8x16xi32>
    %slice3A_2904 = vector.extract_strided_slice %add3A_1563 {offsets = [0, 0], sizes = [8, 112], strides = [1, 1]} : vector<8x128xi32> to vector<8x112xi32>
    %concatenate3A_2905 = tpu.concatenate %slice3A_2903, %slice3A_2904 in 1 : vector<8x16xi32>, vector<8x112xi32> -> vector<8x128xi32>
    %eq3A_2906 = arith.cmpi eq, %concatenate3A_2905, %iota3A : vector<8x128xi32>
    %slice3A_2907 = vector.extract_strided_slice %mul3A_35 {offsets = [0, 112], sizes = [8, 16], strides = [1, 1]} : vector<8x128xf32> to vector<8x16xf32>
    %slice3A_2908 = vector.extract_strided_slice %mul3A_35 {offsets = [0, 0], sizes = [8, 112], strides = [1, 1]} : vector<8x128xf32> to vector<8x112xf32>
    %concatenate3A_2909 = tpu.concatenate %slice3A_2907, %slice3A_2908 in 1 : vector<8x16xf32>, vector<8x112xf32> -> vector<8x128xf32>
    %select_n3A_2910 = arith.select %eq3A_2906, %concatenate3A_2909, %select_n3A_2898 : vector<8x128xi1>, vector<8x128xf32>
    %slice3A_2911 = vector.extract_strided_slice %mul3A_42 {offsets = [0, 112], sizes = [8, 16], strides = [1, 1]} : vector<8x128xf32> to vector<8x16xf32>
    %slice3A_2912 = vector.extract_strided_slice %mul3A_42 {offsets = [0, 0], sizes = [8, 112], strides = [1, 1]} : vector<8x128xf32> to vector<8x112xf32>
    %concatenate3A_2913 = tpu.concatenate %slice3A_2911, %slice3A_2912 in 1 : vector<8x16xf32>, vector<8x112xf32> -> vector<8x128xf32>
    %select_n3A_2914 = arith.select %eq3A_2906, %concatenate3A_2913, %select_n3A_2902 : vector<8x128xi1>, vector<8x128xf32>
    %slice3A_2915 = vector.extract_strided_slice %add3A_1563 {offsets = [0, 113], sizes = [8, 15], strides = [1, 1]} : vector<8x128xi32> to vector<8x15xi32>
    %slice3A_2916 = vector.extract_strided_slice %add3A_1563 {offsets = [0, 0], sizes = [8, 113], strides = [1, 1]} : vector<8x128xi32> to vector<8x113xi32>
    %concatenate3A_2917 = tpu.concatenate %slice3A_2915, %slice3A_2916 in 1 : vector<8x15xi32>, vector<8x113xi32> -> vector<8x128xi32>
    %eq3A_2918 = arith.cmpi eq, %concatenate3A_2917, %iota3A : vector<8x128xi32>
    %slice3A_2919 = vector.extract_strided_slice %mul3A_35 {offsets = [0, 113], sizes = [8, 15], strides = [1, 1]} : vector<8x128xf32> to vector<8x15xf32>
    %slice3A_2920 = vector.extract_strided_slice %mul3A_35 {offsets = [0, 0], sizes = [8, 113], strides = [1, 1]} : vector<8x128xf32> to vector<8x113xf32>
    %concatenate3A_2921 = tpu.concatenate %slice3A_2919, %slice3A_2920 in 1 : vector<8x15xf32>, vector<8x113xf32> -> vector<8x128xf32>
    %select_n3A_2922 = arith.select %eq3A_2918, %concatenate3A_2921, %select_n3A_2910 : vector<8x128xi1>, vector<8x128xf32>
    %slice3A_2923 = vector.extract_strided_slice %mul3A_42 {offsets = [0, 113], sizes = [8, 15], strides = [1, 1]} : vector<8x128xf32> to vector<8x15xf32>
    %slice3A_2924 = vector.extract_strided_slice %mul3A_42 {offsets = [0, 0], sizes = [8, 113], strides = [1, 1]} : vector<8x128xf32> to vector<8x113xf32>
    %concatenate3A_2925 = tpu.concatenate %slice3A_2923, %slice3A_2924 in 1 : vector<8x15xf32>, vector<8x113xf32> -> vector<8x128xf32>
    %select_n3A_2926 = arith.select %eq3A_2918, %concatenate3A_2925, %select_n3A_2914 : vector<8x128xi1>, vector<8x128xf32>
    %slice3A_2927 = vector.extract_strided_slice %add3A_1563 {offsets = [0, 114], sizes = [8, 14], strides = [1, 1]} : vector<8x128xi32> to vector<8x14xi32>
    %slice3A_2928 = vector.extract_strided_slice %add3A_1563 {offsets = [0, 0], sizes = [8, 114], strides = [1, 1]} : vector<8x128xi32> to vector<8x114xi32>
    %concatenate3A_2929 = tpu.concatenate %slice3A_2927, %slice3A_2928 in 1 : vector<8x14xi32>, vector<8x114xi32> -> vector<8x128xi32>
    %eq3A_2930 = arith.cmpi eq, %concatenate3A_2929, %iota3A : vector<8x128xi32>
    %slice3A_2931 = vector.extract_strided_slice %mul3A_35 {offsets = [0, 114], sizes = [8, 14], strides = [1, 1]} : vector<8x128xf32> to vector<8x14xf32>
    %slice3A_2932 = vector.extract_strided_slice %mul3A_35 {offsets = [0, 0], sizes = [8, 114], strides = [1, 1]} : vector<8x128xf32> to vector<8x114xf32>
    %concatenate3A_2933 = tpu.concatenate %slice3A_2931, %slice3A_2932 in 1 : vector<8x14xf32>, vector<8x114xf32> -> vector<8x128xf32>
    %select_n3A_2934 = arith.select %eq3A_2930, %concatenate3A_2933, %select_n3A_2922 : vector<8x128xi1>, vector<8x128xf32>
    %slice3A_2935 = vector.extract_strided_slice %mul3A_42 {offsets = [0, 114], sizes = [8, 14], strides = [1, 1]} : vector<8x128xf32> to vector<8x14xf32>
    %slice3A_2936 = vector.extract_strided_slice %mul3A_42 {offsets = [0, 0], sizes = [8, 114], strides = [1, 1]} : vector<8x128xf32> to vector<8x114xf32>
    %concatenate3A_2937 = tpu.concatenate %slice3A_2935, %slice3A_2936 in 1 : vector<8x14xf32>, vector<8x114xf32> -> vector<8x128xf32>
    %select_n3A_2938 = arith.select %eq3A_2930, %concatenate3A_2937, %select_n3A_2926 : vector<8x128xi1>, vector<8x128xf32>
    %slice3A_2939 = vector.extract_strided_slice %add3A_1563 {offsets = [0, 115], sizes = [8, 13], strides = [1, 1]} : vector<8x128xi32> to vector<8x13xi32>
    %slice3A_2940 = vector.extract_strided_slice %add3A_1563 {offsets = [0, 0], sizes = [8, 115], strides = [1, 1]} : vector<8x128xi32> to vector<8x115xi32>
    %concatenate3A_2941 = tpu.concatenate %slice3A_2939, %slice3A_2940 in 1 : vector<8x13xi32>, vector<8x115xi32> -> vector<8x128xi32>
    %eq3A_2942 = arith.cmpi eq, %concatenate3A_2941, %iota3A : vector<8x128xi32>
    %slice3A_2943 = vector.extract_strided_slice %mul3A_35 {offsets = [0, 115], sizes = [8, 13], strides = [1, 1]} : vector<8x128xf32> to vector<8x13xf32>
    %slice3A_2944 = vector.extract_strided_slice %mul3A_35 {offsets = [0, 0], sizes = [8, 115], strides = [1, 1]} : vector<8x128xf32> to vector<8x115xf32>
    %concatenate3A_2945 = tpu.concatenate %slice3A_2943, %slice3A_2944 in 1 : vector<8x13xf32>, vector<8x115xf32> -> vector<8x128xf32>
    %select_n3A_2946 = arith.select %eq3A_2942, %concatenate3A_2945, %select_n3A_2934 : vector<8x128xi1>, vector<8x128xf32>
    %slice3A_2947 = vector.extract_strided_slice %mul3A_42 {offsets = [0, 115], sizes = [8, 13], strides = [1, 1]} : vector<8x128xf32> to vector<8x13xf32>
    %slice3A_2948 = vector.extract_strided_slice %mul3A_42 {offsets = [0, 0], sizes = [8, 115], strides = [1, 1]} : vector<8x128xf32> to vector<8x115xf32>
    %concatenate3A_2949 = tpu.concatenate %slice3A_2947, %slice3A_2948 in 1 : vector<8x13xf32>, vector<8x115xf32> -> vector<8x128xf32>
    %select_n3A_2950 = arith.select %eq3A_2942, %concatenate3A_2949, %select_n3A_2938 : vector<8x128xi1>, vector<8x128xf32>
    %slice3A_2951 = vector.extract_strided_slice %add3A_1563 {offsets = [0, 116], sizes = [8, 12], strides = [1, 1]} : vector<8x128xi32> to vector<8x12xi32>
    %slice3A_2952 = vector.extract_strided_slice %add3A_1563 {offsets = [0, 0], sizes = [8, 116], strides = [1, 1]} : vector<8x128xi32> to vector<8x116xi32>
    %concatenate3A_2953 = tpu.concatenate %slice3A_2951, %slice3A_2952 in 1 : vector<8x12xi32>, vector<8x116xi32> -> vector<8x128xi32>
    %eq3A_2954 = arith.cmpi eq, %concatenate3A_2953, %iota3A : vector<8x128xi32>
    %slice3A_2955 = vector.extract_strided_slice %mul3A_35 {offsets = [0, 116], sizes = [8, 12], strides = [1, 1]} : vector<8x128xf32> to vector<8x12xf32>
    %slice3A_2956 = vector.extract_strided_slice %mul3A_35 {offsets = [0, 0], sizes = [8, 116], strides = [1, 1]} : vector<8x128xf32> to vector<8x116xf32>
    %concatenate3A_2957 = tpu.concatenate %slice3A_2955, %slice3A_2956 in 1 : vector<8x12xf32>, vector<8x116xf32> -> vector<8x128xf32>
    %select_n3A_2958 = arith.select %eq3A_2954, %concatenate3A_2957, %select_n3A_2946 : vector<8x128xi1>, vector<8x128xf32>
    %slice3A_2959 = vector.extract_strided_slice %mul3A_42 {offsets = [0, 116], sizes = [8, 12], strides = [1, 1]} : vector<8x128xf32> to vector<8x12xf32>
    %slice3A_2960 = vector.extract_strided_slice %mul3A_42 {offsets = [0, 0], sizes = [8, 116], strides = [1, 1]} : vector<8x128xf32> to vector<8x116xf32>
    %concatenate3A_2961 = tpu.concatenate %slice3A_2959, %slice3A_2960 in 1 : vector<8x12xf32>, vector<8x116xf32> -> vector<8x128xf32>
    %select_n3A_2962 = arith.select %eq3A_2954, %concatenate3A_2961, %select_n3A_2950 : vector<8x128xi1>, vector<8x128xf32>
    %slice3A_2963 = vector.extract_strided_slice %add3A_1563 {offsets = [0, 117], sizes = [8, 11], strides = [1, 1]} : vector<8x128xi32> to vector<8x11xi32>
    %slice3A_2964 = vector.extract_strided_slice %add3A_1563 {offsets = [0, 0], sizes = [8, 117], strides = [1, 1]} : vector<8x128xi32> to vector<8x117xi32>
    %concatenate3A_2965 = tpu.concatenate %slice3A_2963, %slice3A_2964 in 1 : vector<8x11xi32>, vector<8x117xi32> -> vector<8x128xi32>
    %eq3A_2966 = arith.cmpi eq, %concatenate3A_2965, %iota3A : vector<8x128xi32>
    %slice3A_2967 = vector.extract_strided_slice %mul3A_35 {offsets = [0, 117], sizes = [8, 11], strides = [1, 1]} : vector<8x128xf32> to vector<8x11xf32>
    %slice3A_2968 = vector.extract_strided_slice %mul3A_35 {offsets = [0, 0], sizes = [8, 117], strides = [1, 1]} : vector<8x128xf32> to vector<8x117xf32>
    %concatenate3A_2969 = tpu.concatenate %slice3A_2967, %slice3A_2968 in 1 : vector<8x11xf32>, vector<8x117xf32> -> vector<8x128xf32>
    %select_n3A_2970 = arith.select %eq3A_2966, %concatenate3A_2969, %select_n3A_2958 : vector<8x128xi1>, vector<8x128xf32>
    %slice3A_2971 = vector.extract_strided_slice %mul3A_42 {offsets = [0, 117], sizes = [8, 11], strides = [1, 1]} : vector<8x128xf32> to vector<8x11xf32>
    %slice3A_2972 = vector.extract_strided_slice %mul3A_42 {offsets = [0, 0], sizes = [8, 117], strides = [1, 1]} : vector<8x128xf32> to vector<8x117xf32>
    %concatenate3A_2973 = tpu.concatenate %slice3A_2971, %slice3A_2972 in 1 : vector<8x11xf32>, vector<8x117xf32> -> vector<8x128xf32>
    %select_n3A_2974 = arith.select %eq3A_2966, %concatenate3A_2973, %select_n3A_2962 : vector<8x128xi1>, vector<8x128xf32>
    %slice3A_2975 = vector.extract_strided_slice %add3A_1563 {offsets = [0, 118], sizes = [8, 10], strides = [1, 1]} : vector<8x128xi32> to vector<8x10xi32>
    %slice3A_2976 = vector.extract_strided_slice %add3A_1563 {offsets = [0, 0], sizes = [8, 118], strides = [1, 1]} : vector<8x128xi32> to vector<8x118xi32>
    %concatenate3A_2977 = tpu.concatenate %slice3A_2975, %slice3A_2976 in 1 : vector<8x10xi32>, vector<8x118xi32> -> vector<8x128xi32>
    %eq3A_2978 = arith.cmpi eq, %concatenate3A_2977, %iota3A : vector<8x128xi32>
    %slice3A_2979 = vector.extract_strided_slice %mul3A_35 {offsets = [0, 118], sizes = [8, 10], strides = [1, 1]} : vector<8x128xf32> to vector<8x10xf32>
    %slice3A_2980 = vector.extract_strided_slice %mul3A_35 {offsets = [0, 0], sizes = [8, 118], strides = [1, 1]} : vector<8x128xf32> to vector<8x118xf32>
    %concatenate3A_2981 = tpu.concatenate %slice3A_2979, %slice3A_2980 in 1 : vector<8x10xf32>, vector<8x118xf32> -> vector<8x128xf32>
    %select_n3A_2982 = arith.select %eq3A_2978, %concatenate3A_2981, %select_n3A_2970 : vector<8x128xi1>, vector<8x128xf32>
    %slice3A_2983 = vector.extract_strided_slice %mul3A_42 {offsets = [0, 118], sizes = [8, 10], strides = [1, 1]} : vector<8x128xf32> to vector<8x10xf32>
    %slice3A_2984 = vector.extract_strided_slice %mul3A_42 {offsets = [0, 0], sizes = [8, 118], strides = [1, 1]} : vector<8x128xf32> to vector<8x118xf32>
    %concatenate3A_2985 = tpu.concatenate %slice3A_2983, %slice3A_2984 in 1 : vector<8x10xf32>, vector<8x118xf32> -> vector<8x128xf32>
    %select_n3A_2986 = arith.select %eq3A_2978, %concatenate3A_2985, %select_n3A_2974 : vector<8x128xi1>, vector<8x128xf32>
    %slice3A_2987 = vector.extract_strided_slice %add3A_1563 {offsets = [0, 119], sizes = [8, 9], strides = [1, 1]} : vector<8x128xi32> to vector<8x9xi32>
    %slice3A_2988 = vector.extract_strided_slice %add3A_1563 {offsets = [0, 0], sizes = [8, 119], strides = [1, 1]} : vector<8x128xi32> to vector<8x119xi32>
    %concatenate3A_2989 = tpu.concatenate %slice3A_2987, %slice3A_2988 in 1 : vector<8x9xi32>, vector<8x119xi32> -> vector<8x128xi32>
    %eq3A_2990 = arith.cmpi eq, %concatenate3A_2989, %iota3A : vector<8x128xi32>
    %slice3A_2991 = vector.extract_strided_slice %mul3A_35 {offsets = [0, 119], sizes = [8, 9], strides = [1, 1]} : vector<8x128xf32> to vector<8x9xf32>
    %slice3A_2992 = vector.extract_strided_slice %mul3A_35 {offsets = [0, 0], sizes = [8, 119], strides = [1, 1]} : vector<8x128xf32> to vector<8x119xf32>
    %concatenate3A_2993 = tpu.concatenate %slice3A_2991, %slice3A_2992 in 1 : vector<8x9xf32>, vector<8x119xf32> -> vector<8x128xf32>
    %select_n3A_2994 = arith.select %eq3A_2990, %concatenate3A_2993, %select_n3A_2982 : vector<8x128xi1>, vector<8x128xf32>
    %slice3A_2995 = vector.extract_strided_slice %mul3A_42 {offsets = [0, 119], sizes = [8, 9], strides = [1, 1]} : vector<8x128xf32> to vector<8x9xf32>
    %slice3A_2996 = vector.extract_strided_slice %mul3A_42 {offsets = [0, 0], sizes = [8, 119], strides = [1, 1]} : vector<8x128xf32> to vector<8x119xf32>
    %concatenate3A_2997 = tpu.concatenate %slice3A_2995, %slice3A_2996 in 1 : vector<8x9xf32>, vector<8x119xf32> -> vector<8x128xf32>
    %select_n3A_2998 = arith.select %eq3A_2990, %concatenate3A_2997, %select_n3A_2986 : vector<8x128xi1>, vector<8x128xf32>
    %slice3A_2999 = vector.extract_strided_slice %add3A_1563 {offsets = [0, 120], sizes = [8, 8], strides = [1, 1]} : vector<8x128xi32> to vector<8x8xi32>
    %slice3A_3000 = vector.extract_strided_slice %add3A_1563 {offsets = [0, 0], sizes = [8, 120], strides = [1, 1]} : vector<8x128xi32> to vector<8x120xi32>
    %concatenate3A_3001 = tpu.concatenate %slice3A_2999, %slice3A_3000 in 1 : vector<8x8xi32>, vector<8x120xi32> -> vector<8x128xi32>
    %eq3A_3002 = arith.cmpi eq, %concatenate3A_3001, %iota3A : vector<8x128xi32>
    %slice3A_3003 = vector.extract_strided_slice %mul3A_35 {offsets = [0, 120], sizes = [8, 8], strides = [1, 1]} : vector<8x128xf32> to vector<8x8xf32>
    %slice3A_3004 = vector.extract_strided_slice %mul3A_35 {offsets = [0, 0], sizes = [8, 120], strides = [1, 1]} : vector<8x128xf32> to vector<8x120xf32>
    %concatenate3A_3005 = tpu.concatenate %slice3A_3003, %slice3A_3004 in 1 : vector<8x8xf32>, vector<8x120xf32> -> vector<8x128xf32>
    %select_n3A_3006 = arith.select %eq3A_3002, %concatenate3A_3005, %select_n3A_2994 : vector<8x128xi1>, vector<8x128xf32>
    %slice3A_3007 = vector.extract_strided_slice %mul3A_42 {offsets = [0, 120], sizes = [8, 8], strides = [1, 1]} : vector<8x128xf32> to vector<8x8xf32>
    %slice3A_3008 = vector.extract_strided_slice %mul3A_42 {offsets = [0, 0], sizes = [8, 120], strides = [1, 1]} : vector<8x128xf32> to vector<8x120xf32>
    %concatenate3A_3009 = tpu.concatenate %slice3A_3007, %slice3A_3008 in 1 : vector<8x8xf32>, vector<8x120xf32> -> vector<8x128xf32>
    %select_n3A_3010 = arith.select %eq3A_3002, %concatenate3A_3009, %select_n3A_2998 : vector<8x128xi1>, vector<8x128xf32>
    %slice3A_3011 = vector.extract_strided_slice %add3A_1563 {offsets = [0, 121], sizes = [8, 7], strides = [1, 1]} : vector<8x128xi32> to vector<8x7xi32>
    %slice3A_3012 = vector.extract_strided_slice %add3A_1563 {offsets = [0, 0], sizes = [8, 121], strides = [1, 1]} : vector<8x128xi32> to vector<8x121xi32>
    %concatenate3A_3013 = tpu.concatenate %slice3A_3011, %slice3A_3012 in 1 : vector<8x7xi32>, vector<8x121xi32> -> vector<8x128xi32>
    %eq3A_3014 = arith.cmpi eq, %concatenate3A_3013, %iota3A : vector<8x128xi32>
    %slice3A_3015 = vector.extract_strided_slice %mul3A_35 {offsets = [0, 121], sizes = [8, 7], strides = [1, 1]} : vector<8x128xf32> to vector<8x7xf32>
    %slice3A_3016 = vector.extract_strided_slice %mul3A_35 {offsets = [0, 0], sizes = [8, 121], strides = [1, 1]} : vector<8x128xf32> to vector<8x121xf32>
    %concatenate3A_3017 = tpu.concatenate %slice3A_3015, %slice3A_3016 in 1 : vector<8x7xf32>, vector<8x121xf32> -> vector<8x128xf32>
    %select_n3A_3018 = arith.select %eq3A_3014, %concatenate3A_3017, %select_n3A_3006 : vector<8x128xi1>, vector<8x128xf32>
    %slice3A_3019 = vector.extract_strided_slice %mul3A_42 {offsets = [0, 121], sizes = [8, 7], strides = [1, 1]} : vector<8x128xf32> to vector<8x7xf32>
    %slice3A_3020 = vector.extract_strided_slice %mul3A_42 {offsets = [0, 0], sizes = [8, 121], strides = [1, 1]} : vector<8x128xf32> to vector<8x121xf32>
    %concatenate3A_3021 = tpu.concatenate %slice3A_3019, %slice3A_3020 in 1 : vector<8x7xf32>, vector<8x121xf32> -> vector<8x128xf32>
    %select_n3A_3022 = arith.select %eq3A_3014, %concatenate3A_3021, %select_n3A_3010 : vector<8x128xi1>, vector<8x128xf32>
    %slice3A_3023 = vector.extract_strided_slice %add3A_1563 {offsets = [0, 122], sizes = [8, 6], strides = [1, 1]} : vector<8x128xi32> to vector<8x6xi32>
    %slice3A_3024 = vector.extract_strided_slice %add3A_1563 {offsets = [0, 0], sizes = [8, 122], strides = [1, 1]} : vector<8x128xi32> to vector<8x122xi32>
    %concatenate3A_3025 = tpu.concatenate %slice3A_3023, %slice3A_3024 in 1 : vector<8x6xi32>, vector<8x122xi32> -> vector<8x128xi32>
    %eq3A_3026 = arith.cmpi eq, %concatenate3A_3025, %iota3A : vector<8x128xi32>
    %slice3A_3027 = vector.extract_strided_slice %mul3A_35 {offsets = [0, 122], sizes = [8, 6], strides = [1, 1]} : vector<8x128xf32> to vector<8x6xf32>
    %slice3A_3028 = vector.extract_strided_slice %mul3A_35 {offsets = [0, 0], sizes = [8, 122], strides = [1, 1]} : vector<8x128xf32> to vector<8x122xf32>
    %concatenate3A_3029 = tpu.concatenate %slice3A_3027, %slice3A_3028 in 1 : vector<8x6xf32>, vector<8x122xf32> -> vector<8x128xf32>
    %select_n3A_3030 = arith.select %eq3A_3026, %concatenate3A_3029, %select_n3A_3018 : vector<8x128xi1>, vector<8x128xf32>
    %slice3A_3031 = vector.extract_strided_slice %mul3A_42 {offsets = [0, 122], sizes = [8, 6], strides = [1, 1]} : vector<8x128xf32> to vector<8x6xf32>
    %slice3A_3032 = vector.extract_strided_slice %mul3A_42 {offsets = [0, 0], sizes = [8, 122], strides = [1, 1]} : vector<8x128xf32> to vector<8x122xf32>
    %concatenate3A_3033 = tpu.concatenate %slice3A_3031, %slice3A_3032 in 1 : vector<8x6xf32>, vector<8x122xf32> -> vector<8x128xf32>
    %select_n3A_3034 = arith.select %eq3A_3026, %concatenate3A_3033, %select_n3A_3022 : vector<8x128xi1>, vector<8x128xf32>
    %slice3A_3035 = vector.extract_strided_slice %add3A_1563 {offsets = [0, 123], sizes = [8, 5], strides = [1, 1]} : vector<8x128xi32> to vector<8x5xi32>
    %slice3A_3036 = vector.extract_strided_slice %add3A_1563 {offsets = [0, 0], sizes = [8, 123], strides = [1, 1]} : vector<8x128xi32> to vector<8x123xi32>
    %concatenate3A_3037 = tpu.concatenate %slice3A_3035, %slice3A_3036 in 1 : vector<8x5xi32>, vector<8x123xi32> -> vector<8x128xi32>
    %eq3A_3038 = arith.cmpi eq, %concatenate3A_3037, %iota3A : vector<8x128xi32>
    %slice3A_3039 = vector.extract_strided_slice %mul3A_35 {offsets = [0, 123], sizes = [8, 5], strides = [1, 1]} : vector<8x128xf32> to vector<8x5xf32>
    %slice3A_3040 = vector.extract_strided_slice %mul3A_35 {offsets = [0, 0], sizes = [8, 123], strides = [1, 1]} : vector<8x128xf32> to vector<8x123xf32>
    %concatenate3A_3041 = tpu.concatenate %slice3A_3039, %slice3A_3040 in 1 : vector<8x5xf32>, vector<8x123xf32> -> vector<8x128xf32>
    %select_n3A_3042 = arith.select %eq3A_3038, %concatenate3A_3041, %select_n3A_3030 : vector<8x128xi1>, vector<8x128xf32>
    %slice3A_3043 = vector.extract_strided_slice %mul3A_42 {offsets = [0, 123], sizes = [8, 5], strides = [1, 1]} : vector<8x128xf32> to vector<8x5xf32>
    %slice3A_3044 = vector.extract_strided_slice %mul3A_42 {offsets = [0, 0], sizes = [8, 123], strides = [1, 1]} : vector<8x128xf32> to vector<8x123xf32>
    %concatenate3A_3045 = tpu.concatenate %slice3A_3043, %slice3A_3044 in 1 : vector<8x5xf32>, vector<8x123xf32> -> vector<8x128xf32>
    %select_n3A_3046 = arith.select %eq3A_3038, %concatenate3A_3045, %select_n3A_3034 : vector<8x128xi1>, vector<8x128xf32>
    %slice3A_3047 = vector.extract_strided_slice %add3A_1563 {offsets = [0, 124], sizes = [8, 4], strides = [1, 1]} : vector<8x128xi32> to vector<8x4xi32>
    %slice3A_3048 = vector.extract_strided_slice %add3A_1563 {offsets = [0, 0], sizes = [8, 124], strides = [1, 1]} : vector<8x128xi32> to vector<8x124xi32>
    %concatenate3A_3049 = tpu.concatenate %slice3A_3047, %slice3A_3048 in 1 : vector<8x4xi32>, vector<8x124xi32> -> vector<8x128xi32>
    %eq3A_3050 = arith.cmpi eq, %concatenate3A_3049, %iota3A : vector<8x128xi32>
    %slice3A_3051 = vector.extract_strided_slice %mul3A_35 {offsets = [0, 124], sizes = [8, 4], strides = [1, 1]} : vector<8x128xf32> to vector<8x4xf32>
    %slice3A_3052 = vector.extract_strided_slice %mul3A_35 {offsets = [0, 0], sizes = [8, 124], strides = [1, 1]} : vector<8x128xf32> to vector<8x124xf32>
    %concatenate3A_3053 = tpu.concatenate %slice3A_3051, %slice3A_3052 in 1 : vector<8x4xf32>, vector<8x124xf32> -> vector<8x128xf32>
    %select_n3A_3054 = arith.select %eq3A_3050, %concatenate3A_3053, %select_n3A_3042 : vector<8x128xi1>, vector<8x128xf32>
    %slice3A_3055 = vector.extract_strided_slice %mul3A_42 {offsets = [0, 124], sizes = [8, 4], strides = [1, 1]} : vector<8x128xf32> to vector<8x4xf32>
    %slice3A_3056 = vector.extract_strided_slice %mul3A_42 {offsets = [0, 0], sizes = [8, 124], strides = [1, 1]} : vector<8x128xf32> to vector<8x124xf32>
    %concatenate3A_3057 = tpu.concatenate %slice3A_3055, %slice3A_3056 in 1 : vector<8x4xf32>, vector<8x124xf32> -> vector<8x128xf32>
    %select_n3A_3058 = arith.select %eq3A_3050, %concatenate3A_3057, %select_n3A_3046 : vector<8x128xi1>, vector<8x128xf32>
    %slice3A_3059 = vector.extract_strided_slice %add3A_1563 {offsets = [0, 125], sizes = [8, 3], strides = [1, 1]} : vector<8x128xi32> to vector<8x3xi32>
    %slice3A_3060 = vector.extract_strided_slice %add3A_1563 {offsets = [0, 0], sizes = [8, 125], strides = [1, 1]} : vector<8x128xi32> to vector<8x125xi32>
    %concatenate3A_3061 = tpu.concatenate %slice3A_3059, %slice3A_3060 in 1 : vector<8x3xi32>, vector<8x125xi32> -> vector<8x128xi32>
    %eq3A_3062 = arith.cmpi eq, %concatenate3A_3061, %iota3A : vector<8x128xi32>
    %slice3A_3063 = vector.extract_strided_slice %mul3A_35 {offsets = [0, 125], sizes = [8, 3], strides = [1, 1]} : vector<8x128xf32> to vector<8x3xf32>
    %slice3A_3064 = vector.extract_strided_slice %mul3A_35 {offsets = [0, 0], sizes = [8, 125], strides = [1, 1]} : vector<8x128xf32> to vector<8x125xf32>
    %concatenate3A_3065 = tpu.concatenate %slice3A_3063, %slice3A_3064 in 1 : vector<8x3xf32>, vector<8x125xf32> -> vector<8x128xf32>
    %select_n3A_3066 = arith.select %eq3A_3062, %concatenate3A_3065, %select_n3A_3054 : vector<8x128xi1>, vector<8x128xf32>
    %slice3A_3067 = vector.extract_strided_slice %mul3A_42 {offsets = [0, 125], sizes = [8, 3], strides = [1, 1]} : vector<8x128xf32> to vector<8x3xf32>
    %slice3A_3068 = vector.extract_strided_slice %mul3A_42 {offsets = [0, 0], sizes = [8, 125], strides = [1, 1]} : vector<8x128xf32> to vector<8x125xf32>
    %concatenate3A_3069 = tpu.concatenate %slice3A_3067, %slice3A_3068 in 1 : vector<8x3xf32>, vector<8x125xf32> -> vector<8x128xf32>
    %select_n3A_3070 = arith.select %eq3A_3062, %concatenate3A_3069, %select_n3A_3058 : vector<8x128xi1>, vector<8x128xf32>
    %slice3A_3071 = vector.extract_strided_slice %add3A_1563 {offsets = [0, 126], sizes = [8, 2], strides = [1, 1]} : vector<8x128xi32> to vector<8x2xi32>
    %slice3A_3072 = vector.extract_strided_slice %add3A_1563 {offsets = [0, 0], sizes = [8, 126], strides = [1, 1]} : vector<8x128xi32> to vector<8x126xi32>
    %concatenate3A_3073 = tpu.concatenate %slice3A_3071, %slice3A_3072 in 1 : vector<8x2xi32>, vector<8x126xi32> -> vector<8x128xi32>
    %eq3A_3074 = arith.cmpi eq, %concatenate3A_3073, %iota3A : vector<8x128xi32>
    %slice3A_3075 = vector.extract_strided_slice %mul3A_35 {offsets = [0, 126], sizes = [8, 2], strides = [1, 1]} : vector<8x128xf32> to vector<8x2xf32>
    %slice3A_3076 = vector.extract_strided_slice %mul3A_35 {offsets = [0, 0], sizes = [8, 126], strides = [1, 1]} : vector<8x128xf32> to vector<8x126xf32>
    %concatenate3A_3077 = tpu.concatenate %slice3A_3075, %slice3A_3076 in 1 : vector<8x2xf32>, vector<8x126xf32> -> vector<8x128xf32>
    %select_n3A_3078 = arith.select %eq3A_3074, %concatenate3A_3077, %select_n3A_3066 : vector<8x128xi1>, vector<8x128xf32>
    %slice3A_3079 = vector.extract_strided_slice %mul3A_42 {offsets = [0, 126], sizes = [8, 2], strides = [1, 1]} : vector<8x128xf32> to vector<8x2xf32>
    %slice3A_3080 = vector.extract_strided_slice %mul3A_42 {offsets = [0, 0], sizes = [8, 126], strides = [1, 1]} : vector<8x128xf32> to vector<8x126xf32>
    %concatenate3A_3081 = tpu.concatenate %slice3A_3079, %slice3A_3080 in 1 : vector<8x2xf32>, vector<8x126xf32> -> vector<8x128xf32>
    %select_n3A_3082 = arith.select %eq3A_3074, %concatenate3A_3081, %select_n3A_3070 : vector<8x128xi1>, vector<8x128xf32>
    %slice3A_3083 = vector.extract_strided_slice %add3A_1563 {offsets = [0, 127], sizes = [8, 1], strides = [1, 1]} : vector<8x128xi32> to vector<8x1xi32>
    %slice3A_3084 = vector.extract_strided_slice %add3A_1563 {offsets = [0, 0], sizes = [8, 127], strides = [1, 1]} : vector<8x128xi32> to vector<8x127xi32>
    %concatenate3A_3085 = tpu.concatenate %slice3A_3083, %slice3A_3084 in 1 : vector<8x1xi32>, vector<8x127xi32> -> vector<8x128xi32>
    %eq3A_3086 = arith.cmpi eq, %concatenate3A_3085, %iota3A : vector<8x128xi32>
    %slice3A_3087 = vector.extract_strided_slice %mul3A_35 {offsets = [0, 127], sizes = [8, 1], strides = [1, 1]} : vector<8x128xf32> to vector<8x1xf32>
    %slice3A_3088 = vector.extract_strided_slice %mul3A_35 {offsets = [0, 0], sizes = [8, 127], strides = [1, 1]} : vector<8x128xf32> to vector<8x127xf32>
    %concatenate3A_3089 = tpu.concatenate %slice3A_3087, %slice3A_3088 in 1 : vector<8x1xf32>, vector<8x127xf32> -> vector<8x128xf32>
    %select_n3A_3090 = arith.select %eq3A_3086, %concatenate3A_3089, %select_n3A_3078 : vector<8x128xi1>, vector<8x128xf32>
    %slice3A_3091 = vector.extract_strided_slice %mul3A_42 {offsets = [0, 127], sizes = [8, 1], strides = [1, 1]} : vector<8x128xf32> to vector<8x1xf32>
    %slice3A_3092 = vector.extract_strided_slice %mul3A_42 {offsets = [0, 0], sizes = [8, 127], strides = [1, 1]} : vector<8x128xf32> to vector<8x127xf32>
    %concatenate3A_3093 = tpu.concatenate %slice3A_3091, %slice3A_3092 in 1 : vector<8x1xf32>, vector<8x127xf32> -> vector<8x128xf32>
    %select_n3A_3094 = arith.select %eq3A_3086, %concatenate3A_3093, %select_n3A_3082 : vector<8x128xi1>, vector<8x128xf32>
    %scan3A = arith.constant 0 : i32
    %scan3A_3095 = arith.constant 25 : i32
    %scan3A_3096 = arith.addi %scan3A, %scan3A_3095 : i32
    %scan3A_3097 = arith.constant 1 : i32
    scf.for %scan3A_3135 = %scan3A to %scan3A_3096 step %scan3A_3097  : i32 {
      %get3A_3136 = arith.constant 0 : index
      %get3A_3137 = arith.constant 0 : index
      %get3A_3138 = vector.load %arg7[%get3A_3136, %get3A_3137] : memref<8x5120xf32, #tpu.memory_space<vmem>>, vector<8x5120xf32>
      %get3A_3139 = arith.constant 0 : index
      %get3A_3140 = arith.constant 0 : index
      %get3A_3141 = vector.load %arg8[%get3A_3139, %get3A_3140] : memref<8x5120xf32, #tpu.memory_space<vmem>>, vector<8x5120xf32>
      %get3A_3142 = arith.constant 0 : index
      %get3A_3143 = arith.constant 0 : index
      %get3A_3144 = vector.load %arg9[%get3A_3142, %get3A_3143] : memref<8x5120xf32, #tpu.memory_space<vmem>>, vector<8x5120xf32>
      %mul3A_3145 = arith.constant 4 : i32
      %mul3A_3146 = arith.muli %scan3A_3135, %mul3A_3145 : i32
      %add3A_3147 = arith.constant 0 : i32
      %add3A_3148 = arith.addi %mul3A_3146, %add3A_3147 : i32
      %eq3A_3149 = vector.broadcast %add3A_3148 : i32 to vector<8x128xi32>
      %eq3A_3150 = arith.cmpi eq, %iota3A, %eq3A_3149 : vector<8x128xi32>
      %jit3A_3151 = arith.constant -1.000000e+30 : f32
      %broadcast_in_dim3A_3152 = vector.broadcast %jit3A_3151 : f32 to vector<8x128xf32>
      %select_n3A_3153 = arith.select %eq3A_3150, %select_n3A_3090, %broadcast_in_dim3A_3152 : vector<8x128xi1>, vector<8x128xf32>
      %reduce_max3A = arith.constant dense<0xFF800000> : vector<8xf32>
      %reduce_max3A_3154 = vector.multi_reduction <maximumf>, %select_n3A_3153, %reduce_max3A [1] : vector<8x128xf32> to vector<8xf32>
      %broadcast_in_dim3A_3155 = vector.shape_cast %reduce_max3A_3154 : vector<8xf32> to vector<8x1xf32>
      %jit3A_3156 = arith.constant -1.000000e+30 : f32
      %broadcast_in_dim3A_3157 = vector.broadcast %jit3A_3156 : f32 to vector<8x128xf32>
      %select_n3A_3158 = arith.select %eq3A_3150, %select_n3A_3094, %broadcast_in_dim3A_3157 : vector<8x128xi1>, vector<8x128xf32>
      %reduce_max3A_3159 = arith.constant dense<0xFF800000> : vector<8xf32>
      %reduce_max3A_3160 = vector.multi_reduction <maximumf>, %select_n3A_3158, %reduce_max3A_3159 [1] : vector<8x128xf32> to vector<8xf32>
      %broadcast_in_dim3A_3161 = vector.shape_cast %reduce_max3A_3160 : vector<8xf32> to vector<8x1xf32>
      %sub3A_3162 = arith.subf %broadcast_in_dim3A_3161, %broadcast_in_dim3A_3155 : vector<8x1xf32>
      %min3A = vector.broadcast %broadcast_in_dim3A_3161 : vector<8x1xf32> to vector<8x5120xf32>
      %min3A_3163 = arith.minimumf %min3A, %get3A_3141 : vector<8x5120xf32>
      %max3A = vector.broadcast %broadcast_in_dim3A_3155 : vector<8x1xf32> to vector<8x5120xf32>
      %max3A_3164 = arith.maximumf %max3A, %get3A_3138 : vector<8x5120xf32>
      %sub3A_3165 = arith.subf %min3A_3163, %max3A_3164 : vector<8x5120xf32>
      %jit3A_3166 = arith.constant 0.000000e+00 : f32
      %max3A_3167 = vector.broadcast %jit3A_3166 : f32 to vector<8x5120xf32>
      %max3A_3168 = arith.maximumf %max3A_3167, %sub3A_3165 : vector<8x5120xf32>
      %add3A_3169 = vector.broadcast %sub3A_3162 : vector<8x1xf32> to vector<8x5120xf32>
      %add3A_3170 = arith.addf %add3A_3169, %get3A_3144 : vector<8x5120xf32>
      %sub3A_3171 = arith.subf %add3A_3170, %max3A_3168 : vector<8x5120xf32>
      %max3A_3172 = vector.broadcast %broadcast_in_dim3A_3161 : vector<8x1xf32> to vector<8x5120xf32>
      %max3A_3173 = arith.maximumf %max3A_3172, %get3A_3141 : vector<8x5120xf32>
      %min3A_3174 = vector.broadcast %broadcast_in_dim3A_3155 : vector<8x1xf32> to vector<8x5120xf32>
      %min3A_3175 = arith.minimumf %min3A_3174, %get3A_3138 : vector<8x5120xf32>
      %sub3A_3176 = arith.subf %max3A_3173, %min3A_3175 : vector<8x5120xf32>
      %add3A_3177 = arith.constant 9.99999997E-7 : f32
      %add3A_3178 = vector.broadcast %add3A_3177 : f32 to vector<8x5120xf32>
      %add3A_3179 = arith.addf %sub3A_3171, %add3A_3178 : vector<8x5120xf32>
      %div3A = arith.divf %max3A_3168, %add3A_3179 : vector<8x5120xf32>
      %sub3A_3180 = arith.subf %sub3A_3176, %sub3A_3171 : vector<8x5120xf32>
      %add3A_3181 = arith.constant 9.99999997E-7 : f32
      %add3A_3182 = vector.broadcast %add3A_3181 : f32 to vector<8x5120xf32>
      %add3A_3183 = arith.addf %sub3A_3176, %add3A_3182 : vector<8x5120xf32>
      %div3A_3184 = arith.divf %sub3A_3180, %add3A_3183 : vector<8x5120xf32>
      %sub3A_3185 = arith.subf %div3A, %div3A_3184 : vector<8x5120xf32>
      %swap3A_3186 = arith.index_cast %add3A_3148 : i32 to index
      %swap3A_3187 = arith.constant 0 : index
      %swap3A_3188 = arith.constant 0 : index
      %swap3A_3189 = vector.load %arg5[%swap3A_3186, %swap3A_3187, %swap3A_3188] : memref<100x8x5120xf32, #tpu.memory_space<vmem>>, vector<1x8x5120xf32>
      %swap3A_3190 = vector.shape_cast %swap3A_3189 : vector<1x8x5120xf32> to vector<8x5120xf32>
      %swap3A_3191 = vector.shape_cast %sub3A_3185 : vector<8x5120xf32> to vector<1x8x5120xf32>
      tpu.vector_store %arg5[%swap3A_3186, %swap3A_3187, %swap3A_3188], %swap3A_3191 {strides = array<i32>} : memref<100x8x5120xf32, #tpu.memory_space<vmem>>, vector<1x8x5120xf32>,
      %mul3A_3192 = arith.constant 4 : i32
      %mul3A_3193 = arith.muli %scan3A_3135, %mul3A_3192 : i32
      %add3A_3194 = arith.constant 1 : i32
      %add3A_3195 = arith.addi %mul3A_3193, %add3A_3194 : i32
      %eq3A_3196 = vector.broadcast %add3A_3195 : i32 to vector<8x128xi32>
      %eq3A_3197 = arith.cmpi eq, %iota3A, %eq3A_3196 : vector<8x128xi32>
      %jit3A_3198 = arith.constant -1.000000e+30 : f32
      %broadcast_in_dim3A_3199 = vector.broadcast %jit3A_3198 : f32 to vector<8x128xf32>
      %select_n3A_3200 = arith.select %eq3A_3197, %select_n3A_3090, %broadcast_in_dim3A_3199 : vector<8x128xi1>, vector<8x128xf32>
      %reduce_max3A_3201 = arith.constant dense<0xFF800000> : vector<8xf32>
      %reduce_max3A_3202 = vector.multi_reduction <maximumf>, %select_n3A_3200, %reduce_max3A_3201 [1] : vector<8x128xf32> to vector<8xf32>
      %broadcast_in_dim3A_3203 = vector.shape_cast %reduce_max3A_3202 : vector<8xf32> to vector<8x1xf32>
      %jit3A_3204 = arith.constant -1.000000e+30 : f32
      %broadcast_in_dim3A_3205 = vector.broadcast %jit3A_3204 : f32 to vector<8x128xf32>
      %select_n3A_3206 = arith.select %eq3A_3197, %select_n3A_3094, %broadcast_in_dim3A_3205 : vector<8x128xi1>, vector<8x128xf32>
      %reduce_max3A_3207 = arith.constant dense<0xFF800000> : vector<8xf32>
      %reduce_max3A_3208 = vector.multi_reduction <maximumf>, %select_n3A_3206, %reduce_max3A_3207 [1] : vector<8x128xf32> to vector<8xf32>
      %broadcast_in_dim3A_3209 = vector.shape_cast %reduce_max3A_3208 : vector<8xf32> to vector<8x1xf32>
      %sub3A_3210 = arith.subf %broadcast_in_dim3A_3209, %broadcast_in_dim3A_3203 : vector<8x1xf32>
      %min3A_3211 = vector.broadcast %broadcast_in_dim3A_3209 : vector<8x1xf32> to vector<8x5120xf32>
      %min3A_3212 = arith.minimumf %min3A_3211, %get3A_3141 : vector<8x5120xf32>
      %max3A_3213 = vector.broadcast %broadcast_in_dim3A_3203 : vector<8x1xf32> to vector<8x5120xf32>
      %max3A_3214 = arith.maximumf %max3A_3213, %get3A_3138 : vector<8x5120xf32>
      %sub3A_3215 = arith.subf %min3A_3212, %max3A_3214 : vector<8x5120xf32>
      %jit3A_3216 = arith.constant 0.000000e+00 : f32
      %max3A_3217 = vector.broadcast %jit3A_3216 : f32 to vector<8x5120xf32>
      %max3A_3218 = arith.maximumf %max3A_3217, %sub3A_3215 : vector<8x5120xf32>
      %add3A_3219 = vector.broadcast %sub3A_3210 : vector<8x1xf32> to vector<8x5120xf32>
      %add3A_3220 = arith.addf %add3A_3219, %get3A_3144 : vector<8x5120xf32>
      %sub3A_3221 = arith.subf %add3A_3220, %max3A_3218 : vector<8x5120xf32>
      %max3A_3222 = vector.broadcast %broadcast_in_dim3A_3209 : vector<8x1xf32> to vector<8x5120xf32>
      %max3A_3223 = arith.maximumf %max3A_3222, %get3A_3141 : vector<8x5120xf32>
      %min3A_3224 = vector.broadcast %broadcast_in_dim3A_3203 : vector<8x1xf32> to vector<8x5120xf32>
      %min3A_3225 = arith.minimumf %min3A_3224, %get3A_3138 : vector<8x5120xf32>
      %sub3A_3226 = arith.subf %max3A_3223, %min3A_3225 : vector<8x5120xf32>
      %add3A_3227 = arith.constant 9.99999997E-7 : f32
      %add3A_3228 = vector.broadcast %add3A_3227 : f32 to vector<8x5120xf32>
      %add3A_3229 = arith.addf %sub3A_3221, %add3A_3228 : vector<8x5120xf32>
      %div3A_3230 = arith.divf %max3A_3218, %add3A_3229 : vector<8x5120xf32>
      %sub3A_3231 = arith.subf %sub3A_3226, %sub3A_3221 : vector<8x5120xf32>
      %add3A_3232 = arith.constant 9.99999997E-7 : f32
      %add3A_3233 = vector.broadcast %add3A_3232 : f32 to vector<8x5120xf32>
      %add3A_3234 = arith.addf %sub3A_3226, %add3A_3233 : vector<8x5120xf32>
      %div3A_3235 = arith.divf %sub3A_3231, %add3A_3234 : vector<8x5120xf32>
      %sub3A_3236 = arith.subf %div3A_3230, %div3A_3235 : vector<8x5120xf32>
      %swap3A_3237 = arith.index_cast %add3A_3195 : i32 to index
      %swap3A_3238 = arith.constant 0 : index
      %swap3A_3239 = arith.constant 0 : index
      %swap3A_3240 = vector.load %arg5[%swap3A_3237, %swap3A_3238, %swap3A_3239] : memref<100x8x5120xf32, #tpu.memory_space<vmem>>, vector<1x8x5120xf32>
      %swap3A_3241 = vector.shape_cast %swap3A_3240 : vector<1x8x5120xf32> to vector<8x5120xf32>
      %swap3A_3242 = vector.shape_cast %sub3A_3236 : vector<8x5120xf32> to vector<1x8x5120xf32>
      tpu.vector_store %arg5[%swap3A_3237, %swap3A_3238, %swap3A_3239], %swap3A_3242 {strides = array<i32>} : memref<100x8x5120xf32, #tpu.memory_space<vmem>>, vector<1x8x5120xf32>,
      %mul3A_3243 = arith.constant 4 : i32
      %mul3A_3244 = arith.muli %scan3A_3135, %mul3A_3243 : i32
      %add3A_3245 = arith.constant 2 : i32
      %add3A_3246 = arith.addi %mul3A_3244, %add3A_3245 : i32
      %eq3A_3247 = vector.broadcast %add3A_3246 : i32 to vector<8x128xi32>
      %eq3A_3248 = arith.cmpi eq, %iota3A, %eq3A_3247 : vector<8x128xi32>
      %jit3A_3249 = arith.constant -1.000000e+30 : f32
      %broadcast_in_dim3A_3250 = vector.broadcast %jit3A_3249 : f32 to vector<8x128xf32>
      %select_n3A_3251 = arith.select %eq3A_3248, %select_n3A_3090, %broadcast_in_dim3A_3250 : vector<8x128xi1>, vector<8x128xf32>
      %reduce_max3A_3252 = arith.constant dense<0xFF800000> : vector<8xf32>
      %reduce_max3A_3253 = vector.multi_reduction <maximumf>, %select_n3A_3251, %reduce_max3A_3252 [1] : vector<8x128xf32> to vector<8xf32>
      %broadcast_in_dim3A_3254 = vector.shape_cast %reduce_max3A_3253 : vector<8xf32> to vector<8x1xf32>
      %jit3A_3255 = arith.constant -1.000000e+30 : f32
      %broadcast_in_dim3A_3256 = vector.broadcast %jit3A_3255 : f32 to vector<8x128xf32>
      %select_n3A_3257 = arith.select %eq3A_3248, %select_n3A_3094, %broadcast_in_dim3A_3256 : vector<8x128xi1>, vector<8x128xf32>
      %reduce_max3A_3258 = arith.constant dense<0xFF800000> : vector<8xf32>
      %reduce_max3A_3259 = vector.multi_reduction <maximumf>, %select_n3A_3257, %reduce_max3A_3258 [1] : vector<8x128xf32> to vector<8xf32>
      %broadcast_in_dim3A_3260 = vector.shape_cast %reduce_max3A_3259 : vector<8xf32> to vector<8x1xf32>
      %sub3A_3261 = arith.subf %broadcast_in_dim3A_3260, %broadcast_in_dim3A_3254 : vector<8x1xf32>
      %min3A_3262 = vector.broadcast %broadcast_in_dim3A_3260 : vector<8x1xf32> to vector<8x5120xf32>
      %min3A_3263 = arith.minimumf %min3A_3262, %get3A_3141 : vector<8x5120xf32>
      %max3A_3264 = vector.broadcast %broadcast_in_dim3A_3254 : vector<8x1xf32> to vector<8x5120xf32>
      %max3A_3265 = arith.maximumf %max3A_3264, %get3A_3138 : vector<8x5120xf32>
      %sub3A_3266 = arith.subf %min3A_3263, %max3A_3265 : vector<8x5120xf32>
      %jit3A_3267 = arith.constant 0.000000e+00 : f32
      %max3A_3268 = vector.broadcast %jit3A_3267 : f32 to vector<8x5120xf32>
      %max3A_3269 = arith.maximumf %max3A_3268, %sub3A_3266 : vector<8x5120xf32>
      %add3A_3270 = vector.broadcast %sub3A_3261 : vector<8x1xf32> to vector<8x5120xf32>
      %add3A_3271 = arith.addf %add3A_3270, %get3A_3144 : vector<8x5120xf32>
      %sub3A_3272 = arith.subf %add3A_3271, %max3A_3269 : vector<8x5120xf32>
      %max3A_3273 = vector.broadcast %broadcast_in_dim3A_3260 : vector<8x1xf32> to vector<8x5120xf32>
      %max3A_3274 = arith.maximumf %max3A_3273, %get3A_3141 : vector<8x5120xf32>
      %min3A_3275 = vector.broadcast %broadcast_in_dim3A_3254 : vector<8x1xf32> to vector<8x5120xf32>
      %min3A_3276 = arith.minimumf %min3A_3275, %get3A_3138 : vector<8x5120xf32>
      %sub3A_3277 = arith.subf %max3A_3274, %min3A_3276 : vector<8x5120xf32>
      %add3A_3278 = arith.constant 9.99999997E-7 : f32
      %add3A_3279 = vector.broadcast %add3A_3278 : f32 to vector<8x5120xf32>
      %add3A_3280 = arith.addf %sub3A_3272, %add3A_3279 : vector<8x5120xf32>
      %div3A_3281 = arith.divf %max3A_3269, %add3A_3280 : vector<8x5120xf32>
      %sub3A_3282 = arith.subf %sub3A_3277, %sub3A_3272 : vector<8x5120xf32>
      %add3A_3283 = arith.constant 9.99999997E-7 : f32
      %add3A_3284 = vector.broadcast %add3A_3283 : f32 to vector<8x5120xf32>
      %add3A_3285 = arith.addf %sub3A_3277, %add3A_3284 : vector<8x5120xf32>
      %div3A_3286 = arith.divf %sub3A_3282, %add3A_3285 : vector<8x5120xf32>
      %sub3A_3287 = arith.subf %div3A_3281, %div3A_3286 : vector<8x5120xf32>
      %swap3A_3288 = arith.index_cast %add3A_3246 : i32 to index
      %swap3A_3289 = arith.constant 0 : index
      %swap3A_3290 = arith.constant 0 : index
      %swap3A_3291 = vector.load %arg5[%swap3A_3288, %swap3A_3289, %swap3A_3290] : memref<100x8x5120xf32, #tpu.memory_space<vmem>>, vector<1x8x5120xf32>
      %swap3A_3292 = vector.shape_cast %swap3A_3291 : vector<1x8x5120xf32> to vector<8x5120xf32>
      %swap3A_3293 = vector.shape_cast %sub3A_3287 : vector<8x5120xf32> to vector<1x8x5120xf32>
      tpu.vector_store %arg5[%swap3A_3288, %swap3A_3289, %swap3A_3290], %swap3A_3293 {strides = array<i32>} : memref<100x8x5120xf32, #tpu.memory_space<vmem>>, vector<1x8x5120xf32>,
      %mul3A_3294 = arith.constant 4 : i32
      %mul3A_3295 = arith.muli %scan3A_3135, %mul3A_3294 : i32
      %add3A_3296 = arith.constant 3 : i32
      %add3A_3297 = arith.addi %mul3A_3295, %add3A_3296 : i32
      %eq3A_3298 = vector.broadcast %add3A_3297 : i32 to vector<8x128xi32>
      %eq3A_3299 = arith.cmpi eq, %iota3A, %eq3A_3298 : vector<8x128xi32>
      %jit3A_3300 = arith.constant -1.000000e+30 : f32
      %broadcast_in_dim3A_3301 = vector.broadcast %jit3A_3300 : f32 to vector<8x128xf32>
      %select_n3A_3302 = arith.select %eq3A_3299, %select_n3A_3090, %broadcast_in_dim3A_3301 : vector<8x128xi1>, vector<8x128xf32>
      %reduce_max3A_3303 = arith.constant dense<0xFF800000> : vector<8xf32>
      %reduce_max3A_3304 = vector.multi_reduction <maximumf>, %select_n3A_3302, %reduce_max3A_3303 [1] : vector<8x128xf32> to vector<8xf32>
      %broadcast_in_dim3A_3305 = vector.shape_cast %reduce_max3A_3304 : vector<8xf32> to vector<8x1xf32>
      %jit3A_3306 = arith.constant -1.000000e+30 : f32
      %broadcast_in_dim3A_3307 = vector.broadcast %jit3A_3306 : f32 to vector<8x128xf32>
      %select_n3A_3308 = arith.select %eq3A_3299, %select_n3A_3094, %broadcast_in_dim3A_3307 : vector<8x128xi1>, vector<8x128xf32>
      %reduce_max3A_3309 = arith.constant dense<0xFF800000> : vector<8xf32>
      %reduce_max3A_3310 = vector.multi_reduction <maximumf>, %select_n3A_3308, %reduce_max3A_3309 [1] : vector<8x128xf32> to vector<8xf32>
      %broadcast_in_dim3A_3311 = vector.shape_cast %reduce_max3A_3310 : vector<8xf32> to vector<8x1xf32>
      %sub3A_3312 = arith.subf %broadcast_in_dim3A_3311, %broadcast_in_dim3A_3305 : vector<8x1xf32>
      %min3A_3313 = vector.broadcast %broadcast_in_dim3A_3311 : vector<8x1xf32> to vector<8x5120xf32>
      %min3A_3314 = arith.minimumf %min3A_3313, %get3A_3141 : vector<8x5120xf32>
      %max3A_3315 = vector.broadcast %broadcast_in_dim3A_3305 : vector<8x1xf32> to vector<8x5120xf32>
      %max3A_3316 = arith.maximumf %max3A_3315, %get3A_3138 : vector<8x5120xf32>
      %sub3A_3317 = arith.subf %min3A_3314, %max3A_3316 : vector<8x5120xf32>
      %jit3A_3318 = arith.constant 0.000000e+00 : f32
      %max3A_3319 = vector.broadcast %jit3A_3318 : f32 to vector<8x5120xf32>
      %max3A_3320 = arith.maximumf %max3A_3319, %sub3A_3317 : vector<8x5120xf32>
      %add3A_3321 = vector.broadcast %sub3A_3312 : vector<8x1xf32> to vector<8x5120xf32>
      %add3A_3322 = arith.addf %add3A_3321, %get3A_3144 : vector<8x5120xf32>
      %sub3A_3323 = arith.subf %add3A_3322, %max3A_3320 : vector<8x5120xf32>
      %max3A_3324 = vector.broadcast %broadcast_in_dim3A_3311 : vector<8x1xf32> to vector<8x5120xf32>
      %max3A_3325 = arith.maximumf %max3A_3324, %get3A_3141 : vector<8x5120xf32>
      %min3A_3326 = vector.broadcast %broadcast_in_dim3A_3305 : vector<8x1xf32> to vector<8x5120xf32>
      %min3A_3327 = arith.minimumf %min3A_3326, %get3A_3138 : vector<8x5120xf32>
      %sub3A_3328 = arith.subf %max3A_3325, %min3A_3327 : vector<8x5120xf32>
      %add3A_3329 = arith.constant 9.99999997E-7 : f32
      %add3A_3330 = vector.broadcast %add3A_3329 : f32 to vector<8x5120xf32>
      %add3A_3331 = arith.addf %sub3A_3323, %add3A_3330 : vector<8x5120xf32>
      %div3A_3332 = arith.divf %max3A_3320, %add3A_3331 : vector<8x5120xf32>
      %sub3A_3333 = arith.subf %sub3A_3328, %sub3A_3323 : vector<8x5120xf32>
      %add3A_3334 = arith.constant 9.99999997E-7 : f32
      %add3A_3335 = vector.broadcast %add3A_3334 : f32 to vector<8x5120xf32>
      %add3A_3336 = arith.addf %sub3A_3328, %add3A_3335 : vector<8x5120xf32>
      %div3A_3337 = arith.divf %sub3A_3333, %add3A_3336 : vector<8x5120xf32>
      %sub3A_3338 = arith.subf %div3A_3332, %div3A_3337 : vector<8x5120xf32>
      %swap3A_3339 = arith.index_cast %add3A_3297 : i32 to index
      %swap3A_3340 = arith.constant 0 : index
      %swap3A_3341 = arith.constant 0 : index
      %swap3A_3342 = vector.load %arg5[%swap3A_3339, %swap3A_3340, %swap3A_3341] : memref<100x8x5120xf32, #tpu.memory_space<vmem>>, vector<1x8x5120xf32>
      %swap3A_3343 = vector.shape_cast %swap3A_3342 : vector<1x8x5120xf32> to vector<8x5120xf32>
      %swap3A_3344 = vector.shape_cast %sub3A_3338 : vector<8x5120xf32> to vector<1x8x5120xf32>
      tpu.vector_store %arg5[%swap3A_3339, %swap3A_3340, %swap3A_3341], %swap3A_3344 {strides = array<i32>} : memref<100x8x5120xf32, #tpu.memory_space<vmem>>, vector<1x8x5120xf32>,
    }
    %scan3A_3098 = arith.constant 25 : i32
    %lt3A_3099 = arith.constant 5000 : i32
    %lt3A_3100 = vector.broadcast %lt3A_3099 : i32 to vector<8x5120xi32>
    %lt3A_3101 = arith.cmpi slt, %iota3A_46, %lt3A_3100 : vector<8x5120xi32>
    %jit3A_3102 = arith.constant 0.000000e+00 : f32
    %jit3A_3103 = arith.constant -1.000000e+30 : f32
    %broadcast_in_dim3A_3104 = vector.broadcast %jit3A_3102 : f32 to vector<8x5120xf32>
    %broadcast_in_dim3A_3105 = vector.broadcast %jit3A_3103 : f32 to vector<8x5120xf32>
    %select_n3A_3106 = arith.select %lt3A_3101, %broadcast_in_dim3A_3104, %broadcast_in_dim3A_3105 : vector<8x5120xi1>, vector<8x5120xf32>
    %swap3A_3107 = arith.constant 0 : index
    %swap3A_3108 = arith.constant 0 : index
    %swap3A_3109 = vector.load %arg6[%swap3A_3107, %swap3A_3108] : memref<8x5120xf32, #tpu.memory_space<vmem>>, vector<8x5120xf32>
    tpu.vector_store %arg6[%swap3A_3107, %swap3A_3108], %select_n3A_3106 {strides = array<i32>} : memref<8x5120xf32, #tpu.memory_space<vmem>>, vector<8x5120xf32>,
    %broadcast_in_dim3A_3110 = arith.constant 0 : i32
    %broadcast_in_dim3A_3111 = vector.broadcast %broadcast_in_dim3A_3110 : i32 to vector<8x128xi32>
    %scan3A_3112 = arith.constant 0 : i32
    %scan3A_3113 = arith.constant 100 : i32
    %scan3A_3114 = arith.addi %scan3A_3112, %scan3A_3113 : i32
    %scan3A_3115 = arith.constant 2 : i32
    %scan3A_3116 = scf.for %scan3A_3135 = %scan3A_3112 to %scan3A_3114 step %scan3A_3115 iter_args(%scan3A_3136 = %broadcast_in_dim3A_3111) -> (vector<8x128xi32>)  : i32 {
      %get3A_3137 = arith.index_cast %scan3A_3135 : i32 to index
      %get3A_3138 = arith.constant 0 : index
      %get3A_3139 = arith.constant 0 : index
      %get3A_3140 = vector.load %arg5[%get3A_3137, %get3A_3138, %get3A_3139] : memref<100x8x5120xf32, #tpu.memory_space<vmem>>, vector<1x8x5120xf32>
      %get3A_3141 = vector.shape_cast %get3A_3140 : vector<1x8x5120xf32> to vector<8x5120xf32>
      %get3A_3142 = arith.constant 0 : index
      %get3A_3143 = arith.constant 0 : index
      %get3A_3144 = vector.load %arg6[%get3A_3142, %get3A_3143] : memref<8x5120xf32, #tpu.memory_space<vmem>>, vector<8x5120xf32>
      %add3A_3145 = arith.addf %get3A_3141, %get3A_3144 : vector<8x5120xf32>
      %reduce_max3A = arith.constant dense<0xFF800000> : vector<8xf32>
      %reduce_max3A_3146 = vector.multi_reduction <maximumf>, %add3A_3145, %reduce_max3A [1] : vector<8x5120xf32> to vector<8xf32>
      %broadcast_in_dim3A_3147 = vector.shape_cast %reduce_max3A_3146 : vector<8xf32> to vector<8x1xf32>
      %eq3A_3148 = vector.broadcast %broadcast_in_dim3A_3147 : vector<8x1xf32> to vector<8x5120xf32>
      %eq3A_3149 = arith.cmpf oeq, %add3A_3145, %eq3A_3148 : vector<8x5120xf32>
      %jit3A_3150 = arith.constant 5120 : i32
      %broadcast_in_dim3A_3151 = vector.broadcast %jit3A_3150 : i32 to vector<8x5120xi32>
      %select_n3A_3152 = arith.select %eq3A_3149, %iota3A_46, %broadcast_in_dim3A_3151 : vector<8x5120xi1>, vector<8x5120xi32>
      %reduce_min3A = arith.constant dense<2147483647> : vector<8xi32>
      %reduce_min3A_3153 = vector.multi_reduction <minsi>, %select_n3A_3152, %reduce_min3A [1] : vector<8x5120xi32> to vector<8xi32>
      %broadcast_in_dim3A_3154 = vector.shape_cast %reduce_min3A_3153 : vector<8xi32> to vector<8x1xi32>
      %eq3A_3155 = vector.broadcast %broadcast_in_dim3A_3154 : vector<8x1xi32> to vector<8x5120xi32>
      %eq3A_3156 = arith.cmpi eq, %iota3A_46, %eq3A_3155 : vector<8x5120xi32>
      %get3A_3157 = arith.constant 0 : index
      %get3A_3158 = arith.constant 0 : index
      %get3A_3159 = vector.load %arg6[%get3A_3157, %get3A_3158] : memref<8x5120xf32, #tpu.memory_space<vmem>>, vector<8x5120xf32>
      %jit3A_3160 = arith.constant -1.000000e+30 : f32
      %broadcast_in_dim3A_3161 = vector.broadcast %jit3A_3160 : f32 to vector<8x5120xf32>
      %select_n3A_3162 = arith.select %eq3A_3156, %broadcast_in_dim3A_3161, %get3A_3159 : vector<8x5120xi1>, vector<8x5120xf32>
      %swap3A_3163 = arith.constant 0 : index
      %swap3A_3164 = arith.constant 0 : index
      %swap3A_3165 = vector.load %arg6[%swap3A_3163, %swap3A_3164] : memref<8x5120xf32, #tpu.memory_space<vmem>>, vector<8x5120xf32>
      tpu.vector_store %arg6[%swap3A_3163, %swap3A_3164], %select_n3A_3162 {strides = array<i32>} : memref<8x5120xf32, #tpu.memory_space<vmem>>, vector<8x5120xf32>,
      %eq3A_3166 = vector.broadcast %scan3A_3135 : i32 to vector<8x128xi32>
      %eq3A_3167 = arith.cmpi eq, %iota3A, %eq3A_3166 : vector<8x128xi32>
      %broadcast_in_dim3A_3168 = vector.shape_cast %broadcast_in_dim3A_3154 : vector<8x1xi32> to vector<8x1xi32>
      %broadcast_in_dim3A_3169 = vector.broadcast %broadcast_in_dim3A_3168 : vector<8x1xi32> to vector<8x128xi32>
      %select_n3A_3170 = arith.select %eq3A_3167, %broadcast_in_dim3A_3169, %scan3A_3136 : vector<8x128xi1>, vector<8x128xi32>
      %scan3A_3171 = arith.constant 1 : i32
      %scan3A_3172 = arith.addi %scan3A_3135, %scan3A_3171 : i32
      %get3A_3173 = arith.index_cast %scan3A_3172 : i32 to index
      %get3A_3174 = arith.constant 0 : index
      %get3A_3175 = arith.constant 0 : index
      %get3A_3176 = vector.load %arg5[%get3A_3173, %get3A_3174, %get3A_3175] : memref<100x8x5120xf32, #tpu.memory_space<vmem>>, vector<1x8x5120xf32>
      %get3A_3177 = vector.shape_cast %get3A_3176 : vector<1x8x5120xf32> to vector<8x5120xf32>
      %get3A_3178 = arith.constant 0 : index
      %get3A_3179 = arith.constant 0 : index
      %get3A_3180 = vector.load %arg6[%get3A_3178, %get3A_3179] : memref<8x5120xf32, #tpu.memory_space<vmem>>, vector<8x5120xf32>
      %add3A_3181 = arith.addf %get3A_3177, %get3A_3180 : vector<8x5120xf32>
      %reduce_max3A_3182 = arith.constant dense<0xFF800000> : vector<8xf32>
      %reduce_max3A_3183 = vector.multi_reduction <maximumf>, %add3A_3181, %reduce_max3A_3182 [1] : vector<8x5120xf32> to vector<8xf32>
      %broadcast_in_dim3A_3184 = vector.shape_cast %reduce_max3A_3183 : vector<8xf32> to vector<8x1xf32>
      %eq3A_3185 = vector.broadcast %broadcast_in_dim3A_3184 : vector<8x1xf32> to vector<8x5120xf32>
      %eq3A_3186 = arith.cmpf oeq, %add3A_3181, %eq3A_3185 : vector<8x5120xf32>
      %jit3A_3187 = arith.constant 5120 : i32
      %broadcast_in_dim3A_3188 = vector.broadcast %jit3A_3187 : i32 to vector<8x5120xi32>
      %select_n3A_3189 = arith.select %eq3A_3186, %iota3A_46, %broadcast_in_dim3A_3188 : vector<8x5120xi1>, vector<8x5120xi32>
      %reduce_min3A_3190 = arith.constant dense<2147483647> : vector<8xi32>
      %reduce_min3A_3191 = vector.multi_reduction <minsi>, %select_n3A_3189, %reduce_min3A_3190 [1] : vector<8x5120xi32> to vector<8xi32>
      %broadcast_in_dim3A_3192 = vector.shape_cast %reduce_min3A_3191 : vector<8xi32> to vector<8x1xi32>
      %eq3A_3193 = vector.broadcast %broadcast_in_dim3A_3192 : vector<8x1xi32> to vector<8x5120xi32>
      %eq3A_3194 = arith.cmpi eq, %iota3A_46, %eq3A_3193 : vector<8x5120xi32>
      %get3A_3195 = arith.constant 0 : index
      %get3A_3196 = arith.constant 0 : index
      %get3A_3197 = vector.load %arg6[%get3A_3195, %get3A_3196] : memref<8x5120xf32, #tpu.memory_space<vmem>>, vector<8x5120xf32>
      %jit3A_3198 = arith.constant -1.000000e+30 : f32
      %broadcast_in_dim3A_3199 = vector.broadcast %jit3A_3198 : f32 to vector<8x5120xf32>
      %select_n3A_3200 = arith.select %eq3A_3194, %broadcast_in_dim3A_3199, %get3A_3197 : vector<8x5120xi1>, vector<8x5120xf32>
      %swap3A_3201 = arith.constant 0 : index
      %swap3A_3202 = arith.constant 0 : index
      %swap3A_3203 = vector.load %arg6[%swap3A_3201, %swap3A_3202] : memref<8x5120xf32, #tpu.memory_space<vmem>>, vector<8x5120xf32>
      tpu.vector_store %arg6[%swap3A_3201, %swap3A_3202], %select_n3A_3200 {strides = array<i32>} : memref<8x5120xf32, #tpu.memory_space<vmem>>, vector<8x5120xf32>,
      %eq3A_3204 = vector.broadcast %scan3A_3172 : i32 to vector<8x128xi32>
      %eq3A_3205 = arith.cmpi eq, %iota3A, %eq3A_3204 : vector<8x128xi32>
      %broadcast_in_dim3A_3206 = vector.shape_cast %broadcast_in_dim3A_3192 : vector<8x1xi32> to vector<8x1xi32>
      %broadcast_in_dim3A_3207 = vector.broadcast %broadcast_in_dim3A_3206 : vector<8x1xi32> to vector<8x128xi32>
      %select_n3A_3208 = arith.select %eq3A_3205, %broadcast_in_dim3A_3207, %select_n3A_3170 : vector<8x128xi1>, vector<8x128xi32>
      scf.yield %select_n3A_3208 : vector<8x128xi32>
    }
    %scan3A_3117 = arith.constant 100 : i32
    %swap3A_3118 = arith.constant 0 : index
    %swap3A_3119 = arith.constant 0 : index
    %swap3A_3120 = vector.load %arg3[%swap3A_3118, %swap3A_3119] : memref<8x128xi32, #tpu.memory_space<vmem>>, vector<8x128xi32>
    tpu.vector_store %arg3[%swap3A_3118, %swap3A_3119], %scan3A_3116 {strides = array<i32>} : memref<8x128xi32, #tpu.memory_space<vmem>>, vector<8x128xi32>,
    %get3A_3121 = arith.constant 0 : index
    %get3A_3122 = arith.constant 0 : index
    %get3A_3123 = vector.load %arg6[%get3A_3121, %get3A_3122] : memref<8x5120xf32, #tpu.memory_space<vmem>>, vector<8x5120xf32>
    %lt3A_3124 = arith.constant -1.000000e+00 : f32
    %lt3A_3125 = vector.broadcast %lt3A_3124 : f32 to vector<8x5120xf32>
    %lt3A_3126 = arith.cmpf olt, %get3A_3123, %lt3A_3125 : vector<8x5120xf32>
    %jit3A_3127 = arith.constant 1 : i32
    %jit3A_3128 = arith.constant 0 : i32
    %broadcast_in_dim3A_3129 = vector.broadcast %jit3A_3127 : i32 to vector<8x5120xi32>
    %broadcast_in_dim3A_3130 = vector.broadcast %jit3A_3128 : i32 to vector<8x5120xi32>
    %select_n3A_3131 = arith.select %lt3A_3126, %broadcast_in_dim3A_3129, %broadcast_in_dim3A_3130 : vector<8x5120xi1>, vector<8x5120xi32>
    %swap3A_3132 = arith.constant 0 : index
    %swap3A_3133 = arith.constant 0 : index
    %swap3A_3134 = vector.load %arg4[%swap3A_3132, %swap3A_3133] : memref<8x5120xi32, #tpu.memory_space<vmem>>, vector<8x5120xi32>
    tpu.vector_store %arg4[%swap3A_3132, %swap3A_3133], %select_n3A_3131 {strides = array<i32>} : memref<8x5120xi32, #tpu.memory_space<vmem>>, vector<8x5120xi32>,
    return
  }
}

</mosaic_0001>

<sc_bundles>
// kernel: kernel.4.cloned.1.call-start
scs
__scs_entry_jumppad:
0x0: {  	(pc) =	sbr.rel $0x88, $3  }
0x1: {  	(tag) =	ssettag $0x0;
	lr =	simm.s32 $0x1  }
0x2: {  	[smem:$0x3F9E] =	sst lr;
	_ =	strace $0xD0000000  }
0x3: {  	_ = 	snop  }
0x4: {  	_ = 	snop  }
0x5: {  	_ = 	snop  }
0x6: {  	_ = 	snop  }
0x7: {  	_ = 	snop  }
__scs_overlays_trampoline_lowered:
0x8: {  	[smem:$0x3FAD] =	sst s0  }
0x9: {  	[smem:$0x3FAE] =	sst s1  }
0xa: {  	[smem:$0x3FAF] =	sst s2  }
0xb: {  	[smem:$0x3FB0] =	sst s3  }
0xc: {  	[smem:$0x3FB1] =	sst s4  }
0xd: {  	[smem:$0x3FB2] =	sst s5  }
0xe: {  	[smem:$0x3FB3] =	sst s6  }
0xf: {  	[smem:$0x3FB4] =	sst s7  }
0x10: {  	[smem:$0x3FB5] =	sst s8  }
0x11: {  	[smem:$0x3FB6] =	sst s9;
	s0 =	simm.s32 @!p0 $0x0  }
0x12: {  	s1 =	sld [smem:$0x3F9C];
	s0 =	simm.s32 @p0 $0x1  }
0x13: {  	[smem:$0x3FB7] =	sst s0;
	s0 =	simm.s32 @!p1 $0x0  }
0x14: {  	s2 =	sld [smem:$0x3F9B];
	s0 =	simm.s32 @p1 $0x1  }
0x15: {  	[smem:$0x3FB8] =	sst s0;
	s0 =	simm.s32 @!p2 $0x0  }
0x16: {  	s3 =	sld [smem:$0x3FDB];
	s0 =	simm.s32 @p2 $0x1  }
0x17: {  	s4 =	simm.s32 $0x1BF5;
	[smem:$0x3FBA] =	sst s0  }
0x18: {  	s0 =	sld [smem:$0x3F9D];
	_ =	swait.ge [sflag:s4], $0x0  }
0x19: {  	s7 =	sld [smem:$0x3F9E]  }
0x1a: {  	s8 =	sadd.s32 $0xFFFFE003, lr  }
0x1b: {  	s9 =	sadd.s32 $0xFFFFFEF7, lr;
	s5 =	simm.s32 $0xFFFFFFFF;
	p2 =	slt.u32 s8, $0xFFFFF086  }
0x1c: {  	p1 =	slt.u32 s9, $0xF7A;
	s5 =	simm.s32 @!p2 $0x0  }
0x1d: {  	s5 =	simm.s32 @p1 $0x1;
	p0 =	seq.s32 s7, s2  }
0x1e: {  	s7 =	smul.u32 @!p0 $0xF7A, s2;
	p2 =	seq.s32 @!p0 s5, $0x0  }
0x1f: {  	s9 =	smul.u32 $0xF7A, s1;
	s8 =	simm.s32 @!p0 $0x1BF5;
	p2 =	por !p2, p0  }
0x20: {  	[sflag:s8] =	ssyncset.s32 @!p0 $0xFFFFF086;
	s6 =	sadd.s32 @!p0 s3, s7;
	s7 =	simm.s32 @!p0 $0x108  }
0x21: {  	s3 =	sadd.s32 s3, s9;
	s6 =	sadd.s32 @!p0 $0x88, s6;
	s7 =	simm.s32 @p2 $0x1082  }
0x22: {  	[simem:s7], [sflag:s8] =	dma.local @!p0 [hbm:s6], $0xF7A  }
0x23: {  	s9 =	sor.u32 $0xD0000000, s2;
	s6 =	simm.s32 $0x108;
	_ =	swait.ge @!p0 [sflag:s8], $0x0  }
0x24: {  	s3 =	sadd.s32 $0x88, s3;
	s6 =	simm.s32 @!p1 $0x1082;
	[sflag:s4] =	ssyncset.s32 $0xFFFFF086  }
0x25: {  	[simem:s6], [sflag:s4] =	dma.local [hbm:s3], $0xF7A  }
0x26: {  	[smem:$0x3F9E] =	sst s1;
	(tag) =	ssettag s2;
	_ =	strace s9  }
0x27: {  	s1 =	sld [smem:$0x3FAE]  }
0x28: {  	s2 =	sld [smem:$0x3FAF]  }
0x29: {  	s4 =	sld [smem:$0x3FB1]  }
0x2a: {  	p0 =	seq.s32 s5, $0x0;
	s5 =	sld [smem:$0x3FB2]  }
0x2b: {  	s6 =	sld [smem:$0x3FB3]  }
0x2c: {  	s7 =	sld [smem:$0x3FB4]  }
0x2d: {  	s3 =	simm.s32 $0x108;
	s8 =	sld [smem:$0x3FB5]  }
0x2e: {  	s3 =	simm.s32 @!p0 $0x1082;
	s9 =	sld [smem:$0x3FB6]  }
0x2f: {  	lr =	sadd.s32 s0, s3;
	s0 =	sld [smem:$0x3FAD]  }
0x30: {  	s3 =	sld [smem:$0x3FB0]  }
0x31: {  	[smem:$0x3FB9] =	sst s10  }
0x32: {  	s10 =	sld [smem:$0x3FB7];
	_ =	sdelay $0x3  }
0x33: {  	p0 =	seq.s32 s10, $0x1;
	s10 =	sld [smem:$0x3FB9];
	_ =	sdelay $0x3  }
0x34: {  	[smem:$0x3FB9] =	sst s10  }
0x35: {  	s10 =	sld [smem:$0x3FB8];
	_ =	sdelay $0x3  }
0x36: {  	p1 =	seq.s32 s10, $0x1;
	s10 =	sld [smem:$0x3FB9];
	_ =	sdelay $0x3  }
0x37: {  	[smem:$0x3FB9] =	sst s10  }
0x38: {  	s10 =	sld [smem:$0x3FBA]  }
0x39: {  	_ = 	snop;
	(pc) =	sbr.ind lr, $3  }
0x3a: {  	_ = 	snop  }
0x3b: {  	_ = 	snop  }
0x3c: {  	p2 =	seq.s32 s10, $0x1;
	s10 =	sld [smem:$0x3FB9]  }
0x3d: {  	_ =	shalt  }
0x3e: {  	_ =	shalt  }
0x3f: {  	_ =	shalt  }
0x40: {  	_ =	shalt  }
0x41: {  	_ =	shalt  }
0x42: {  	_ =	shalt  }
0x43: {  	_ =	shalt  }
0x44: {  	_ =	shalt  }
0x45: {  	_ =	shalt  }
0x46: {  	_ =	shalt  }
0x47: {  	_ =	shalt  }
0x48: {  	_ =	shalt  }
0x49: {  	_ =	shalt  }
0x4a: {  	_ =	shalt  }
0x4b: {  	_ =	shalt  }
0x4c: {  	_ =	shalt  }
0x4d: {  	_ =	shalt  }
0x4e: {  	_ =	shalt  }
0x4f: {  	_ =	shalt  }
0x50: {  	_ =	shalt  }
0x51: {  	_ =	shalt  }
0x52: {  	_ =	shalt  }
0x53: {  	_ =	shalt  }
0x54: {  	_ =	shalt  }
0x55: {  	_ =	shalt  }
0x56: {  	_ =	shalt  }
0x57: {  	_ =	shalt  }
0x58: {  	_ =	shalt  }
0x59: {  	_ =	shalt  }
0x5a: {  	_ =	shalt  }
0x5b: {  	_ =	shalt  }
0x5c: {  	_ =	shalt  }
0x5d: {  	_ =	shalt  }
0x5e: {  	_ =	shalt  }
0x5f: {  	_ =	shalt  }
0x60: {  	_ =	shalt  }
0x61: {  	_ =	shalt  }
0x62: {  	_ =	shalt  }
0x63: {  	_ =	shalt  }
0x64: {  	_ =	shalt  }
0x65: {  	_ =	shalt  }
0x66: {  	_ =	shalt  }
0x67: {  	_ =	shalt  }
0x68: {  	_ =	shalt  }
0x69: {  	_ =	shalt  }
0x6a: {  	_ =	shalt  }
0x6b: {  	_ =	shalt  }
0x6c: {  	_ =	shalt  }
0x6d: {  	_ =	shalt  }
0x6e: {  	_ =	shalt  }
0x6f: {  	_ =	shalt  }
0x70: {  	_ =	shalt  }
0x71: {  	_ =	shalt  }
0x72: {  	_ =	shalt  }
0x73: {  	_ =	shalt  }
0x74: {  	_ =	shalt  }
0x75: {  	_ =	shalt  }
0x76: {  	_ =	shalt  }
0x77: {  	_ =	shalt  }
0x78: {  	_ =	shalt  }
0x79: {  	_ =	shalt  }
0x7a: {  	_ =	shalt  }
0x7b: {  	_ =	shalt  }
0x7c: {  	_ =	shalt  }
0x7d: {  	_ =	shalt  }
0x7e: {  	_ =	shalt  }
0x7f: {  	_ =	shalt  }
0x80: {  	_ =	shalt  }
0x81: {  	_ =	shalt  }
0x82: {  	_ =	shalt  }
0x83: {  	_ =	shalt  }
0x84: {  	_ =	shalt  }
0x85: {  	_ =	shalt  }
0x86: {  	_ =	shalt  }
0x87: {  	_ =	shalt  }
.Lfunc_end0:
.L_simem_size_0:
called_computation_lowered:
.L_overlay_start_0:
0x88: {  	s2 =	sld [smem:$0x3FD9]  }
0x89: {  	s3 =	sld [smem:$0x3FFE];
	_ =	sdelay $0x1  }
0x8a: {  	s1 =	srdreg.scid  }
0x8b: {  	s0 =	sand.u32 $0x1, s1  }
0x8c: {  	s17 =	sshll.u32 s0, $0xA;
	s2 =	sadd.s32 s3, s2  }
0x8d: {  	s2 =	sadd.s32 s2, s17  }
0x8e: {  	[smem:$0x3FC5] =	sst s2  }
0x8f: {  	_ = 	snop  }
0x90: {  	s2 =	sld [smem:$0x3FD0];
	(tm) =	ssettm $0x1  }
0x91: {  	s18 =	sld [smem:$0x3FFB];
	_ =	sdelay $0x3  }
0x92: {  	_ =	strace s18  }
0x93: {  	s3 =	sld [smem:$0x3FFC];
	_ =	sdelay $0x3  }
0x94: {  	_ =	strace s3  }
0x95: {  	s3 =	sld [smem:$0x3FFD];
	_ =	sdelay $0x3  }
0x96: {  	_ =	strace s3  }
0x97: {  	_ =	strace $0x8FFFFFFF  }
0x98: {  	s19 =	sld [smem:$0x3FDB];
	_ =	sdelay $0x1  }
0x99: {  	s4 =	simm.s32 $_scs_section_size  }
0x9a: {  	s5 =	simm.s32 $_size__tile_overlayer_lowered;
	s6 =	simm.s32 $_tile_overlayer_lowered  }
0x9b: {  	s22 =	simm.s32 $0x1BFF;
	s21 =	sshll.u32 s6, $0x1;
	s3 =	sadd.s32 s4, s19  }
0x9c: {  	s7 =	simm.s32 $0x0;
	s20 =	sshll.u32 s5, $0x1;
	s5 =	sadd.s32 s21, s3  }
0x9d: {  	[timem:s7], [sflag:s22] =	dma.local [hbm:s5], s20  }
0x9e: {  	_ =	swait.ge [sflag:s22], s20  }
0x9f: {  	s4 =	ssub.s32 $0x0, s20;
	[sflag:s22] =	ssyncset.done $0x0  }
0xa0: {  	[sflag:s22] =	ssyncadd.s32 s4;
	_ =	sdelay $0x1  }
0xa1: {  	s23 =	simm.s32 $0x1B8B  }
0xa2: {  	_ =	swait.ge [sflag:s23], $0x1  }
0xa3: {  	[sflag:s23] =	ssyncset.done $0x0  }
0xa4: {  	s25 =	simm.s32 $0x1B8E;
	s24 =	sld [smem:$0x3FFE];
	[sflag:s23] =	ssyncadd.s32 $0xFFFFFFFF  }
0xa5: {  	s26 =	simm.s32 $execute0_lowered;
	[smem:$0x3FD2] =	sst s25  }
0xa6: {  	s5 =	sshll.u32 s26, $0x1;
	_ =	strace $0x80000046;
	[dreg:$0x1] =	wrdreg $0xFFFFFFFF  }
0xa7: {  	s28 =	simm.s32 $_size_execute0_lowered;
	s3 =	sadd.s32 s3, s5;
	[dreg:$0x0] =	wrdreg $0x0  }
0xa8: {  	s5 =	sshll.u32 s28, $0x1;
	[dreg:$0x2] =	wrdreg s3  }
0xa9: {  	[dreg:$0x3] =	wrdreg s5  }
0xaa: {  	[dreg:$0x4] =	wrdreg $0xC0  }
0xab: {  	_ =	task [dreg:s7], $0x5FFFF  }
0xac: {  	[dreg:$0x1] =	wrdreg $0xFFFFFFFF  }
0xad: {  	[dreg:$0x0] =	wrdreg $0x60  }
0xae: {  	[dreg:$0x2] =	wrdreg s24  }
0xaf: {  	[dreg:$0x3] =	wrdreg s2  }
0xb0: {  	[dreg:$0x4] =	wrdreg $0x9  }
0xb1: {  	_ =	task.clear_ibuf [dreg:s7], $0x5FFFF;
	_ =	strace $0x90000046  }
0xb2: {  	s29 =	simm.s32 $0x9;
	_ =	strace $0x80000048  }
0xb3: {  	_ =	swait.ge [sflag:s29], $0x1  }
0xb4: {  	[sflag:s29] =	ssyncadd.s32 $0xFFFFFFFF  }
0xb5: {  	_ =	strace $0x90000048  }
0xb6: {  	_ =	sfence  }
0xb7: {  	s30 =	sld [smem:$0x0];
	_ =	sdelay $0x2  }
0xb8: {  	s31 =	sshll.u32 s1, $0xD;
	s1 =	sshrl.u32 s1, $0x2  }
0xb9: {  	s3 =	sand.u32 $0x4000, s31;
	s1 =	sadd.s32 s1, s30  }
0xba: {  	s0 =	sor.u32 s3, s0;
	s1 =	sshll.u32 s1, $0x11  }
0xbb: {  	s0 =	sor.u32 s1, s0  }
0xbc: {  	s0 =	sadd.s32 $0x8F2B, s0  }
0xbd: {  	[sflag:s0] =	ssyncadd.remote.s32 $0x1  }
0xbe: {  	_ =	sfence.sel $0xFFFF  }
0xbf: {  	[dreg:$0x0] =	wrdreg $0xFFFFFFFF;
	(pc) =	sbr.abs _section_cstart, $3  }
0xc0: {  	[dreg:$0x1] =	wrdreg $0xFFFFFFFF  }
0xc1: {  	_ =	task.clear_ibuf [dreg:s7], $0x2FFFF;
	_ =	strace $0x9FFFFFFF  }
0xc2: {  	(tm) =	ssettm $0x7FFFFFFF  }
0xc3: {  	_ =	shalt  }
tec
execute0_lowered:
.L_overlay_start_1:
0x0: {  	(tag) =	ssettag $0x1  }
0x1: {  	s1 =	stileid.u32  }
0x2: {  	p0 =	sgt.u32 s1, $0x3  }
.Ltmp0:
0x3: {  	_ = 	snop;
	(pc) =	sbr.rel @p0 .LBB2_5-.Ltmp0, $4  }
0x4: {  	s3 =	rddreg [dreg:$0x0]  }
0x5: {  	s4 =	rddreg [dreg:$0x1];
	s2 =	simm.s32 $0x0  }
0x6: {  	[smem:$0x7FF] =	sst s2  }
0x7: {  	s0 =	rddreg [dreg:$0x2];
	_ =	strace $0x80000047  }
0x8: {  	s5 =	srdreg.scid  }
0x9: {  	s6 =	sshll.u32 s1, $0x5;
	s8 =	sadd.s32 $0xE00, s3;
	s5 =	sand.u32 $0x1, s5  }
0xa: {  	s10 =	simm.s32 $0x1480;
	s7 =	sshll.u32 s5, $0x4;
	s5 =	ssub.s32 $0x2, s5  }
0xb: {  	s11 =	simm.s32 $0x0;
	s6 =	sor.u32 s7, s6;
	s9 =	sshrl.u32 s5, $0x1  }
0xc: {  	s7 =	sadd.s32 s6, s3;
	s3 =	sadd.s32 s4, s6;
	s31 =	ssub.s32 s5, s9  }
0xd: {  	s5 =	sadd.s32 s8, s6;
	s8 =	simm.s32 $0x400;
	s9 =	simm.s32 $0x80  }
0xe: {  	v0 =	vlaneseq.u32;
	v1 =	vimm.s32 $0x0;
	vm0 =	vmmov $0xf;
	s4 =	sadd.s32 $0x1000, s7;
	s6 =	smax.u32 s31, $0x1;
	s7 =	simm.s32 $0x1  }
.LBB2_2:
0xf: {  	[tilespmem:s2], [sflag:$0x1] =	stream.linear.gather [hbm4b:s5+s2], $0x80, $0x38;
	[tilespmem:$0x2880] =	vst v63  }
0x10: {  	_ =	swait.ge [sflag:s7], $0x80  }
0x11: {  	[sflag:s7] =	ssyncset.done $0x0  }
0x12: {  	[sflag:s7] =	ssyncadd.s32 $0xFFFFFF80  }
0x13: {  	[tilespmem:s9], [sflag:$0x1] =	stream.strided.gather [hbm4b:s3+s9], $0x1400, s8, s9, $0x38;
	[tilespmem:$0x2880] =	vst v63  }
0x14: {  	_ =	swait.ge [sflag:s7], $0x1400  }
0x15: {  	[sflag:s7] =	ssyncset.done $0x0  }
0x16: {  	s12 =	simm.s32 $0x30;
	s13 =	simm.s32 $0xA0;
	v2 =	vimm.s32 $0x0;
	[sflag:s7] =	ssyncadd.s32 $0xFFFFEC00  }
.LBB2_3:
0x17: {  	v3 =	vld [tilespmem:s13+$0xFFFFFFE0];
	_ =	sdelay $0x2  }
0x18: {  	s14 =	sadd.s32 $0xFFFFFFD0, s12  }
0x19: {  	v4 =	vor.u32 s14, v0  }
0x1a: {  	vm2 =	vlt.u32 v4, $0x1388;
	vm1 =	veq.s32 v3, $0x0  }
0x1b: {  	vm1 =	vmand vm2, vm1  }
0x1c: {  	v3 =	vsel vm1, $0x1, v1  }
0x1d: {  	(xrf0) =	vadd.scan.msk.s32 $0xffff, v3;
	_ =	sdelay $0x4  }
0x1e: {  	v3 =	vsel vm1, $0xFFFFFFFF, v1  }
0x1f: {  	v3 =	vadd.s32 v3, v2;
	v5, _, _ =	vpop (xrf0)  }
0x20: {  	v3 =	vadd.s32 v5, v3  }
0x21: {  	v3 =	vadd.s32 $0x64, v3;
	_ =	sdelay $0x4  }
0x22: {  	[tilespmem:v3+s10+$0x0] =	vst.idx.msk vm1, v4  }
0x23: {  	v3 =	vld [tilespmem:s13+$0xFFFFFFF0];
	_ =	sdelay $0x2  }
0x24: {  	s30 =	sadd.s32 $0xFFFFFFE0, s12  }
0x25: {  	v57 =	vor.u32 s30, v0  }
0x26: {  	vm3 =	vlt.u32 v57, $0x1388;
	vm2 =	veq.s32 v3, $0x0  }
0x27: {  	vm2 =	vmand vm3, vm2  }
0x28: {  	v3 =	vsel vm2, $0x1, v1  }
0x29: {  	(xrf0) =	vadd.scan.msk.s32 $0xffff, v3;
	_ =	sdelay $0x2  }
0x2a: {  	v3 =	vmpcnt.ones.xlane vm1;
	_ =	sdelay $0x1  }
0x2b: {  	v2 =	vadd.s32 v2, v3;
	v3 =	vsel vm2, $0xFFFFFFFF, v1  }
0x2c: {  	v3 =	vadd.s32 v3, v2;
	v58, _, _ =	vpop (xrf0)  }
0x2d: {  	v3 =	vadd.s32 v58, v3  }
0x2e: {  	v3 =	vadd.s32 $0x64, v3;
	_ =	sdelay $0x4  }
0x2f: {  	[tilespmem:v3+s10+$0x0] =	vst.idx.msk vm2, v57  }
0x30: {  	v3 =	vld [tilespmem:s13+$0x0];
	_ =	sdelay $0x2  }
0x31: {  	s31 =	sadd.s32 $0xFFFFFFF0, s12  }
0x32: {  	v59 =	vor.u32 s31, v0  }
0x33: {  	vm3 =	vlt.u32 v59, $0x1388;
	vm1 =	veq.s32 v3, $0x0  }
0x34: {  	vm1 =	vmand vm3, vm1  }
0x35: {  	v3 =	vsel vm1, $0x1, v1  }
0x36: {  	(xrf0) =	vadd.scan.msk.s32 $0xffff, v3;
	_ =	sdelay $0x2  }
0x37: {  	v3 =	vmpcnt.ones.xlane vm2;
	_ =	sdelay $0x1  }
0x38: {  	v2 =	vadd.s32 v2, v3;
	v3 =	vsel vm1, $0xFFFFFFFF, v1  }
0x39: {  	v3 =	vadd.s32 v3, v2;
	v60, _, _ =	vpop (xrf0)  }
0x3a: {  	v3 =	vadd.s32 v60, v3  }
0x3b: {  	v3 =	vadd.s32 $0x64, v3;
	_ =	sdelay $0x4  }
0x3c: {  	[tilespmem:v3+s10+$0x0] =	vst.idx.msk vm1, v59  }
0x3d: {  	v3 =	vld [tilespmem:s13+$0x10];
	_ =	sdelay $0x3  }
0x3e: {  	v61 =	vor.u32 s12, v0  }
0x3f: {  	vm3 =	vlt.u32 v61, $0x1388;
	vm2 =	veq.s32 v3, $0x0  }
0x40: {  	vm2 =	vmand vm3, vm2  }
0x41: {  	v3 =	vsel vm2, $0x1, v1  }
0x42: {  	(xrf0) =	vadd.scan.msk.s32 $0xffff, v3;
	_ =	sdelay $0x2  }
0x43: {  	v3 =	vmpcnt.ones.xlane vm1;
	_ =	sdelay $0x1  }
0x44: {  	v2 =	vadd.s32 v2, v3;
	v3 =	vsel vm2, $0xFFFFFFFF, v1  }
0x45: {  	v3 =	vadd.s32 v3, v2;
	v62, _, _ =	vpop (xrf0)  }
0x46: {  	v3 =	vadd.s32 v62, v3  }
0x47: {  	p0 =	sne.s32 s12, $0x13F0;
	v3 =	vadd.s32 $0x64, v3  }
.Ltmp1:
0x48: {  	_ = 	snop;
	(pc) =	sbr.rel @p0 .LBB2_3-.Ltmp1, $3  }
0x49: {  	_ = 	snop  }
0x4a: {  	v63 =	vmpcnt.ones.xlane vm2;
	_ =	sdelay $0x1  }
0x4b: {  	s12 =	sadd.s32 $0x40, s12;
	s13 =	sadd.s32 $0x40, s13;
	v2 =	vadd.s32 v2, v63;
	[tilespmem:v3+s10+$0x0] =	vst.idx.msk vm2, v61  }
0x4c: {  	v2 =	vld [tilespmem:$0x0]  }
0x4d: {  	v3 =	vld [tilespmem:$0x10]  }
0x4e: {  	v4 =	vld [tilespmem:$0x20]  }
0x4f: {  	v5 =	vld [tilespmem:$0x30]  }
0x50: {  	v6 =	vld [tilespmem:$0x40]  }
0x51: {  	v7 =	vld [tilespmem:$0x50]  }
0x52: {  	v8 =	vld [tilespmem:$0x60]  }
0x53: {  	[tilespmem:$0x1480] =	vst v2;
	v2 =	vld [tilespmem:$0x14E0]  }
0x54: {  	[tilespmem:$0x1490] =	vst v3  }
0x55: {  	[tilespmem:$0x14A0] =	vst v4  }
0x56: {  	[tilespmem:$0x14B0] =	vst v5  }
0x57: {  	s11 =	sadd.s32 $0x1, s11;
	[tilespmem:$0x14C0] =	vst v6  }
0x58: {  	p0 =	sne.s32 s11, s6;
	[tilespmem:$0x14D0] =	vst v7;
	v2 =	vsel vm0, v8, v2  }
.Ltmp2:
0x59: {  	[tilespmem:$0x14E0] =	vst v2;
	(pc) =	sbr.rel @p0 .LBB2_2-.Ltmp2, $4  }
0x5a: {  	[hbm4b:s4+s9] =	stream.strided.scatter [tilespmem:s10], [sflag:$0x1], $0x1400, s8, s9, $0x38;
	[tilespmem:$0x2880] =	vst v63  }
0x5b: {  	_ =	swait.ge [sflag:s7], $0x1400  }
0x5c: {  	[sflag:s7] =	ssyncset.done $0x0  }
0x5d: {  	[sflag:s7] =	ssyncadd.s32 $0xFFFFEC00  }
.LBB2_5:
0x5e: {  	_ =	sfence.sel $0x180000  }
0x5f: {  	[bflag:$0x0] =	sbarrier.arrive $0xFFFF  }
0x60: {  	p0 =	sne.s32 s1, $0x0;
	_ =	strace $0x90000047  }
0x61: {  	s0 =	sadd.s32 @!p0 $0x100000, s0;
	[bflag:$0x2] =	sbarrier.arrive $0xFFFF  }
0x62: {  	[sflag:s0] =	ssyncadd.tile.s32 @!p0 $0x1;
	_ =	shalt  }
.Lfunc_end2:
_tile_overlayer_lowered:
.L_overlay_start_2:
0x63: {  	(tag) =	ssettag $0x2  }
0x64: {  	s0 =	rddreg [dreg:$0x0];
	s2 =	stileid.u32  }
0x65: {  	s1 =	rddreg [dreg:$0x1];
	p0 =	sne.s32 s2, $0x0  }
0x66: {  	s3 =	rddreg [dreg:$0x2];
	[bflag:$0x3] =	sbarrier.arrive $0xFFFF;
	s2 =	simm.s32 @!p0 $0x1C01  }
0x67: {  	[timem:s3], [sflag:s2] =	dma.local @!p0 [hbm:s0], s1  }
0x68: {  	s0 =	simm.s32 @!p0 $0x1  }
0x69: {  	_ =	swait.ge @!p0 [sflag:s0], s1  }
0x6a: {  	s1 =	ssub.s32 @!p0 $0x0, s1;
	[sflag:s0] =	ssyncset.done @!p0 $0x0  }
0x6b: {  	[sflag:s0] =	ssyncadd.s32 @!p0 s1  }
0x6c: {  	[bflag:$0x3] =	sbarrier.arrive $0xFFFF  }
0x6d: {  	_ =	shalt  }

</sc_bundles>
